<compile_context>
chip_gen: v7x
topology: tpu7x:2x2x1
jax: 0.10.2.dev20260603
libtpu: 0.0.44.dev20260713+nightly
codegen_flags: <defaults>
</compile_context>

<pallas_src>
import functools

import jax
import jax.numpy as jnp
from jax import lax
from jax.experimental import pallas as pl
from jax.experimental.pallas import tpu as pltpu
from jax.experimental.pallas import tpu_sc as plsc

_N = 10000
_E = 320000
_D = 128
_NG = 64

_NSC = 2
_NTILE = 16
_NW = _NSC * _NTILE
_C = 80
_EPW = _E // _NW
_NCHUNK = _EPW // _C
_ROWCHUNKS = _N // _C
_RCPT = -(-_ROWCHUNKS // _NTILE)


def _sc_message_body(x_hbm, src_hbm, dst_hbm, e_hbm, out_hbm,
                     is0, id0, eb0, xb0,
                     is1, id1, eb1, xb1,
                     aggr_sh,
                     sii0, se0, sg0, ssc0, sii1, se1, sg1, ssc1):
    bufs = ((is0, id0, eb0, xb0, sii0, se0, sg0, ssc0),
            (is1, id1, eb1, xb1, sii1, se1, sg1, ssc1))
    c = lax.axis_index("c")
    s = lax.axis_index("s")
    wid = c * _NTILE + s
    ebase = wid * _EPW

    def zrow(i, carry):
        xb0[i // 8, pl.ds((i % 8) * 16, 16)] = jnp.zeros((16,), jnp.float32)
        return carry
    lax.fori_loop(0, _C * (_D // 16), zrow, 0, unroll=8)
    for j in range(_RCPT):
        idx = s + _NTILE * j

        @pl.when(idx < _ROWCHUNKS)
        def _():
            pltpu.sync_copy(xb0, aggr_sh.at[pl.ds(idx * _C, _C)])
    plsc.subcore_barrier()

    def start_loads(base, B):
        pltpu.async_copy(src_hbm.at[pl.ds(base, _C)], B[0], B[4])
        pltpu.async_copy(dst_hbm.at[pl.ds(base, _C)], B[1], B[4])
        pltpu.async_copy(e_hbm.at[pl.ds(base, _C)], B[2], B[5])

    def wait_idx_start_gather(B):
        pltpu.make_async_copy(src_hbm.at[pl.ds(0, _C)], B[0], B[4]).wait()
        pltpu.make_async_copy(dst_hbm.at[pl.ds(0, _C)], B[1], B[4]).wait()
        pltpu.async_copy(x_hbm.at[B[0]], B[3], B[6])

    def wait_gather_e(B):
        pltpu.make_async_copy(x_hbm.at[B[0]], B[3], B[6]).wait()
        pltpu.make_async_copy(e_hbm.at[pl.ds(0, _C)], B[2], B[5]).wait()

    def compute(B):
        def row(r, rc):
            for g in range(_D // 16):
                sl = pl.ds(g * 16, 16)
                B[2][r, sl] = jnp.maximum(B[3][r, sl] + B[2][r, sl], 0.0)
            return rc
        lax.fori_loop(0, _C, row, 0, unroll=2)

    def start_scatter(B):
        pltpu.async_copy(B[2], aggr_sh.at[B[1]], B[7], add=True)

    def wait_scatter(B):
        pltpu.make_async_copy(B[2], aggr_sh.at[B[1]], B[7]).wait()

    start_loads(ebase, bufs[0])
    wait_idx_start_gather(bufs[0])

    def outer(j, carry):
        for b in (0, 1):
            kk = 2 * j + b
            B, O = bufs[b], bufs[1 - b]
            wait_gather_e(B)
            if b == 0:
                @pl.when(j > 0)
                def _():
                    wait_scatter(O)
            else:
                wait_scatter(O)
            start_loads(ebase + (kk + 1) * _C, O)
            wait_idx_start_gather(O)
            compute(B)
            start_scatter(B)
        return carry
    lax.fori_loop(0, _NCHUNK // 2, outer, 0)

    wait_gather_e(bufs[0])
    wait_scatter(bufs[1])
    compute(bufs[0])
    start_scatter(bufs[0])
    wait_scatter(bufs[0])
    plsc.subcore_barrier()

    for j in range(_RCPT):
        idx = s + _NTILE * j

        @pl.when(idx < _ROWCHUNKS)
        def _():
            pltpu.sync_copy(aggr_sh.at[pl.ds(idx * _C, _C)], xb0)
            pltpu.sync_copy(xb0, out_hbm.at[pl.ds(c * _N + idx * _C, _C)])


def _sc_message(x, src, dst, e):
    mesh = plsc.VectorSubcoreMesh(core_axis_name="c", subcore_axis_name="s")
    f = pl.kernel(
        _sc_message_body,
        out_type=jax.ShapeDtypeStruct((_NSC * _N, _D), jnp.float32),
        mesh=mesh,
        scratch_types=(
            [pltpu.VMEM((_C,), jnp.int32),
             pltpu.VMEM((_C,), jnp.int32),
             pltpu.VMEM((_C, _D), jnp.float32),
             pltpu.VMEM((_C, _D), jnp.float32)] * 2
            + [pltpu.VMEM_SHARED((_N, _D), jnp.float32)]
            + [pltpu.SemaphoreType.DMA] * 8
        ),
    )
    return f(x, src, dst, e)


def _edge_mlp(edge_attr, w12, b12):
    be = 1280

    def body(a_ref, w_ref, b_ref, o1_ref, o2_ref):
        r = jnp.dot(a_ref[...], w_ref[...],
                    preferred_element_type=jnp.float32) + b_ref[...]
        o1_ref[...] = r[:, :_D]
        o2_ref[...] = r[:, _D:]

    return pl.pallas_call(
        body,
        grid=(_E // be,),
        in_specs=[
            pl.BlockSpec((be, 16), lambda i: (i, 0)),
            pl.BlockSpec((16, 2 * _D), lambda i: (0, 0)),
            pl.BlockSpec((1, 2 * _D), lambda i: (0, 0)),
        ],
        out_specs=[pl.BlockSpec((be, _D), lambda i: (i, 0)),
                   pl.BlockSpec((be, _D), lambda i: (i, 0))],
        out_shape=[jax.ShapeDtypeStruct((_E, _D), jnp.float32),
                   jax.ShapeDtypeStruct((_E, _D), jnp.float32)],
    )(edge_attr, w12, b12)


def _node_mlp(x, aggr2n, eps, wa, ba, wb, bb):
    br = 1000
    nblk = _N // br

    def body(x_ref, a0_ref, a1_ref, eps_ref, wa_ref, ba_ref, wb_ref, bb_ref,
             o_ref):
        h = (1.0 + eps_ref[0]) * x_ref[...] + a0_ref[...] + a1_ref[...]
        t = jnp.maximum(
            jnp.dot(h, wa_ref[...], preferred_element_type=jnp.float32)
            + ba_ref[...], 0.0)
        o_ref[...] = jnp.maximum(
            jnp.dot(t, wb_ref[...], preferred_element_type=jnp.float32)
            + bb_ref[...], 0.0)

    return pl.pallas_call(
        body,
        grid=(nblk,),
        in_specs=[
            pl.BlockSpec((br, _D), lambda i: (i, 0)),
            pl.BlockSpec((br, _D), lambda i: (i, 0)),
            pl.BlockSpec((br, _D), lambda i: (i + nblk, 0)),
            pl.BlockSpec(memory_space=pltpu.SMEM),
            pl.BlockSpec((_D, _D), lambda i: (0, 0)),
            pl.BlockSpec((1, _D), lambda i: (0, 0)),
            pl.BlockSpec((_D, _D), lambda i: (0, 0)),
            pl.BlockSpec((1, _D), lambda i: (0, 0)),
        ],
        out_specs=pl.BlockSpec((br, _D), lambda i: (i, 0)),
        out_shape=jax.ShapeDtypeStruct((_N, _D), jnp.float32),
    )(x, aggr2n, aggr2n, eps, wa, ba, wb, bb)


def _pool_fc(h, batch2d, wf1, bf1, wf2p, bf2p):
    def body(h_ref, b_ref, w1_ref, b1_ref, w2_ref, b2_ref, o_ref):
        ids = lax.broadcasted_iota(jnp.int32, (_NG, _N), 0)
        onehot = jnp.where(ids == b_ref[...], 1.0, 0.0)
        pooled = jnp.dot(onehot, h_ref[...], preferred_element_type=jnp.float32)
        t = jnp.maximum(
            jnp.dot(pooled, w1_ref[...], preferred_element_type=jnp.float32)
            + b1_ref[...], 0.0)
        o_ref[...] = jnp.dot(t, w2_ref[...],
                             preferred_element_type=jnp.float32) + b2_ref[...]

    return pl.pallas_call(
        body,
        out_shape=jax.ShapeDtypeStruct((_NG, _D), jnp.float32),
    )(h, batch2d, wf1, bf1, wf2p, bf2p)


def kernel(x, edge_index, edge_attr, batch,
           lin1_w, lin1_b, eps1, W1a, b1a, W1b, b1b,
           lin2_w, lin2_b, eps2, W2a, b2a, W2b, b2b,
           Wf1, bf1, Wf2, bf2):
    src = edge_index[0]
    dst = edge_index[1]

    w12 = jnp.concatenate([lin1_w, lin2_w], axis=1)
    b12 = jnp.concatenate([lin1_b, lin2_b])[None, :]
    e1, e2 = _edge_mlp(edge_attr, w12, b12)

    aggr1 = _sc_message(x, src, dst, e1)
    h1 = _node_mlp(x, aggr1, eps1[None], W1a, b1a[None, :], W1b, b1b[None, :])

    aggr2 = _sc_message(h1, src, dst, e2)
    h2 = _node_mlp(h1, aggr2, eps2[None], W2a, b2a[None, :], W2b, b2b[None, :])

    wf2p = jnp.pad(Wf2, ((0, 0), (0, _D - Wf2.shape[1])))
    bf2p = jnp.pad(bf2, (0, _D - bf2.shape[0]))[None, :]
    out = _pool_fc(h2, batch[None, :], Wf1, bf1[None, :], wf2p, bf2p)
    return out[:, :Wf2.shape[1]]

# --- scband reference (transcript-rebuilt; emitter-appended) ---
"""Pipeline reference for scband-gine-893353197705 (READ-ONLY COPY).

The authoritative reference and input builder live on the scoring server;
editing this copy changes nothing except your own understanding.
"""

import jax, jax.numpy as jnp
import numpy as np

N = 10000
E = 320000
D = 128
DE = 16
H = 128
OUT = 1
NG = 64


def setup_inputs(seed: int = 0) -> dict:
    key = jax.random.key(seed)
    ks = jax.random.split(key, 24)
    s = 0.05
    inp = {}
    inp["x"] = jax.random.normal(ks[0], (N, D), dtype=jnp.float32)
    inp["edge_index"] = jax.random.randint(ks[1], (2, E), 0, N, dtype=jnp.int32)
    inp["edge_attr"] = jax.random.normal(ks[2], (E, DE), dtype=jnp.float32)
    inp["batch"] = jnp.sort(jax.random.randint(ks[3], (N,), 0, NG, dtype=jnp.int32))
    # conv1 params
    inp["lin1_w"] = jax.random.normal(ks[4], (DE, D), dtype=jnp.float32) * s
    inp["lin1_b"] = jnp.zeros((D,), dtype=jnp.float32)
    inp["eps1"] = jnp.zeros((), dtype=jnp.float32)
    inp["W1a"] = jax.random.normal(ks[5], (D, H), dtype=jnp.float32) * s
    inp["b1a"] = jnp.zeros((H,), dtype=jnp.float32)
    inp["W1b"] = jax.random.normal(ks[6], (H, H), dtype=jnp.float32) * s
    inp["b1b"] = jnp.zeros((H,), dtype=jnp.float32)
    # conv2 params
    inp["lin2_w"] = jax.random.normal(ks[7], (DE, H), dtype=jnp.float32) * s
    inp["lin2_b"] = jnp.zeros((H,), dtype=jnp.float32)
    inp["eps2"] = jnp.zeros((), dtype=jnp.float32)
    inp["W2a"] = jax.random.normal(ks[8], (H, H), dtype=jnp.float32) * s
    inp["b2a"] = jnp.zeros((H,), dtype=jnp.float32)
    inp["W2b"] = jax.random.normal(ks[9], (H, H), dtype=jnp.float32) * s
    inp["b2b"] = jnp.zeros((H,), dtype=jnp.float32)
    # fc block
    inp["Wf1"] = jax.random.normal(ks[10], (H, 2 * H), dtype=jnp.float32) * s
    inp["bf1"] = jnp.zeros((2 * H,), dtype=jnp.float32)
    inp["Wf2"] = jax.random.normal(ks[11], (2 * H, OUT), dtype=jnp.float32) * s
    inp["bf2"] = jnp.zeros((OUT,), dtype=jnp.float32)
    return inp


def _gine_conv(x, edge_index, edge_attr, lin_w, lin_b, eps, Wa, ba, Wb, bb):
    src = edge_index[0]
    dst = edge_index[1]
    e = edge_attr @ lin_w + lin_b
    m = jax.nn.relu(x[src] + e)
    aggr = jnp.zeros_like(x).at[dst].add(m)
    h = (1.0 + eps) * x + aggr
    h = jax.nn.relu(h @ Wa + ba) @ Wb + bb
    return h


def reference(x, edge_index, edge_attr, batch,
              lin1_w, lin1_b, eps1, W1a, b1a, W1b, b1b,
              lin2_w, lin2_b, eps2, W2a, b2a, W2b, b2b,
              Wf1, bf1, Wf2, bf2):
    # conv1 + relu (dropout is identity in eval)
    h = jax.nn.relu(_gine_conv(x, edge_index, edge_attr, lin1_w, lin1_b, eps1, W1a, b1a, W1b, b1b))
    # conv2 + relu
    h = jax.nn.relu(_gine_conv(h, edge_index, edge_attr, lin2_w, lin2_b, eps2, W2a, b2a, W2b, b2b))
    # global add pool
    pooled = jax.ops.segment_sum(h, batch, num_segments=NG)
    # fc block (dropout identity in eval)
    out = jax.nn.relu(pooled @ Wf1 + bf1) @ Wf2 + bf2
    return out

if __name__ == "__main__":
    import jax
    _d = setup_inputs()
    print(jax.jit(kernel)(*tuple(_d.values())))

</pallas_src>

<mosaic_0001>
#map = affine_map<(d0, d1) -> (0, 0)>
#map1 = affine_map<(d0, d1) -> (0)>
module attributes {stable_mosaic.version = 14 : i64} {
  func.func @_sc_message_body(%arg0: i32, %arg1: i32, %arg2: memref<10000x128xf32, #tpu.memory_space<hbm>>, %arg3: memref<320000xi32, #tpu.memory_space<hbm>>, %arg4: memref<320000xi32, #tpu.memory_space<hbm>>, %arg5: memref<320000x128xf32, #tpu.memory_space<hbm>>, %arg6: memref<20000x128xf32, #tpu.memory_space<hbm>>, %arg7: memref<80xi32, #tpu.memory_space<vmem>>, %arg8: memref<80xi32, #tpu.memory_space<vmem>>, %arg9: memref<80x128xf32, #tpu.memory_space<vmem>>, %arg10: memref<80x128xf32, #tpu.memory_space<vmem>>, %arg11: memref<80xi32, #tpu.memory_space<vmem>>, %arg12: memref<80xi32, #tpu.memory_space<vmem>>, %arg13: memref<80x128xf32, #tpu.memory_space<vmem>>, %arg14: memref<80x128xf32, #tpu.memory_space<vmem>>, %arg15: memref<10000x128xf32, #tpu.memory_space<vmem_shared>>, %arg16: memref<!tpu.dma_semaphore, #tpu.memory_space<semaphore_mem>>, %arg17: memref<!tpu.dma_semaphore, #tpu.memory_space<semaphore_mem>>, %arg18: memref<!tpu.dma_semaphore, #tpu.memory_space<semaphore_mem>>, %arg19: memref<!tpu.dma_semaphore, #tpu.memory_space<semaphore_mem>>, %arg20: memref<!tpu.dma_semaphore, #tpu.memory_space<semaphore_mem>>, %arg21: memref<!tpu.dma_semaphore, #tpu.memory_space<semaphore_mem>>, %arg22: memref<!tpu.dma_semaphore, #tpu.memory_space<semaphore_mem>>, %arg23: memref<!tpu.dma_semaphore, #tpu.memory_space<semaphore_mem>>) attributes {dimension_semantics = [#tpu.dimension_semantics<core_parallel>, #tpu.dimension_semantics<subcore_parallel>], iteration_bounds = array<i64: 2, 16>, scalar_prefetch = 0 : i64, scratch_operands = 17 : i64, tpu.core_type = #tpu.core_type<sc_vector_subcore>, window_params = [{transform_indices = #map}, {transform_indices = #map1}, {transform_indices = #map1}, {transform_indices = #map}, {transform_indices = #map}]} {
    %mul3A = arith.constant 16 : i32
    %mul3A_0 = arith.muli %arg0, %mul3A : i32
    %add3A = arith.addi %mul3A_0, %arg1 : i32
    %mul3A_1 = arith.constant 10000 : i32
    %mul3A_2 = arith.muli %add3A, %mul3A_1 : i32
    %scan3A = arith.constant 0 : i32
    %scan3A_3 = arith.constant 0 : i32
    %scan3A_4 = arith.constant 640 : i32
    %scan3A_5 = arith.addi %scan3A_3, %scan3A_4 : i32
    %scan3A_6 = arith.constant 8 : i32
    scf.for %scan3A_165 = %scan3A_3 to %scan3A_5 step %scan3A_6  : i32 {
      %broadcast_in_dim3A = arith.constant 0.000000e+00 : f32
      %broadcast_in_dim3A_166 = vector.broadcast %broadcast_in_dim3A : f32 to vector<16xf32>
      %jit3A = arith.constant 8 : i32
      %div3A = arith.divsi %scan3A_165, %jit3A : i32
      %sign3A = arith.constant 0 : i32
      %sign3A_167 = arith.cmpi sgt, %scan3A_165, %sign3A : i32
      %sign3A_168 = arith.extui %sign3A_167 : i1 to i32
      %sign3A_169 = arith.constant 0 : i32
      %sign3A_170 = arith.cmpi slt, %scan3A_165, %sign3A_169 : i32
      %sign3A_171 = arith.extui %sign3A_170 : i1 to i32
      %sign3A_172 = arith.subi %sign3A_168, %sign3A_171 : i32
      %sign3A_173 = arith.constant 0 : i32
      %sign3A_174 = arith.cmpi sgt, %jit3A, %sign3A_173 : i32
      %sign3A_175 = arith.extui %sign3A_174 : i1 to i32
      %sign3A_176 = arith.constant 0 : i32
      %sign3A_177 = arith.cmpi slt, %jit3A, %sign3A_176 : i32
      %sign3A_178 = arith.extui %sign3A_177 : i1 to i32
      %sign3A_179 = arith.subi %sign3A_175, %sign3A_178 : i32
      %ne3A = arith.cmpi ne, %sign3A_172, %sign3A_179 : i32
      %rem3A = arith.remsi %scan3A_165, %jit3A : i32
      %ne3A_180 = arith.constant 0 : i32
      %ne3A_181 = arith.cmpi ne, %rem3A, %ne3A_180 : i32
      %and3A = arith.andi %ne3A, %ne3A_181 : i1
      %sub3A = arith.constant 1 : i32
      %sub3A_182 = arith.subi %div3A, %sub3A : i32
      %select_n3A = arith.select %and3A, %sub3A_182, %div3A : i32
      %jit3A_183 = arith.constant 8 : i32
      %eq3A = arith.constant 0 : i32
      %eq3A_184 = arith.cmpi eq, %jit3A_183, %eq3A : i32
      %jit3A_185 = arith.constant 1 : i32
      %select_n3A_186 = arith.select %eq3A_184, %jit3A_185, %jit3A_183 : i32
      %rem3A_187 = arith.remsi %scan3A_165, %select_n3A_186 : i32
      %ne3A_188 = arith.constant 0 : i32
      %ne3A_189 = arith.cmpi ne, %rem3A_187, %ne3A_188 : i32
      %lt3A_190 = arith.constant 0 : i32
      %lt3A_191 = arith.cmpi slt, %rem3A_187, %lt3A_190 : i32
      %lt3A_192 = arith.constant 0 : i32
      %lt3A_193 = arith.cmpi slt, %select_n3A_186, %lt3A_192 : i32
      %ne3A_194 = arith.xori %lt3A_191, %lt3A_193 : i1
      %and3A_195 = arith.andi %ne3A_194, %ne3A_189 : i1
      %add3A_196 = arith.addi %rem3A_187, %select_n3A_186 : i32
      %select_n3A_197 = arith.select %and3A_195, %add3A_196, %rem3A_187 : i32
      %mul3A_198 = arith.constant 16 : i32
      %mul3A_199 = arith.muli %select_n3A_197, %mul3A_198 : i32
      %swap3A = arith.index_cast %select_n3A : i32 to index
      %swap3A_200 = arith.index_cast %mul3A_199 : i32 to index
      %swap3A_201 = tpu.vector_load %arg10[%swap3A, %swap3A_200] {strides = array<i32>} : memref<80x128xf32, #tpu.memory_space<vmem>>, vector<1x16xf32>,
      %swap3A_202 = vector.shape_cast %swap3A_201 : vector<1x16xf32> to vector<16xf32>
      %swap3A_203 = vector.shape_cast %broadcast_in_dim3A_166 : vector<16xf32> to vector<1x16xf32>
      tpu.vector_store %arg10[%swap3A, %swap3A_200], %swap3A_203 {strides = array<i32>} : memref<80x128xf32, #tpu.memory_space<vmem>>, vector<1x16xf32>,
      %scan3A_204 = arith.constant 1 : i32
      %scan3A_205 = arith.addi %scan3A_165, %scan3A_204 : i32
      %broadcast_in_dim3A_206 = arith.constant 0.000000e+00 : f32
      %broadcast_in_dim3A_207 = vector.broadcast %broadcast_in_dim3A_206 : f32 to vector<16xf32>
      %jit3A_208 = arith.constant 8 : i32
      %div3A_209 = arith.divsi %scan3A_205, %jit3A_208 : i32
      %sign3A_210 = arith.constant 0 : i32
      %sign3A_211 = arith.cmpi sgt, %scan3A_205, %sign3A_210 : i32
      %sign3A_212 = arith.extui %sign3A_211 : i1 to i32
      %sign3A_213 = arith.constant 0 : i32
      %sign3A_214 = arith.cmpi slt, %scan3A_205, %sign3A_213 : i32
      %sign3A_215 = arith.extui %sign3A_214 : i1 to i32
      %sign3A_216 = arith.subi %sign3A_212, %sign3A_215 : i32
      %sign3A_217 = arith.constant 0 : i32
      %sign3A_218 = arith.cmpi sgt, %jit3A_208, %sign3A_217 : i32
      %sign3A_219 = arith.extui %sign3A_218 : i1 to i32
      %sign3A_220 = arith.constant 0 : i32
      %sign3A_221 = arith.cmpi slt, %jit3A_208, %sign3A_220 : i32
      %sign3A_222 = arith.extui %sign3A_221 : i1 to i32
      %sign3A_223 = arith.subi %sign3A_219, %sign3A_222 : i32
      %ne3A_224 = arith.cmpi ne, %sign3A_216, %sign3A_223 : i32
      %rem3A_225 = arith.remsi %scan3A_205, %jit3A_208 : i32
      %ne3A_226 = arith.constant 0 : i32
      %ne3A_227 = arith.cmpi ne, %rem3A_225, %ne3A_226 : i32
      %and3A_228 = arith.andi %ne3A_224, %ne3A_227 : i1
      %sub3A_229 = arith.constant 1 : i32
      %sub3A_230 = arith.subi %div3A_209, %sub3A_229 : i32
      %select_n3A_231 = arith.select %and3A_228, %sub3A_230, %div3A_209 : i32
      %jit3A_232 = arith.constant 8 : i32
      %eq3A_233 = arith.constant 0 : i32
      %eq3A_234 = arith.cmpi eq, %jit3A_232, %eq3A_233 : i32
      %jit3A_235 = arith.constant 1 : i32
      %select_n3A_236 = arith.select %eq3A_234, %jit3A_235, %jit3A_232 : i32
      %rem3A_237 = arith.remsi %scan3A_205, %select_n3A_236 : i32
      %ne3A_238 = arith.constant 0 : i32
      %ne3A_239 = arith.cmpi ne, %rem3A_237, %ne3A_238 : i32
      %lt3A_240 = arith.constant 0 : i32
      %lt3A_241 = arith.cmpi slt, %rem3A_237, %lt3A_240 : i32
      %lt3A_242 = arith.constant 0 : i32
      %lt3A_243 = arith.cmpi slt, %select_n3A_236, %lt3A_242 : i32
      %ne3A_244 = arith.xori %lt3A_241, %lt3A_243 : i1
      %and3A_245 = arith.andi %ne3A_244, %ne3A_239 : i1
      %add3A_246 = arith.addi %rem3A_237, %select_n3A_236 : i32
      %select_n3A_247 = arith.select %and3A_245, %add3A_246, %rem3A_237 : i32
      %mul3A_248 = arith.constant 16 : i32
      %mul3A_249 = arith.muli %select_n3A_247, %mul3A_248 : i32
      %swap3A_250 = arith.index_cast %select_n3A_231 : i32 to index
      %swap3A_251 = arith.index_cast %mul3A_249 : i32 to index
      %swap3A_252 = tpu.vector_load %arg10[%swap3A_250, %swap3A_251] {strides = array<i32>} : memref<80x128xf32, #tpu.memory_space<vmem>>, vector<1x16xf32>,
      %swap3A_253 = vector.shape_cast %swap3A_252 : vector<1x16xf32> to vector<16xf32>
      %swap3A_254 = vector.shape_cast %broadcast_in_dim3A_207 : vector<16xf32> to vector<1x16xf32>
      tpu.vector_store %arg10[%swap3A_250, %swap3A_251], %swap3A_254 {strides = array<i32>} : memref<80x128xf32, #tpu.memory_space<vmem>>, vector<1x16xf32>,
      %scan3A_255 = arith.constant 2 : i32
      %scan3A_256 = arith.addi %scan3A_165, %scan3A_255 : i32
      %broadcast_in_dim3A_257 = arith.constant 0.000000e+00 : f32
      %broadcast_in_dim3A_258 = vector.broadcast %broadcast_in_dim3A_257 : f32 to vector<16xf32>
      %jit3A_259 = arith.constant 8 : i32
      %div3A_260 = arith.divsi %scan3A_256, %jit3A_259 : i32
      %sign3A_261 = arith.constant 0 : i32
      %sign3A_262 = arith.cmpi sgt, %scan3A_256, %sign3A_261 : i32
      %sign3A_263 = arith.extui %sign3A_262 : i1 to i32
      %sign3A_264 = arith.constant 0 : i32
      %sign3A_265 = arith.cmpi slt, %scan3A_256, %sign3A_264 : i32
      %sign3A_266 = arith.extui %sign3A_265 : i1 to i32
      %sign3A_267 = arith.subi %sign3A_263, %sign3A_266 : i32
      %sign3A_268 = arith.constant 0 : i32
      %sign3A_269 = arith.cmpi sgt, %jit3A_259, %sign3A_268 : i32
      %sign3A_270 = arith.extui %sign3A_269 : i1 to i32
      %sign3A_271 = arith.constant 0 : i32
      %sign3A_272 = arith.cmpi slt, %jit3A_259, %sign3A_271 : i32
      %sign3A_273 = arith.extui %sign3A_272 : i1 to i32
      %sign3A_274 = arith.subi %sign3A_270, %sign3A_273 : i32
      %ne3A_275 = arith.cmpi ne, %sign3A_267, %sign3A_274 : i32
      %rem3A_276 = arith.remsi %scan3A_256, %jit3A_259 : i32
      %ne3A_277 = arith.constant 0 : i32
      %ne3A_278 = arith.cmpi ne, %rem3A_276, %ne3A_277 : i32
      %and3A_279 = arith.andi %ne3A_275, %ne3A_278 : i1
      %sub3A_280 = arith.constant 1 : i32
      %sub3A_281 = arith.subi %div3A_260, %sub3A_280 : i32
      %select_n3A_282 = arith.select %and3A_279, %sub3A_281, %div3A_260 : i32
      %jit3A_283 = arith.constant 8 : i32
      %eq3A_284 = arith.constant 0 : i32
      %eq3A_285 = arith.cmpi eq, %jit3A_283, %eq3A_284 : i32
      %jit3A_286 = arith.constant 1 : i32
      %select_n3A_287 = arith.select %eq3A_285, %jit3A_286, %jit3A_283 : i32
      %rem3A_288 = arith.remsi %scan3A_256, %select_n3A_287 : i32
      %ne3A_289 = arith.constant 0 : i32
      %ne3A_290 = arith.cmpi ne, %rem3A_288, %ne3A_289 : i32
      %lt3A_291 = arith.constant 0 : i32
      %lt3A_292 = arith.cmpi slt, %rem3A_288, %lt3A_291 : i32
      %lt3A_293 = arith.constant 0 : i32
      %lt3A_294 = arith.cmpi slt, %select_n3A_287, %lt3A_293 : i32
      %ne3A_295 = arith.xori %lt3A_292, %lt3A_294 : i1
      %and3A_296 = arith.andi %ne3A_295, %ne3A_290 : i1
      %add3A_297 = arith.addi %rem3A_288, %select_n3A_287 : i32
      %select_n3A_298 = arith.select %and3A_296, %add3A_297, %rem3A_288 : i32
      %mul3A_299 = arith.constant 16 : i32
      %mul3A_300 = arith.muli %select_n3A_298, %mul3A_299 : i32
      %swap3A_301 = arith.index_cast %select_n3A_282 : i32 to index
      %swap3A_302 = arith.index_cast %mul3A_300 : i32 to index
      %swap3A_303 = tpu.vector_load %arg10[%swap3A_301, %swap3A_302] {strides = array<i32>} : memref<80x128xf32, #tpu.memory_space<vmem>>, vector<1x16xf32>,
      %swap3A_304 = vector.shape_cast %swap3A_303 : vector<1x16xf32> to vector<16xf32>
      %swap3A_305 = vector.shape_cast %broadcast_in_dim3A_258 : vector<16xf32> to vector<1x16xf32>
      tpu.vector_store %arg10[%swap3A_301, %swap3A_302], %swap3A_305 {strides = array<i32>} : memref<80x128xf32, #tpu.memory_space<vmem>>, vector<1x16xf32>,
      %scan3A_306 = arith.constant 3 : i32
      %scan3A_307 = arith.addi %scan3A_165, %scan3A_306 : i32
      %broadcast_in_dim3A_308 = arith.constant 0.000000e+00 : f32
      %broadcast_in_dim3A_309 = vector.broadcast %broadcast_in_dim3A_308 : f32 to vector<16xf32>
      %jit3A_310 = arith.constant 8 : i32
      %div3A_311 = arith.divsi %scan3A_307, %jit3A_310 : i32
      %sign3A_312 = arith.constant 0 : i32
      %sign3A_313 = arith.cmpi sgt, %scan3A_307, %sign3A_312 : i32
      %sign3A_314 = arith.extui %sign3A_313 : i1 to i32
      %sign3A_315 = arith.constant 0 : i32
      %sign3A_316 = arith.cmpi slt, %scan3A_307, %sign3A_315 : i32
      %sign3A_317 = arith.extui %sign3A_316 : i1 to i32
      %sign3A_318 = arith.subi %sign3A_314, %sign3A_317 : i32
      %sign3A_319 = arith.constant 0 : i32
      %sign3A_320 = arith.cmpi sgt, %jit3A_310, %sign3A_319 : i32
      %sign3A_321 = arith.extui %sign3A_320 : i1 to i32
      %sign3A_322 = arith.constant 0 : i32
      %sign3A_323 = arith.cmpi slt, %jit3A_310, %sign3A_322 : i32
      %sign3A_324 = arith.extui %sign3A_323 : i1 to i32
      %sign3A_325 = arith.subi %sign3A_321, %sign3A_324 : i32
      %ne3A_326 = arith.cmpi ne, %sign3A_318, %sign3A_325 : i32
      %rem3A_327 = arith.remsi %scan3A_307, %jit3A_310 : i32
      %ne3A_328 = arith.constant 0 : i32
      %ne3A_329 = arith.cmpi ne, %rem3A_327, %ne3A_328 : i32
      %and3A_330 = arith.andi %ne3A_326, %ne3A_329 : i1
      %sub3A_331 = arith.constant 1 : i32
      %sub3A_332 = arith.subi %div3A_311, %sub3A_331 : i32
      %select_n3A_333 = arith.select %and3A_330, %sub3A_332, %div3A_311 : i32
      %jit3A_334 = arith.constant 8 : i32
      %eq3A_335 = arith.constant 0 : i32
      %eq3A_336 = arith.cmpi eq, %jit3A_334, %eq3A_335 : i32
      %jit3A_337 = arith.constant 1 : i32
      %select_n3A_338 = arith.select %eq3A_336, %jit3A_337, %jit3A_334 : i32
      %rem3A_339 = arith.remsi %scan3A_307, %select_n3A_338 : i32
      %ne3A_340 = arith.constant 0 : i32
      %ne3A_341 = arith.cmpi ne, %rem3A_339, %ne3A_340 : i32
      %lt3A_342 = arith.constant 0 : i32
      %lt3A_343 = arith.cmpi slt, %rem3A_339, %lt3A_342 : i32
      %lt3A_344 = arith.constant 0 : i32
      %lt3A_345 = arith.cmpi slt, %select_n3A_338, %lt3A_344 : i32
      %ne3A_346 = arith.xori %lt3A_343, %lt3A_345 : i1
      %and3A_347 = arith.andi %ne3A_346, %ne3A_341 : i1
      %add3A_348 = arith.addi %rem3A_339, %select_n3A_338 : i32
      %select_n3A_349 = arith.select %and3A_347, %add3A_348, %rem3A_339 : i32
      %mul3A_350 = arith.constant 16 : i32
      %mul3A_351 = arith.muli %select_n3A_349, %mul3A_350 : i32
      %swap3A_352 = arith.index_cast %select_n3A_333 : i32 to index
      %swap3A_353 = arith.index_cast %mul3A_351 : i32 to index
      %swap3A_354 = tpu.vector_load %arg10[%swap3A_352, %swap3A_353] {strides = array<i32>} : memref<80x128xf32, #tpu.memory_space<vmem>>, vector<1x16xf32>,
      %swap3A_355 = vector.shape_cast %swap3A_354 : vector<1x16xf32> to vector<16xf32>
      %swap3A_356 = vector.shape_cast %broadcast_in_dim3A_309 : vector<16xf32> to vector<1x16xf32>
      tpu.vector_store %arg10[%swap3A_352, %swap3A_353], %swap3A_356 {strides = array<i32>} : memref<80x128xf32, #tpu.memory_space<vmem>>, vector<1x16xf32>,
      %scan3A_357 = arith.constant 4 : i32
      %scan3A_358 = arith.addi %scan3A_165, %scan3A_357 : i32
      %broadcast_in_dim3A_359 = arith.constant 0.000000e+00 : f32
      %broadcast_in_dim3A_360 = vector.broadcast %broadcast_in_dim3A_359 : f32 to vector<16xf32>
      %jit3A_361 = arith.constant 8 : i32
      %div3A_362 = arith.divsi %scan3A_358, %jit3A_361 : i32
      %sign3A_363 = arith.constant 0 : i32
      %sign3A_364 = arith.cmpi sgt, %scan3A_358, %sign3A_363 : i32
      %sign3A_365 = arith.extui %sign3A_364 : i1 to i32
      %sign3A_366 = arith.constant 0 : i32
      %sign3A_367 = arith.cmpi slt, %scan3A_358, %sign3A_366 : i32
      %sign3A_368 = arith.extui %sign3A_367 : i1 to i32
      %sign3A_369 = arith.subi %sign3A_365, %sign3A_368 : i32
      %sign3A_370 = arith.constant 0 : i32
      %sign3A_371 = arith.cmpi sgt, %jit3A_361, %sign3A_370 : i32
      %sign3A_372 = arith.extui %sign3A_371 : i1 to i32
      %sign3A_373 = arith.constant 0 : i32
      %sign3A_374 = arith.cmpi slt, %jit3A_361, %sign3A_373 : i32
      %sign3A_375 = arith.extui %sign3A_374 : i1 to i32
      %sign3A_376 = arith.subi %sign3A_372, %sign3A_375 : i32
      %ne3A_377 = arith.cmpi ne, %sign3A_369, %sign3A_376 : i32
      %rem3A_378 = arith.remsi %scan3A_358, %jit3A_361 : i32
      %ne3A_379 = arith.constant 0 : i32
      %ne3A_380 = arith.cmpi ne, %rem3A_378, %ne3A_379 : i32
      %and3A_381 = arith.andi %ne3A_377, %ne3A_380 : i1
      %sub3A_382 = arith.constant 1 : i32
      %sub3A_383 = arith.subi %div3A_362, %sub3A_382 : i32
      %select_n3A_384 = arith.select %and3A_381, %sub3A_383, %div3A_362 : i32
      %jit3A_385 = arith.constant 8 : i32
      %eq3A_386 = arith.constant 0 : i32
      %eq3A_387 = arith.cmpi eq, %jit3A_385, %eq3A_386 : i32
      %jit3A_388 = arith.constant 1 : i32
      %select_n3A_389 = arith.select %eq3A_387, %jit3A_388, %jit3A_385 : i32
      %rem3A_390 = arith.remsi %scan3A_358, %select_n3A_389 : i32
      %ne3A_391 = arith.constant 0 : i32
      %ne3A_392 = arith.cmpi ne, %rem3A_390, %ne3A_391 : i32
      %lt3A_393 = arith.constant 0 : i32
      %lt3A_394 = arith.cmpi slt, %rem3A_390, %lt3A_393 : i32
      %lt3A_395 = arith.constant 0 : i32
      %lt3A_396 = arith.cmpi slt, %select_n3A_389, %lt3A_395 : i32
      %ne3A_397 = arith.xori %lt3A_394, %lt3A_396 : i1
      %and3A_398 = arith.andi %ne3A_397, %ne3A_392 : i1
      %add3A_399 = arith.addi %rem3A_390, %select_n3A_389 : i32
      %select_n3A_400 = arith.select %and3A_398, %add3A_399, %rem3A_390 : i32
      %mul3A_401 = arith.constant 16 : i32
      %mul3A_402 = arith.muli %select_n3A_400, %mul3A_401 : i32
      %swap3A_403 = arith.index_cast %select_n3A_384 : i32 to index
      %swap3A_404 = arith.index_cast %mul3A_402 : i32 to index
      %swap3A_405 = tpu.vector_load %arg10[%swap3A_403, %swap3A_404] {strides = array<i32>} : memref<80x128xf32, #tpu.memory_space<vmem>>, vector<1x16xf32>,
      %swap3A_406 = vector.shape_cast %swap3A_405 : vector<1x16xf32> to vector<16xf32>
      %swap3A_407 = vector.shape_cast %broadcast_in_dim3A_360 : vector<16xf32> to vector<1x16xf32>
      tpu.vector_store %arg10[%swap3A_403, %swap3A_404], %swap3A_407 {strides = array<i32>} : memref<80x128xf32, #tpu.memory_space<vmem>>, vector<1x16xf32>,
      %scan3A_408 = arith.constant 5 : i32
      %scan3A_409 = arith.addi %scan3A_165, %scan3A_408 : i32
      %broadcast_in_dim3A_410 = arith.constant 0.000000e+00 : f32
      %broadcast_in_dim3A_411 = vector.broadcast %broadcast_in_dim3A_410 : f32 to vector<16xf32>
      %jit3A_412 = arith.constant 8 : i32
      %div3A_413 = arith.divsi %scan3A_409, %jit3A_412 : i32
      %sign3A_414 = arith.constant 0 : i32
      %sign3A_415 = arith.cmpi sgt, %scan3A_409, %sign3A_414 : i32
      %sign3A_416 = arith.extui %sign3A_415 : i1 to i32
      %sign3A_417 = arith.constant 0 : i32
      %sign3A_418 = arith.cmpi slt, %scan3A_409, %sign3A_417 : i32
      %sign3A_419 = arith.extui %sign3A_418 : i1 to i32
      %sign3A_420 = arith.subi %sign3A_416, %sign3A_419 : i32
      %sign3A_421 = arith.constant 0 : i32
      %sign3A_422 = arith.cmpi sgt, %jit3A_412, %sign3A_421 : i32
      %sign3A_423 = arith.extui %sign3A_422 : i1 to i32
      %sign3A_424 = arith.constant 0 : i32
      %sign3A_425 = arith.cmpi slt, %jit3A_412, %sign3A_424 : i32
      %sign3A_426 = arith.extui %sign3A_425 : i1 to i32
      %sign3A_427 = arith.subi %sign3A_423, %sign3A_426 : i32
      %ne3A_428 = arith.cmpi ne, %sign3A_420, %sign3A_427 : i32
      %rem3A_429 = arith.remsi %scan3A_409, %jit3A_412 : i32
      %ne3A_430 = arith.constant 0 : i32
      %ne3A_431 = arith.cmpi ne, %rem3A_429, %ne3A_430 : i32
      %and3A_432 = arith.andi %ne3A_428, %ne3A_431 : i1
      %sub3A_433 = arith.constant 1 : i32
      %sub3A_434 = arith.subi %div3A_413, %sub3A_433 : i32
      %select_n3A_435 = arith.select %and3A_432, %sub3A_434, %div3A_413 : i32
      %jit3A_436 = arith.constant 8 : i32
      %eq3A_437 = arith.constant 0 : i32
      %eq3A_438 = arith.cmpi eq, %jit3A_436, %eq3A_437 : i32
      %jit3A_439 = arith.constant 1 : i32
      %select_n3A_440 = arith.select %eq3A_438, %jit3A_439, %jit3A_436 : i32
      %rem3A_441 = arith.remsi %scan3A_409, %select_n3A_440 : i32
      %ne3A_442 = arith.constant 0 : i32
      %ne3A_443 = arith.cmpi ne, %rem3A_441, %ne3A_442 : i32
      %lt3A_444 = arith.constant 0 : i32
      %lt3A_445 = arith.cmpi slt, %rem3A_441, %lt3A_444 : i32
      %lt3A_446 = arith.constant 0 : i32
      %lt3A_447 = arith.cmpi slt, %select_n3A_440, %lt3A_446 : i32
      %ne3A_448 = arith.xori %lt3A_445, %lt3A_447 : i1
      %and3A_449 = arith.andi %ne3A_448, %ne3A_443 : i1
      %add3A_450 = arith.addi %rem3A_441, %select_n3A_440 : i32
      %select_n3A_451 = arith.select %and3A_449, %add3A_450, %rem3A_441 : i32
      %mul3A_452 = arith.constant 16 : i32
      %mul3A_453 = arith.muli %select_n3A_451, %mul3A_452 : i32
      %swap3A_454 = arith.index_cast %select_n3A_435 : i32 to index
      %swap3A_455 = arith.index_cast %mul3A_453 : i32 to index
      %swap3A_456 = tpu.vector_load %arg10[%swap3A_454, %swap3A_455] {strides = array<i32>} : memref<80x128xf32, #tpu.memory_space<vmem>>, vector<1x16xf32>,
      %swap3A_457 = vector.shape_cast %swap3A_456 : vector<1x16xf32> to vector<16xf32>
      %swap3A_458 = vector.shape_cast %broadcast_in_dim3A_411 : vector<16xf32> to vector<1x16xf32>
      tpu.vector_store %arg10[%swap3A_454, %swap3A_455], %swap3A_458 {strides = array<i32>} : memref<80x128xf32, #tpu.memory_space<vmem>>, vector<1x16xf32>,
      %scan3A_459 = arith.constant 6 : i32
      %scan3A_460 = arith.addi %scan3A_165, %scan3A_459 : i32
      %broadcast_in_dim3A_461 = arith.constant 0.000000e+00 : f32
      %broadcast_in_dim3A_462 = vector.broadcast %broadcast_in_dim3A_461 : f32 to vector<16xf32>
      %jit3A_463 = arith.constant 8 : i32
      %div3A_464 = arith.divsi %scan3A_460, %jit3A_463 : i32
      %sign3A_465 = arith.constant 0 : i32
      %sign3A_466 = arith.cmpi sgt, %scan3A_460, %sign3A_465 : i32
      %sign3A_467 = arith.extui %sign3A_466 : i1 to i32
      %sign3A_468 = arith.constant 0 : i32
      %sign3A_469 = arith.cmpi slt, %scan3A_460, %sign3A_468 : i32
      %sign3A_470 = arith.extui %sign3A_469 : i1 to i32
      %sign3A_471 = arith.subi %sign3A_467, %sign3A_470 : i32
      %sign3A_472 = arith.constant 0 : i32
      %sign3A_473 = arith.cmpi sgt, %jit3A_463, %sign3A_472 : i32
      %sign3A_474 = arith.extui %sign3A_473 : i1 to i32
      %sign3A_475 = arith.constant 0 : i32
      %sign3A_476 = arith.cmpi slt, %jit3A_463, %sign3A_475 : i32
      %sign3A_477 = arith.extui %sign3A_476 : i1 to i32
      %sign3A_478 = arith.subi %sign3A_474, %sign3A_477 : i32
      %ne3A_479 = arith.cmpi ne, %sign3A_471, %sign3A_478 : i32
      %rem3A_480 = arith.remsi %scan3A_460, %jit3A_463 : i32
      %ne3A_481 = arith.constant 0 : i32
      %ne3A_482 = arith.cmpi ne, %rem3A_480, %ne3A_481 : i32
      %and3A_483 = arith.andi %ne3A_479, %ne3A_482 : i1
      %sub3A_484 = arith.constant 1 : i32
      %sub3A_485 = arith.subi %div3A_464, %sub3A_484 : i32
      %select_n3A_486 = arith.select %and3A_483, %sub3A_485, %div3A_464 : i32
      %jit3A_487 = arith.constant 8 : i32
      %eq3A_488 = arith.constant 0 : i32
      %eq3A_489 = arith.cmpi eq, %jit3A_487, %eq3A_488 : i32
      %jit3A_490 = arith.constant 1 : i32
      %select_n3A_491 = arith.select %eq3A_489, %jit3A_490, %jit3A_487 : i32
      %rem3A_492 = arith.remsi %scan3A_460, %select_n3A_491 : i32
      %ne3A_493 = arith.constant 0 : i32
      %ne3A_494 = arith.cmpi ne, %rem3A_492, %ne3A_493 : i32
      %lt3A_495 = arith.constant 0 : i32
      %lt3A_496 = arith.cmpi slt, %rem3A_492, %lt3A_495 : i32
      %lt3A_497 = arith.constant 0 : i32
      %lt3A_498 = arith.cmpi slt, %select_n3A_491, %lt3A_497 : i32
      %ne3A_499 = arith.xori %lt3A_496, %lt3A_498 : i1
      %and3A_500 = arith.andi %ne3A_499, %ne3A_494 : i1
      %add3A_501 = arith.addi %rem3A_492, %select_n3A_491 : i32
      %select_n3A_502 = arith.select %and3A_500, %add3A_501, %rem3A_492 : i32
      %mul3A_503 = arith.constant 16 : i32
      %mul3A_504 = arith.muli %select_n3A_502, %mul3A_503 : i32
      %swap3A_505 = arith.index_cast %select_n3A_486 : i32 to index
      %swap3A_506 = arith.index_cast %mul3A_504 : i32 to index
      %swap3A_507 = tpu.vector_load %arg10[%swap3A_505, %swap3A_506] {strides = array<i32>} : memref<80x128xf32, #tpu.memory_space<vmem>>, vector<1x16xf32>,
      %swap3A_508 = vector.shape_cast %swap3A_507 : vector<1x16xf32> to vector<16xf32>
      %swap3A_509 = vector.shape_cast %broadcast_in_dim3A_462 : vector<16xf32> to vector<1x16xf32>
      tpu.vector_store %arg10[%swap3A_505, %swap3A_506], %swap3A_509 {strides = array<i32>} : memref<80x128xf32, #tpu.memory_space<vmem>>, vector<1x16xf32>,
      %scan3A_510 = arith.constant 7 : i32
      %scan3A_511 = arith.addi %scan3A_165, %scan3A_510 : i32
      %broadcast_in_dim3A_512 = arith.constant 0.000000e+00 : f32
      %broadcast_in_dim3A_513 = vector.broadcast %broadcast_in_dim3A_512 : f32 to vector<16xf32>
      %jit3A_514 = arith.constant 8 : i32
      %div3A_515 = arith.divsi %scan3A_511, %jit3A_514 : i32
      %sign3A_516 = arith.constant 0 : i32
      %sign3A_517 = arith.cmpi sgt, %scan3A_511, %sign3A_516 : i32
      %sign3A_518 = arith.extui %sign3A_517 : i1 to i32
      %sign3A_519 = arith.constant 0 : i32
      %sign3A_520 = arith.cmpi slt, %scan3A_511, %sign3A_519 : i32
      %sign3A_521 = arith.extui %sign3A_520 : i1 to i32
      %sign3A_522 = arith.subi %sign3A_518, %sign3A_521 : i32
      %sign3A_523 = arith.constant 0 : i32
      %sign3A_524 = arith.cmpi sgt, %jit3A_514, %sign3A_523 : i32
      %sign3A_525 = arith.extui %sign3A_524 : i1 to i32
      %sign3A_526 = arith.constant 0 : i32
      %sign3A_527 = arith.cmpi slt, %jit3A_514, %sign3A_526 : i32
      %sign3A_528 = arith.extui %sign3A_527 : i1 to i32
      %sign3A_529 = arith.subi %sign3A_525, %sign3A_528 : i32
      %ne3A_530 = arith.cmpi ne, %sign3A_522, %sign3A_529 : i32
      %rem3A_531 = arith.remsi %scan3A_511, %jit3A_514 : i32
      %ne3A_532 = arith.constant 0 : i32
      %ne3A_533 = arith.cmpi ne, %rem3A_531, %ne3A_532 : i32
      %and3A_534 = arith.andi %ne3A_530, %ne3A_533 : i1
      %sub3A_535 = arith.constant 1 : i32
      %sub3A_536 = arith.subi %div3A_515, %sub3A_535 : i32
      %select_n3A_537 = arith.select %and3A_534, %sub3A_536, %div3A_515 : i32
      %jit3A_538 = arith.constant 8 : i32
      %eq3A_539 = arith.constant 0 : i32
      %eq3A_540 = arith.cmpi eq, %jit3A_538, %eq3A_539 : i32
      %jit3A_541 = arith.constant 1 : i32
      %select_n3A_542 = arith.select %eq3A_540, %jit3A_541, %jit3A_538 : i32
      %rem3A_543 = arith.remsi %scan3A_511, %select_n3A_542 : i32
      %ne3A_544 = arith.constant 0 : i32
      %ne3A_545 = arith.cmpi ne, %rem3A_543, %ne3A_544 : i32
      %lt3A_546 = arith.constant 0 : i32
      %lt3A_547 = arith.cmpi slt, %rem3A_543, %lt3A_546 : i32
      %lt3A_548 = arith.constant 0 : i32
      %lt3A_549 = arith.cmpi slt, %select_n3A_542, %lt3A_548 : i32
      %ne3A_550 = arith.xori %lt3A_547, %lt3A_549 : i1
      %and3A_551 = arith.andi %ne3A_550, %ne3A_545 : i1
      %add3A_552 = arith.addi %rem3A_543, %select_n3A_542 : i32
      %select_n3A_553 = arith.select %and3A_551, %add3A_552, %rem3A_543 : i32
      %mul3A_554 = arith.constant 16 : i32
      %mul3A_555 = arith.muli %select_n3A_553, %mul3A_554 : i32
      %swap3A_556 = arith.index_cast %select_n3A_537 : i32 to index
      %swap3A_557 = arith.index_cast %mul3A_555 : i32 to index
      %swap3A_558 = tpu.vector_load %arg10[%swap3A_556, %swap3A_557] {strides = array<i32>} : memref<80x128xf32, #tpu.memory_space<vmem>>, vector<1x16xf32>,
      %swap3A_559 = vector.shape_cast %swap3A_558 : vector<1x16xf32> to vector<16xf32>
      %swap3A_560 = vector.shape_cast %broadcast_in_dim3A_513 : vector<16xf32> to vector<1x16xf32>
      tpu.vector_store %arg10[%swap3A_556, %swap3A_557], %swap3A_560 {strides = array<i32>} : memref<80x128xf32, #tpu.memory_space<vmem>>, vector<1x16xf32>,
    }
    %scan3A_7 = arith.constant 640 : i32
    %add3A_8 = arith.constant 0 : i32
    %add3A_9 = arith.addi %arg1, %add3A_8 : i32
    %lt3A = arith.constant 125 : i32
    %lt3A_10 = arith.cmpi slt, %add3A_9, %lt3A : i32
    %convert_element_type3A = arith.extui %lt3A_10 : i1 to i32
    %cond3A = arith.constant 0 : i32
    %cond3A_11 = arith.cmpi ne, %convert_element_type3A, %cond3A : i32
    scf.if %cond3A_11 {
      %mul3A_165 = arith.constant 80 : i32
      %mul3A_166 = arith.muli %add3A_9, %mul3A_165 : i32
      "tpu.region"() ({
        %run_scoped3A = tpu.sem_alloc : memref<!tpu.dma_semaphore, #tpu.memory_space<semaphore_mem>>
        %dma_start3A_167 = arith.constant 0 : i32
        %dma_start3A_168 = tpu.memref_slice %arg15[%mul3A_166, %dma_start3A_167] : memref<10000x128xf32, #tpu.memory_space<vmem_shared>> -> memref<80x128xf32, #tpu.memory_space<vmem_shared>>
        %dma_start3A_169 = arith.constant 0 : i32
        %dma_start3A_170 = tpu.memref_slice %arg15[%mul3A_166, %dma_start3A_169] : memref<10000x128xf32, #tpu.memory_space<vmem_shared>> -> memref<80x128xf32, #tpu.memory_space<vmem_shared>>
        tpu.enqueue_dma source(%arg10 : memref<80x128xf32, #tpu.memory_space<vmem>>) target(%dma_start3A_170 : memref<80x128xf32, #tpu.memory_space<vmem_shared>>) target_semaphore(%run_scoped3A : memref<!tpu.dma_semaphore, #tpu.memory_space<semaphore_mem>>)
        %dma_wait3A_171 = arith.constant 0 : i32
        %dma_wait3A_172 = tpu.memref_slice %arg15[%mul3A_166, %dma_wait3A_171] : memref<10000x128xf32, #tpu.memory_space<vmem_shared>> -> memref<80x128xf32, #tpu.memory_space<vmem_shared>>
        %dma_wait3A_173 = arith.constant 0 : i32
        %dma_wait3A_174 = tpu.memref_slice %arg15[%mul3A_166, %dma_wait3A_173] : memref<10000x128xf32, #tpu.memory_space<vmem_shared>> -> memref<80x128xf32, #tpu.memory_space<vmem_shared>>
        tpu.wait_dma2 semaphore(%run_scoped3A : memref<!tpu.dma_semaphore, #tpu.memory_space<semaphore_mem>>) src(%arg10 : memref<80x128xf32, #tpu.memory_space<vmem>>) dst(%dma_wait3A_174 : memref<80x128xf32, #tpu.memory_space<vmem_shared>>)
        tpu.yield
      }) : () -> ()
    } else {
    }
    %add3A_12 = arith.constant 16 : i32
    %add3A_13 = arith.addi %arg1, %add3A_12 : i32
    %lt3A_14 = arith.constant 125 : i32
    %lt3A_15 = arith.cmpi slt, %add3A_13, %lt3A_14 : i32
    %convert_element_type3A_16 = arith.extui %lt3A_15 : i1 to i32
    %cond3A_17 = arith.constant 0 : i32
    %cond3A_18 = arith.cmpi ne, %convert_element_type3A_16, %cond3A_17 : i32
    scf.if %cond3A_18 {
      %mul3A_165 = arith.constant 80 : i32
      %mul3A_166 = arith.muli %add3A_13, %mul3A_165 : i32
      "tpu.region"() ({
        %run_scoped3A = tpu.sem_alloc : memref<!tpu.dma_semaphore, #tpu.memory_space<semaphore_mem>>
        %dma_start3A_167 = arith.constant 0 : i32
        %dma_start3A_168 = tpu.memref_slice %arg15[%mul3A_166, %dma_start3A_167] : memref<10000x128xf32, #tpu.memory_space<vmem_shared>> -> memref<80x128xf32, #tpu.memory_space<vmem_shared>>
        %dma_start3A_169 = arith.constant 0 : i32
        %dma_start3A_170 = tpu.memref_slice %arg15[%mul3A_166, %dma_start3A_169] : memref<10000x128xf32, #tpu.memory_space<vmem_shared>> -> memref<80x128xf32, #tpu.memory_space<vmem_shared>>
        tpu.enqueue_dma source(%arg10 : memref<80x128xf32, #tpu.memory_space<vmem>>) target(%dma_start3A_170 : memref<80x128xf32, #tpu.memory_space<vmem_shared>>) target_semaphore(%run_scoped3A : memref<!tpu.dma_semaphore, #tpu.memory_space<semaphore_mem>>)
        %dma_wait3A_171 = arith.constant 0 : i32
        %dma_wait3A_172 = tpu.memref_slice %arg15[%mul3A_166, %dma_wait3A_171] : memref<10000x128xf32, #tpu.memory_space<vmem_shared>> -> memref<80x128xf32, #tpu.memory_space<vmem_shared>>
        %dma_wait3A_173 = arith.constant 0 : i32
        %dma_wait3A_174 = tpu.memref_slice %arg15[%mul3A_166, %dma_wait3A_173] : memref<10000x128xf32, #tpu.memory_space<vmem_shared>> -> memref<80x128xf32, #tpu.memory_space<vmem_shared>>
        tpu.wait_dma2 semaphore(%run_scoped3A : memref<!tpu.dma_semaphore, #tpu.memory_space<semaphore_mem>>) src(%arg10 : memref<80x128xf32, #tpu.memory_space<vmem>>) dst(%dma_wait3A_174 : memref<80x128xf32, #tpu.memory_space<vmem_shared>>)
        tpu.yield
      }) : () -> ()
    } else {
    }
    %add3A_19 = arith.constant 32 : i32
    %add3A_20 = arith.addi %arg1, %add3A_19 : i32
    %lt3A_21 = arith.constant 125 : i32
    %lt3A_22 = arith.cmpi slt, %add3A_20, %lt3A_21 : i32
    %convert_element_type3A_23 = arith.extui %lt3A_22 : i1 to i32
    %cond3A_24 = arith.constant 0 : i32
    %cond3A_25 = arith.cmpi ne, %convert_element_type3A_23, %cond3A_24 : i32
    scf.if %cond3A_25 {
      %mul3A_165 = arith.constant 80 : i32
      %mul3A_166 = arith.muli %add3A_20, %mul3A_165 : i32
      "tpu.region"() ({
        %run_scoped3A = tpu.sem_alloc : memref<!tpu.dma_semaphore, #tpu.memory_space<semaphore_mem>>
        %dma_start3A_167 = arith.constant 0 : i32
        %dma_start3A_168 = tpu.memref_slice %arg15[%mul3A_166, %dma_start3A_167] : memref<10000x128xf32, #tpu.memory_space<vmem_shared>> -> memref<80x128xf32, #tpu.memory_space<vmem_shared>>
        %dma_start3A_169 = arith.constant 0 : i32
        %dma_start3A_170 = tpu.memref_slice %arg15[%mul3A_166, %dma_start3A_169] : memref<10000x128xf32, #tpu.memory_space<vmem_shared>> -> memref<80x128xf32, #tpu.memory_space<vmem_shared>>
        tpu.enqueue_dma source(%arg10 : memref<80x128xf32, #tpu.memory_space<vmem>>) target(%dma_start3A_170 : memref<80x128xf32, #tpu.memory_space<vmem_shared>>) target_semaphore(%run_scoped3A : memref<!tpu.dma_semaphore, #tpu.memory_space<semaphore_mem>>)
        %dma_wait3A_171 = arith.constant 0 : i32
        %dma_wait3A_172 = tpu.memref_slice %arg15[%mul3A_166, %dma_wait3A_171] : memref<10000x128xf32, #tpu.memory_space<vmem_shared>> -> memref<80x128xf32, #tpu.memory_space<vmem_shared>>
        %dma_wait3A_173 = arith.constant 0 : i32
        %dma_wait3A_174 = tpu.memref_slice %arg15[%mul3A_166, %dma_wait3A_173] : memref<10000x128xf32, #tpu.memory_space<vmem_shared>> -> memref<80x128xf32, #tpu.memory_space<vmem_shared>>
        tpu.wait_dma2 semaphore(%run_scoped3A : memref<!tpu.dma_semaphore, #tpu.memory_space<semaphore_mem>>) src(%arg10 : memref<80x128xf32, #tpu.memory_space<vmem>>) dst(%dma_wait3A_174 : memref<80x128xf32, #tpu.memory_space<vmem_shared>>)
        tpu.yield
      }) : () -> ()
    } else {
    }
    %add3A_26 = arith.constant 48 : i32
    %add3A_27 = arith.addi %arg1, %add3A_26 : i32
    %lt3A_28 = arith.constant 125 : i32
    %lt3A_29 = arith.cmpi slt, %add3A_27, %lt3A_28 : i32
    %convert_element_type3A_30 = arith.extui %lt3A_29 : i1 to i32
    %cond3A_31 = arith.constant 0 : i32
    %cond3A_32 = arith.cmpi ne, %convert_element_type3A_30, %cond3A_31 : i32
    scf.if %cond3A_32 {
      %mul3A_165 = arith.constant 80 : i32
      %mul3A_166 = arith.muli %add3A_27, %mul3A_165 : i32
      "tpu.region"() ({
        %run_scoped3A = tpu.sem_alloc : memref<!tpu.dma_semaphore, #tpu.memory_space<semaphore_mem>>
        %dma_start3A_167 = arith.constant 0 : i32
        %dma_start3A_168 = tpu.memref_slice %arg15[%mul3A_166, %dma_start3A_167] : memref<10000x128xf32, #tpu.memory_space<vmem_shared>> -> memref<80x128xf32, #tpu.memory_space<vmem_shared>>
        %dma_start3A_169 = arith.constant 0 : i32
        %dma_start3A_170 = tpu.memref_slice %arg15[%mul3A_166, %dma_start3A_169] : memref<10000x128xf32, #tpu.memory_space<vmem_shared>> -> memref<80x128xf32, #tpu.memory_space<vmem_shared>>
        tpu.enqueue_dma source(%arg10 : memref<80x128xf32, #tpu.memory_space<vmem>>) target(%dma_start3A_170 : memref<80x128xf32, #tpu.memory_space<vmem_shared>>) target_semaphore(%run_scoped3A : memref<!tpu.dma_semaphore, #tpu.memory_space<semaphore_mem>>)
        %dma_wait3A_171 = arith.constant 0 : i32
        %dma_wait3A_172 = tpu.memref_slice %arg15[%mul3A_166, %dma_wait3A_171] : memref<10000x128xf32, #tpu.memory_space<vmem_shared>> -> memref<80x128xf32, #tpu.memory_space<vmem_shared>>
        %dma_wait3A_173 = arith.constant 0 : i32
        %dma_wait3A_174 = tpu.memref_slice %arg15[%mul3A_166, %dma_wait3A_173] : memref<10000x128xf32, #tpu.memory_space<vmem_shared>> -> memref<80x128xf32, #tpu.memory_space<vmem_shared>>
        tpu.wait_dma2 semaphore(%run_scoped3A : memref<!tpu.dma_semaphore, #tpu.memory_space<semaphore_mem>>) src(%arg10 : memref<80x128xf32, #tpu.memory_space<vmem>>) dst(%dma_wait3A_174 : memref<80x128xf32, #tpu.memory_space<vmem_shared>>)
        tpu.yield
      }) : () -> ()
    } else {
    }
    %add3A_33 = arith.constant 64 : i32
    %add3A_34 = arith.addi %arg1, %add3A_33 : i32
    %lt3A_35 = arith.constant 125 : i32
    %lt3A_36 = arith.cmpi slt, %add3A_34, %lt3A_35 : i32
    %convert_element_type3A_37 = arith.extui %lt3A_36 : i1 to i32
    %cond3A_38 = arith.constant 0 : i32
    %cond3A_39 = arith.cmpi ne, %convert_element_type3A_37, %cond3A_38 : i32
    scf.if %cond3A_39 {
      %mul3A_165 = arith.constant 80 : i32
      %mul3A_166 = arith.muli %add3A_34, %mul3A_165 : i32
      "tpu.region"() ({
        %run_scoped3A = tpu.sem_alloc : memref<!tpu.dma_semaphore, #tpu.memory_space<semaphore_mem>>
        %dma_start3A_167 = arith.constant 0 : i32
        %dma_start3A_168 = tpu.memref_slice %arg15[%mul3A_166, %dma_start3A_167] : memref<10000x128xf32, #tpu.memory_space<vmem_shared>> -> memref<80x128xf32, #tpu.memory_space<vmem_shared>>
        %dma_start3A_169 = arith.constant 0 : i32
        %dma_start3A_170 = tpu.memref_slice %arg15[%mul3A_166, %dma_start3A_169] : memref<10000x128xf32, #tpu.memory_space<vmem_shared>> -> memref<80x128xf32, #tpu.memory_space<vmem_shared>>
        tpu.enqueue_dma source(%arg10 : memref<80x128xf32, #tpu.memory_space<vmem>>) target(%dma_start3A_170 : memref<80x128xf32, #tpu.memory_space<vmem_shared>>) target_semaphore(%run_scoped3A : memref<!tpu.dma_semaphore, #tpu.memory_space<semaphore_mem>>)
        %dma_wait3A_171 = arith.constant 0 : i32
        %dma_wait3A_172 = tpu.memref_slice %arg15[%mul3A_166, %dma_wait3A_171] : memref<10000x128xf32, #tpu.memory_space<vmem_shared>> -> memref<80x128xf32, #tpu.memory_space<vmem_shared>>
        %dma_wait3A_173 = arith.constant 0 : i32
        %dma_wait3A_174 = tpu.memref_slice %arg15[%mul3A_166, %dma_wait3A_173] : memref<10000x128xf32, #tpu.memory_space<vmem_shared>> -> memref<80x128xf32, #tpu.memory_space<vmem_shared>>
        tpu.wait_dma2 semaphore(%run_scoped3A : memref<!tpu.dma_semaphore, #tpu.memory_space<semaphore_mem>>) src(%arg10 : memref<80x128xf32, #tpu.memory_space<vmem>>) dst(%dma_wait3A_174 : memref<80x128xf32, #tpu.memory_space<vmem_shared>>)
        tpu.yield
      }) : () -> ()
    } else {
    }
    %add3A_40 = arith.constant 80 : i32
    %add3A_41 = arith.addi %arg1, %add3A_40 : i32
    %lt3A_42 = arith.constant 125 : i32
    %lt3A_43 = arith.cmpi slt, %add3A_41, %lt3A_42 : i32
    %convert_element_type3A_44 = arith.extui %lt3A_43 : i1 to i32
    %cond3A_45 = arith.constant 0 : i32
    %cond3A_46 = arith.cmpi ne, %convert_element_type3A_44, %cond3A_45 : i32
    scf.if %cond3A_46 {
      %mul3A_165 = arith.constant 80 : i32
      %mul3A_166 = arith.muli %add3A_41, %mul3A_165 : i32
      "tpu.region"() ({
        %run_scoped3A = tpu.sem_alloc : memref<!tpu.dma_semaphore, #tpu.memory_space<semaphore_mem>>
        %dma_start3A_167 = arith.constant 0 : i32
        %dma_start3A_168 = tpu.memref_slice %arg15[%mul3A_166, %dma_start3A_167] : memref<10000x128xf32, #tpu.memory_space<vmem_shared>> -> memref<80x128xf32, #tpu.memory_space<vmem_shared>>
        %dma_start3A_169 = arith.constant 0 : i32
        %dma_start3A_170 = tpu.memref_slice %arg15[%mul3A_166, %dma_start3A_169] : memref<10000x128xf32, #tpu.memory_space<vmem_shared>> -> memref<80x128xf32, #tpu.memory_space<vmem_shared>>
        tpu.enqueue_dma source(%arg10 : memref<80x128xf32, #tpu.memory_space<vmem>>) target(%dma_start3A_170 : memref<80x128xf32, #tpu.memory_space<vmem_shared>>) target_semaphore(%run_scoped3A : memref<!tpu.dma_semaphore, #tpu.memory_space<semaphore_mem>>)
        %dma_wait3A_171 = arith.constant 0 : i32
        %dma_wait3A_172 = tpu.memref_slice %arg15[%mul3A_166, %dma_wait3A_171] : memref<10000x128xf32, #tpu.memory_space<vmem_shared>> -> memref<80x128xf32, #tpu.memory_space<vmem_shared>>
        %dma_wait3A_173 = arith.constant 0 : i32
        %dma_wait3A_174 = tpu.memref_slice %arg15[%mul3A_166, %dma_wait3A_173] : memref<10000x128xf32, #tpu.memory_space<vmem_shared>> -> memref<80x128xf32, #tpu.memory_space<vmem_shared>>
        tpu.wait_dma2 semaphore(%run_scoped3A : memref<!tpu.dma_semaphore, #tpu.memory_space<semaphore_mem>>) src(%arg10 : memref<80x128xf32, #tpu.memory_space<vmem>>) dst(%dma_wait3A_174 : memref<80x128xf32, #tpu.memory_space<vmem_shared>>)
        tpu.yield
      }) : () -> ()
    } else {
    }
    %add3A_47 = arith.constant 96 : i32
    %add3A_48 = arith.addi %arg1, %add3A_47 : i32
    %lt3A_49 = arith.constant 125 : i32
    %lt3A_50 = arith.cmpi slt, %add3A_48, %lt3A_49 : i32
    %convert_element_type3A_51 = arith.extui %lt3A_50 : i1 to i32
    %cond3A_52 = arith.constant 0 : i32
    %cond3A_53 = arith.cmpi ne, %convert_element_type3A_51, %cond3A_52 : i32
    scf.if %cond3A_53 {
      %mul3A_165 = arith.constant 80 : i32
      %mul3A_166 = arith.muli %add3A_48, %mul3A_165 : i32
      "tpu.region"() ({
        %run_scoped3A = tpu.sem_alloc : memref<!tpu.dma_semaphore, #tpu.memory_space<semaphore_mem>>
        %dma_start3A_167 = arith.constant 0 : i32
        %dma_start3A_168 = tpu.memref_slice %arg15[%mul3A_166, %dma_start3A_167] : memref<10000x128xf32, #tpu.memory_space<vmem_shared>> -> memref<80x128xf32, #tpu.memory_space<vmem_shared>>
        %dma_start3A_169 = arith.constant 0 : i32
        %dma_start3A_170 = tpu.memref_slice %arg15[%mul3A_166, %dma_start3A_169] : memref<10000x128xf32, #tpu.memory_space<vmem_shared>> -> memref<80x128xf32, #tpu.memory_space<vmem_shared>>
        tpu.enqueue_dma source(%arg10 : memref<80x128xf32, #tpu.memory_space<vmem>>) target(%dma_start3A_170 : memref<80x128xf32, #tpu.memory_space<vmem_shared>>) target_semaphore(%run_scoped3A : memref<!tpu.dma_semaphore, #tpu.memory_space<semaphore_mem>>)
        %dma_wait3A_171 = arith.constant 0 : i32
        %dma_wait3A_172 = tpu.memref_slice %arg15[%mul3A_166, %dma_wait3A_171] : memref<10000x128xf32, #tpu.memory_space<vmem_shared>> -> memref<80x128xf32, #tpu.memory_space<vmem_shared>>
        %dma_wait3A_173 = arith.constant 0 : i32
        %dma_wait3A_174 = tpu.memref_slice %arg15[%mul3A_166, %dma_wait3A_173] : memref<10000x128xf32, #tpu.memory_space<vmem_shared>> -> memref<80x128xf32, #tpu.memory_space<vmem_shared>>
        tpu.wait_dma2 semaphore(%run_scoped3A : memref<!tpu.dma_semaphore, #tpu.memory_space<semaphore_mem>>) src(%arg10 : memref<80x128xf32, #tpu.memory_space<vmem>>) dst(%dma_wait3A_174 : memref<80x128xf32, #tpu.memory_space<vmem_shared>>)
        tpu.yield
      }) : () -> ()
    } else {
    }
    %add3A_54 = arith.constant 112 : i32
    %add3A_55 = arith.addi %arg1, %add3A_54 : i32
    %lt3A_56 = arith.constant 125 : i32
    %lt3A_57 = arith.cmpi slt, %add3A_55, %lt3A_56 : i32
    %convert_element_type3A_58 = arith.extui %lt3A_57 : i1 to i32
    %cond3A_59 = arith.constant 0 : i32
    %cond3A_60 = arith.cmpi ne, %convert_element_type3A_58, %cond3A_59 : i32
    scf.if %cond3A_60 {
      %mul3A_165 = arith.constant 80 : i32
      %mul3A_166 = arith.muli %add3A_55, %mul3A_165 : i32
      "tpu.region"() ({
        %run_scoped3A = tpu.sem_alloc : memref<!tpu.dma_semaphore, #tpu.memory_space<semaphore_mem>>
        %dma_start3A_167 = arith.constant 0 : i32
        %dma_start3A_168 = tpu.memref_slice %arg15[%mul3A_166, %dma_start3A_167] : memref<10000x128xf32, #tpu.memory_space<vmem_shared>> -> memref<80x128xf32, #tpu.memory_space<vmem_shared>>
        %dma_start3A_169 = arith.constant 0 : i32
        %dma_start3A_170 = tpu.memref_slice %arg15[%mul3A_166, %dma_start3A_169] : memref<10000x128xf32, #tpu.memory_space<vmem_shared>> -> memref<80x128xf32, #tpu.memory_space<vmem_shared>>
        tpu.enqueue_dma source(%arg10 : memref<80x128xf32, #tpu.memory_space<vmem>>) target(%dma_start3A_170 : memref<80x128xf32, #tpu.memory_space<vmem_shared>>) target_semaphore(%run_scoped3A : memref<!tpu.dma_semaphore, #tpu.memory_space<semaphore_mem>>)
        %dma_wait3A_171 = arith.constant 0 : i32
        %dma_wait3A_172 = tpu.memref_slice %arg15[%mul3A_166, %dma_wait3A_171] : memref<10000x128xf32, #tpu.memory_space<vmem_shared>> -> memref<80x128xf32, #tpu.memory_space<vmem_shared>>
        %dma_wait3A_173 = arith.constant 0 : i32
        %dma_wait3A_174 = tpu.memref_slice %arg15[%mul3A_166, %dma_wait3A_173] : memref<10000x128xf32, #tpu.memory_space<vmem_shared>> -> memref<80x128xf32, #tpu.memory_space<vmem_shared>>
        tpu.wait_dma2 semaphore(%run_scoped3A : memref<!tpu.dma_semaphore, #tpu.memory_space<semaphore_mem>>) src(%arg10 : memref<80x128xf32, #tpu.memory_space<vmem>>) dst(%dma_wait3A_174 : memref<80x128xf32, #tpu.memory_space<vmem_shared>>)
        tpu.yield
      }) : () -> ()
    } else {
    }
    %barrier3A = arith.constant 0 : index
    tpu.barrier barrier_id(%barrier3A)
    %dma_start3A = tpu.memref_slice %arg3[%mul3A_2] : memref<320000xi32, #tpu.memory_space<hbm>> -> memref<80xi32, #tpu.memory_space<hbm>>
    %dma_start3A_61 = tpu.memref_slice %arg3[%mul3A_2] : memref<320000xi32, #tpu.memory_space<hbm>> -> memref<80xi32, #tpu.memory_space<hbm>>
    tpu.enqueue_dma source(%dma_start3A_61 : memref<80xi32, #tpu.memory_space<hbm>>) target(%arg7 : memref<80xi32, #tpu.memory_space<vmem>>) target_semaphore(%arg16 : memref<!tpu.dma_semaphore, #tpu.memory_space<semaphore_mem>>)
    %dma_start3A_62 = tpu.memref_slice %arg4[%mul3A_2] : memref<320000xi32, #tpu.memory_space<hbm>> -> memref<80xi32, #tpu.memory_space<hbm>>
    %dma_start3A_63 = tpu.memref_slice %arg4[%mul3A_2] : memref<320000xi32, #tpu.memory_space<hbm>> -> memref<80xi32, #tpu.memory_space<hbm>>
    tpu.enqueue_dma source(%dma_start3A_63 : memref<80xi32, #tpu.memory_space<hbm>>) target(%arg8 : memref<80xi32, #tpu.memory_space<vmem>>) target_semaphore(%arg16 : memref<!tpu.dma_semaphore, #tpu.memory_space<semaphore_mem>>)
    %dma_start3A_64 = arith.constant 0 : i32
    %dma_start3A_65 = tpu.memref_slice %arg5[%mul3A_2, %dma_start3A_64] : memref<320000x128xf32, #tpu.memory_space<hbm>> -> memref<80x128xf32, #tpu.memory_space<hbm>>
    %dma_start3A_66 = arith.constant 0 : i32
    %dma_start3A_67 = tpu.memref_slice %arg5[%mul3A_2, %dma_start3A_66] : memref<320000x128xf32, #tpu.memory_space<hbm>> -> memref<80x128xf32, #tpu.memory_space<hbm>>
    tpu.enqueue_dma source(%dma_start3A_67 : memref<80x128xf32, #tpu.memory_space<hbm>>) target(%arg9 : memref<80x128xf32, #tpu.memory_space<vmem>>) target_semaphore(%arg17 : memref<!tpu.dma_semaphore, #tpu.memory_space<semaphore_mem>>)
    %dma_wait3A = arith.constant 0 : i32
    %dma_wait3A_68 = tpu.memref_slice %arg3[%dma_wait3A] : memref<320000xi32, #tpu.memory_space<hbm>> -> memref<80xi32, #tpu.memory_space<hbm>>
    %dma_wait3A_69 = arith.constant 0 : i32
    %dma_wait3A_70 = tpu.memref_slice %arg3[%dma_wait3A_69] : memref<320000xi32, #tpu.memory_space<hbm>> -> memref<80xi32, #tpu.memory_space<hbm>>
    tpu.wait_dma2 semaphore(%arg16 : memref<!tpu.dma_semaphore, #tpu.memory_space<semaphore_mem>>) src(%dma_wait3A_70 : memref<80xi32, #tpu.memory_space<hbm>>) dst(%arg7 : memref<80xi32, #tpu.memory_space<vmem>>)
    %dma_wait3A_71 = arith.constant 0 : i32
    %dma_wait3A_72 = tpu.memref_slice %arg4[%dma_wait3A_71] : memref<320000xi32, #tpu.memory_space<hbm>> -> memref<80xi32, #tpu.memory_space<hbm>>
    %dma_wait3A_73 = arith.constant 0 : i32
    %dma_wait3A_74 = tpu.memref_slice %arg4[%dma_wait3A_73] : memref<320000xi32, #tpu.memory_space<hbm>> -> memref<80xi32, #tpu.memory_space<hbm>>
    tpu.wait_dma2 semaphore(%arg16 : memref<!tpu.dma_semaphore, #tpu.memory_space<semaphore_mem>>) src(%dma_wait3A_74 : memref<80xi32, #tpu.memory_space<hbm>>) dst(%arg8 : memref<80xi32, #tpu.memory_space<vmem>>)
    %dma_start3A_75 = arith.constant 0 : i32
    %dma_start3A_76 = arith.constant 0 : i32
    %dma_start3A_77 = tpu.memref_slice %arg2[%dma_start3A_75, %dma_start3A_76] : memref<10000x128xf32, #tpu.memory_space<hbm>> -> memref<10000x128xf32, #tpu.memory_space<hbm>>
    tpu.enqueue_indirect_dma source(%dma_start3A_77 : memref<10000x128xf32, #tpu.memory_space<hbm>>) target(%arg10 : memref<80x128xf32, #tpu.memory_space<vmem>>) offsets(%arg7 : memref<80xi32, #tpu.memory_space<vmem>>) semaphore(%arg18 : memref<!tpu.dma_semaphore, #tpu.memory_space<semaphore_mem>>)
    %scan3A_78 = arith.constant 0 : i32
    %scan3A_79 = arith.constant 0 : i32
    %scan3A_80 = arith.constant 62 : i32
    %scan3A_81 = arith.addi %scan3A_79, %scan3A_80 : i32
    %scan3A_82 = arith.constant 1 : i32
    scf.for %scan3A_165 = %scan3A_79 to %scan3A_81 step %scan3A_82  : i32 {
      %mul3A_166 = arith.constant 2 : i32
      %mul3A_167 = arith.muli %mul3A_166, %scan3A_165 : i32
      %add3A_168 = arith.constant 0 : i32
      %add3A_169 = arith.addi %mul3A_167, %add3A_168 : i32
      %dma_wait3A_170 = arith.constant 0 : i32
      %dma_wait3A_171 = arith.constant 0 : i32
      %dma_wait3A_172 = tpu.memref_slice %arg2[%dma_wait3A_170, %dma_wait3A_171] : memref<10000x128xf32, #tpu.memory_space<hbm>> -> memref<10000x128xf32, #tpu.memory_space<hbm>>
      tpu.wait_indirect_dma semaphore(%arg18 : memref<!tpu.dma_semaphore, #tpu.memory_space<semaphore_mem>>) src(%dma_wait3A_172 : memref<10000x128xf32, #tpu.memory_space<hbm>>) dst(%arg10 : memref<80x128xf32, #tpu.memory_space<vmem>>)
      %dma_wait3A_173 = arith.constant 0 : i32
      %dma_wait3A_174 = arith.constant 0 : i32
      %dma_wait3A_175 = tpu.memref_slice %arg5[%dma_wait3A_173, %dma_wait3A_174] : memref<320000x128xf32, #tpu.memory_space<hbm>> -> memref<80x128xf32, #tpu.memory_space<hbm>>
      %dma_wait3A_176 = arith.constant 0 : i32
      %dma_wait3A_177 = arith.constant 0 : i32
      %dma_wait3A_178 = tpu.memref_slice %arg5[%dma_wait3A_176, %dma_wait3A_177] : memref<320000x128xf32, #tpu.memory_space<hbm>> -> memref<80x128xf32, #tpu.memory_space<hbm>>
      tpu.wait_dma2 semaphore(%arg17 : memref<!tpu.dma_semaphore, #tpu.memory_space<semaphore_mem>>) src(%dma_wait3A_178 : memref<80x128xf32, #tpu.memory_space<hbm>>) dst(%arg9 : memref<80x128xf32, #tpu.memory_space<vmem>>)
      %gt3A = arith.constant 0 : i32
      %gt3A_179 = arith.cmpi sgt, %scan3A_165, %gt3A : i32
      %convert_element_type3A_180 = arith.extui %gt3A_179 : i1 to i32
      %cond3A_181 = arith.constant 0 : i32
      %cond3A_182 = arith.cmpi ne, %convert_element_type3A_180, %cond3A_181 : i32
      scf.if %cond3A_182 {
        %dma_wait3A_265 = arith.constant 0 : i32
        %dma_wait3A_266 = arith.constant 0 : i32
        %dma_wait3A_267 = tpu.memref_slice %arg15[%dma_wait3A_265, %dma_wait3A_266] : memref<10000x128xf32, #tpu.memory_space<vmem_shared>> -> memref<10000x128xf32, #tpu.memory_space<vmem_shared>>
        tpu.wait_indirect_dma semaphore(%arg23 : memref<!tpu.dma_semaphore, #tpu.memory_space<semaphore_mem>>) src(%arg13 : memref<80x128xf32, #tpu.memory_space<vmem>>) dst(%dma_wait3A_267 : memref<10000x128xf32, #tpu.memory_space<vmem_shared>>)
      } else {
      }
      %add3A_183 = arith.constant 1 : i32
      %add3A_184 = arith.addi %add3A_169, %add3A_183 : i32
      %mul3A_185 = arith.constant 80 : i32
      %mul3A_186 = arith.muli %add3A_184, %mul3A_185 : i32
      %add3A_187 = arith.addi %mul3A_2, %mul3A_186 : i32
      %dma_start3A_188 = tpu.memref_slice %arg3[%add3A_187] : memref<320000xi32, #tpu.memory_space<hbm>> -> memref<80xi32, #tpu.memory_space<hbm>>
      %dma_start3A_189 = tpu.memref_slice %arg3[%add3A_187] : memref<320000xi32, #tpu.memory_space<hbm>> -> memref<80xi32, #tpu.memory_space<hbm>>
      tpu.enqueue_dma source(%dma_start3A_189 : memref<80xi32, #tpu.memory_space<hbm>>) target(%arg11 : memref<80xi32, #tpu.memory_space<vmem>>) target_semaphore(%arg20 : memref<!tpu.dma_semaphore, #tpu.memory_space<semaphore_mem>>)
      %dma_start3A_190 = tpu.memref_slice %arg4[%add3A_187] : memref<320000xi32, #tpu.memory_space<hbm>> -> memref<80xi32, #tpu.memory_space<hbm>>
      %dma_start3A_191 = tpu.memref_slice %arg4[%add3A_187] : memref<320000xi32, #tpu.memory_space<hbm>> -> memref<80xi32, #tpu.memory_space<hbm>>
      tpu.enqueue_dma source(%dma_start3A_191 : memref<80xi32, #tpu.memory_space<hbm>>) target(%arg12 : memref<80xi32, #tpu.memory_space<vmem>>) target_semaphore(%arg20 : memref<!tpu.dma_semaphore, #tpu.memory_space<semaphore_mem>>)
      %dma_start3A_192 = arith.constant 0 : i32
      %dma_start3A_193 = tpu.memref_slice %arg5[%add3A_187, %dma_start3A_192] : memref<320000x128xf32, #tpu.memory_space<hbm>> -> memref<80x128xf32, #tpu.memory_space<hbm>>
      %dma_start3A_194 = arith.constant 0 : i32
      %dma_start3A_195 = tpu.memref_slice %arg5[%add3A_187, %dma_start3A_194] : memref<320000x128xf32, #tpu.memory_space<hbm>> -> memref<80x128xf32, #tpu.memory_space<hbm>>
      tpu.enqueue_dma source(%dma_start3A_195 : memref<80x128xf32, #tpu.memory_space<hbm>>) target(%arg13 : memref<80x128xf32, #tpu.memory_space<vmem>>) target_semaphore(%arg21 : memref<!tpu.dma_semaphore, #tpu.memory_space<semaphore_mem>>)
      %dma_wait3A_196 = arith.constant 0 : i32
      %dma_wait3A_197 = tpu.memref_slice %arg3[%dma_wait3A_196] : memref<320000xi32, #tpu.memory_space<hbm>> -> memref<80xi32, #tpu.memory_space<hbm>>
      %dma_wait3A_198 = arith.constant 0 : i32
      %dma_wait3A_199 = tpu.memref_slice %arg3[%dma_wait3A_198] : memref<320000xi32, #tpu.memory_space<hbm>> -> memref<80xi32, #tpu.memory_space<hbm>>
      tpu.wait_dma2 semaphore(%arg20 : memref<!tpu.dma_semaphore, #tpu.memory_space<semaphore_mem>>) src(%dma_wait3A_199 : memref<80xi32, #tpu.memory_space<hbm>>) dst(%arg11 : memref<80xi32, #tpu.memory_space<vmem>>)
      %dma_wait3A_200 = arith.constant 0 : i32
      %dma_wait3A_201 = tpu.memref_slice %arg4[%dma_wait3A_200] : memref<320000xi32, #tpu.memory_space<hbm>> -> memref<80xi32, #tpu.memory_space<hbm>>
      %dma_wait3A_202 = arith.constant 0 : i32
      %dma_wait3A_203 = tpu.memref_slice %arg4[%dma_wait3A_202] : memref<320000xi32, #tpu.memory_space<hbm>> -> memref<80xi32, #tpu.memory_space<hbm>>
      tpu.wait_dma2 semaphore(%arg20 : memref<!tpu.dma_semaphore, #tpu.memory_space<semaphore_mem>>) src(%dma_wait3A_203 : memref<80xi32, #tpu.memory_space<hbm>>) dst(%arg12 : memref<80xi32, #tpu.memory_space<vmem>>)
      %dma_start3A_204 = arith.constant 0 : i32
      %dma_start3A_205 = arith.constant 0 : i32
      %dma_start3A_206 = tpu.memref_slice %arg2[%dma_start3A_204, %dma_start3A_205] : memref<10000x128xf32, #tpu.memory_space<hbm>> -> memref<10000x128xf32, #tpu.memory_space<hbm>>
      tpu.enqueue_indirect_dma source(%dma_start3A_206 : memref<10000x128xf32, #tpu.memory_space<hbm>>) target(%arg14 : memref<80x128xf32, #tpu.memory_space<vmem>>) offsets(%arg11 : memref<80xi32, #tpu.memory_space<vmem>>) semaphore(%arg22 : memref<!tpu.dma_semaphore, #tpu.memory_space<semaphore_mem>>)
      %scan3A_207 = arith.constant 0 : i32
      %scan3A_208 = arith.constant 0 : i32
      %scan3A_209 = arith.constant 80 : i32
      %scan3A_210 = arith.addi %scan3A_208, %scan3A_209 : i32
      %scan3A_211 = arith.constant 2 : i32
      scf.for %scan3A_265 = %scan3A_208 to %scan3A_210 step %scan3A_211  : i32 {
        %get3A = arith.index_cast %scan3A_265 : i32 to index
        %get3A_266 = arith.constant 0 : index
        %get3A_267 = tpu.vector_load %arg10[%get3A, %get3A_266] {strides = array<i32>} : memref<80x128xf32, #tpu.memory_space<vmem>>, vector<1x16xf32>,
        %get3A_268 = vector.shape_cast %get3A_267 : vector<1x16xf32> to vector<16xf32>
        %get3A_269 = arith.index_cast %scan3A_265 : i32 to index
        %get3A_270 = arith.constant 0 : index
        %get3A_271 = tpu.vector_load %arg9[%get3A_269, %get3A_270] {strides = array<i32>} : memref<80x128xf32, #tpu.memory_space<vmem>>, vector<1x16xf32>,
        %get3A_272 = vector.shape_cast %get3A_271 : vector<1x16xf32> to vector<16xf32>
        %add3A_273 = arith.addf %get3A_268, %get3A_272 : vector<16xf32>
        %max3A = arith.constant 0.000000e+00 : f32
        %max3A_274 = vector.broadcast %max3A : f32 to vector<16xf32>
        %max3A_275 = arith.maximumf %add3A_273, %max3A_274 : vector<16xf32>
        %swap3A = arith.index_cast %scan3A_265 : i32 to index
        %swap3A_276 = arith.constant 0 : index
        %swap3A_277 = tpu.vector_load %arg9[%swap3A, %swap3A_276] {strides = array<i32>} : memref<80x128xf32, #tpu.memory_space<vmem>>, vector<1x16xf32>,
        %swap3A_278 = vector.shape_cast %swap3A_277 : vector<1x16xf32> to vector<16xf32>
        %swap3A_279 = vector.shape_cast %max3A_275 : vector<16xf32> to vector<1x16xf32>
        tpu.vector_store %arg9[%swap3A, %swap3A_276], %swap3A_279 {strides = array<i32>} : memref<80x128xf32, #tpu.memory_space<vmem>>, vector<1x16xf32>,
        %get3A_280 = arith.index_cast %scan3A_265 : i32 to index
        %get3A_281 = arith.constant 16 : index
        %get3A_282 = tpu.vector_load %arg10[%get3A_280, %get3A_281] {strides = array<i32>} : memref<80x128xf32, #tpu.memory_space<vmem>>, vector<1x16xf32>,
        %get3A_283 = vector.shape_cast %get3A_282 : vector<1x16xf32> to vector<16xf32>
        %get3A_284 = arith.index_cast %scan3A_265 : i32 to index
        %get3A_285 = arith.constant 16 : index
        %get3A_286 = tpu.vector_load %arg9[%get3A_284, %get3A_285] {strides = array<i32>} : memref<80x128xf32, #tpu.memory_space<vmem>>, vector<1x16xf32>,
        %get3A_287 = vector.shape_cast %get3A_286 : vector<1x16xf32> to vector<16xf32>
        %add3A_288 = arith.addf %get3A_283, %get3A_287 : vector<16xf32>
        %max3A_289 = arith.constant 0.000000e+00 : f32
        %max3A_290 = vector.broadcast %max3A_289 : f32 to vector<16xf32>
        %max3A_291 = arith.maximumf %add3A_288, %max3A_290 : vector<16xf32>
        %swap3A_292 = arith.index_cast %scan3A_265 : i32 to index
        %swap3A_293 = arith.constant 16 : index
        %swap3A_294 = tpu.vector_load %arg9[%swap3A_292, %swap3A_293] {strides = array<i32>} : memref<80x128xf32, #tpu.memory_space<vmem>>, vector<1x16xf32>,
        %swap3A_295 = vector.shape_cast %swap3A_294 : vector<1x16xf32> to vector<16xf32>
        %swap3A_296 = vector.shape_cast %max3A_291 : vector<16xf32> to vector<1x16xf32>
        tpu.vector_store %arg9[%swap3A_292, %swap3A_293], %swap3A_296 {strides = array<i32>} : memref<80x128xf32, #tpu.memory_space<vmem>>, vector<1x16xf32>,
        %get3A_297 = arith.index_cast %scan3A_265 : i32 to index
        %get3A_298 = arith.constant 32 : index
        %get3A_299 = tpu.vector_load %arg10[%get3A_297, %get3A_298] {strides = array<i32>} : memref<80x128xf32, #tpu.memory_space<vmem>>, vector<1x16xf32>,
        %get3A_300 = vector.shape_cast %get3A_299 : vector<1x16xf32> to vector<16xf32>
        %get3A_301 = arith.index_cast %scan3A_265 : i32 to index
        %get3A_302 = arith.constant 32 : index
        %get3A_303 = tpu.vector_load %arg9[%get3A_301, %get3A_302] {strides = array<i32>} : memref<80x128xf32, #tpu.memory_space<vmem>>, vector<1x16xf32>,
        %get3A_304 = vector.shape_cast %get3A_303 : vector<1x16xf32> to vector<16xf32>
        %add3A_305 = arith.addf %get3A_300, %get3A_304 : vector<16xf32>
        %max3A_306 = arith.constant 0.000000e+00 : f32
        %max3A_307 = vector.broadcast %max3A_306 : f32 to vector<16xf32>
        %max3A_308 = arith.maximumf %add3A_305, %max3A_307 : vector<16xf32>
        %swap3A_309 = arith.index_cast %scan3A_265 : i32 to index
        %swap3A_310 = arith.constant 32 : index
        %swap3A_311 = tpu.vector_load %arg9[%swap3A_309, %swap3A_310] {strides = array<i32>} : memref<80x128xf32, #tpu.memory_space<vmem>>, vector<1x16xf32>,
        %swap3A_312 = vector.shape_cast %swap3A_311 : vector<1x16xf32> to vector<16xf32>
        %swap3A_313 = vector.shape_cast %max3A_308 : vector<16xf32> to vector<1x16xf32>
        tpu.vector_store %arg9[%swap3A_309, %swap3A_310], %swap3A_313 {strides = array<i32>} : memref<80x128xf32, #tpu.memory_space<vmem>>, vector<1x16xf32>,
        %get3A_314 = arith.index_cast %scan3A_265 : i32 to index
        %get3A_315 = arith.constant 48 : index
        %get3A_316 = tpu.vector_load %arg10[%get3A_314, %get3A_315] {strides = array<i32>} : memref<80x128xf32, #tpu.memory_space<vmem>>, vector<1x16xf32>,
        %get3A_317 = vector.shape_cast %get3A_316 : vector<1x16xf32> to vector<16xf32>
        %get3A_318 = arith.index_cast %scan3A_265 : i32 to index
        %get3A_319 = arith.constant 48 : index
        %get3A_320 = tpu.vector_load %arg9[%get3A_318, %get3A_319] {strides = array<i32>} : memref<80x128xf32, #tpu.memory_space<vmem>>, vector<1x16xf32>,
        %get3A_321 = vector.shape_cast %get3A_320 : vector<1x16xf32> to vector<16xf32>
        %add3A_322 = arith.addf %get3A_317, %get3A_321 : vector<16xf32>
        %max3A_323 = arith.constant 0.000000e+00 : f32
        %max3A_324 = vector.broadcast %max3A_323 : f32 to vector<16xf32>
        %max3A_325 = arith.maximumf %add3A_322, %max3A_324 : vector<16xf32>
        %swap3A_326 = arith.index_cast %scan3A_265 : i32 to index
        %swap3A_327 = arith.constant 48 : index
        %swap3A_328 = tpu.vector_load %arg9[%swap3A_326, %swap3A_327] {strides = array<i32>} : memref<80x128xf32, #tpu.memory_space<vmem>>, vector<1x16xf32>,
        %swap3A_329 = vector.shape_cast %swap3A_328 : vector<1x16xf32> to vector<16xf32>
        %swap3A_330 = vector.shape_cast %max3A_325 : vector<16xf32> to vector<1x16xf32>
        tpu.vector_store %arg9[%swap3A_326, %swap3A_327], %swap3A_330 {strides = array<i32>} : memref<80x128xf32, #tpu.memory_space<vmem>>, vector<1x16xf32>,
        %get3A_331 = arith.index_cast %scan3A_265 : i32 to index
        %get3A_332 = arith.constant 64 : index
        %get3A_333 = tpu.vector_load %arg10[%get3A_331, %get3A_332] {strides = array<i32>} : memref<80x128xf32, #tpu.memory_space<vmem>>, vector<1x16xf32>,
        %get3A_334 = vector.shape_cast %get3A_333 : vector<1x16xf32> to vector<16xf32>
        %get3A_335 = arith.index_cast %scan3A_265 : i32 to index
        %get3A_336 = arith.constant 64 : index
        %get3A_337 = tpu.vector_load %arg9[%get3A_335, %get3A_336] {strides = array<i32>} : memref<80x128xf32, #tpu.memory_space<vmem>>, vector<1x16xf32>,
        %get3A_338 = vector.shape_cast %get3A_337 : vector<1x16xf32> to vector<16xf32>
        %add3A_339 = arith.addf %get3A_334, %get3A_338 : vector<16xf32>
        %max3A_340 = arith.constant 0.000000e+00 : f32
        %max3A_341 = vector.broadcast %max3A_340 : f32 to vector<16xf32>
        %max3A_342 = arith.maximumf %add3A_339, %max3A_341 : vector<16xf32>
        %swap3A_343 = arith.index_cast %scan3A_265 : i32 to index
        %swap3A_344 = arith.constant 64 : index
        %swap3A_345 = tpu.vector_load %arg9[%swap3A_343, %swap3A_344] {strides = array<i32>} : memref<80x128xf32, #tpu.memory_space<vmem>>, vector<1x16xf32>,
        %swap3A_346 = vector.shape_cast %swap3A_345 : vector<1x16xf32> to vector<16xf32>
        %swap3A_347 = vector.shape_cast %max3A_342 : vector<16xf32> to vector<1x16xf32>
        tpu.vector_store %arg9[%swap3A_343, %swap3A_344], %swap3A_347 {strides = array<i32>} : memref<80x128xf32, #tpu.memory_space<vmem>>, vector<1x16xf32>,
        %get3A_348 = arith.index_cast %scan3A_265 : i32 to index
        %get3A_349 = arith.constant 80 : index
        %get3A_350 = tpu.vector_load %arg10[%get3A_348, %get3A_349] {strides = array<i32>} : memref<80x128xf32, #tpu.memory_space<vmem>>, vector<1x16xf32>,
        %get3A_351 = vector.shape_cast %get3A_350 : vector<1x16xf32> to vector<16xf32>
        %get3A_352 = arith.index_cast %scan3A_265 : i32 to index
        %get3A_353 = arith.constant 80 : index
        %get3A_354 = tpu.vector_load %arg9[%get3A_352, %get3A_353] {strides = array<i32>} : memref<80x128xf32, #tpu.memory_space<vmem>>, vector<1x16xf32>,
        %get3A_355 = vector.shape_cast %get3A_354 : vector<1x16xf32> to vector<16xf32>
        %add3A_356 = arith.addf %get3A_351, %get3A_355 : vector<16xf32>
        %max3A_357 = arith.constant 0.000000e+00 : f32
        %max3A_358 = vector.broadcast %max3A_357 : f32 to vector<16xf32>
        %max3A_359 = arith.maximumf %add3A_356, %max3A_358 : vector<16xf32>
        %swap3A_360 = arith.index_cast %scan3A_265 : i32 to index
        %swap3A_361 = arith.constant 80 : index
        %swap3A_362 = tpu.vector_load %arg9[%swap3A_360, %swap3A_361] {strides = array<i32>} : memref<80x128xf32, #tpu.memory_space<vmem>>, vector<1x16xf32>,
        %swap3A_363 = vector.shape_cast %swap3A_362 : vector<1x16xf32> to vector<16xf32>
        %swap3A_364 = vector.shape_cast %max3A_359 : vector<16xf32> to vector<1x16xf32>
        tpu.vector_store %arg9[%swap3A_360, %swap3A_361], %swap3A_364 {strides = array<i32>} : memref<80x128xf32, #tpu.memory_space<vmem>>, vector<1x16xf32>,
        %get3A_365 = arith.index_cast %scan3A_265 : i32 to index
        %get3A_366 = arith.constant 96 : index
        %get3A_367 = tpu.vector_load %arg10[%get3A_365, %get3A_366] {strides = array<i32>} : memref<80x128xf32, #tpu.memory_space<vmem>>, vector<1x16xf32>,
        %get3A_368 = vector.shape_cast %get3A_367 : vector<1x16xf32> to vector<16xf32>
        %get3A_369 = arith.index_cast %scan3A_265 : i32 to index
        %get3A_370 = arith.constant 96 : index
        %get3A_371 = tpu.vector_load %arg9[%get3A_369, %get3A_370] {strides = array<i32>} : memref<80x128xf32, #tpu.memory_space<vmem>>, vector<1x16xf32>,
        %get3A_372 = vector.shape_cast %get3A_371 : vector<1x16xf32> to vector<16xf32>
        %add3A_373 = arith.addf %get3A_368, %get3A_372 : vector<16xf32>
        %max3A_374 = arith.constant 0.000000e+00 : f32
        %max3A_375 = vector.broadcast %max3A_374 : f32 to vector<16xf32>
        %max3A_376 = arith.maximumf %add3A_373, %max3A_375 : vector<16xf32>
        %swap3A_377 = arith.index_cast %scan3A_265 : i32 to index
        %swap3A_378 = arith.constant 96 : index
        %swap3A_379 = tpu.vector_load %arg9[%swap3A_377, %swap3A_378] {strides = array<i32>} : memref<80x128xf32, #tpu.memory_space<vmem>>, vector<1x16xf32>,
        %swap3A_380 = vector.shape_cast %swap3A_379 : vector<1x16xf32> to vector<16xf32>
        %swap3A_381 = vector.shape_cast %max3A_376 : vector<16xf32> to vector<1x16xf32>
        tpu.vector_store %arg9[%swap3A_377, %swap3A_378], %swap3A_381 {strides = array<i32>} : memref<80x128xf32, #tpu.memory_space<vmem>>, vector<1x16xf32>,
        %get3A_382 = arith.index_cast %scan3A_265 : i32 to index
        %get3A_383 = arith.constant 112 : index
        %get3A_384 = tpu.vector_load %arg10[%get3A_382, %get3A_383] {strides = array<i32>} : memref<80x128xf32, #tpu.memory_space<vmem>>, vector<1x16xf32>,
        %get3A_385 = vector.shape_cast %get3A_384 : vector<1x16xf32> to vector<16xf32>
        %get3A_386 = arith.index_cast %scan3A_265 : i32 to index
        %get3A_387 = arith.constant 112 : index
        %get3A_388 = tpu.vector_load %arg9[%get3A_386, %get3A_387] {strides = array<i32>} : memref<80x128xf32, #tpu.memory_space<vmem>>, vector<1x16xf32>,
        %get3A_389 = vector.shape_cast %get3A_388 : vector<1x16xf32> to vector<16xf32>
        %add3A_390 = arith.addf %get3A_385, %get3A_389 : vector<16xf32>
        %max3A_391 = arith.constant 0.000000e+00 : f32
        %max3A_392 = vector.broadcast %max3A_391 : f32 to vector<16xf32>
        %max3A_393 = arith.maximumf %add3A_390, %max3A_392 : vector<16xf32>
        %swap3A_394 = arith.index_cast %scan3A_265 : i32 to index
        %swap3A_395 = arith.constant 112 : index
        %swap3A_396 = tpu.vector_load %arg9[%swap3A_394, %swap3A_395] {strides = array<i32>} : memref<80x128xf32, #tpu.memory_space<vmem>>, vector<1x16xf32>,
        %swap3A_397 = vector.shape_cast %swap3A_396 : vector<1x16xf32> to vector<16xf32>
        %swap3A_398 = vector.shape_cast %max3A_393 : vector<16xf32> to vector<1x16xf32>
        tpu.vector_store %arg9[%swap3A_394, %swap3A_395], %swap3A_398 {strides = array<i32>} : memref<80x128xf32, #tpu.memory_space<vmem>>, vector<1x16xf32>,
        %scan3A_399 = arith.constant 1 : i32
        %scan3A_400 = arith.addi %scan3A_265, %scan3A_399 : i32
        %get3A_401 = arith.index_cast %scan3A_400 : i32 to index
        %get3A_402 = arith.constant 0 : index
        %get3A_403 = tpu.vector_load %arg10[%get3A_401, %get3A_402] {strides = array<i32>} : memref<80x128xf32, #tpu.memory_space<vmem>>, vector<1x16xf32>,
        %get3A_404 = vector.shape_cast %get3A_403 : vector<1x16xf32> to vector<16xf32>
        %get3A_405 = arith.index_cast %scan3A_400 : i32 to index
        %get3A_406 = arith.constant 0 : index
        %get3A_407 = tpu.vector_load %arg9[%get3A_405, %get3A_406] {strides = array<i32>} : memref<80x128xf32, #tpu.memory_space<vmem>>, vector<1x16xf32>,
        %get3A_408 = vector.shape_cast %get3A_407 : vector<1x16xf32> to vector<16xf32>
        %add3A_409 = arith.addf %get3A_404, %get3A_408 : vector<16xf32>
        %max3A_410 = arith.constant 0.000000e+00 : f32
        %max3A_411 = vector.broadcast %max3A_410 : f32 to vector<16xf32>
        %max3A_412 = arith.maximumf %add3A_409, %max3A_411 : vector<16xf32>
        %swap3A_413 = arith.index_cast %scan3A_400 : i32 to index
        %swap3A_414 = arith.constant 0 : index
        %swap3A_415 = tpu.vector_load %arg9[%swap3A_413, %swap3A_414] {strides = array<i32>} : memref<80x128xf32, #tpu.memory_space<vmem>>, vector<1x16xf32>,
        %swap3A_416 = vector.shape_cast %swap3A_415 : vector<1x16xf32> to vector<16xf32>
        %swap3A_417 = vector.shape_cast %max3A_412 : vector<16xf32> to vector<1x16xf32>
        tpu.vector_store %arg9[%swap3A_413, %swap3A_414], %swap3A_417 {strides = array<i32>} : memref<80x128xf32, #tpu.memory_space<vmem>>, vector<1x16xf32>,
        %get3A_418 = arith.index_cast %scan3A_400 : i32 to index
        %get3A_419 = arith.constant 16 : index
        %get3A_420 = tpu.vector_load %arg10[%get3A_418, %get3A_419] {strides = array<i32>} : memref<80x128xf32, #tpu.memory_space<vmem>>, vector<1x16xf32>,
        %get3A_421 = vector.shape_cast %get3A_420 : vector<1x16xf32> to vector<16xf32>
        %get3A_422 = arith.index_cast %scan3A_400 : i32 to index
        %get3A_423 = arith.constant 16 : index
        %get3A_424 = tpu.vector_load %arg9[%get3A_422, %get3A_423] {strides = array<i32>} : memref<80x128xf32, #tpu.memory_space<vmem>>, vector<1x16xf32>,
        %get3A_425 = vector.shape_cast %get3A_424 : vector<1x16xf32> to vector<16xf32>
        %add3A_426 = arith.addf %get3A_421, %get3A_425 : vector<16xf32>
        %max3A_427 = arith.constant 0.000000e+00 : f32
        %max3A_428 = vector.broadcast %max3A_427 : f32 to vector<16xf32>
        %max3A_429 = arith.maximumf %add3A_426, %max3A_428 : vector<16xf32>
        %swap3A_430 = arith.index_cast %scan3A_400 : i32 to index
        %swap3A_431 = arith.constant 16 : index
        %swap3A_432 = tpu.vector_load %arg9[%swap3A_430, %swap3A_431] {strides = array<i32>} : memref<80x128xf32, #tpu.memory_space<vmem>>, vector<1x16xf32>,
        %swap3A_433 = vector.shape_cast %swap3A_432 : vector<1x16xf32> to vector<16xf32>
        %swap3A_434 = vector.shape_cast %max3A_429 : vector<16xf32> to vector<1x16xf32>
        tpu.vector_store %arg9[%swap3A_430, %swap3A_431], %swap3A_434 {strides = array<i32>} : memref<80x128xf32, #tpu.memory_space<vmem>>, vector<1x16xf32>,
        %get3A_435 = arith.index_cast %scan3A_400 : i32 to index
        %get3A_436 = arith.constant 32 : index
        %get3A_437 = tpu.vector_load %arg10[%get3A_435, %get3A_436] {strides = array<i32>} : memref<80x128xf32, #tpu.memory_space<vmem>>, vector<1x16xf32>,
        %get3A_438 = vector.shape_cast %get3A_437 : vector<1x16xf32> to vector<16xf32>
        %get3A_439 = arith.index_cast %scan3A_400 : i32 to index
        %get3A_440 = arith.constant 32 : index
        %get3A_441 = tpu.vector_load %arg9[%get3A_439, %get3A_440] {strides = array<i32>} : memref<80x128xf32, #tpu.memory_space<vmem>>, vector<1x16xf32>,
        %get3A_442 = vector.shape_cast %get3A_441 : vector<1x16xf32> to vector<16xf32>
        %add3A_443 = arith.addf %get3A_438, %get3A_442 : vector<16xf32>
        %max3A_444 = arith.constant 0.000000e+00 : f32
        %max3A_445 = vector.broadcast %max3A_444 : f32 to vector<16xf32>
        %max3A_446 = arith.maximumf %add3A_443, %max3A_445 : vector<16xf32>
        %swap3A_447 = arith.index_cast %scan3A_400 : i32 to index
        %swap3A_448 = arith.constant 32 : index
        %swap3A_449 = tpu.vector_load %arg9[%swap3A_447, %swap3A_448] {strides = array<i32>} : memref<80x128xf32, #tpu.memory_space<vmem>>, vector<1x16xf32>,
        %swap3A_450 = vector.shape_cast %swap3A_449 : vector<1x16xf32> to vector<16xf32>
        %swap3A_451 = vector.shape_cast %max3A_446 : vector<16xf32> to vector<1x16xf32>
        tpu.vector_store %arg9[%swap3A_447, %swap3A_448], %swap3A_451 {strides = array<i32>} : memref<80x128xf32, #tpu.memory_space<vmem>>, vector<1x16xf32>,
        %get3A_452 = arith.index_cast %scan3A_400 : i32 to index
        %get3A_453 = arith.constant 48 : index
        %get3A_454 = tpu.vector_load %arg10[%get3A_452, %get3A_453] {strides = array<i32>} : memref<80x128xf32, #tpu.memory_space<vmem>>, vector<1x16xf32>,
        %get3A_455 = vector.shape_cast %get3A_454 : vector<1x16xf32> to vector<16xf32>
        %get3A_456 = arith.index_cast %scan3A_400 : i32 to index
        %get3A_457 = arith.constant 48 : index
        %get3A_458 = tpu.vector_load %arg9[%get3A_456, %get3A_457] {strides = array<i32>} : memref<80x128xf32, #tpu.memory_space<vmem>>, vector<1x16xf32>,
        %get3A_459 = vector.shape_cast %get3A_458 : vector<1x16xf32> to vector<16xf32>
        %add3A_460 = arith.addf %get3A_455, %get3A_459 : vector<16xf32>
        %max3A_461 = arith.constant 0.000000e+00 : f32
        %max3A_462 = vector.broadcast %max3A_461 : f32 to vector<16xf32>
        %max3A_463 = arith.maximumf %add3A_460, %max3A_462 : vector<16xf32>
        %swap3A_464 = arith.index_cast %scan3A_400 : i32 to index
        %swap3A_465 = arith.constant 48 : index
        %swap3A_466 = tpu.vector_load %arg9[%swap3A_464, %swap3A_465] {strides = array<i32>} : memref<80x128xf32, #tpu.memory_space<vmem>>, vector<1x16xf32>,
        %swap3A_467 = vector.shape_cast %swap3A_466 : vector<1x16xf32> to vector<16xf32>
        %swap3A_468 = vector.shape_cast %max3A_463 : vector<16xf32> to vector<1x16xf32>
        tpu.vector_store %arg9[%swap3A_464, %swap3A_465], %swap3A_468 {strides = array<i32>} : memref<80x128xf32, #tpu.memory_space<vmem>>, vector<1x16xf32>,
        %get3A_469 = arith.index_cast %scan3A_400 : i32 to index
        %get3A_470 = arith.constant 64 : index
        %get3A_471 = tpu.vector_load %arg10[%get3A_469, %get3A_470] {strides = array<i32>} : memref<80x128xf32, #tpu.memory_space<vmem>>, vector<1x16xf32>,
        %get3A_472 = vector.shape_cast %get3A_471 : vector<1x16xf32> to vector<16xf32>
        %get3A_473 = arith.index_cast %scan3A_400 : i32 to index
        %get3A_474 = arith.constant 64 : index
        %get3A_475 = tpu.vector_load %arg9[%get3A_473, %get3A_474] {strides = array<i32>} : memref<80x128xf32, #tpu.memory_space<vmem>>, vector<1x16xf32>,
        %get3A_476 = vector.shape_cast %get3A_475 : vector<1x16xf32> to vector<16xf32>
        %add3A_477 = arith.addf %get3A_472, %get3A_476 : vector<16xf32>
        %max3A_478 = arith.constant 0.000000e+00 : f32
        %max3A_479 = vector.broadcast %max3A_478 : f32 to vector<16xf32>
        %max3A_480 = arith.maximumf %add3A_477, %max3A_479 : vector<16xf32>
        %swap3A_481 = arith.index_cast %scan3A_400 : i32 to index
        %swap3A_482 = arith.constant 64 : index
        %swap3A_483 = tpu.vector_load %arg9[%swap3A_481, %swap3A_482] {strides = array<i32>} : memref<80x128xf32, #tpu.memory_space<vmem>>, vector<1x16xf32>,
        %swap3A_484 = vector.shape_cast %swap3A_483 : vector<1x16xf32> to vector<16xf32>
        %swap3A_485 = vector.shape_cast %max3A_480 : vector<16xf32> to vector<1x16xf32>
        tpu.vector_store %arg9[%swap3A_481, %swap3A_482], %swap3A_485 {strides = array<i32>} : memref<80x128xf32, #tpu.memory_space<vmem>>, vector<1x16xf32>,
        %get3A_486 = arith.index_cast %scan3A_400 : i32 to index
        %get3A_487 = arith.constant 80 : index
        %get3A_488 = tpu.vector_load %arg10[%get3A_486, %get3A_487] {strides = array<i32>} : memref<80x128xf32, #tpu.memory_space<vmem>>, vector<1x16xf32>,
        %get3A_489 = vector.shape_cast %get3A_488 : vector<1x16xf32> to vector<16xf32>
        %get3A_490 = arith.index_cast %scan3A_400 : i32 to index
        %get3A_491 = arith.constant 80 : index
        %get3A_492 = tpu.vector_load %arg9[%get3A_490, %get3A_491] {strides = array<i32>} : memref<80x128xf32, #tpu.memory_space<vmem>>, vector<1x16xf32>,
        %get3A_493 = vector.shape_cast %get3A_492 : vector<1x16xf32> to vector<16xf32>
        %add3A_494 = arith.addf %get3A_489, %get3A_493 : vector<16xf32>
        %max3A_495 = arith.constant 0.000000e+00 : f32
        %max3A_496 = vector.broadcast %max3A_495 : f32 to vector<16xf32>
        %max3A_497 = arith.maximumf %add3A_494, %max3A_496 : vector<16xf32>
        %swap3A_498 = arith.index_cast %scan3A_400 : i32 to index
        %swap3A_499 = arith.constant 80 : index
        %swap3A_500 = tpu.vector_load %arg9[%swap3A_498, %swap3A_499] {strides = array<i32>} : memref<80x128xf32, #tpu.memory_space<vmem>>, vector<1x16xf32>,
        %swap3A_501 = vector.shape_cast %swap3A_500 : vector<1x16xf32> to vector<16xf32>
        %swap3A_502 = vector.shape_cast %max3A_497 : vector<16xf32> to vector<1x16xf32>
        tpu.vector_store %arg9[%swap3A_498, %swap3A_499], %swap3A_502 {strides = array<i32>} : memref<80x128xf32, #tpu.memory_space<vmem>>, vector<1x16xf32>,
        %get3A_503 = arith.index_cast %scan3A_400 : i32 to index
        %get3A_504 = arith.constant 96 : index
        %get3A_505 = tpu.vector_load %arg10[%get3A_503, %get3A_504] {strides = array<i32>} : memref<80x128xf32, #tpu.memory_space<vmem>>, vector<1x16xf32>,
        %get3A_506 = vector.shape_cast %get3A_505 : vector<1x16xf32> to vector<16xf32>
        %get3A_507 = arith.index_cast %scan3A_400 : i32 to index
        %get3A_508 = arith.constant 96 : index
        %get3A_509 = tpu.vector_load %arg9[%get3A_507, %get3A_508] {strides = array<i32>} : memref<80x128xf32, #tpu.memory_space<vmem>>, vector<1x16xf32>,
        %get3A_510 = vector.shape_cast %get3A_509 : vector<1x16xf32> to vector<16xf32>
        %add3A_511 = arith.addf %get3A_506, %get3A_510 : vector<16xf32>
        %max3A_512 = arith.constant 0.000000e+00 : f32
        %max3A_513 = vector.broadcast %max3A_512 : f32 to vector<16xf32>
        %max3A_514 = arith.maximumf %add3A_511, %max3A_513 : vector<16xf32>
        %swap3A_515 = arith.index_cast %scan3A_400 : i32 to index
        %swap3A_516 = arith.constant 96 : index
        %swap3A_517 = tpu.vector_load %arg9[%swap3A_515, %swap3A_516] {strides = array<i32>} : memref<80x128xf32, #tpu.memory_space<vmem>>, vector<1x16xf32>,
        %swap3A_518 = vector.shape_cast %swap3A_517 : vector<1x16xf32> to vector<16xf32>
        %swap3A_519 = vector.shape_cast %max3A_514 : vector<16xf32> to vector<1x16xf32>
        tpu.vector_store %arg9[%swap3A_515, %swap3A_516], %swap3A_519 {strides = array<i32>} : memref<80x128xf32, #tpu.memory_space<vmem>>, vector<1x16xf32>,
        %get3A_520 = arith.index_cast %scan3A_400 : i32 to index
        %get3A_521 = arith.constant 112 : index
        %get3A_522 = tpu.vector_load %arg10[%get3A_520, %get3A_521] {strides = array<i32>} : memref<80x128xf32, #tpu.memory_space<vmem>>, vector<1x16xf32>,
        %get3A_523 = vector.shape_cast %get3A_522 : vector<1x16xf32> to vector<16xf32>
        %get3A_524 = arith.index_cast %scan3A_400 : i32 to index
        %get3A_525 = arith.constant 112 : index
        %get3A_526 = tpu.vector_load %arg9[%get3A_524, %get3A_525] {strides = array<i32>} : memref<80x128xf32, #tpu.memory_space<vmem>>, vector<1x16xf32>,
        %get3A_527 = vector.shape_cast %get3A_526 : vector<1x16xf32> to vector<16xf32>
        %add3A_528 = arith.addf %get3A_523, %get3A_527 : vector<16xf32>
        %max3A_529 = arith.constant 0.000000e+00 : f32
        %max3A_530 = vector.broadcast %max3A_529 : f32 to vector<16xf32>
        %max3A_531 = arith.maximumf %add3A_528, %max3A_530 : vector<16xf32>
        %swap3A_532 = arith.index_cast %scan3A_400 : i32 to index
        %swap3A_533 = arith.constant 112 : index
        %swap3A_534 = tpu.vector_load %arg9[%swap3A_532, %swap3A_533] {strides = array<i32>} : memref<80x128xf32, #tpu.memory_space<vmem>>, vector<1x16xf32>,
        %swap3A_535 = vector.shape_cast %swap3A_534 : vector<1x16xf32> to vector<16xf32>
        %swap3A_536 = vector.shape_cast %max3A_531 : vector<16xf32> to vector<1x16xf32>
        tpu.vector_store %arg9[%swap3A_532, %swap3A_533], %swap3A_536 {strides = array<i32>} : memref<80x128xf32, #tpu.memory_space<vmem>>, vector<1x16xf32>,
      }
      %scan3A_212 = arith.constant 80 : i32
      %dma_start3A_213 = arith.constant 0 : i32
      %dma_start3A_214 = arith.constant 0 : i32
      %dma_start3A_215 = tpu.memref_slice %arg15[%dma_start3A_213, %dma_start3A_214] : memref<10000x128xf32, #tpu.memory_space<vmem_shared>> -> memref<10000x128xf32, #tpu.memory_space<vmem_shared>>
      tpu.enqueue_indirect_dma source(%arg9 : memref<80x128xf32, #tpu.memory_space<vmem>>) target(%dma_start3A_215 : memref<10000x128xf32, #tpu.memory_space<vmem_shared>>) offsets(%arg8 : memref<80xi32, #tpu.memory_space<vmem>>) semaphore(%arg19 : memref<!tpu.dma_semaphore, #tpu.memory_space<semaphore_mem>>) {add = true}
      %mul3A_216 = arith.constant 2 : i32
      %mul3A_217 = arith.muli %mul3A_216, %scan3A_165 : i32
      %add3A_218 = arith.constant 1 : i32
      %add3A_219 = arith.addi %mul3A_217, %add3A_218 : i32
      %dma_wait3A_220 = arith.constant 0 : i32
      %dma_wait3A_221 = arith.constant 0 : i32
      %dma_wait3A_222 = tpu.memref_slice %arg2[%dma_wait3A_220, %dma_wait3A_221] : memref<10000x128xf32, #tpu.memory_space<hbm>> -> memref<10000x128xf32, #tpu.memory_space<hbm>>
      tpu.wait_indirect_dma semaphore(%arg22 : memref<!tpu.dma_semaphore, #tpu.memory_space<semaphore_mem>>) src(%dma_wait3A_222 : memref<10000x128xf32, #tpu.memory_space<hbm>>) dst(%arg14 : memref<80x128xf32, #tpu.memory_space<vmem>>)
      %dma_wait3A_223 = arith.constant 0 : i32
      %dma_wait3A_224 = arith.constant 0 : i32
      %dma_wait3A_225 = tpu.memref_slice %arg5[%dma_wait3A_223, %dma_wait3A_224] : memref<320000x128xf32, #tpu.memory_space<hbm>> -> memref<80x128xf32, #tpu.memory_space<hbm>>
      %dma_wait3A_226 = arith.constant 0 : i32
      %dma_wait3A_227 = arith.constant 0 : i32
      %dma_wait3A_228 = tpu.memref_slice %arg5[%dma_wait3A_226, %dma_wait3A_227] : memref<320000x128xf32, #tpu.memory_space<hbm>> -> memref<80x128xf32, #tpu.memory_space<hbm>>
      tpu.wait_dma2 semaphore(%arg21 : memref<!tpu.dma_semaphore, #tpu.memory_space<semaphore_mem>>) src(%dma_wait3A_228 : memref<80x128xf32, #tpu.memory_space<hbm>>) dst(%arg13 : memref<80x128xf32, #tpu.memory_space<vmem>>)
      %dma_wait3A_229 = arith.constant 0 : i32
      %dma_wait3A_230 = arith.constant 0 : i32
      %dma_wait3A_231 = tpu.memref_slice %arg15[%dma_wait3A_229, %dma_wait3A_230] : memref<10000x128xf32, #tpu.memory_space<vmem_shared>> -> memref<10000x128xf32, #tpu.memory_space<vmem_shared>>
      tpu.wait_indirect_dma semaphore(%arg19 : memref<!tpu.dma_semaphore, #tpu.memory_space<semaphore_mem>>) src(%arg9 : memref<80x128xf32, #tpu.memory_space<vmem>>) dst(%dma_wait3A_231 : memref<10000x128xf32, #tpu.memory_space<vmem_shared>>)
      %add3A_232 = arith.constant 1 : i32
      %add3A_233 = arith.addi %add3A_219, %add3A_232 : i32
      %mul3A_234 = arith.constant 80 : i32
      %mul3A_235 = arith.muli %add3A_233, %mul3A_234 : i32
      %add3A_236 = arith.addi %mul3A_2, %mul3A_235 : i32
      %dma_start3A_237 = tpu.memref_slice %arg3[%add3A_236] : memref<320000xi32, #tpu.memory_space<hbm>> -> memref<80xi32, #tpu.memory_space<hbm>>
      %dma_start3A_238 = tpu.memref_slice %arg3[%add3A_236] : memref<320000xi32, #tpu.memory_space<hbm>> -> memref<80xi32, #tpu.memory_space<hbm>>
      tpu.enqueue_dma source(%dma_start3A_238 : memref<80xi32, #tpu.memory_space<hbm>>) target(%arg7 : memref<80xi32, #tpu.memory_space<vmem>>) target_semaphore(%arg16 : memref<!tpu.dma_semaphore, #tpu.memory_space<semaphore_mem>>)
      %dma_start3A_239 = tpu.memref_slice %arg4[%add3A_236] : memref<320000xi32, #tpu.memory_space<hbm>> -> memref<80xi32, #tpu.memory_space<hbm>>
      %dma_start3A_240 = tpu.memref_slice %arg4[%add3A_236] : memref<320000xi32, #tpu.memory_space<hbm>> -> memref<80xi32, #tpu.memory_space<hbm>>
      tpu.enqueue_dma source(%dma_start3A_240 : memref<80xi32, #tpu.memory_space<hbm>>) target(%arg8 : memref<80xi32, #tpu.memory_space<vmem>>) target_semaphore(%arg16 : memref<!tpu.dma_semaphore, #tpu.memory_space<semaphore_mem>>)
      %dma_start3A_241 = arith.constant 0 : i32
      %dma_start3A_242 = tpu.memref_slice %arg5[%add3A_236, %dma_start3A_241] : memref<320000x128xf32, #tpu.memory_space<hbm>> -> memref<80x128xf32, #tpu.memory_space<hbm>>
      %dma_start3A_243 = arith.constant 0 : i32
      %dma_start3A_244 = tpu.memref_slice %arg5[%add3A_236, %dma_start3A_243] : memref<320000x128xf32, #tpu.memory_space<hbm>> -> memref<80x128xf32, #tpu.memory_space<hbm>>
      tpu.enqueue_dma source(%dma_start3A_244 : memref<80x128xf32, #tpu.memory_space<hbm>>) target(%arg9 : memref<80x128xf32, #tpu.memory_space<vmem>>) target_semaphore(%arg17 : memref<!tpu.dma_semaphore, #tpu.memory_space<semaphore_mem>>)
      %dma_wait3A_245 = arith.constant 0 : i32
      %dma_wait3A_246 = tpu.memref_slice %arg3[%dma_wait3A_245] : memref<320000xi32, #tpu.memory_space<hbm>> -> memref<80xi32, #tpu.memory_space<hbm>>
      %dma_wait3A_247 = arith.constant 0 : i32
      %dma_wait3A_248 = tpu.memref_slice %arg3[%dma_wait3A_247] : memref<320000xi32, #tpu.memory_space<hbm>> -> memref<80xi32, #tpu.memory_space<hbm>>
      tpu.wait_dma2 semaphore(%arg16 : memref<!tpu.dma_semaphore, #tpu.memory_space<semaphore_mem>>) src(%dma_wait3A_248 : memref<80xi32, #tpu.memory_space<hbm>>) dst(%arg7 : memref<80xi32, #tpu.memory_space<vmem>>)
      %dma_wait3A_249 = arith.constant 0 : i32
      %dma_wait3A_250 = tpu.memref_slice %arg4[%dma_wait3A_249] : memref<320000xi32, #tpu.memory_space<hbm>> -> memref<80xi32, #tpu.memory_space<hbm>>
      %dma_wait3A_251 = arith.constant 0 : i32
      %dma_wait3A_252 = tpu.memref_slice %arg4[%dma_wait3A_251] : memref<320000xi32, #tpu.memory_space<hbm>> -> memref<80xi32, #tpu.memory_space<hbm>>
      tpu.wait_dma2 semaphore(%arg16 : memref<!tpu.dma_semaphore, #tpu.memory_space<semaphore_mem>>) src(%dma_wait3A_252 : memref<80xi32, #tpu.memory_space<hbm>>) dst(%arg8 : memref<80xi32, #tpu.memory_space<vmem>>)
      %dma_start3A_253 = arith.constant 0 : i32
      %dma_start3A_254 = arith.constant 0 : i32
      %dma_start3A_255 = tpu.memref_slice %arg2[%dma_start3A_253, %dma_start3A_254] : memref<10000x128xf32, #tpu.memory_space<hbm>> -> memref<10000x128xf32, #tpu.memory_space<hbm>>
      tpu.enqueue_indirect_dma source(%dma_start3A_255 : memref<10000x128xf32, #tpu.memory_space<hbm>>) target(%arg10 : memref<80x128xf32, #tpu.memory_space<vmem>>) offsets(%arg7 : memref<80xi32, #tpu.memory_space<vmem>>) semaphore(%arg18 : memref<!tpu.dma_semaphore, #tpu.memory_space<semaphore_mem>>)
      %scan3A_256 = arith.constant 0 : i32
      %scan3A_257 = arith.constant 0 : i32
      %scan3A_258 = arith.constant 80 : i32
      %scan3A_259 = arith.addi %scan3A_257, %scan3A_258 : i32
      %scan3A_260 = arith.constant 2 : i32
      scf.for %scan3A_265 = %scan3A_257 to %scan3A_259 step %scan3A_260  : i32 {
        %get3A = arith.index_cast %scan3A_265 : i32 to index
        %get3A_266 = arith.constant 0 : index
        %get3A_267 = tpu.vector_load %arg14[%get3A, %get3A_266] {strides = array<i32>} : memref<80x128xf32, #tpu.memory_space<vmem>>, vector<1x16xf32>,
        %get3A_268 = vector.shape_cast %get3A_267 : vector<1x16xf32> to vector<16xf32>
        %get3A_269 = arith.index_cast %scan3A_265 : i32 to index
        %get3A_270 = arith.constant 0 : index
        %get3A_271 = tpu.vector_load %arg13[%get3A_269, %get3A_270] {strides = array<i32>} : memref<80x128xf32, #tpu.memory_space<vmem>>, vector<1x16xf32>,
        %get3A_272 = vector.shape_cast %get3A_271 : vector<1x16xf32> to vector<16xf32>
        %add3A_273 = arith.addf %get3A_268, %get3A_272 : vector<16xf32>
        %max3A = arith.constant 0.000000e+00 : f32
        %max3A_274 = vector.broadcast %max3A : f32 to vector<16xf32>
        %max3A_275 = arith.maximumf %add3A_273, %max3A_274 : vector<16xf32>
        %swap3A = arith.index_cast %scan3A_265 : i32 to index
        %swap3A_276 = arith.constant 0 : index
        %swap3A_277 = tpu.vector_load %arg13[%swap3A, %swap3A_276] {strides = array<i32>} : memref<80x128xf32, #tpu.memory_space<vmem>>, vector<1x16xf32>,
        %swap3A_278 = vector.shape_cast %swap3A_277 : vector<1x16xf32> to vector<16xf32>
        %swap3A_279 = vector.shape_cast %max3A_275 : vector<16xf32> to vector<1x16xf32>
        tpu.vector_store %arg13[%swap3A, %swap3A_276], %swap3A_279 {strides = array<i32>} : memref<80x128xf32, #tpu.memory_space<vmem>>, vector<1x16xf32>,
        %get3A_280 = arith.index_cast %scan3A_265 : i32 to index
        %get3A_281 = arith.constant 16 : index
        %get3A_282 = tpu.vector_load %arg14[%get3A_280, %get3A_281] {strides = array<i32>} : memref<80x128xf32, #tpu.memory_space<vmem>>, vector<1x16xf32>,
        %get3A_283 = vector.shape_cast %get3A_282 : vector<1x16xf32> to vector<16xf32>
        %get3A_284 = arith.index_cast %scan3A_265 : i32 to index
        %get3A_285 = arith.constant 16 : index
        %get3A_286 = tpu.vector_load %arg13[%get3A_284, %get3A_285] {strides = array<i32>} : memref<80x128xf32, #tpu.memory_space<vmem>>, vector<1x16xf32>,
        %get3A_287 = vector.shape_cast %get3A_286 : vector<1x16xf32> to vector<16xf32>
        %add3A_288 = arith.addf %get3A_283, %get3A_287 : vector<16xf32>
        %max3A_289 = arith.constant 0.000000e+00 : f32
        %max3A_290 = vector.broadcast %max3A_289 : f32 to vector<16xf32>
        %max3A_291 = arith.maximumf %add3A_288, %max3A_290 : vector<16xf32>
        %swap3A_292 = arith.index_cast %scan3A_265 : i32 to index
        %swap3A_293 = arith.constant 16 : index
        %swap3A_294 = tpu.vector_load %arg13[%swap3A_292, %swap3A_293] {strides = array<i32>} : memref<80x128xf32, #tpu.memory_space<vmem>>, vector<1x16xf32>,
        %swap3A_295 = vector.shape_cast %swap3A_294 : vector<1x16xf32> to vector<16xf32>
        %swap3A_296 = vector.shape_cast %max3A_291 : vector<16xf32> to vector<1x16xf32>
        tpu.vector_store %arg13[%swap3A_292, %swap3A_293], %swap3A_296 {strides = array<i32>} : memref<80x128xf32, #tpu.memory_space<vmem>>, vector<1x16xf32>,
        %get3A_297 = arith.index_cast %scan3A_265 : i32 to index
        %get3A_298 = arith.constant 32 : index
        %get3A_299 = tpu.vector_load %arg14[%get3A_297, %get3A_298] {strides = array<i32>} : memref<80x128xf32, #tpu.memory_space<vmem>>, vector<1x16xf32>,
        %get3A_300 = vector.shape_cast %get3A_299 : vector<1x16xf32> to vector<16xf32>
        %get3A_301 = arith.index_cast %scan3A_265 : i32 to index
        %get3A_302 = arith.constant 32 : index
        %get3A_303 = tpu.vector_load %arg13[%get3A_301, %get3A_302] {strides = array<i32>} : memref<80x128xf32, #tpu.memory_space<vmem>>, vector<1x16xf32>,
        %get3A_304 = vector.shape_cast %get3A_303 : vector<1x16xf32> to vector<16xf32>
        %add3A_305 = arith.addf %get3A_300, %get3A_304 : vector<16xf32>
        %max3A_306 = arith.constant 0.000000e+00 : f32
        %max3A_307 = vector.broadcast %max3A_306 : f32 to vector<16xf32>
        %max3A_308 = arith.maximumf %add3A_305, %max3A_307 : vector<16xf32>
        %swap3A_309 = arith.index_cast %scan3A_265 : i32 to index
        %swap3A_310 = arith.constant 32 : index
        %swap3A_311 = tpu.vector_load %arg13[%swap3A_309, %swap3A_310] {strides = array<i32>} : memref<80x128xf32, #tpu.memory_space<vmem>>, vector<1x16xf32>,
        %swap3A_312 = vector.shape_cast %swap3A_311 : vector<1x16xf32> to vector<16xf32>
        %swap3A_313 = vector.shape_cast %max3A_308 : vector<16xf32> to vector<1x16xf32>
        tpu.vector_store %arg13[%swap3A_309, %swap3A_310], %swap3A_313 {strides = array<i32>} : memref<80x128xf32, #tpu.memory_space<vmem>>, vector<1x16xf32>,
        %get3A_314 = arith.index_cast %scan3A_265 : i32 to index
        %get3A_315 = arith.constant 48 : index
        %get3A_316 = tpu.vector_load %arg14[%get3A_314, %get3A_315] {strides = array<i32>} : memref<80x128xf32, #tpu.memory_space<vmem>>, vector<1x16xf32>,
        %get3A_317 = vector.shape_cast %get3A_316 : vector<1x16xf32> to vector<16xf32>
        %get3A_318 = arith.index_cast %scan3A_265 : i32 to index
        %get3A_319 = arith.constant 48 : index
        %get3A_320 = tpu.vector_load %arg13[%get3A_318, %get3A_319] {strides = array<i32>} : memref<80x128xf32, #tpu.memory_space<vmem>>, vector<1x16xf32>,
        %get3A_321 = vector.shape_cast %get3A_320 : vector<1x16xf32> to vector<16xf32>
        %add3A_322 = arith.addf %get3A_317, %get3A_321 : vector<16xf32>
        %max3A_323 = arith.constant 0.000000e+00 : f32
        %max3A_324 = vector.broadcast %max3A_323 : f32 to vector<16xf32>
        %max3A_325 = arith.maximumf %add3A_322, %max3A_324 : vector<16xf32>
        %swap3A_326 = arith.index_cast %scan3A_265 : i32 to index
        %swap3A_327 = arith.constant 48 : index
        %swap3A_328 = tpu.vector_load %arg13[%swap3A_326, %swap3A_327] {strides = array<i32>} : memref<80x128xf32, #tpu.memory_space<vmem>>, vector<1x16xf32>,
        %swap3A_329 = vector.shape_cast %swap3A_328 : vector<1x16xf32> to vector<16xf32>
        %swap3A_330 = vector.shape_cast %max3A_325 : vector<16xf32> to vector<1x16xf32>
        tpu.vector_store %arg13[%swap3A_326, %swap3A_327], %swap3A_330 {strides = array<i32>} : memref<80x128xf32, #tpu.memory_space<vmem>>, vector<1x16xf32>,
        %get3A_331 = arith.index_cast %scan3A_265 : i32 to index
        %get3A_332 = arith.constant 64 : index
        %get3A_333 = tpu.vector_load %arg14[%get3A_331, %get3A_332] {strides = array<i32>} : memref<80x128xf32, #tpu.memory_space<vmem>>, vector<1x16xf32>,
        %get3A_334 = vector.shape_cast %get3A_333 : vector<1x16xf32> to vector<16xf32>
        %get3A_335 = arith.index_cast %scan3A_265 : i32 to index
        %get3A_336 = arith.constant 64 : index
        %get3A_337 = tpu.vector_load %arg13[%get3A_335, %get3A_336] {strides = array<i32>} : memref<80x128xf32, #tpu.memory_space<vmem>>, vector<1x16xf32>,
        %get3A_338 = vector.shape_cast %get3A_337 : vector<1x16xf32> to vector<16xf32>
        %add3A_339 = arith.addf %get3A_334, %get3A_338 : vector<16xf32>
        %max3A_340 = arith.constant 0.000000e+00 : f32
        %max3A_341 = vector.broadcast %max3A_340 : f32 to vector<16xf32>
        %max3A_342 = arith.maximumf %add3A_339, %max3A_341 : vector<16xf32>
        %swap3A_343 = arith.index_cast %scan3A_265 : i32 to index
        %swap3A_344 = arith.constant 64 : index
        %swap3A_345 = tpu.vector_load %arg13[%swap3A_343, %swap3A_344] {strides = array<i32>} : memref<80x128xf32, #tpu.memory_space<vmem>>, vector<1x16xf32>,
        %swap3A_346 = vector.shape_cast %swap3A_345 : vector<1x16xf32> to vector<16xf32>
        %swap3A_347 = vector.shape_cast %max3A_342 : vector<16xf32> to vector<1x16xf32>
        tpu.vector_store %arg13[%swap3A_343, %swap3A_344], %swap3A_347 {strides = array<i32>} : memref<80x128xf32, #tpu.memory_space<vmem>>, vector<1x16xf32>,
        %get3A_348 = arith.index_cast %scan3A_265 : i32 to index
        %get3A_349 = arith.constant 80 : index
        %get3A_350 = tpu.vector_load %arg14[%get3A_348, %get3A_349] {strides = array<i32>} : memref<80x128xf32, #tpu.memory_space<vmem>>, vector<1x16xf32>,
        %get3A_351 = vector.shape_cast %get3A_350 : vector<1x16xf32> to vector<16xf32>
        %get3A_352 = arith.index_cast %scan3A_265 : i32 to index
        %get3A_353 = arith.constant 80 : index
        %get3A_354 = tpu.vector_load %arg13[%get3A_352, %get3A_353] {strides = array<i32>} : memref<80x128xf32, #tpu.memory_space<vmem>>, vector<1x16xf32>,
        %get3A_355 = vector.shape_cast %get3A_354 : vector<1x16xf32> to vector<16xf32>
        %add3A_356 = arith.addf %get3A_351, %get3A_355 : vector<16xf32>
        %max3A_357 = arith.constant 0.000000e+00 : f32
        %max3A_358 = vector.broadcast %max3A_357 : f32 to vector<16xf32>
        %max3A_359 = arith.maximumf %add3A_356, %max3A_358 : vector<16xf32>
        %swap3A_360 = arith.index_cast %scan3A_265 : i32 to index
        %swap3A_361 = arith.constant 80 : index
        %swap3A_362 = tpu.vector_load %arg13[%swap3A_360, %swap3A_361] {strides = array<i32>} : memref<80x128xf32, #tpu.memory_space<vmem>>, vector<1x16xf32>,
        %swap3A_363 = vector.shape_cast %swap3A_362 : vector<1x16xf32> to vector<16xf32>
        %swap3A_364 = vector.shape_cast %max3A_359 : vector<16xf32> to vector<1x16xf32>
        tpu.vector_store %arg13[%swap3A_360, %swap3A_361], %swap3A_364 {strides = array<i32>} : memref<80x128xf32, #tpu.memory_space<vmem>>, vector<1x16xf32>,
        %get3A_365 = arith.index_cast %scan3A_265 : i32 to index
        %get3A_366 = arith.constant 96 : index
        %get3A_367 = tpu.vector_load %arg14[%get3A_365, %get3A_366] {strides = array<i32>} : memref<80x128xf32, #tpu.memory_space<vmem>>, vector<1x16xf32>,
        %get3A_368 = vector.shape_cast %get3A_367 : vector<1x16xf32> to vector<16xf32>
        %get3A_369 = arith.index_cast %scan3A_265 : i32 to index
        %get3A_370 = arith.constant 96 : index
        %get3A_371 = tpu.vector_load %arg13[%get3A_369, %get3A_370] {strides = array<i32>} : memref<80x128xf32, #tpu.memory_space<vmem>>, vector<1x16xf32>,
        %get3A_372 = vector.shape_cast %get3A_371 : vector<1x16xf32> to vector<16xf32>
        %add3A_373 = arith.addf %get3A_368, %get3A_372 : vector<16xf32>
        %max3A_374 = arith.constant 0.000000e+00 : f32
        %max3A_375 = vector.broadcast %max3A_374 : f32 to vector<16xf32>
        %max3A_376 = arith.maximumf %add3A_373, %max3A_375 : vector<16xf32>
        %swap3A_377 = arith.index_cast %scan3A_265 : i32 to index
        %swap3A_378 = arith.constant 96 : index
        %swap3A_379 = tpu.vector_load %arg13[%swap3A_377, %swap3A_378] {strides = array<i32>} : memref<80x128xf32, #tpu.memory_space<vmem>>, vector<1x16xf32>,
        %swap3A_380 = vector.shape_cast %swap3A_379 : vector<1x16xf32> to vector<16xf32>
        %swap3A_381 = vector.shape_cast %max3A_376 : vector<16xf32> to vector<1x16xf32>
        tpu.vector_store %arg13[%swap3A_377, %swap3A_378], %swap3A_381 {strides = array<i32>} : memref<80x128xf32, #tpu.memory_space<vmem>>, vector<1x16xf32>,
        %get3A_382 = arith.index_cast %scan3A_265 : i32 to index
        %get3A_383 = arith.constant 112 : index
        %get3A_384 = tpu.vector_load %arg14[%get3A_382, %get3A_383] {strides = array<i32>} : memref<80x128xf32, #tpu.memory_space<vmem>>, vector<1x16xf32>,
        %get3A_385 = vector.shape_cast %get3A_384 : vector<1x16xf32> to vector<16xf32>
        %get3A_386 = arith.index_cast %scan3A_265 : i32 to index
        %get3A_387 = arith.constant 112 : index
        %get3A_388 = tpu.vector_load %arg13[%get3A_386, %get3A_387] {strides = array<i32>} : memref<80x128xf32, #tpu.memory_space<vmem>>, vector<1x16xf32>,
        %get3A_389 = vector.shape_cast %get3A_388 : vector<1x16xf32> to vector<16xf32>
        %add3A_390 = arith.addf %get3A_385, %get3A_389 : vector<16xf32>
        %max3A_391 = arith.constant 0.000000e+00 : f32
        %max3A_392 = vector.broadcast %max3A_391 : f32 to vector<16xf32>
        %max3A_393 = arith.maximumf %add3A_390, %max3A_392 : vector<16xf32>
        %swap3A_394 = arith.index_cast %scan3A_265 : i32 to index
        %swap3A_395 = arith.constant 112 : index
        %swap3A_396 = tpu.vector_load %arg13[%swap3A_394, %swap3A_395] {strides = array<i32>} : memref<80x128xf32, #tpu.memory_space<vmem>>, vector<1x16xf32>,
        %swap3A_397 = vector.shape_cast %swap3A_396 : vector<1x16xf32> to vector<16xf32>
        %swap3A_398 = vector.shape_cast %max3A_393 : vector<16xf32> to vector<1x16xf32>
        tpu.vector_store %arg13[%swap3A_394, %swap3A_395], %swap3A_398 {strides = array<i32>} : memref<80x128xf32, #tpu.memory_space<vmem>>, vector<1x16xf32>,
        %scan3A_399 = arith.constant 1 : i32
        %scan3A_400 = arith.addi %scan3A_265, %scan3A_399 : i32
        %get3A_401 = arith.index_cast %scan3A_400 : i32 to index
        %get3A_402 = arith.constant 0 : index
        %get3A_403 = tpu.vector_load %arg14[%get3A_401, %get3A_402] {strides = array<i32>} : memref<80x128xf32, #tpu.memory_space<vmem>>, vector<1x16xf32>,
        %get3A_404 = vector.shape_cast %get3A_403 : vector<1x16xf32> to vector<16xf32>
        %get3A_405 = arith.index_cast %scan3A_400 : i32 to index
        %get3A_406 = arith.constant 0 : index
        %get3A_407 = tpu.vector_load %arg13[%get3A_405, %get3A_406] {strides = array<i32>} : memref<80x128xf32, #tpu.memory_space<vmem>>, vector<1x16xf32>,
        %get3A_408 = vector.shape_cast %get3A_407 : vector<1x16xf32> to vector<16xf32>
        %add3A_409 = arith.addf %get3A_404, %get3A_408 : vector<16xf32>
        %max3A_410 = arith.constant 0.000000e+00 : f32
        %max3A_411 = vector.broadcast %max3A_410 : f32 to vector<16xf32>
        %max3A_412 = arith.maximumf %add3A_409, %max3A_411 : vector<16xf32>
        %swap3A_413 = arith.index_cast %scan3A_400 : i32 to index
        %swap3A_414 = arith.constant 0 : index
        %swap3A_415 = tpu.vector_load %arg13[%swap3A_413, %swap3A_414] {strides = array<i32>} : memref<80x128xf32, #tpu.memory_space<vmem>>, vector<1x16xf32>,
        %swap3A_416 = vector.shape_cast %swap3A_415 : vector<1x16xf32> to vector<16xf32>
        %swap3A_417 = vector.shape_cast %max3A_412 : vector<16xf32> to vector<1x16xf32>
        tpu.vector_store %arg13[%swap3A_413, %swap3A_414], %swap3A_417 {strides = array<i32>} : memref<80x128xf32, #tpu.memory_space<vmem>>, vector<1x16xf32>,
        %get3A_418 = arith.index_cast %scan3A_400 : i32 to index
        %get3A_419 = arith.constant 16 : index
        %get3A_420 = tpu.vector_load %arg14[%get3A_418, %get3A_419] {strides = array<i32>} : memref<80x128xf32, #tpu.memory_space<vmem>>, vector<1x16xf32>,
        %get3A_421 = vector.shape_cast %get3A_420 : vector<1x16xf32> to vector<16xf32>
        %get3A_422 = arith.index_cast %scan3A_400 : i32 to index
        %get3A_423 = arith.constant 16 : index
        %get3A_424 = tpu.vector_load %arg13[%get3A_422, %get3A_423] {strides = array<i32>} : memref<80x128xf32, #tpu.memory_space<vmem>>, vector<1x16xf32>,
        %get3A_425 = vector.shape_cast %get3A_424 : vector<1x16xf32> to vector<16xf32>
        %add3A_426 = arith.addf %get3A_421, %get3A_425 : vector<16xf32>
        %max3A_427 = arith.constant 0.000000e+00 : f32
        %max3A_428 = vector.broadcast %max3A_427 : f32 to vector<16xf32>
        %max3A_429 = arith.maximumf %add3A_426, %max3A_428 : vector<16xf32>
        %swap3A_430 = arith.index_cast %scan3A_400 : i32 to index
        %swap3A_431 = arith.constant 16 : index
        %swap3A_432 = tpu.vector_load %arg13[%swap3A_430, %swap3A_431] {strides = array<i32>} : memref<80x128xf32, #tpu.memory_space<vmem>>, vector<1x16xf32>,
        %swap3A_433 = vector.shape_cast %swap3A_432 : vector<1x16xf32> to vector<16xf32>
        %swap3A_434 = vector.shape_cast %max3A_429 : vector<16xf32> to vector<1x16xf32>
        tpu.vector_store %arg13[%swap3A_430, %swap3A_431], %swap3A_434 {strides = array<i32>} : memref<80x128xf32, #tpu.memory_space<vmem>>, vector<1x16xf32>,
        %get3A_435 = arith.index_cast %scan3A_400 : i32 to index
        %get3A_436 = arith.constant 32 : index
        %get3A_437 = tpu.vector_load %arg14[%get3A_435, %get3A_436] {strides = array<i32>} : memref<80x128xf32, #tpu.memory_space<vmem>>, vector<1x16xf32>,
        %get3A_438 = vector.shape_cast %get3A_437 : vector<1x16xf32> to vector<16xf32>
        %get3A_439 = arith.index_cast %scan3A_400 : i32 to index
        %get3A_440 = arith.constant 32 : index
        %get3A_441 = tpu.vector_load %arg13[%get3A_439, %get3A_440] {strides = array<i32>} : memref<80x128xf32, #tpu.memory_space<vmem>>, vector<1x16xf32>,
        %get3A_442 = vector.shape_cast %get3A_441 : vector<1x16xf32> to vector<16xf32>
        %add3A_443 = arith.addf %get3A_438, %get3A_442 : vector<16xf32>
        %max3A_444 = arith.constant 0.000000e+00 : f32
        %max3A_445 = vector.broadcast %max3A_444 : f32 to vector<16xf32>
        %max3A_446 = arith.maximumf %add3A_443, %max3A_445 : vector<16xf32>
        %swap3A_447 = arith.index_cast %scan3A_400 : i32 to index
        %swap3A_448 = arith.constant 32 : index
        %swap3A_449 = tpu.vector_load %arg13[%swap3A_447, %swap3A_448] {strides = array<i32>} : memref<80x128xf32, #tpu.memory_space<vmem>>, vector<1x16xf32>,
        %swap3A_450 = vector.shape_cast %swap3A_449 : vector<1x16xf32> to vector<16xf32>
        %swap3A_451 = vector.shape_cast %max3A_446 : vector<16xf32> to vector<1x16xf32>
        tpu.vector_store %arg13[%swap3A_447, %swap3A_448], %swap3A_451 {strides = array<i32>} : memref<80x128xf32, #tpu.memory_space<vmem>>, vector<1x16xf32>,
        %get3A_452 = arith.index_cast %scan3A_400 : i32 to index
        %get3A_453 = arith.constant 48 : index
        %get3A_454 = tpu.vector_load %arg14[%get3A_452, %get3A_453] {strides = array<i32>} : memref<80x128xf32, #tpu.memory_space<vmem>>, vector<1x16xf32>,
        %get3A_455 = vector.shape_cast %get3A_454 : vector<1x16xf32> to vector<16xf32>
        %get3A_456 = arith.index_cast %scan3A_400 : i32 to index
        %get3A_457 = arith.constant 48 : index
        %get3A_458 = tpu.vector_load %arg13[%get3A_456, %get3A_457] {strides = array<i32>} : memref<80x128xf32, #tpu.memory_space<vmem>>, vector<1x16xf32>,
        %get3A_459 = vector.shape_cast %get3A_458 : vector<1x16xf32> to vector<16xf32>
        %add3A_460 = arith.addf %get3A_455, %get3A_459 : vector<16xf32>
        %max3A_461 = arith.constant 0.000000e+00 : f32
        %max3A_462 = vector.broadcast %max3A_461 : f32 to vector<16xf32>
        %max3A_463 = arith.maximumf %add3A_460, %max3A_462 : vector<16xf32>
        %swap3A_464 = arith.index_cast %scan3A_400 : i32 to index
        %swap3A_465 = arith.constant 48 : index
        %swap3A_466 = tpu.vector_load %arg13[%swap3A_464, %swap3A_465] {strides = array<i32>} : memref<80x128xf32, #tpu.memory_space<vmem>>, vector<1x16xf32>,
        %swap3A_467 = vector.shape_cast %swap3A_466 : vector<1x16xf32> to vector<16xf32>
        %swap3A_468 = vector.shape_cast %max3A_463 : vector<16xf32> to vector<1x16xf32>
        tpu.vector_store %arg13[%swap3A_464, %swap3A_465], %swap3A_468 {strides = array<i32>} : memref<80x128xf32, #tpu.memory_space<vmem>>, vector<1x16xf32>,
        %get3A_469 = arith.index_cast %scan3A_400 : i32 to index
        %get3A_470 = arith.constant 64 : index
        %get3A_471 = tpu.vector_load %arg14[%get3A_469, %get3A_470] {strides = array<i32>} : memref<80x128xf32, #tpu.memory_space<vmem>>, vector<1x16xf32>,
        %get3A_472 = vector.shape_cast %get3A_471 : vector<1x16xf32> to vector<16xf32>
        %get3A_473 = arith.index_cast %scan3A_400 : i32 to index
        %get3A_474 = arith.constant 64 : index
        %get3A_475 = tpu.vector_load %arg13[%get3A_473, %get3A_474] {strides = array<i32>} : memref<80x128xf32, #tpu.memory_space<vmem>>, vector<1x16xf32>,
        %get3A_476 = vector.shape_cast %get3A_475 : vector<1x16xf32> to vector<16xf32>
        %add3A_477 = arith.addf %get3A_472, %get3A_476 : vector<16xf32>
        %max3A_478 = arith.constant 0.000000e+00 : f32
        %max3A_479 = vector.broadcast %max3A_478 : f32 to vector<16xf32>
        %max3A_480 = arith.maximumf %add3A_477, %max3A_479 : vector<16xf32>
        %swap3A_481 = arith.index_cast %scan3A_400 : i32 to index
        %swap3A_482 = arith.constant 64 : index
        %swap3A_483 = tpu.vector_load %arg13[%swap3A_481, %swap3A_482] {strides = array<i32>} : memref<80x128xf32, #tpu.memory_space<vmem>>, vector<1x16xf32>,
        %swap3A_484 = vector.shape_cast %swap3A_483 : vector<1x16xf32> to vector<16xf32>
        %swap3A_485 = vector.shape_cast %max3A_480 : vector<16xf32> to vector<1x16xf32>
        tpu.vector_store %arg13[%swap3A_481, %swap3A_482], %swap3A_485 {strides = array<i32>} : memref<80x128xf32, #tpu.memory_space<vmem>>, vector<1x16xf32>,
        %get3A_486 = arith.index_cast %scan3A_400 : i32 to index
        %get3A_487 = arith.constant 80 : index
        %get3A_488 = tpu.vector_load %arg14[%get3A_486, %get3A_487] {strides = array<i32>} : memref<80x128xf32, #tpu.memory_space<vmem>>, vector<1x16xf32>,
        %get3A_489 = vector.shape_cast %get3A_488 : vector<1x16xf32> to vector<16xf32>
        %get3A_490 = arith.index_cast %scan3A_400 : i32 to index
        %get3A_491 = arith.constant 80 : index
        %get3A_492 = tpu.vector_load %arg13[%get3A_490, %get3A_491] {strides = array<i32>} : memref<80x128xf32, #tpu.memory_space<vmem>>, vector<1x16xf32>,
        %get3A_493 = vector.shape_cast %get3A_492 : vector<1x16xf32> to vector<16xf32>
        %add3A_494 = arith.addf %get3A_489, %get3A_493 : vector<16xf32>
        %max3A_495 = arith.constant 0.000000e+00 : f32
        %max3A_496 = vector.broadcast %max3A_495 : f32 to vector<16xf32>
        %max3A_497 = arith.maximumf %add3A_494, %max3A_496 : vector<16xf32>
        %swap3A_498 = arith.index_cast %scan3A_400 : i32 to index
        %swap3A_499 = arith.constant 80 : index
        %swap3A_500 = tpu.vector_load %arg13[%swap3A_498, %swap3A_499] {strides = array<i32>} : memref<80x128xf32, #tpu.memory_space<vmem>>, vector<1x16xf32>,
        %swap3A_501 = vector.shape_cast %swap3A_500 : vector<1x16xf32> to vector<16xf32>
        %swap3A_502 = vector.shape_cast %max3A_497 : vector<16xf32> to vector<1x16xf32>
        tpu.vector_store %arg13[%swap3A_498, %swap3A_499], %swap3A_502 {strides = array<i32>} : memref<80x128xf32, #tpu.memory_space<vmem>>, vector<1x16xf32>,
        %get3A_503 = arith.index_cast %scan3A_400 : i32 to index
        %get3A_504 = arith.constant 96 : index
        %get3A_505 = tpu.vector_load %arg14[%get3A_503, %get3A_504] {strides = array<i32>} : memref<80x128xf32, #tpu.memory_space<vmem>>, vector<1x16xf32>,
        %get3A_506 = vector.shape_cast %get3A_505 : vector<1x16xf32> to vector<16xf32>
        %get3A_507 = arith.index_cast %scan3A_400 : i32 to index
        %get3A_508 = arith.constant 96 : index
        %get3A_509 = tpu.vector_load %arg13[%get3A_507, %get3A_508] {strides = array<i32>} : memref<80x128xf32, #tpu.memory_space<vmem>>, vector<1x16xf32>,
        %get3A_510 = vector.shape_cast %get3A_509 : vector<1x16xf32> to vector<16xf32>
        %add3A_511 = arith.addf %get3A_506, %get3A_510 : vector<16xf32>
        %max3A_512 = arith.constant 0.000000e+00 : f32
        %max3A_513 = vector.broadcast %max3A_512 : f32 to vector<16xf32>
        %max3A_514 = arith.maximumf %add3A_511, %max3A_513 : vector<16xf32>
        %swap3A_515 = arith.index_cast %scan3A_400 : i32 to index
        %swap3A_516 = arith.constant 96 : index
        %swap3A_517 = tpu.vector_load %arg13[%swap3A_515, %swap3A_516] {strides = array<i32>} : memref<80x128xf32, #tpu.memory_space<vmem>>, vector<1x16xf32>,
        %swap3A_518 = vector.shape_cast %swap3A_517 : vector<1x16xf32> to vector<16xf32>
        %swap3A_519 = vector.shape_cast %max3A_514 : vector<16xf32> to vector<1x16xf32>
        tpu.vector_store %arg13[%swap3A_515, %swap3A_516], %swap3A_519 {strides = array<i32>} : memref<80x128xf32, #tpu.memory_space<vmem>>, vector<1x16xf32>,
        %get3A_520 = arith.index_cast %scan3A_400 : i32 to index
        %get3A_521 = arith.constant 112 : index
        %get3A_522 = tpu.vector_load %arg14[%get3A_520, %get3A_521] {strides = array<i32>} : memref<80x128xf32, #tpu.memory_space<vmem>>, vector<1x16xf32>,
        %get3A_523 = vector.shape_cast %get3A_522 : vector<1x16xf32> to vector<16xf32>
        %get3A_524 = arith.index_cast %scan3A_400 : i32 to index
        %get3A_525 = arith.constant 112 : index
        %get3A_526 = tpu.vector_load %arg13[%get3A_524, %get3A_525] {strides = array<i32>} : memref<80x128xf32, #tpu.memory_space<vmem>>, vector<1x16xf32>,
        %get3A_527 = vector.shape_cast %get3A_526 : vector<1x16xf32> to vector<16xf32>
        %add3A_528 = arith.addf %get3A_523, %get3A_527 : vector<16xf32>
        %max3A_529 = arith.constant 0.000000e+00 : f32
        %max3A_530 = vector.broadcast %max3A_529 : f32 to vector<16xf32>
        %max3A_531 = arith.maximumf %add3A_528, %max3A_530 : vector<16xf32>
        %swap3A_532 = arith.index_cast %scan3A_400 : i32 to index
        %swap3A_533 = arith.constant 112 : index
        %swap3A_534 = tpu.vector_load %arg13[%swap3A_532, %swap3A_533] {strides = array<i32>} : memref<80x128xf32, #tpu.memory_space<vmem>>, vector<1x16xf32>,
        %swap3A_535 = vector.shape_cast %swap3A_534 : vector<1x16xf32> to vector<16xf32>
        %swap3A_536 = vector.shape_cast %max3A_531 : vector<16xf32> to vector<1x16xf32>
        tpu.vector_store %arg13[%swap3A_532, %swap3A_533], %swap3A_536 {strides = array<i32>} : memref<80x128xf32, #tpu.memory_space<vmem>>, vector<1x16xf32>,
      }
      %scan3A_261 = arith.constant 80 : i32
      %dma_start3A_262 = arith.constant 0 : i32
      %dma_start3A_263 = arith.constant 0 : i32
      %dma_start3A_264 = tpu.memref_slice %arg15[%dma_start3A_262, %dma_start3A_263] : memref<10000x128xf32, #tpu.memory_space<vmem_shared>> -> memref<10000x128xf32, #tpu.memory_space<vmem_shared>>
      tpu.enqueue_indirect_dma source(%arg13 : memref<80x128xf32, #tpu.memory_space<vmem>>) target(%dma_start3A_264 : memref<10000x128xf32, #tpu.memory_space<vmem_shared>>) offsets(%arg12 : memref<80xi32, #tpu.memory_space<vmem>>) semaphore(%arg23 : memref<!tpu.dma_semaphore, #tpu.memory_space<semaphore_mem>>) {add = true}
    }
    %scan3A_83 = arith.constant 62 : i32
    %dma_wait3A_84 = arith.constant 0 : i32
    %dma_wait3A_85 = arith.constant 0 : i32
    %dma_wait3A_86 = tpu.memref_slice %arg2[%dma_wait3A_84, %dma_wait3A_85] : memref<10000x128xf32, #tpu.memory_space<hbm>> -> memref<10000x128xf32, #tpu.memory_space<hbm>>
    tpu.wait_indirect_dma semaphore(%arg18 : memref<!tpu.dma_semaphore, #tpu.memory_space<semaphore_mem>>) src(%dma_wait3A_86 : memref<10000x128xf32, #tpu.memory_space<hbm>>) dst(%arg10 : memref<80x128xf32, #tpu.memory_space<vmem>>)
    %dma_wait3A_87 = arith.constant 0 : i32
    %dma_wait3A_88 = arith.constant 0 : i32
    %dma_wait3A_89 = tpu.memref_slice %arg5[%dma_wait3A_87, %dma_wait3A_88] : memref<320000x128xf32, #tpu.memory_space<hbm>> -> memref<80x128xf32, #tpu.memory_space<hbm>>
    %dma_wait3A_90 = arith.constant 0 : i32
    %dma_wait3A_91 = arith.constant 0 : i32
    %dma_wait3A_92 = tpu.memref_slice %arg5[%dma_wait3A_90, %dma_wait3A_91] : memref<320000x128xf32, #tpu.memory_space<hbm>> -> memref<80x128xf32, #tpu.memory_space<hbm>>
    tpu.wait_dma2 semaphore(%arg17 : memref<!tpu.dma_semaphore, #tpu.memory_space<semaphore_mem>>) src(%dma_wait3A_92 : memref<80x128xf32, #tpu.memory_space<hbm>>) dst(%arg9 : memref<80x128xf32, #tpu.memory_space<vmem>>)
    %dma_wait3A_93 = arith.constant 0 : i32
    %dma_wait3A_94 = arith.constant 0 : i32
    %dma_wait3A_95 = tpu.memref_slice %arg15[%dma_wait3A_93, %dma_wait3A_94] : memref<10000x128xf32, #tpu.memory_space<vmem_shared>> -> memref<10000x128xf32, #tpu.memory_space<vmem_shared>>
    tpu.wait_indirect_dma semaphore(%arg23 : memref<!tpu.dma_semaphore, #tpu.memory_space<semaphore_mem>>) src(%arg13 : memref<80x128xf32, #tpu.memory_space<vmem>>) dst(%dma_wait3A_95 : memref<10000x128xf32, #tpu.memory_space<vmem_shared>>)
    %scan3A_96 = arith.constant 0 : i32
    %scan3A_97 = arith.constant 0 : i32
    %scan3A_98 = arith.constant 80 : i32
    %scan3A_99 = arith.addi %scan3A_97, %scan3A_98 : i32
    %scan3A_100 = arith.constant 2 : i32
    scf.for %scan3A_165 = %scan3A_97 to %scan3A_99 step %scan3A_100  : i32 {
      %get3A = arith.index_cast %scan3A_165 : i32 to index
      %get3A_166 = arith.constant 0 : index
      %get3A_167 = tpu.vector_load %arg10[%get3A, %get3A_166] {strides = array<i32>} : memref<80x128xf32, #tpu.memory_space<vmem>>, vector<1x16xf32>,
      %get3A_168 = vector.shape_cast %get3A_167 : vector<1x16xf32> to vector<16xf32>
      %get3A_169 = arith.index_cast %scan3A_165 : i32 to index
      %get3A_170 = arith.constant 0 : index
      %get3A_171 = tpu.vector_load %arg9[%get3A_169, %get3A_170] {strides = array<i32>} : memref<80x128xf32, #tpu.memory_space<vmem>>, vector<1x16xf32>,
      %get3A_172 = vector.shape_cast %get3A_171 : vector<1x16xf32> to vector<16xf32>
      %add3A_173 = arith.addf %get3A_168, %get3A_172 : vector<16xf32>
      %max3A = arith.constant 0.000000e+00 : f32
      %max3A_174 = vector.broadcast %max3A : f32 to vector<16xf32>
      %max3A_175 = arith.maximumf %add3A_173, %max3A_174 : vector<16xf32>
      %swap3A = arith.index_cast %scan3A_165 : i32 to index
      %swap3A_176 = arith.constant 0 : index
      %swap3A_177 = tpu.vector_load %arg9[%swap3A, %swap3A_176] {strides = array<i32>} : memref<80x128xf32, #tpu.memory_space<vmem>>, vector<1x16xf32>,
      %swap3A_178 = vector.shape_cast %swap3A_177 : vector<1x16xf32> to vector<16xf32>
      %swap3A_179 = vector.shape_cast %max3A_175 : vector<16xf32> to vector<1x16xf32>
      tpu.vector_store %arg9[%swap3A, %swap3A_176], %swap3A_179 {strides = array<i32>} : memref<80x128xf32, #tpu.memory_space<vmem>>, vector<1x16xf32>,
      %get3A_180 = arith.index_cast %scan3A_165 : i32 to index
      %get3A_181 = arith.constant 16 : index
      %get3A_182 = tpu.vector_load %arg10[%get3A_180, %get3A_181] {strides = array<i32>} : memref<80x128xf32, #tpu.memory_space<vmem>>, vector<1x16xf32>,
      %get3A_183 = vector.shape_cast %get3A_182 : vector<1x16xf32> to vector<16xf32>
      %get3A_184 = arith.index_cast %scan3A_165 : i32 to index
      %get3A_185 = arith.constant 16 : index
      %get3A_186 = tpu.vector_load %arg9[%get3A_184, %get3A_185] {strides = array<i32>} : memref<80x128xf32, #tpu.memory_space<vmem>>, vector<1x16xf32>,
      %get3A_187 = vector.shape_cast %get3A_186 : vector<1x16xf32> to vector<16xf32>
      %add3A_188 = arith.addf %get3A_183, %get3A_187 : vector<16xf32>
      %max3A_189 = arith.constant 0.000000e+00 : f32
      %max3A_190 = vector.broadcast %max3A_189 : f32 to vector<16xf32>
      %max3A_191 = arith.maximumf %add3A_188, %max3A_190 : vector<16xf32>
      %swap3A_192 = arith.index_cast %scan3A_165 : i32 to index
      %swap3A_193 = arith.constant 16 : index
      %swap3A_194 = tpu.vector_load %arg9[%swap3A_192, %swap3A_193] {strides = array<i32>} : memref<80x128xf32, #tpu.memory_space<vmem>>, vector<1x16xf32>,
      %swap3A_195 = vector.shape_cast %swap3A_194 : vector<1x16xf32> to vector<16xf32>
      %swap3A_196 = vector.shape_cast %max3A_191 : vector<16xf32> to vector<1x16xf32>
      tpu.vector_store %arg9[%swap3A_192, %swap3A_193], %swap3A_196 {strides = array<i32>} : memref<80x128xf32, #tpu.memory_space<vmem>>, vector<1x16xf32>,
      %get3A_197 = arith.index_cast %scan3A_165 : i32 to index
      %get3A_198 = arith.constant 32 : index
      %get3A_199 = tpu.vector_load %arg10[%get3A_197, %get3A_198] {strides = array<i32>} : memref<80x128xf32, #tpu.memory_space<vmem>>, vector<1x16xf32>,
      %get3A_200 = vector.shape_cast %get3A_199 : vector<1x16xf32> to vector<16xf32>
      %get3A_201 = arith.index_cast %scan3A_165 : i32 to index
      %get3A_202 = arith.constant 32 : index
      %get3A_203 = tpu.vector_load %arg9[%get3A_201, %get3A_202] {strides = array<i32>} : memref<80x128xf32, #tpu.memory_space<vmem>>, vector<1x16xf32>,
      %get3A_204 = vector.shape_cast %get3A_203 : vector<1x16xf32> to vector<16xf32>
      %add3A_205 = arith.addf %get3A_200, %get3A_204 : vector<16xf32>
      %max3A_206 = arith.constant 0.000000e+00 : f32
      %max3A_207 = vector.broadcast %max3A_206 : f32 to vector<16xf32>
      %max3A_208 = arith.maximumf %add3A_205, %max3A_207 : vector<16xf32>
      %swap3A_209 = arith.index_cast %scan3A_165 : i32 to index
      %swap3A_210 = arith.constant 32 : index
      %swap3A_211 = tpu.vector_load %arg9[%swap3A_209, %swap3A_210] {strides = array<i32>} : memref<80x128xf32, #tpu.memory_space<vmem>>, vector<1x16xf32>,
      %swap3A_212 = vector.shape_cast %swap3A_211 : vector<1x16xf32> to vector<16xf32>
      %swap3A_213 = vector.shape_cast %max3A_208 : vector<16xf32> to vector<1x16xf32>
      tpu.vector_store %arg9[%swap3A_209, %swap3A_210], %swap3A_213 {strides = array<i32>} : memref<80x128xf32, #tpu.memory_space<vmem>>, vector<1x16xf32>,
      %get3A_214 = arith.index_cast %scan3A_165 : i32 to index
      %get3A_215 = arith.constant 48 : index
      %get3A_216 = tpu.vector_load %arg10[%get3A_214, %get3A_215] {strides = array<i32>} : memref<80x128xf32, #tpu.memory_space<vmem>>, vector<1x16xf32>,
      %get3A_217 = vector.shape_cast %get3A_216 : vector<1x16xf32> to vector<16xf32>
      %get3A_218 = arith.index_cast %scan3A_165 : i32 to index
      %get3A_219 = arith.constant 48 : index
      %get3A_220 = tpu.vector_load %arg9[%get3A_218, %get3A_219] {strides = array<i32>} : memref<80x128xf32, #tpu.memory_space<vmem>>, vector<1x16xf32>,
      %get3A_221 = vector.shape_cast %get3A_220 : vector<1x16xf32> to vector<16xf32>
      %add3A_222 = arith.addf %get3A_217, %get3A_221 : vector<16xf32>
      %max3A_223 = arith.constant 0.000000e+00 : f32
      %max3A_224 = vector.broadcast %max3A_223 : f32 to vector<16xf32>
      %max3A_225 = arith.maximumf %add3A_222, %max3A_224 : vector<16xf32>
      %swap3A_226 = arith.index_cast %scan3A_165 : i32 to index
      %swap3A_227 = arith.constant 48 : index
      %swap3A_228 = tpu.vector_load %arg9[%swap3A_226, %swap3A_227] {strides = array<i32>} : memref<80x128xf32, #tpu.memory_space<vmem>>, vector<1x16xf32>,
      %swap3A_229 = vector.shape_cast %swap3A_228 : vector<1x16xf32> to vector<16xf32>
      %swap3A_230 = vector.shape_cast %max3A_225 : vector<16xf32> to vector<1x16xf32>
      tpu.vector_store %arg9[%swap3A_226, %swap3A_227], %swap3A_230 {strides = array<i32>} : memref<80x128xf32, #tpu.memory_space<vmem>>, vector<1x16xf32>,
      %get3A_231 = arith.index_cast %scan3A_165 : i32 to index
      %get3A_232 = arith.constant 64 : index
      %get3A_233 = tpu.vector_load %arg10[%get3A_231, %get3A_232] {strides = array<i32>} : memref<80x128xf32, #tpu.memory_space<vmem>>, vector<1x16xf32>,
      %get3A_234 = vector.shape_cast %get3A_233 : vector<1x16xf32> to vector<16xf32>
      %get3A_235 = arith.index_cast %scan3A_165 : i32 to index
      %get3A_236 = arith.constant 64 : index
      %get3A_237 = tpu.vector_load %arg9[%get3A_235, %get3A_236] {strides = array<i32>} : memref<80x128xf32, #tpu.memory_space<vmem>>, vector<1x16xf32>,
      %get3A_238 = vector.shape_cast %get3A_237 : vector<1x16xf32> to vector<16xf32>
      %add3A_239 = arith.addf %get3A_234, %get3A_238 : vector<16xf32>
      %max3A_240 = arith.constant 0.000000e+00 : f32
      %max3A_241 = vector.broadcast %max3A_240 : f32 to vector<16xf32>
      %max3A_242 = arith.maximumf %add3A_239, %max3A_241 : vector<16xf32>
      %swap3A_243 = arith.index_cast %scan3A_165 : i32 to index
      %swap3A_244 = arith.constant 64 : index
      %swap3A_245 = tpu.vector_load %arg9[%swap3A_243, %swap3A_244] {strides = array<i32>} : memref<80x128xf32, #tpu.memory_space<vmem>>, vector<1x16xf32>,
      %swap3A_246 = vector.shape_cast %swap3A_245 : vector<1x16xf32> to vector<16xf32>
      %swap3A_247 = vector.shape_cast %max3A_242 : vector<16xf32> to vector<1x16xf32>
      tpu.vector_store %arg9[%swap3A_243, %swap3A_244], %swap3A_247 {strides = array<i32>} : memref<80x128xf32, #tpu.memory_space<vmem>>, vector<1x16xf32>,
      %get3A_248 = arith.index_cast %scan3A_165 : i32 to index
      %get3A_249 = arith.constant 80 : index
      %get3A_250 = tpu.vector_load %arg10[%get3A_248, %get3A_249] {strides = array<i32>} : memref<80x128xf32, #tpu.memory_space<vmem>>, vector<1x16xf32>,
      %get3A_251 = vector.shape_cast %get3A_250 : vector<1x16xf32> to vector<16xf32>
      %get3A_252 = arith.index_cast %scan3A_165 : i32 to index
      %get3A_253 = arith.constant 80 : index
      %get3A_254 = tpu.vector_load %arg9[%get3A_252, %get3A_253] {strides = array<i32>} : memref<80x128xf32, #tpu.memory_space<vmem>>, vector<1x16xf32>,
      %get3A_255 = vector.shape_cast %get3A_254 : vector<1x16xf32> to vector<16xf32>
      %add3A_256 = arith.addf %get3A_251, %get3A_255 : vector<16xf32>
      %max3A_257 = arith.constant 0.000000e+00 : f32
      %max3A_258 = vector.broadcast %max3A_257 : f32 to vector<16xf32>
      %max3A_259 = arith.maximumf %add3A_256, %max3A_258 : vector<16xf32>
      %swap3A_260 = arith.index_cast %scan3A_165 : i32 to index
      %swap3A_261 = arith.constant 80 : index
      %swap3A_262 = tpu.vector_load %arg9[%swap3A_260, %swap3A_261] {strides = array<i32>} : memref<80x128xf32, #tpu.memory_space<vmem>>, vector<1x16xf32>,
      %swap3A_263 = vector.shape_cast %swap3A_262 : vector<1x16xf32> to vector<16xf32>
      %swap3A_264 = vector.shape_cast %max3A_259 : vector<16xf32> to vector<1x16xf32>
      tpu.vector_store %arg9[%swap3A_260, %swap3A_261], %swap3A_264 {strides = array<i32>} : memref<80x128xf32, #tpu.memory_space<vmem>>, vector<1x16xf32>,
      %get3A_265 = arith.index_cast %scan3A_165 : i32 to index
      %get3A_266 = arith.constant 96 : index
      %get3A_267 = tpu.vector_load %arg10[%get3A_265, %get3A_266] {strides = array<i32>} : memref<80x128xf32, #tpu.memory_space<vmem>>, vector<1x16xf32>,
      %get3A_268 = vector.shape_cast %get3A_267 : vector<1x16xf32> to vector<16xf32>
      %get3A_269 = arith.index_cast %scan3A_165 : i32 to index
      %get3A_270 = arith.constant 96 : index
      %get3A_271 = tpu.vector_load %arg9[%get3A_269, %get3A_270] {strides = array<i32>} : memref<80x128xf32, #tpu.memory_space<vmem>>, vector<1x16xf32>,
      %get3A_272 = vector.shape_cast %get3A_271 : vector<1x16xf32> to vector<16xf32>
      %add3A_273 = arith.addf %get3A_268, %get3A_272 : vector<16xf32>
      %max3A_274 = arith.constant 0.000000e+00 : f32
      %max3A_275 = vector.broadcast %max3A_274 : f32 to vector<16xf32>
      %max3A_276 = arith.maximumf %add3A_273, %max3A_275 : vector<16xf32>
      %swap3A_277 = arith.index_cast %scan3A_165 : i32 to index
      %swap3A_278 = arith.constant 96 : index
      %swap3A_279 = tpu.vector_load %arg9[%swap3A_277, %swap3A_278] {strides = array<i32>} : memref<80x128xf32, #tpu.memory_space<vmem>>, vector<1x16xf32>,
      %swap3A_280 = vector.shape_cast %swap3A_279 : vector<1x16xf32> to vector<16xf32>
      %swap3A_281 = vector.shape_cast %max3A_276 : vector<16xf32> to vector<1x16xf32>
      tpu.vector_store %arg9[%swap3A_277, %swap3A_278], %swap3A_281 {strides = array<i32>} : memref<80x128xf32, #tpu.memory_space<vmem>>, vector<1x16xf32>,
      %get3A_282 = arith.index_cast %scan3A_165 : i32 to index
      %get3A_283 = arith.constant 112 : index
      %get3A_284 = tpu.vector_load %arg10[%get3A_282, %get3A_283] {strides = array<i32>} : memref<80x128xf32, #tpu.memory_space<vmem>>, vector<1x16xf32>,
      %get3A_285 = vector.shape_cast %get3A_284 : vector<1x16xf32> to vector<16xf32>
      %get3A_286 = arith.index_cast %scan3A_165 : i32 to index
      %get3A_287 = arith.constant 112 : index
      %get3A_288 = tpu.vector_load %arg9[%get3A_286, %get3A_287] {strides = array<i32>} : memref<80x128xf32, #tpu.memory_space<vmem>>, vector<1x16xf32>,
      %get3A_289 = vector.shape_cast %get3A_288 : vector<1x16xf32> to vector<16xf32>
      %add3A_290 = arith.addf %get3A_285, %get3A_289 : vector<16xf32>
      %max3A_291 = arith.constant 0.000000e+00 : f32
      %max3A_292 = vector.broadcast %max3A_291 : f32 to vector<16xf32>
      %max3A_293 = arith.maximumf %add3A_290, %max3A_292 : vector<16xf32>
      %swap3A_294 = arith.index_cast %scan3A_165 : i32 to index
      %swap3A_295 = arith.constant 112 : index
      %swap3A_296 = tpu.vector_load %arg9[%swap3A_294, %swap3A_295] {strides = array<i32>} : memref<80x128xf32, #tpu.memory_space<vmem>>, vector<1x16xf32>,
      %swap3A_297 = vector.shape_cast %swap3A_296 : vector<1x16xf32> to vector<16xf32>
      %swap3A_298 = vector.shape_cast %max3A_293 : vector<16xf32> to vector<1x16xf32>
      tpu.vector_store %arg9[%swap3A_294, %swap3A_295], %swap3A_298 {strides = array<i32>} : memref<80x128xf32, #tpu.memory_space<vmem>>, vector<1x16xf32>,
      %scan3A_299 = arith.constant 1 : i32
      %scan3A_300 = arith.addi %scan3A_165, %scan3A_299 : i32
      %get3A_301 = arith.index_cast %scan3A_300 : i32 to index
      %get3A_302 = arith.constant 0 : index
      %get3A_303 = tpu.vector_load %arg10[%get3A_301, %get3A_302] {strides = array<i32>} : memref<80x128xf32, #tpu.memory_space<vmem>>, vector<1x16xf32>,
      %get3A_304 = vector.shape_cast %get3A_303 : vector<1x16xf32> to vector<16xf32>
      %get3A_305 = arith.index_cast %scan3A_300 : i32 to index
      %get3A_306 = arith.constant 0 : index
      %get3A_307 = tpu.vector_load %arg9[%get3A_305, %get3A_306] {strides = array<i32>} : memref<80x128xf32, #tpu.memory_space<vmem>>, vector<1x16xf32>,
      %get3A_308 = vector.shape_cast %get3A_307 : vector<1x16xf32> to vector<16xf32>
      %add3A_309 = arith.addf %get3A_304, %get3A_308 : vector<16xf32>
      %max3A_310 = arith.constant 0.000000e+00 : f32
      %max3A_311 = vector.broadcast %max3A_310 : f32 to vector<16xf32>
      %max3A_312 = arith.maximumf %add3A_309, %max3A_311 : vector<16xf32>
      %swap3A_313 = arith.index_cast %scan3A_300 : i32 to index
      %swap3A_314 = arith.constant 0 : index
      %swap3A_315 = tpu.vector_load %arg9[%swap3A_313, %swap3A_314] {strides = array<i32>} : memref<80x128xf32, #tpu.memory_space<vmem>>, vector<1x16xf32>,
      %swap3A_316 = vector.shape_cast %swap3A_315 : vector<1x16xf32> to vector<16xf32>
      %swap3A_317 = vector.shape_cast %max3A_312 : vector<16xf32> to vector<1x16xf32>
      tpu.vector_store %arg9[%swap3A_313, %swap3A_314], %swap3A_317 {strides = array<i32>} : memref<80x128xf32, #tpu.memory_space<vmem>>, vector<1x16xf32>,
      %get3A_318 = arith.index_cast %scan3A_300 : i32 to index
      %get3A_319 = arith.constant 16 : index
      %get3A_320 = tpu.vector_load %arg10[%get3A_318, %get3A_319] {strides = array<i32>} : memref<80x128xf32, #tpu.memory_space<vmem>>, vector<1x16xf32>,
      %get3A_321 = vector.shape_cast %get3A_320 : vector<1x16xf32> to vector<16xf32>
      %get3A_322 = arith.index_cast %scan3A_300 : i32 to index
      %get3A_323 = arith.constant 16 : index
      %get3A_324 = tpu.vector_load %arg9[%get3A_322, %get3A_323] {strides = array<i32>} : memref<80x128xf32, #tpu.memory_space<vmem>>, vector<1x16xf32>,
      %get3A_325 = vector.shape_cast %get3A_324 : vector<1x16xf32> to vector<16xf32>
      %add3A_326 = arith.addf %get3A_321, %get3A_325 : vector<16xf32>
      %max3A_327 = arith.constant 0.000000e+00 : f32
      %max3A_328 = vector.broadcast %max3A_327 : f32 to vector<16xf32>
      %max3A_329 = arith.maximumf %add3A_326, %max3A_328 : vector<16xf32>
      %swap3A_330 = arith.index_cast %scan3A_300 : i32 to index
      %swap3A_331 = arith.constant 16 : index
      %swap3A_332 = tpu.vector_load %arg9[%swap3A_330, %swap3A_331] {strides = array<i32>} : memref<80x128xf32, #tpu.memory_space<vmem>>, vector<1x16xf32>,
      %swap3A_333 = vector.shape_cast %swap3A_332 : vector<1x16xf32> to vector<16xf32>
      %swap3A_334 = vector.shape_cast %max3A_329 : vector<16xf32> to vector<1x16xf32>
      tpu.vector_store %arg9[%swap3A_330, %swap3A_331], %swap3A_334 {strides = array<i32>} : memref<80x128xf32, #tpu.memory_space<vmem>>, vector<1x16xf32>,
      %get3A_335 = arith.index_cast %scan3A_300 : i32 to index
      %get3A_336 = arith.constant 32 : index
      %get3A_337 = tpu.vector_load %arg10[%get3A_335, %get3A_336] {strides = array<i32>} : memref<80x128xf32, #tpu.memory_space<vmem>>, vector<1x16xf32>,
      %get3A_338 = vector.shape_cast %get3A_337 : vector<1x16xf32> to vector<16xf32>
      %get3A_339 = arith.index_cast %scan3A_300 : i32 to index
      %get3A_340 = arith.constant 32 : index
      %get3A_341 = tpu.vector_load %arg9[%get3A_339, %get3A_340] {strides = array<i32>} : memref<80x128xf32, #tpu.memory_space<vmem>>, vector<1x16xf32>,
      %get3A_342 = vector.shape_cast %get3A_341 : vector<1x16xf32> to vector<16xf32>
      %add3A_343 = arith.addf %get3A_338, %get3A_342 : vector<16xf32>
      %max3A_344 = arith.constant 0.000000e+00 : f32
      %max3A_345 = vector.broadcast %max3A_344 : f32 to vector<16xf32>
      %max3A_346 = arith.maximumf %add3A_343, %max3A_345 : vector<16xf32>
      %swap3A_347 = arith.index_cast %scan3A_300 : i32 to index
      %swap3A_348 = arith.constant 32 : index
      %swap3A_349 = tpu.vector_load %arg9[%swap3A_347, %swap3A_348] {strides = array<i32>} : memref<80x128xf32, #tpu.memory_space<vmem>>, vector<1x16xf32>,
      %swap3A_350 = vector.shape_cast %swap3A_349 : vector<1x16xf32> to vector<16xf32>
      %swap3A_351 = vector.shape_cast %max3A_346 : vector<16xf32> to vector<1x16xf32>
      tpu.vector_store %arg9[%swap3A_347, %swap3A_348], %swap3A_351 {strides = array<i32>} : memref<80x128xf32, #tpu.memory_space<vmem>>, vector<1x16xf32>,
      %get3A_352 = arith.index_cast %scan3A_300 : i32 to index
      %get3A_353 = arith.constant 48 : index
      %get3A_354 = tpu.vector_load %arg10[%get3A_352, %get3A_353] {strides = array<i32>} : memref<80x128xf32, #tpu.memory_space<vmem>>, vector<1x16xf32>,
      %get3A_355 = vector.shape_cast %get3A_354 : vector<1x16xf32> to vector<16xf32>
      %get3A_356 = arith.index_cast %scan3A_300 : i32 to index
      %get3A_357 = arith.constant 48 : index
      %get3A_358 = tpu.vector_load %arg9[%get3A_356, %get3A_357] {strides = array<i32>} : memref<80x128xf32, #tpu.memory_space<vmem>>, vector<1x16xf32>,
      %get3A_359 = vector.shape_cast %get3A_358 : vector<1x16xf32> to vector<16xf32>
      %add3A_360 = arith.addf %get3A_355, %get3A_359 : vector<16xf32>
      %max3A_361 = arith.constant 0.000000e+00 : f32
      %max3A_362 = vector.broadcast %max3A_361 : f32 to vector<16xf32>
      %max3A_363 = arith.maximumf %add3A_360, %max3A_362 : vector<16xf32>
      %swap3A_364 = arith.index_cast %scan3A_300 : i32 to index
      %swap3A_365 = arith.constant 48 : index
      %swap3A_366 = tpu.vector_load %arg9[%swap3A_364, %swap3A_365] {strides = array<i32>} : memref<80x128xf32, #tpu.memory_space<vmem>>, vector<1x16xf32>,
      %swap3A_367 = vector.shape_cast %swap3A_366 : vector<1x16xf32> to vector<16xf32>
      %swap3A_368 = vector.shape_cast %max3A_363 : vector<16xf32> to vector<1x16xf32>
      tpu.vector_store %arg9[%swap3A_364, %swap3A_365], %swap3A_368 {strides = array<i32>} : memref<80x128xf32, #tpu.memory_space<vmem>>, vector<1x16xf32>,
      %get3A_369 = arith.index_cast %scan3A_300 : i32 to index
      %get3A_370 = arith.constant 64 : index
      %get3A_371 = tpu.vector_load %arg10[%get3A_369, %get3A_370] {strides = array<i32>} : memref<80x128xf32, #tpu.memory_space<vmem>>, vector<1x16xf32>,
      %get3A_372 = vector.shape_cast %get3A_371 : vector<1x16xf32> to vector<16xf32>
      %get3A_373 = arith.index_cast %scan3A_300 : i32 to index
      %get3A_374 = arith.constant 64 : index
      %get3A_375 = tpu.vector_load %arg9[%get3A_373, %get3A_374] {strides = array<i32>} : memref<80x128xf32, #tpu.memory_space<vmem>>, vector<1x16xf32>,
      %get3A_376 = vector.shape_cast %get3A_375 : vector<1x16xf32> to vector<16xf32>
      %add3A_377 = arith.addf %get3A_372, %get3A_376 : vector<16xf32>
      %max3A_378 = arith.constant 0.000000e+00 : f32
      %max3A_379 = vector.broadcast %max3A_378 : f32 to vector<16xf32>
      %max3A_380 = arith.maximumf %add3A_377, %max3A_379 : vector<16xf32>
      %swap3A_381 = arith.index_cast %scan3A_300 : i32 to index
      %swap3A_382 = arith.constant 64 : index
      %swap3A_383 = tpu.vector_load %arg9[%swap3A_381, %swap3A_382] {strides = array<i32>} : memref<80x128xf32, #tpu.memory_space<vmem>>, vector<1x16xf32>,
      %swap3A_384 = vector.shape_cast %swap3A_383 : vector<1x16xf32> to vector<16xf32>
      %swap3A_385 = vector.shape_cast %max3A_380 : vector<16xf32> to vector<1x16xf32>
      tpu.vector_store %arg9[%swap3A_381, %swap3A_382], %swap3A_385 {strides = array<i32>} : memref<80x128xf32, #tpu.memory_space<vmem>>, vector<1x16xf32>,
      %get3A_386 = arith.index_cast %scan3A_300 : i32 to index
      %get3A_387 = arith.constant 80 : index
      %get3A_388 = tpu.vector_load %arg10[%get3A_386, %get3A_387] {strides = array<i32>} : memref<80x128xf32, #tpu.memory_space<vmem>>, vector<1x16xf32>,
      %get3A_389 = vector.shape_cast %get3A_388 : vector<1x16xf32> to vector<16xf32>
      %get3A_390 = arith.index_cast %scan3A_300 : i32 to index
      %get3A_391 = arith.constant 80 : index
      %get3A_392 = tpu.vector_load %arg9[%get3A_390, %get3A_391] {strides = array<i32>} : memref<80x128xf32, #tpu.memory_space<vmem>>, vector<1x16xf32>,
      %get3A_393 = vector.shape_cast %get3A_392 : vector<1x16xf32> to vector<16xf32>
      %add3A_394 = arith.addf %get3A_389, %get3A_393 : vector<16xf32>
      %max3A_395 = arith.constant 0.000000e+00 : f32
      %max3A_396 = vector.broadcast %max3A_395 : f32 to vector<16xf32>
      %max3A_397 = arith.maximumf %add3A_394, %max3A_396 : vector<16xf32>
      %swap3A_398 = arith.index_cast %scan3A_300 : i32 to index
      %swap3A_399 = arith.constant 80 : index
      %swap3A_400 = tpu.vector_load %arg9[%swap3A_398, %swap3A_399] {strides = array<i32>} : memref<80x128xf32, #tpu.memory_space<vmem>>, vector<1x16xf32>,
      %swap3A_401 = vector.shape_cast %swap3A_400 : vector<1x16xf32> to vector<16xf32>
      %swap3A_402 = vector.shape_cast %max3A_397 : vector<16xf32> to vector<1x16xf32>
      tpu.vector_store %arg9[%swap3A_398, %swap3A_399], %swap3A_402 {strides = array<i32>} : memref<80x128xf32, #tpu.memory_space<vmem>>, vector<1x16xf32>,
      %get3A_403 = arith.index_cast %scan3A_300 : i32 to index
      %get3A_404 = arith.constant 96 : index
      %get3A_405 = tpu.vector_load %arg10[%get3A_403, %get3A_404] {strides = array<i32>} : memref<80x128xf32, #tpu.memory_space<vmem>>, vector<1x16xf32>,
      %get3A_406 = vector.shape_cast %get3A_405 : vector<1x16xf32> to vector<16xf32>
      %get3A_407 = arith.index_cast %scan3A_300 : i32 to index
      %get3A_408 = arith.constant 96 : index
      %get3A_409 = tpu.vector_load %arg9[%get3A_407, %get3A_408] {strides = array<i32>} : memref<80x128xf32, #tpu.memory_space<vmem>>, vector<1x16xf32>,
      %get3A_410 = vector.shape_cast %get3A_409 : vector<1x16xf32> to vector<16xf32>
      %add3A_411 = arith.addf %get3A_406, %get3A_410 : vector<16xf32>
      %max3A_412 = arith.constant 0.000000e+00 : f32
      %max3A_413 = vector.broadcast %max3A_412 : f32 to vector<16xf32>
      %max3A_414 = arith.maximumf %add3A_411, %max3A_413 : vector<16xf32>
      %swap3A_415 = arith.index_cast %scan3A_300 : i32 to index
      %swap3A_416 = arith.constant 96 : index
      %swap3A_417 = tpu.vector_load %arg9[%swap3A_415, %swap3A_416] {strides = array<i32>} : memref<80x128xf32, #tpu.memory_space<vmem>>, vector<1x16xf32>,
      %swap3A_418 = vector.shape_cast %swap3A_417 : vector<1x16xf32> to vector<16xf32>
      %swap3A_419 = vector.shape_cast %max3A_414 : vector<16xf32> to vector<1x16xf32>
      tpu.vector_store %arg9[%swap3A_415, %swap3A_416], %swap3A_419 {strides = array<i32>} : memref<80x128xf32, #tpu.memory_space<vmem>>, vector<1x16xf32>,
      %get3A_420 = arith.index_cast %scan3A_300 : i32 to index
      %get3A_421 = arith.constant 112 : index
      %get3A_422 = tpu.vector_load %arg10[%get3A_420, %get3A_421] {strides = array<i32>} : memref<80x128xf32, #tpu.memory_space<vmem>>, vector<1x16xf32>,
      %get3A_423 = vector.shape_cast %get3A_422 : vector<1x16xf32> to vector<16xf32>
      %get3A_424 = arith.index_cast %scan3A_300 : i32 to index
      %get3A_425 = arith.constant 112 : index
      %get3A_426 = tpu.vector_load %arg9[%get3A_424, %get3A_425] {strides = array<i32>} : memref<80x128xf32, #tpu.memory_space<vmem>>, vector<1x16xf32>,
      %get3A_427 = vector.shape_cast %get3A_426 : vector<1x16xf32> to vector<16xf32>
      %add3A_428 = arith.addf %get3A_423, %get3A_427 : vector<16xf32>
      %max3A_429 = arith.constant 0.000000e+00 : f32
      %max3A_430 = vector.broadcast %max3A_429 : f32 to vector<16xf32>
      %max3A_431 = arith.maximumf %add3A_428, %max3A_430 : vector<16xf32>
      %swap3A_432 = arith.index_cast %scan3A_300 : i32 to index
      %swap3A_433 = arith.constant 112 : index
      %swap3A_434 = tpu.vector_load %arg9[%swap3A_432, %swap3A_433] {strides = array<i32>} : memref<80x128xf32, #tpu.memory_space<vmem>>, vector<1x16xf32>,
      %swap3A_435 = vector.shape_cast %swap3A_434 : vector<1x16xf32> to vector<16xf32>
      %swap3A_436 = vector.shape_cast %max3A_431 : vector<16xf32> to vector<1x16xf32>
      tpu.vector_store %arg9[%swap3A_432, %swap3A_433], %swap3A_436 {strides = array<i32>} : memref<80x128xf32, #tpu.memory_space<vmem>>, vector<1x16xf32>,
    }
    %scan3A_101 = arith.constant 80 : i32
    %dma_start3A_102 = arith.constant 0 : i32
    %dma_start3A_103 = arith.constant 0 : i32
    %dma_start3A_104 = tpu.memref_slice %arg15[%dma_start3A_102, %dma_start3A_103] : memref<10000x128xf32, #tpu.memory_space<vmem_shared>> -> memref<10000x128xf32, #tpu.memory_space<vmem_shared>>
    tpu.enqueue_indirect_dma source(%arg9 : memref<80x128xf32, #tpu.memory_space<vmem>>) target(%dma_start3A_104 : memref<10000x128xf32, #tpu.memory_space<vmem_shared>>) offsets(%arg8 : memref<80xi32, #tpu.memory_space<vmem>>) semaphore(%arg19 : memref<!tpu.dma_semaphore, #tpu.memory_space<semaphore_mem>>) {add = true}
    %dma_wait3A_105 = arith.constant 0 : i32
    %dma_wait3A_106 = arith.constant 0 : i32
    %dma_wait3A_107 = tpu.memref_slice %arg15[%dma_wait3A_105, %dma_wait3A_106] : memref<10000x128xf32, #tpu.memory_space<vmem_shared>> -> memref<10000x128xf32, #tpu.memory_space<vmem_shared>>
    tpu.wait_indirect_dma semaphore(%arg19 : memref<!tpu.dma_semaphore, #tpu.memory_space<semaphore_mem>>) src(%arg9 : memref<80x128xf32, #tpu.memory_space<vmem>>) dst(%dma_wait3A_107 : memref<10000x128xf32, #tpu.memory_space<vmem_shared>>)
    %barrier3A_108 = arith.constant 0 : index
    tpu.barrier barrier_id(%barrier3A_108)
    %add3A_109 = arith.constant 0 : i32
    %add3A_110 = arith.addi %arg1, %add3A_109 : i32
    %lt3A_111 = arith.constant 125 : i32
    %lt3A_112 = arith.cmpi slt, %add3A_110, %lt3A_111 : i32
    %convert_element_type3A_113 = arith.extui %lt3A_112 : i1 to i32
    %cond3A_114 = arith.constant 0 : i32
    %cond3A_115 = arith.cmpi ne, %convert_element_type3A_113, %cond3A_114 : i32
    scf.if %cond3A_115 {
      %mul3A_165 = arith.constant 80 : i32
      %mul3A_166 = arith.muli %add3A_110, %mul3A_165 : i32
      "tpu.region"() ({
        %run_scoped3A = tpu.sem_alloc : memref<!tpu.dma_semaphore, #tpu.memory_space<semaphore_mem>>
        %dma_start3A_172 = arith.constant 0 : i32
        %dma_start3A_173 = tpu.memref_slice %arg15[%mul3A_166, %dma_start3A_172] : memref<10000x128xf32, #tpu.memory_space<vmem_shared>> -> memref<80x128xf32, #tpu.memory_space<vmem_shared>>
        %dma_start3A_174 = arith.constant 0 : i32
        %dma_start3A_175 = tpu.memref_slice %arg15[%mul3A_166, %dma_start3A_174] : memref<10000x128xf32, #tpu.memory_space<vmem_shared>> -> memref<80x128xf32, #tpu.memory_space<vmem_shared>>
        tpu.enqueue_dma source(%dma_start3A_175 : memref<80x128xf32, #tpu.memory_space<vmem_shared>>) target(%arg10 : memref<80x128xf32, #tpu.memory_space<vmem>>) target_semaphore(%run_scoped3A : memref<!tpu.dma_semaphore, #tpu.memory_space<semaphore_mem>>)
        %dma_wait3A_176 = arith.constant 0 : i32
        %dma_wait3A_177 = tpu.memref_slice %arg15[%mul3A_166, %dma_wait3A_176] : memref<10000x128xf32, #tpu.memory_space<vmem_shared>> -> memref<80x128xf32, #tpu.memory_space<vmem_shared>>
        %dma_wait3A_178 = arith.constant 0 : i32
        %dma_wait3A_179 = tpu.memref_slice %arg15[%mul3A_166, %dma_wait3A_178] : memref<10000x128xf32, #tpu.memory_space<vmem_shared>> -> memref<80x128xf32, #tpu.memory_space<vmem_shared>>
        tpu.wait_dma2 semaphore(%run_scoped3A : memref<!tpu.dma_semaphore, #tpu.memory_space<semaphore_mem>>) src(%dma_wait3A_179 : memref<80x128xf32, #tpu.memory_space<vmem_shared>>) dst(%arg10 : memref<80x128xf32, #tpu.memory_space<vmem>>)
        tpu.yield
      }) : () -> ()
      %mul3A_167 = arith.constant 10000 : i32
      %mul3A_168 = arith.muli %arg0, %mul3A_167 : i32
      %mul3A_169 = arith.constant 80 : i32
      %mul3A_170 = arith.muli %add3A_110, %mul3A_169 : i32
      %add3A_171 = arith.addi %mul3A_168, %mul3A_170 : i32
      "tpu.region"() ({
        %run_scoped3A = tpu.sem_alloc : memref<!tpu.dma_semaphore, #tpu.memory_space<semaphore_mem>>
        %dma_start3A_172 = arith.constant 0 : i32
        %dma_start3A_173 = tpu.memref_slice %arg6[%add3A_171, %dma_start3A_172] : memref<20000x128xf32, #tpu.memory_space<hbm>> -> memref<80x128xf32, #tpu.memory_space<hbm>>
        %dma_start3A_174 = arith.constant 0 : i32
        %dma_start3A_175 = tpu.memref_slice %arg6[%add3A_171, %dma_start3A_174] : memref<20000x128xf32, #tpu.memory_space<hbm>> -> memref<80x128xf32, #tpu.memory_space<hbm>>
        tpu.enqueue_dma source(%arg10 : memref<80x128xf32, #tpu.memory_space<vmem>>) target(%dma_start3A_175 : memref<80x128xf32, #tpu.memory_space<hbm>>) target_semaphore(%run_scoped3A : memref<!tpu.dma_semaphore, #tpu.memory_space<semaphore_mem>>)
        %dma_wait3A_176 = arith.constant 0 : i32
        %dma_wait3A_177 = tpu.memref_slice %arg6[%add3A_171, %dma_wait3A_176] : memref<20000x128xf32, #tpu.memory_space<hbm>> -> memref<80x128xf32, #tpu.memory_space<hbm>>
        %dma_wait3A_178 = arith.constant 0 : i32
        %dma_wait3A_179 = tpu.memref_slice %arg6[%add3A_171, %dma_wait3A_178] : memref<20000x128xf32, #tpu.memory_space<hbm>> -> memref<80x128xf32, #tpu.memory_space<hbm>>
        tpu.wait_dma2 semaphore(%run_scoped3A : memref<!tpu.dma_semaphore, #tpu.memory_space<semaphore_mem>>) src(%arg10 : memref<80x128xf32, #tpu.memory_space<vmem>>) dst(%dma_wait3A_179 : memref<80x128xf32, #tpu.memory_space<hbm>>)
        tpu.yield
      }) : () -> ()
    } else {
    }
    %add3A_116 = arith.constant 16 : i32
    %add3A_117 = arith.addi %arg1, %add3A_116 : i32
    %lt3A_118 = arith.constant 125 : i32
    %lt3A_119 = arith.cmpi slt, %add3A_117, %lt3A_118 : i32
    %convert_element_type3A_120 = arith.extui %lt3A_119 : i1 to i32
    %cond3A_121 = arith.constant 0 : i32
    %cond3A_122 = arith.cmpi ne, %convert_element_type3A_120, %cond3A_121 : i32
    scf.if %cond3A_122 {
      %mul3A_165 = arith.constant 80 : i32
      %mul3A_166 = arith.muli %add3A_117, %mul3A_165 : i32
      "tpu.region"() ({
        %run_scoped3A = tpu.sem_alloc : memref<!tpu.dma_semaphore, #tpu.memory_space<semaphore_mem>>
        %dma_start3A_172 = arith.constant 0 : i32
        %dma_start3A_173 = tpu.memref_slice %arg15[%mul3A_166, %dma_start3A_172] : memref<10000x128xf32, #tpu.memory_space<vmem_shared>> -> memref<80x128xf32, #tpu.memory_space<vmem_shared>>
        %dma_start3A_174 = arith.constant 0 : i32
        %dma_start3A_175 = tpu.memref_slice %arg15[%mul3A_166, %dma_start3A_174] : memref<10000x128xf32, #tpu.memory_space<vmem_shared>> -> memref<80x128xf32, #tpu.memory_space<vmem_shared>>
        tpu.enqueue_dma source(%dma_start3A_175 : memref<80x128xf32, #tpu.memory_space<vmem_shared>>) target(%arg10 : memref<80x128xf32, #tpu.memory_space<vmem>>) target_semaphore(%run_scoped3A : memref<!tpu.dma_semaphore, #tpu.memory_space<semaphore_mem>>)
        %dma_wait3A_176 = arith.constant 0 : i32
        %dma_wait3A_177 = tpu.memref_slice %arg15[%mul3A_166, %dma_wait3A_176] : memref<10000x128xf32, #tpu.memory_space<vmem_shared>> -> memref<80x128xf32, #tpu.memory_space<vmem_shared>>
        %dma_wait3A_178 = arith.constant 0 : i32
        %dma_wait3A_179 = tpu.memref_slice %arg15[%mul3A_166, %dma_wait3A_178] : memref<10000x128xf32, #tpu.memory_space<vmem_shared>> -> memref<80x128xf32, #tpu.memory_space<vmem_shared>>
        tpu.wait_dma2 semaphore(%run_scoped3A : memref<!tpu.dma_semaphore, #tpu.memory_space<semaphore_mem>>) src(%dma_wait3A_179 : memref<80x128xf32, #tpu.memory_space<vmem_shared>>) dst(%arg10 : memref<80x128xf32, #tpu.memory_space<vmem>>)
        tpu.yield
      }) : () -> ()
      %mul3A_167 = arith.constant 10000 : i32
      %mul3A_168 = arith.muli %arg0, %mul3A_167 : i32
      %mul3A_169 = arith.constant 80 : i32
      %mul3A_170 = arith.muli %add3A_117, %mul3A_169 : i32
      %add3A_171 = arith.addi %mul3A_168, %mul3A_170 : i32
      "tpu.region"() ({
        %run_scoped3A = tpu.sem_alloc : memref<!tpu.dma_semaphore, #tpu.memory_space<semaphore_mem>>
        %dma_start3A_172 = arith.constant 0 : i32
        %dma_start3A_173 = tpu.memref_slice %arg6[%add3A_171, %dma_start3A_172] : memref<20000x128xf32, #tpu.memory_space<hbm>> -> memref<80x128xf32, #tpu.memory_space<hbm>>
        %dma_start3A_174 = arith.constant 0 : i32
        %dma_start3A_175 = tpu.memref_slice %arg6[%add3A_171, %dma_start3A_174] : memref<20000x128xf32, #tpu.memory_space<hbm>> -> memref<80x128xf32, #tpu.memory_space<hbm>>
        tpu.enqueue_dma source(%arg10 : memref<80x128xf32, #tpu.memory_space<vmem>>) target(%dma_start3A_175 : memref<80x128xf32, #tpu.memory_space<hbm>>) target_semaphore(%run_scoped3A : memref<!tpu.dma_semaphore, #tpu.memory_space<semaphore_mem>>)
        %dma_wait3A_176 = arith.constant 0 : i32
        %dma_wait3A_177 = tpu.memref_slice %arg6[%add3A_171, %dma_wait3A_176] : memref<20000x128xf32, #tpu.memory_space<hbm>> -> memref<80x128xf32, #tpu.memory_space<hbm>>
        %dma_wait3A_178 = arith.constant 0 : i32
        %dma_wait3A_179 = tpu.memref_slice %arg6[%add3A_171, %dma_wait3A_178] : memref<20000x128xf32, #tpu.memory_space<hbm>> -> memref<80x128xf32, #tpu.memory_space<hbm>>
        tpu.wait_dma2 semaphore(%run_scoped3A : memref<!tpu.dma_semaphore, #tpu.memory_space<semaphore_mem>>) src(%arg10 : memref<80x128xf32, #tpu.memory_space<vmem>>) dst(%dma_wait3A_179 : memref<80x128xf32, #tpu.memory_space<hbm>>)
        tpu.yield
      }) : () -> ()
    } else {
    }
    %add3A_123 = arith.constant 32 : i32
    %add3A_124 = arith.addi %arg1, %add3A_123 : i32
    %lt3A_125 = arith.constant 125 : i32
    %lt3A_126 = arith.cmpi slt, %add3A_124, %lt3A_125 : i32
    %convert_element_type3A_127 = arith.extui %lt3A_126 : i1 to i32
    %cond3A_128 = arith.constant 0 : i32
    %cond3A_129 = arith.cmpi ne, %convert_element_type3A_127, %cond3A_128 : i32
    scf.if %cond3A_129 {
      %mul3A_165 = arith.constant 80 : i32
      %mul3A_166 = arith.muli %add3A_124, %mul3A_165 : i32
      "tpu.region"() ({
        %run_scoped3A = tpu.sem_alloc : memref<!tpu.dma_semaphore, #tpu.memory_space<semaphore_mem>>
        %dma_start3A_172 = arith.constant 0 : i32
        %dma_start3A_173 = tpu.memref_slice %arg15[%mul3A_166, %dma_start3A_172] : memref<10000x128xf32, #tpu.memory_space<vmem_shared>> -> memref<80x128xf32, #tpu.memory_space<vmem_shared>>
        %dma_start3A_174 = arith.constant 0 : i32
        %dma_start3A_175 = tpu.memref_slice %arg15[%mul3A_166, %dma_start3A_174] : memref<10000x128xf32, #tpu.memory_space<vmem_shared>> -> memref<80x128xf32, #tpu.memory_space<vmem_shared>>
        tpu.enqueue_dma source(%dma_start3A_175 : memref<80x128xf32, #tpu.memory_space<vmem_shared>>) target(%arg10 : memref<80x128xf32, #tpu.memory_space<vmem>>) target_semaphore(%run_scoped3A : memref<!tpu.dma_semaphore, #tpu.memory_space<semaphore_mem>>)
        %dma_wait3A_176 = arith.constant 0 : i32
        %dma_wait3A_177 = tpu.memref_slice %arg15[%mul3A_166, %dma_wait3A_176] : memref<10000x128xf32, #tpu.memory_space<vmem_shared>> -> memref<80x128xf32, #tpu.memory_space<vmem_shared>>
        %dma_wait3A_178 = arith.constant 0 : i32
        %dma_wait3A_179 = tpu.memref_slice %arg15[%mul3A_166, %dma_wait3A_178] : memref<10000x128xf32, #tpu.memory_space<vmem_shared>> -> memref<80x128xf32, #tpu.memory_space<vmem_shared>>
        tpu.wait_dma2 semaphore(%run_scoped3A : memref<!tpu.dma_semaphore, #tpu.memory_space<semaphore_mem>>) src(%dma_wait3A_179 : memref<80x128xf32, #tpu.memory_space<vmem_shared>>) dst(%arg10 : memref<80x128xf32, #tpu.memory_space<vmem>>)
        tpu.yield
      }) : () -> ()
      %mul3A_167 = arith.constant 10000 : i32
      %mul3A_168 = arith.muli %arg0, %mul3A_167 : i32
      %mul3A_169 = arith.constant 80 : i32
      %mul3A_170 = arith.muli %add3A_124, %mul3A_169 : i32
      %add3A_171 = arith.addi %mul3A_168, %mul3A_170 : i32
      "tpu.region"() ({
        %run_scoped3A = tpu.sem_alloc : memref<!tpu.dma_semaphore, #tpu.memory_space<semaphore_mem>>
        %dma_start3A_172 = arith.constant 0 : i32
        %dma_start3A_173 = tpu.memref_slice %arg6[%add3A_171, %dma_start3A_172] : memref<20000x128xf32, #tpu.memory_space<hbm>> -> memref<80x128xf32, #tpu.memory_space<hbm>>
        %dma_start3A_174 = arith.constant 0 : i32
        %dma_start3A_175 = tpu.memref_slice %arg6[%add3A_171, %dma_start3A_174] : memref<20000x128xf32, #tpu.memory_space<hbm>> -> memref<80x128xf32, #tpu.memory_space<hbm>>
        tpu.enqueue_dma source(%arg10 : memref<80x128xf32, #tpu.memory_space<vmem>>) target(%dma_start3A_175 : memref<80x128xf32, #tpu.memory_space<hbm>>) target_semaphore(%run_scoped3A : memref<!tpu.dma_semaphore, #tpu.memory_space<semaphore_mem>>)
        %dma_wait3A_176 = arith.constant 0 : i32
        %dma_wait3A_177 = tpu.memref_slice %arg6[%add3A_171, %dma_wait3A_176] : memref<20000x128xf32, #tpu.memory_space<hbm>> -> memref<80x128xf32, #tpu.memory_space<hbm>>
        %dma_wait3A_178 = arith.constant 0 : i32
        %dma_wait3A_179 = tpu.memref_slice %arg6[%add3A_171, %dma_wait3A_178] : memref<20000x128xf32, #tpu.memory_space<hbm>> -> memref<80x128xf32, #tpu.memory_space<hbm>>
        tpu.wait_dma2 semaphore(%run_scoped3A : memref<!tpu.dma_semaphore, #tpu.memory_space<semaphore_mem>>) src(%arg10 : memref<80x128xf32, #tpu.memory_space<vmem>>) dst(%dma_wait3A_179 : memref<80x128xf32, #tpu.memory_space<hbm>>)
        tpu.yield
      }) : () -> ()
    } else {
    }
    %add3A_130 = arith.constant 48 : i32
    %add3A_131 = arith.addi %arg1, %add3A_130 : i32
    %lt3A_132 = arith.constant 125 : i32
    %lt3A_133 = arith.cmpi slt, %add3A_131, %lt3A_132 : i32
    %convert_element_type3A_134 = arith.extui %lt3A_133 : i1 to i32
    %cond3A_135 = arith.constant 0 : i32
    %cond3A_136 = arith.cmpi ne, %convert_element_type3A_134, %cond3A_135 : i32
    scf.if %cond3A_136 {
      %mul3A_165 = arith.constant 80 : i32
      %mul3A_166 = arith.muli %add3A_131, %mul3A_165 : i32
      "tpu.region"() ({
        %run_scoped3A = tpu.sem_alloc : memref<!tpu.dma_semaphore, #tpu.memory_space<semaphore_mem>>
        %dma_start3A_172 = arith.constant 0 : i32
        %dma_start3A_173 = tpu.memref_slice %arg15[%mul3A_166, %dma_start3A_172] : memref<10000x128xf32, #tpu.memory_space<vmem_shared>> -> memref<80x128xf32, #tpu.memory_space<vmem_shared>>
        %dma_start3A_174 = arith.constant 0 : i32
        %dma_start3A_175 = tpu.memref_slice %arg15[%mul3A_166, %dma_start3A_174] : memref<10000x128xf32, #tpu.memory_space<vmem_shared>> -> memref<80x128xf32, #tpu.memory_space<vmem_shared>>
        tpu.enqueue_dma source(%dma_start3A_175 : memref<80x128xf32, #tpu.memory_space<vmem_shared>>) target(%arg10 : memref<80x128xf32, #tpu.memory_space<vmem>>) target_semaphore(%run_scoped3A : memref<!tpu.dma_semaphore, #tpu.memory_space<semaphore_mem>>)
        %dma_wait3A_176 = arith.constant 0 : i32
        %dma_wait3A_177 = tpu.memref_slice %arg15[%mul3A_166, %dma_wait3A_176] : memref<10000x128xf32, #tpu.memory_space<vmem_shared>> -> memref<80x128xf32, #tpu.memory_space<vmem_shared>>
        %dma_wait3A_178 = arith.constant 0 : i32
        %dma_wait3A_179 = tpu.memref_slice %arg15[%mul3A_166, %dma_wait3A_178] : memref<10000x128xf32, #tpu.memory_space<vmem_shared>> -> memref<80x128xf32, #tpu.memory_space<vmem_shared>>
        tpu.wait_dma2 semaphore(%run_scoped3A : memref<!tpu.dma_semaphore, #tpu.memory_space<semaphore_mem>>) src(%dma_wait3A_179 : memref<80x128xf32, #tpu.memory_space<vmem_shared>>) dst(%arg10 : memref<80x128xf32, #tpu.memory_space<vmem>>)
        tpu.yield
      }) : () -> ()
      %mul3A_167 = arith.constant 10000 : i32
      %mul3A_168 = arith.muli %arg0, %mul3A_167 : i32
      %mul3A_169 = arith.constant 80 : i32
      %mul3A_170 = arith.muli %add3A_131, %mul3A_169 : i32
      %add3A_171 = arith.addi %mul3A_168, %mul3A_170 : i32
      "tpu.region"() ({
        %run_scoped3A = tpu.sem_alloc : memref<!tpu.dma_semaphore, #tpu.memory_space<semaphore_mem>>
        %dma_start3A_172 = arith.constant 0 : i32
        %dma_start3A_173 = tpu.memref_slice %arg6[%add3A_171, %dma_start3A_172] : memref<20000x128xf32, #tpu.memory_space<hbm>> -> memref<80x128xf32, #tpu.memory_space<hbm>>
        %dma_start3A_174 = arith.constant 0 : i32
        %dma_start3A_175 = tpu.memref_slice %arg6[%add3A_171, %dma_start3A_174] : memref<20000x128xf32, #tpu.memory_space<hbm>> -> memref<80x128xf32, #tpu.memory_space<hbm>>
        tpu.enqueue_dma source(%arg10 : memref<80x128xf32, #tpu.memory_space<vmem>>) target(%dma_start3A_175 : memref<80x128xf32, #tpu.memory_space<hbm>>) target_semaphore(%run_scoped3A : memref<!tpu.dma_semaphore, #tpu.memory_space<semaphore_mem>>)
        %dma_wait3A_176 = arith.constant 0 : i32
        %dma_wait3A_177 = tpu.memref_slice %arg6[%add3A_171, %dma_wait3A_176] : memref<20000x128xf32, #tpu.memory_space<hbm>> -> memref<80x128xf32, #tpu.memory_space<hbm>>
        %dma_wait3A_178 = arith.constant 0 : i32
        %dma_wait3A_179 = tpu.memref_slice %arg6[%add3A_171, %dma_wait3A_178] : memref<20000x128xf32, #tpu.memory_space<hbm>> -> memref<80x128xf32, #tpu.memory_space<hbm>>
        tpu.wait_dma2 semaphore(%run_scoped3A : memref<!tpu.dma_semaphore, #tpu.memory_space<semaphore_mem>>) src(%arg10 : memref<80x128xf32, #tpu.memory_space<vmem>>) dst(%dma_wait3A_179 : memref<80x128xf32, #tpu.memory_space<hbm>>)
        tpu.yield
      }) : () -> ()
    } else {
    }
    %add3A_137 = arith.constant 64 : i32
    %add3A_138 = arith.addi %arg1, %add3A_137 : i32
    %lt3A_139 = arith.constant 125 : i32
    %lt3A_140 = arith.cmpi slt, %add3A_138, %lt3A_139 : i32
    %convert_element_type3A_141 = arith.extui %lt3A_140 : i1 to i32
    %cond3A_142 = arith.constant 0 : i32
    %cond3A_143 = arith.cmpi ne, %convert_element_type3A_141, %cond3A_142 : i32
    scf.if %cond3A_143 {
      %mul3A_165 = arith.constant 80 : i32
      %mul3A_166 = arith.muli %add3A_138, %mul3A_165 : i32
      "tpu.region"() ({
        %run_scoped3A = tpu.sem_alloc : memref<!tpu.dma_semaphore, #tpu.memory_space<semaphore_mem>>
        %dma_start3A_172 = arith.constant 0 : i32
        %dma_start3A_173 = tpu.memref_slice %arg15[%mul3A_166, %dma_start3A_172] : memref<10000x128xf32, #tpu.memory_space<vmem_shared>> -> memref<80x128xf32, #tpu.memory_space<vmem_shared>>
        %dma_start3A_174 = arith.constant 0 : i32
        %dma_start3A_175 = tpu.memref_slice %arg15[%mul3A_166, %dma_start3A_174] : memref<10000x128xf32, #tpu.memory_space<vmem_shared>> -> memref<80x128xf32, #tpu.memory_space<vmem_shared>>
        tpu.enqueue_dma source(%dma_start3A_175 : memref<80x128xf32, #tpu.memory_space<vmem_shared>>) target(%arg10 : memref<80x128xf32, #tpu.memory_space<vmem>>) target_semaphore(%run_scoped3A : memref<!tpu.dma_semaphore, #tpu.memory_space<semaphore_mem>>)
        %dma_wait3A_176 = arith.constant 0 : i32
        %dma_wait3A_177 = tpu.memref_slice %arg15[%mul3A_166, %dma_wait3A_176] : memref<10000x128xf32, #tpu.memory_space<vmem_shared>> -> memref<80x128xf32, #tpu.memory_space<vmem_shared>>
        %dma_wait3A_178 = arith.constant 0 : i32
        %dma_wait3A_179 = tpu.memref_slice %arg15[%mul3A_166, %dma_wait3A_178] : memref<10000x128xf32, #tpu.memory_space<vmem_shared>> -> memref<80x128xf32, #tpu.memory_space<vmem_shared>>
        tpu.wait_dma2 semaphore(%run_scoped3A : memref<!tpu.dma_semaphore, #tpu.memory_space<semaphore_mem>>) src(%dma_wait3A_179 : memref<80x128xf32, #tpu.memory_space<vmem_shared>>) dst(%arg10 : memref<80x128xf32, #tpu.memory_space<vmem>>)
        tpu.yield
      }) : () -> ()
      %mul3A_167 = arith.constant 10000 : i32
      %mul3A_168 = arith.muli %arg0, %mul3A_167 : i32
      %mul3A_169 = arith.constant 80 : i32
      %mul3A_170 = arith.muli %add3A_138, %mul3A_169 : i32
      %add3A_171 = arith.addi %mul3A_168, %mul3A_170 : i32
      "tpu.region"() ({
        %run_scoped3A = tpu.sem_alloc : memref<!tpu.dma_semaphore, #tpu.memory_space<semaphore_mem>>
        %dma_start3A_172 = arith.constant 0 : i32
        %dma_start3A_173 = tpu.memref_slice %arg6[%add3A_171, %dma_start3A_172] : memref<20000x128xf32, #tpu.memory_space<hbm>> -> memref<80x128xf32, #tpu.memory_space<hbm>>
        %dma_start3A_174 = arith.constant 0 : i32
        %dma_start3A_175 = tpu.memref_slice %arg6[%add3A_171, %dma_start3A_174] : memref<20000x128xf32, #tpu.memory_space<hbm>> -> memref<80x128xf32, #tpu.memory_space<hbm>>
        tpu.enqueue_dma source(%arg10 : memref<80x128xf32, #tpu.memory_space<vmem>>) target(%dma_start3A_175 : memref<80x128xf32, #tpu.memory_space<hbm>>) target_semaphore(%run_scoped3A : memref<!tpu.dma_semaphore, #tpu.memory_space<semaphore_mem>>)
        %dma_wait3A_176 = arith.constant 0 : i32
        %dma_wait3A_177 = tpu.memref_slice %arg6[%add3A_171, %dma_wait3A_176] : memref<20000x128xf32, #tpu.memory_space<hbm>> -> memref<80x128xf32, #tpu.memory_space<hbm>>
        %dma_wait3A_178 = arith.constant 0 : i32
        %dma_wait3A_179 = tpu.memref_slice %arg6[%add3A_171, %dma_wait3A_178] : memref<20000x128xf32, #tpu.memory_space<hbm>> -> memref<80x128xf32, #tpu.memory_space<hbm>>
        tpu.wait_dma2 semaphore(%run_scoped3A : memref<!tpu.dma_semaphore, #tpu.memory_space<semaphore_mem>>) src(%arg10 : memref<80x128xf32, #tpu.memory_space<vmem>>) dst(%dma_wait3A_179 : memref<80x128xf32, #tpu.memory_space<hbm>>)
        tpu.yield
      }) : () -> ()
    } else {
    }
    %add3A_144 = arith.constant 80 : i32
    %add3A_145 = arith.addi %arg1, %add3A_144 : i32
    %lt3A_146 = arith.constant 125 : i32
    %lt3A_147 = arith.cmpi slt, %add3A_145, %lt3A_146 : i32
    %convert_element_type3A_148 = arith.extui %lt3A_147 : i1 to i32
    %cond3A_149 = arith.constant 0 : i32
    %cond3A_150 = arith.cmpi ne, %convert_element_type3A_148, %cond3A_149 : i32
    scf.if %cond3A_150 {
      %mul3A_165 = arith.constant 80 : i32
      %mul3A_166 = arith.muli %add3A_145, %mul3A_165 : i32
      "tpu.region"() ({
        %run_scoped3A = tpu.sem_alloc : memref<!tpu.dma_semaphore, #tpu.memory_space<semaphore_mem>>
        %dma_start3A_172 = arith.constant 0 : i32
        %dma_start3A_173 = tpu.memref_slice %arg15[%mul3A_166, %dma_start3A_172] : memref<10000x128xf32, #tpu.memory_space<vmem_shared>> -> memref<80x128xf32, #tpu.memory_space<vmem_shared>>
        %dma_start3A_174 = arith.constant 0 : i32
        %dma_start3A_175 = tpu.memref_slice %arg15[%mul3A_166, %dma_start3A_174] : memref<10000x128xf32, #tpu.memory_space<vmem_shared>> -> memref<80x128xf32, #tpu.memory_space<vmem_shared>>
        tpu.enqueue_dma source(%dma_start3A_175 : memref<80x128xf32, #tpu.memory_space<vmem_shared>>) target(%arg10 : memref<80x128xf32, #tpu.memory_space<vmem>>) target_semaphore(%run_scoped3A : memref<!tpu.dma_semaphore, #tpu.memory_space<semaphore_mem>>)
        %dma_wait3A_176 = arith.constant 0 : i32
        %dma_wait3A_177 = tpu.memref_slice %arg15[%mul3A_166, %dma_wait3A_176] : memref<10000x128xf32, #tpu.memory_space<vmem_shared>> -> memref<80x128xf32, #tpu.memory_space<vmem_shared>>
        %dma_wait3A_178 = arith.constant 0 : i32
        %dma_wait3A_179 = tpu.memref_slice %arg15[%mul3A_166, %dma_wait3A_178] : memref<10000x128xf32, #tpu.memory_space<vmem_shared>> -> memref<80x128xf32, #tpu.memory_space<vmem_shared>>
        tpu.wait_dma2 semaphore(%run_scoped3A : memref<!tpu.dma_semaphore, #tpu.memory_space<semaphore_mem>>) src(%dma_wait3A_179 : memref<80x128xf32, #tpu.memory_space<vmem_shared>>) dst(%arg10 : memref<80x128xf32, #tpu.memory_space<vmem>>)
        tpu.yield
      }) : () -> ()
      %mul3A_167 = arith.constant 10000 : i32
      %mul3A_168 = arith.muli %arg0, %mul3A_167 : i32
      %mul3A_169 = arith.constant 80 : i32
      %mul3A_170 = arith.muli %add3A_145, %mul3A_169 : i32
      %add3A_171 = arith.addi %mul3A_168, %mul3A_170 : i32
      "tpu.region"() ({
        %run_scoped3A = tpu.sem_alloc : memref<!tpu.dma_semaphore, #tpu.memory_space<semaphore_mem>>
        %dma_start3A_172 = arith.constant 0 : i32
        %dma_start3A_173 = tpu.memref_slice %arg6[%add3A_171, %dma_start3A_172] : memref<20000x128xf32, #tpu.memory_space<hbm>> -> memref<80x128xf32, #tpu.memory_space<hbm>>
        %dma_start3A_174 = arith.constant 0 : i32
        %dma_start3A_175 = tpu.memref_slice %arg6[%add3A_171, %dma_start3A_174] : memref<20000x128xf32, #tpu.memory_space<hbm>> -> memref<80x128xf32, #tpu.memory_space<hbm>>
        tpu.enqueue_dma source(%arg10 : memref<80x128xf32, #tpu.memory_space<vmem>>) target(%dma_start3A_175 : memref<80x128xf32, #tpu.memory_space<hbm>>) target_semaphore(%run_scoped3A : memref<!tpu.dma_semaphore, #tpu.memory_space<semaphore_mem>>)
        %dma_wait3A_176 = arith.constant 0 : i32
        %dma_wait3A_177 = tpu.memref_slice %arg6[%add3A_171, %dma_wait3A_176] : memref<20000x128xf32, #tpu.memory_space<hbm>> -> memref<80x128xf32, #tpu.memory_space<hbm>>
        %dma_wait3A_178 = arith.constant 0 : i32
        %dma_wait3A_179 = tpu.memref_slice %arg6[%add3A_171, %dma_wait3A_178] : memref<20000x128xf32, #tpu.memory_space<hbm>> -> memref<80x128xf32, #tpu.memory_space<hbm>>
        tpu.wait_dma2 semaphore(%run_scoped3A : memref<!tpu.dma_semaphore, #tpu.memory_space<semaphore_mem>>) src(%arg10 : memref<80x128xf32, #tpu.memory_space<vmem>>) dst(%dma_wait3A_179 : memref<80x128xf32, #tpu.memory_space<hbm>>)
        tpu.yield
      }) : () -> ()
    } else {
    }
    %add3A_151 = arith.constant 96 : i32
    %add3A_152 = arith.addi %arg1, %add3A_151 : i32
    %lt3A_153 = arith.constant 125 : i32
    %lt3A_154 = arith.cmpi slt, %add3A_152, %lt3A_153 : i32
    %convert_element_type3A_155 = arith.extui %lt3A_154 : i1 to i32
    %cond3A_156 = arith.constant 0 : i32
    %cond3A_157 = arith.cmpi ne, %convert_element_type3A_155, %cond3A_156 : i32
    scf.if %cond3A_157 {
      %mul3A_165 = arith.constant 80 : i32
      %mul3A_166 = arith.muli %add3A_152, %mul3A_165 : i32
      "tpu.region"() ({
        %run_scoped3A = tpu.sem_alloc : memref<!tpu.dma_semaphore, #tpu.memory_space<semaphore_mem>>
        %dma_start3A_172 = arith.constant 0 : i32
        %dma_start3A_173 = tpu.memref_slice %arg15[%mul3A_166, %dma_start3A_172] : memref<10000x128xf32, #tpu.memory_space<vmem_shared>> -> memref<80x128xf32, #tpu.memory_space<vmem_shared>>
        %dma_start3A_174 = arith.constant 0 : i32
        %dma_start3A_175 = tpu.memref_slice %arg15[%mul3A_166, %dma_start3A_174] : memref<10000x128xf32, #tpu.memory_space<vmem_shared>> -> memref<80x128xf32, #tpu.memory_space<vmem_shared>>
        tpu.enqueue_dma source(%dma_start3A_175 : memref<80x128xf32, #tpu.memory_space<vmem_shared>>) target(%arg10 : memref<80x128xf32, #tpu.memory_space<vmem>>) target_semaphore(%run_scoped3A : memref<!tpu.dma_semaphore, #tpu.memory_space<semaphore_mem>>)
        %dma_wait3A_176 = arith.constant 0 : i32
        %dma_wait3A_177 = tpu.memref_slice %arg15[%mul3A_166, %dma_wait3A_176] : memref<10000x128xf32, #tpu.memory_space<vmem_shared>> -> memref<80x128xf32, #tpu.memory_space<vmem_shared>>
        %dma_wait3A_178 = arith.constant 0 : i32
        %dma_wait3A_179 = tpu.memref_slice %arg15[%mul3A_166, %dma_wait3A_178] : memref<10000x128xf32, #tpu.memory_space<vmem_shared>> -> memref<80x128xf32, #tpu.memory_space<vmem_shared>>
        tpu.wait_dma2 semaphore(%run_scoped3A : memref<!tpu.dma_semaphore, #tpu.memory_space<semaphore_mem>>) src(%dma_wait3A_179 : memref<80x128xf32, #tpu.memory_space<vmem_shared>>) dst(%arg10 : memref<80x128xf32, #tpu.memory_space<vmem>>)
        tpu.yield
      }) : () -> ()
      %mul3A_167 = arith.constant 10000 : i32
      %mul3A_168 = arith.muli %arg0, %mul3A_167 : i32
      %mul3A_169 = arith.constant 80 : i32
      %mul3A_170 = arith.muli %add3A_152, %mul3A_169 : i32
      %add3A_171 = arith.addi %mul3A_168, %mul3A_170 : i32
      "tpu.region"() ({
        %run_scoped3A = tpu.sem_alloc : memref<!tpu.dma_semaphore, #tpu.memory_space<semaphore_mem>>
        %dma_start3A_172 = arith.constant 0 : i32
        %dma_start3A_173 = tpu.memref_slice %arg6[%add3A_171, %dma_start3A_172] : memref<20000x128xf32, #tpu.memory_space<hbm>> -> memref<80x128xf32, #tpu.memory_space<hbm>>
        %dma_start3A_174 = arith.constant 0 : i32
        %dma_start3A_175 = tpu.memref_slice %arg6[%add3A_171, %dma_start3A_174] : memref<20000x128xf32, #tpu.memory_space<hbm>> -> memref<80x128xf32, #tpu.memory_space<hbm>>
        tpu.enqueue_dma source(%arg10 : memref<80x128xf32, #tpu.memory_space<vmem>>) target(%dma_start3A_175 : memref<80x128xf32, #tpu.memory_space<hbm>>) target_semaphore(%run_scoped3A : memref<!tpu.dma_semaphore, #tpu.memory_space<semaphore_mem>>)
        %dma_wait3A_176 = arith.constant 0 : i32
        %dma_wait3A_177 = tpu.memref_slice %arg6[%add3A_171, %dma_wait3A_176] : memref<20000x128xf32, #tpu.memory_space<hbm>> -> memref<80x128xf32, #tpu.memory_space<hbm>>
        %dma_wait3A_178 = arith.constant 0 : i32
        %dma_wait3A_179 = tpu.memref_slice %arg6[%add3A_171, %dma_wait3A_178] : memref<20000x128xf32, #tpu.memory_space<hbm>> -> memref<80x128xf32, #tpu.memory_space<hbm>>
        tpu.wait_dma2 semaphore(%run_scoped3A : memref<!tpu.dma_semaphore, #tpu.memory_space<semaphore_mem>>) src(%arg10 : memref<80x128xf32, #tpu.memory_space<vmem>>) dst(%dma_wait3A_179 : memref<80x128xf32, #tpu.memory_space<hbm>>)
        tpu.yield
      }) : () -> ()
    } else {
    }
    %add3A_158 = arith.constant 112 : i32
    %add3A_159 = arith.addi %arg1, %add3A_158 : i32
    %lt3A_160 = arith.constant 125 : i32
    %lt3A_161 = arith.cmpi slt, %add3A_159, %lt3A_160 : i32
    %convert_element_type3A_162 = arith.extui %lt3A_161 : i1 to i32
    %cond3A_163 = arith.constant 0 : i32
    %cond3A_164 = arith.cmpi ne, %convert_element_type3A_162, %cond3A_163 : i32
    scf.if %cond3A_164 {
      %mul3A_165 = arith.constant 80 : i32
      %mul3A_166 = arith.muli %add3A_159, %mul3A_165 : i32
      "tpu.region"() ({
        %run_scoped3A = tpu.sem_alloc : memref<!tpu.dma_semaphore, #tpu.memory_space<semaphore_mem>>
        %dma_start3A_172 = arith.constant 0 : i32
        %dma_start3A_173 = tpu.memref_slice %arg15[%mul3A_166, %dma_start3A_172] : memref<10000x128xf32, #tpu.memory_space<vmem_shared>> -> memref<80x128xf32, #tpu.memory_space<vmem_shared>>
        %dma_start3A_174 = arith.constant 0 : i32
        %dma_start3A_175 = tpu.memref_slice %arg15[%mul3A_166, %dma_start3A_174] : memref<10000x128xf32, #tpu.memory_space<vmem_shared>> -> memref<80x128xf32, #tpu.memory_space<vmem_shared>>
        tpu.enqueue_dma source(%dma_start3A_175 : memref<80x128xf32, #tpu.memory_space<vmem_shared>>) target(%arg10 : memref<80x128xf32, #tpu.memory_space<vmem>>) target_semaphore(%run_scoped3A : memref<!tpu.dma_semaphore, #tpu.memory_space<semaphore_mem>>)
        %dma_wait3A_176 = arith.constant 0 : i32
        %dma_wait3A_177 = tpu.memref_slice %arg15[%mul3A_166, %dma_wait3A_176] : memref<10000x128xf32, #tpu.memory_space<vmem_shared>> -> memref<80x128xf32, #tpu.memory_space<vmem_shared>>
        %dma_wait3A_178 = arith.constant 0 : i32
        %dma_wait3A_179 = tpu.memref_slice %arg15[%mul3A_166, %dma_wait3A_178] : memref<10000x128xf32, #tpu.memory_space<vmem_shared>> -> memref<80x128xf32, #tpu.memory_space<vmem_shared>>
        tpu.wait_dma2 semaphore(%run_scoped3A : memref<!tpu.dma_semaphore, #tpu.memory_space<semaphore_mem>>) src(%dma_wait3A_179 : memref<80x128xf32, #tpu.memory_space<vmem_shared>>) dst(%arg10 : memref<80x128xf32, #tpu.memory_space<vmem>>)
        tpu.yield
      }) : () -> ()
      %mul3A_167 = arith.constant 10000 : i32
      %mul3A_168 = arith.muli %arg0, %mul3A_167 : i32
      %mul3A_169 = arith.constant 80 : i32
      %mul3A_170 = arith.muli %add3A_159, %mul3A_169 : i32
      %add3A_171 = arith.addi %mul3A_168, %mul3A_170 : i32
      "tpu.region"() ({
        %run_scoped3A = tpu.sem_alloc : memref<!tpu.dma_semaphore, #tpu.memory_space<semaphore_mem>>
        %dma_start3A_172 = arith.constant 0 : i32
        %dma_start3A_173 = tpu.memref_slice %arg6[%add3A_171, %dma_start3A_172] : memref<20000x128xf32, #tpu.memory_space<hbm>> -> memref<80x128xf32, #tpu.memory_space<hbm>>
        %dma_start3A_174 = arith.constant 0 : i32
        %dma_start3A_175 = tpu.memref_slice %arg6[%add3A_171, %dma_start3A_174] : memref<20000x128xf32, #tpu.memory_space<hbm>> -> memref<80x128xf32, #tpu.memory_space<hbm>>
        tpu.enqueue_dma source(%arg10 : memref<80x128xf32, #tpu.memory_space<vmem>>) target(%dma_start3A_175 : memref<80x128xf32, #tpu.memory_space<hbm>>) target_semaphore(%run_scoped3A : memref<!tpu.dma_semaphore, #tpu.memory_space<semaphore_mem>>)
        %dma_wait3A_176 = arith.constant 0 : i32
        %dma_wait3A_177 = tpu.memref_slice %arg6[%add3A_171, %dma_wait3A_176] : memref<20000x128xf32, #tpu.memory_space<hbm>> -> memref<80x128xf32, #tpu.memory_space<hbm>>
        %dma_wait3A_178 = arith.constant 0 : i32
        %dma_wait3A_179 = tpu.memref_slice %arg6[%add3A_171, %dma_wait3A_178] : memref<20000x128xf32, #tpu.memory_space<hbm>> -> memref<80x128xf32, #tpu.memory_space<hbm>>
        tpu.wait_dma2 semaphore(%run_scoped3A : memref<!tpu.dma_semaphore, #tpu.memory_space<semaphore_mem>>) src(%arg10 : memref<80x128xf32, #tpu.memory_space<vmem>>) dst(%dma_wait3A_179 : memref<80x128xf32, #tpu.memory_space<hbm>>)
        tpu.yield
      }) : () -> ()
    } else {
    }
    return
  }
}

#map = affine_map<(d0, d1) -> (0, 0)>
#map1 = affine_map<(d0, d1) -> (0)>
module attributes {stable_mosaic.version = 14 : i64} {
  func.func @_sc_message_body(%arg0: i32, %arg1: i32, %arg2: memref<10000x128xf32, #tpu.memory_space<hbm>>, %arg3: memref<320000xi32, #tpu.memory_space<hbm>>, %arg4: memref<320000xi32, #tpu.memory_space<hbm>>, %arg5: memref<320000x128xf32, #tpu.memory_space<hbm>>, %arg6: memref<20000x128xf32, #tpu.memory_space<hbm>>, %arg7: memref<80xi32, #tpu.memory_space<vmem>>, %arg8: memref<80xi32, #tpu.memory_space<vmem>>, %arg9: memref<80x128xf32, #tpu.memory_space<vmem>>, %arg10: memref<80x128xf32, #tpu.memory_space<vmem>>, %arg11: memref<80xi32, #tpu.memory_space<vmem>>, %arg12: memref<80xi32, #tpu.memory_space<vmem>>, %arg13: memref<80x128xf32, #tpu.memory_space<vmem>>, %arg14: memref<80x128xf32, #tpu.memory_space<vmem>>, %arg15: memref<10000x128xf32, #tpu.memory_space<vmem_shared>>, %arg16: memref<!tpu.dma_semaphore, #tpu.memory_space<semaphore_mem>>, %arg17: memref<!tpu.dma_semaphore, #tpu.memory_space<semaphore_mem>>, %arg18: memref<!tpu.dma_semaphore, #tpu.memory_space<semaphore_mem>>, %arg19: memref<!tpu.dma_semaphore, #tpu.memory_space<semaphore_mem>>, %arg20: memref<!tpu.dma_semaphore, #tpu.memory_space<semaphore_mem>>, %arg21: memref<!tpu.dma_semaphore, #tpu.memory_space<semaphore_mem>>, %arg22: memref<!tpu.dma_semaphore, #tpu.memory_space<semaphore_mem>>, %arg23: memref<!tpu.dma_semaphore, #tpu.memory_space<semaphore_mem>>) attributes {dimension_semantics = [#tpu.dimension_semantics<core_parallel>, #tpu.dimension_semantics<subcore_parallel>], iteration_bounds = array<i64: 2, 16>, scalar_prefetch = 0 : i64, scratch_operands = 17 : i64, tpu.core_type = #tpu.core_type<sc_vector_subcore>, window_params = [{transform_indices = #map}, {transform_indices = #map1}, {transform_indices = #map1}, {transform_indices = #map}, {transform_indices = #map}]} {
    %mul3A = arith.constant 16 : i32
    %mul3A_0 = arith.muli %arg0, %mul3A : i32
    %add3A = arith.addi %mul3A_0, %arg1 : i32
    %mul3A_1 = arith.constant 10000 : i32
    %mul3A_2 = arith.muli %add3A, %mul3A_1 : i32
    %scan3A = arith.constant 0 : i32
    %scan3A_3 = arith.constant 0 : i32
    %scan3A_4 = arith.constant 640 : i32
    %scan3A_5 = arith.addi %scan3A_3, %scan3A_4 : i32
    %scan3A_6 = arith.constant 8 : i32
    scf.for %scan3A_165 = %scan3A_3 to %scan3A_5 step %scan3A_6  : i32 {
      %broadcast_in_dim3A = arith.constant 0.000000e+00 : f32
      %broadcast_in_dim3A_166 = vector.broadcast %broadcast_in_dim3A : f32 to vector<16xf32>
      %jit3A = arith.constant 8 : i32
      %div3A = arith.divsi %scan3A_165, %jit3A : i32
      %sign3A = arith.constant 0 : i32
      %sign3A_167 = arith.cmpi sgt, %scan3A_165, %sign3A : i32
      %sign3A_168 = arith.extui %sign3A_167 : i1 to i32
      %sign3A_169 = arith.constant 0 : i32
      %sign3A_170 = arith.cmpi slt, %scan3A_165, %sign3A_169 : i32
      %sign3A_171 = arith.extui %sign3A_170 : i1 to i32
      %sign3A_172 = arith.subi %sign3A_168, %sign3A_171 : i32
      %sign3A_173 = arith.constant 0 : i32
      %sign3A_174 = arith.cmpi sgt, %jit3A, %sign3A_173 : i32
      %sign3A_175 = arith.extui %sign3A_174 : i1 to i32
      %sign3A_176 = arith.constant 0 : i32
      %sign3A_177 = arith.cmpi slt, %jit3A, %sign3A_176 : i32
      %sign3A_178 = arith.extui %sign3A_177 : i1 to i32
      %sign3A_179 = arith.subi %sign3A_175, %sign3A_178 : i32
      %ne3A = arith.cmpi ne, %sign3A_172, %sign3A_179 : i32
      %rem3A = arith.remsi %scan3A_165, %jit3A : i32
      %ne3A_180 = arith.constant 0 : i32
      %ne3A_181 = arith.cmpi ne, %rem3A, %ne3A_180 : i32
      %and3A = arith.andi %ne3A, %ne3A_181 : i1
      %sub3A = arith.constant 1 : i32
      %sub3A_182 = arith.subi %div3A, %sub3A : i32
      %select_n3A = arith.select %and3A, %sub3A_182, %div3A : i32
      %jit3A_183 = arith.constant 8 : i32
      %eq3A = arith.constant 0 : i32
      %eq3A_184 = arith.cmpi eq, %jit3A_183, %eq3A : i32
      %jit3A_185 = arith.constant 1 : i32
      %select_n3A_186 = arith.select %eq3A_184, %jit3A_185, %jit3A_183 : i32
      %rem3A_187 = arith.remsi %scan3A_165, %select_n3A_186 : i32
      %ne3A_188 = arith.constant 0 : i32
      %ne3A_189 = arith.cmpi ne, %rem3A_187, %ne3A_188 : i32
      %lt3A_190 = arith.constant 0 : i32
      %lt3A_191 = arith.cmpi slt, %rem3A_187, %lt3A_190 : i32
      %lt3A_192 = arith.constant 0 : i32
      %lt3A_193 = arith.cmpi slt, %select_n3A_186, %lt3A_192 : i32
      %ne3A_194 = arith.xori %lt3A_191, %lt3A_193 : i1
      %and3A_195 = arith.andi %ne3A_194, %ne3A_189 : i1
      %add3A_196 = arith.addi %rem3A_187, %select_n3A_186 : i32
      %select_n3A_197 = arith.select %and3A_195, %add3A_196, %rem3A_187 : i32
      %mul3A_198 = arith.constant 16 : i32
      %mul3A_199 = arith.muli %select_n3A_197, %mul3A_198 : i32
      %swap3A = arith.index_cast %select_n3A : i32 to index
      %swap3A_200 = arith.index_cast %mul3A_199 : i32 to index
      %swap3A_201 = tpu.vector_load %arg10[%swap3A, %swap3A_200] {strides = array<i32>} : memref<80x128xf32, #tpu.memory_space<vmem>>, vector<1x16xf32>,
      %swap3A_202 = vector.shape_cast %swap3A_201 : vector<1x16xf32> to vector<16xf32>
      %swap3A_203 = vector.shape_cast %broadcast_in_dim3A_166 : vector<16xf32> to vector<1x16xf32>
      tpu.vector_store %arg10[%swap3A, %swap3A_200], %swap3A_203 {strides = array<i32>} : memref<80x128xf32, #tpu.memory_space<vmem>>, vector<1x16xf32>,
      %scan3A_204 = arith.constant 1 : i32
      %scan3A_205 = arith.addi %scan3A_165, %scan3A_204 : i32
      %broadcast_in_dim3A_206 = arith.constant 0.000000e+00 : f32
      %broadcast_in_dim3A_207 = vector.broadcast %broadcast_in_dim3A_206 : f32 to vector<16xf32>
      %jit3A_208 = arith.constant 8 : i32
      %div3A_209 = arith.divsi %scan3A_205, %jit3A_208 : i32
      %sign3A_210 = arith.constant 0 : i32
      %sign3A_211 = arith.cmpi sgt, %scan3A_205, %sign3A_210 : i32
      %sign3A_212 = arith.extui %sign3A_211 : i1 to i32
      %sign3A_213 = arith.constant 0 : i32
      %sign3A_214 = arith.cmpi slt, %scan3A_205, %sign3A_213 : i32
      %sign3A_215 = arith.extui %sign3A_214 : i1 to i32
      %sign3A_216 = arith.subi %sign3A_212, %sign3A_215 : i32
      %sign3A_217 = arith.constant 0 : i32
      %sign3A_218 = arith.cmpi sgt, %jit3A_208, %sign3A_217 : i32
      %sign3A_219 = arith.extui %sign3A_218 : i1 to i32
      %sign3A_220 = arith.constant 0 : i32
      %sign3A_221 = arith.cmpi slt, %jit3A_208, %sign3A_220 : i32
      %sign3A_222 = arith.extui %sign3A_221 : i1 to i32
      %sign3A_223 = arith.subi %sign3A_219, %sign3A_222 : i32
      %ne3A_224 = arith.cmpi ne, %sign3A_216, %sign3A_223 : i32
      %rem3A_225 = arith.remsi %scan3A_205, %jit3A_208 : i32
      %ne3A_226 = arith.constant 0 : i32
      %ne3A_227 = arith.cmpi ne, %rem3A_225, %ne3A_226 : i32
      %and3A_228 = arith.andi %ne3A_224, %ne3A_227 : i1
      %sub3A_229 = arith.constant 1 : i32
      %sub3A_230 = arith.subi %div3A_209, %sub3A_229 : i32
      %select_n3A_231 = arith.select %and3A_228, %sub3A_230, %div3A_209 : i32
      %jit3A_232 = arith.constant 8 : i32
      %eq3A_233 = arith.constant 0 : i32
      %eq3A_234 = arith.cmpi eq, %jit3A_232, %eq3A_233 : i32
      %jit3A_235 = arith.constant 1 : i32
      %select_n3A_236 = arith.select %eq3A_234, %jit3A_235, %jit3A_232 : i32
      %rem3A_237 = arith.remsi %scan3A_205, %select_n3A_236 : i32
      %ne3A_238 = arith.constant 0 : i32
      %ne3A_239 = arith.cmpi ne, %rem3A_237, %ne3A_238 : i32
      %lt3A_240 = arith.constant 0 : i32
      %lt3A_241 = arith.cmpi slt, %rem3A_237, %lt3A_240 : i32
      %lt3A_242 = arith.constant 0 : i32
      %lt3A_243 = arith.cmpi slt, %select_n3A_236, %lt3A_242 : i32
      %ne3A_244 = arith.xori %lt3A_241, %lt3A_243 : i1
      %and3A_245 = arith.andi %ne3A_244, %ne3A_239 : i1
      %add3A_246 = arith.addi %rem3A_237, %select_n3A_236 : i32
      %select_n3A_247 = arith.select %and3A_245, %add3A_246, %rem3A_237 : i32
      %mul3A_248 = arith.constant 16 : i32
      %mul3A_249 = arith.muli %select_n3A_247, %mul3A_248 : i32
      %swap3A_250 = arith.index_cast %select_n3A_231 : i32 to index
      %swap3A_251 = arith.index_cast %mul3A_249 : i32 to index
      %swap3A_252 = tpu.vector_load %arg10[%swap3A_250, %swap3A_251] {strides = array<i32>} : memref<80x128xf32, #tpu.memory_space<vmem>>, vector<1x16xf32>,
      %swap3A_253 = vector.shape_cast %swap3A_252 : vector<1x16xf32> to vector<16xf32>
      %swap3A_254 = vector.shape_cast %broadcast_in_dim3A_207 : vector<16xf32> to vector<1x16xf32>
      tpu.vector_store %arg10[%swap3A_250, %swap3A_251], %swap3A_254 {strides = array<i32>} : memref<80x128xf32, #tpu.memory_space<vmem>>, vector<1x16xf32>,
      %scan3A_255 = arith.constant 2 : i32
      %scan3A_256 = arith.addi %scan3A_165, %scan3A_255 : i32
      %broadcast_in_dim3A_257 = arith.constant 0.000000e+00 : f32
      %broadcast_in_dim3A_258 = vector.broadcast %broadcast_in_dim3A_257 : f32 to vector<16xf32>
      %jit3A_259 = arith.constant 8 : i32
      %div3A_260 = arith.divsi %scan3A_256, %jit3A_259 : i32
      %sign3A_261 = arith.constant 0 : i32
      %sign3A_262 = arith.cmpi sgt, %scan3A_256, %sign3A_261 : i32
      %sign3A_263 = arith.extui %sign3A_262 : i1 to i32
      %sign3A_264 = arith.constant 0 : i32
      %sign3A_265 = arith.cmpi slt, %scan3A_256, %sign3A_264 : i32
      %sign3A_266 = arith.extui %sign3A_265 : i1 to i32
      %sign3A_267 = arith.subi %sign3A_263, %sign3A_266 : i32
      %sign3A_268 = arith.constant 0 : i32
      %sign3A_269 = arith.cmpi sgt, %jit3A_259, %sign3A_268 : i32
      %sign3A_270 = arith.extui %sign3A_269 : i1 to i32
      %sign3A_271 = arith.constant 0 : i32
      %sign3A_272 = arith.cmpi slt, %jit3A_259, %sign3A_271 : i32
      %sign3A_273 = arith.extui %sign3A_272 : i1 to i32
      %sign3A_274 = arith.subi %sign3A_270, %sign3A_273 : i32
      %ne3A_275 = arith.cmpi ne, %sign3A_267, %sign3A_274 : i32
      %rem3A_276 = arith.remsi %scan3A_256, %jit3A_259 : i32
      %ne3A_277 = arith.constant 0 : i32
      %ne3A_278 = arith.cmpi ne, %rem3A_276, %ne3A_277 : i32
      %and3A_279 = arith.andi %ne3A_275, %ne3A_278 : i1
      %sub3A_280 = arith.constant 1 : i32
      %sub3A_281 = arith.subi %div3A_260, %sub3A_280 : i32
      %select_n3A_282 = arith.select %and3A_279, %sub3A_281, %div3A_260 : i32
      %jit3A_283 = arith.constant 8 : i32
      %eq3A_284 = arith.constant 0 : i32
      %eq3A_285 = arith.cmpi eq, %jit3A_283, %eq3A_284 : i32
      %jit3A_286 = arith.constant 1 : i32
      %select_n3A_287 = arith.select %eq3A_285, %jit3A_286, %jit3A_283 : i32
      %rem3A_288 = arith.remsi %scan3A_256, %select_n3A_287 : i32
      %ne3A_289 = arith.constant 0 : i32
      %ne3A_290 = arith.cmpi ne, %rem3A_288, %ne3A_289 : i32
      %lt3A_291 = arith.constant 0 : i32
      %lt3A_292 = arith.cmpi slt, %rem3A_288, %lt3A_291 : i32
      %lt3A_293 = arith.constant 0 : i32
      %lt3A_294 = arith.cmpi slt, %select_n3A_287, %lt3A_293 : i32
      %ne3A_295 = arith.xori %lt3A_292, %lt3A_294 : i1
      %and3A_296 = arith.andi %ne3A_295, %ne3A_290 : i1
      %add3A_297 = arith.addi %rem3A_288, %select_n3A_287 : i32
      %select_n3A_298 = arith.select %and3A_296, %add3A_297, %rem3A_288 : i32
      %mul3A_299 = arith.constant 16 : i32
      %mul3A_300 = arith.muli %select_n3A_298, %mul3A_299 : i32
      %swap3A_301 = arith.index_cast %select_n3A_282 : i32 to index
      %swap3A_302 = arith.index_cast %mul3A_300 : i32 to index
      %swap3A_303 = tpu.vector_load %arg10[%swap3A_301, %swap3A_302] {strides = array<i32>} : memref<80x128xf32, #tpu.memory_space<vmem>>, vector<1x16xf32>,
      %swap3A_304 = vector.shape_cast %swap3A_303 : vector<1x16xf32> to vector<16xf32>
      %swap3A_305 = vector.shape_cast %broadcast_in_dim3A_258 : vector<16xf32> to vector<1x16xf32>
      tpu.vector_store %arg10[%swap3A_301, %swap3A_302], %swap3A_305 {strides = array<i32>} : memref<80x128xf32, #tpu.memory_space<vmem>>, vector<1x16xf32>,
      %scan3A_306 = arith.constant 3 : i32
      %scan3A_307 = arith.addi %scan3A_165, %scan3A_306 : i32
      %broadcast_in_dim3A_308 = arith.constant 0.000000e+00 : f32
      %broadcast_in_dim3A_309 = vector.broadcast %broadcast_in_dim3A_308 : f32 to vector<16xf32>
      %jit3A_310 = arith.constant 8 : i32
      %div3A_311 = arith.divsi %scan3A_307, %jit3A_310 : i32
      %sign3A_312 = arith.constant 0 : i32
      %sign3A_313 = arith.cmpi sgt, %scan3A_307, %sign3A_312 : i32
      %sign3A_314 = arith.extui %sign3A_313 : i1 to i32
      %sign3A_315 = arith.constant 0 : i32
      %sign3A_316 = arith.cmpi slt, %scan3A_307, %sign3A_315 : i32
      %sign3A_317 = arith.extui %sign3A_316 : i1 to i32
      %sign3A_318 = arith.subi %sign3A_314, %sign3A_317 : i32
      %sign3A_319 = arith.constant 0 : i32
      %sign3A_320 = arith.cmpi sgt, %jit3A_310, %sign3A_319 : i32
      %sign3A_321 = arith.extui %sign3A_320 : i1 to i32
      %sign3A_322 = arith.constant 0 : i32
      %sign3A_323 = arith.cmpi slt, %jit3A_310, %sign3A_322 : i32
      %sign3A_324 = arith.extui %sign3A_323 : i1 to i32
      %sign3A_325 = arith.subi %sign3A_321, %sign3A_324 : i32
      %ne3A_326 = arith.cmpi ne, %sign3A_318, %sign3A_325 : i32
      %rem3A_327 = arith.remsi %scan3A_307, %jit3A_310 : i32
      %ne3A_328 = arith.constant 0 : i32
      %ne3A_329 = arith.cmpi ne, %rem3A_327, %ne3A_328 : i32
      %and3A_330 = arith.andi %ne3A_326, %ne3A_329 : i1
      %sub3A_331 = arith.constant 1 : i32
      %sub3A_332 = arith.subi %div3A_311, %sub3A_331 : i32
      %select_n3A_333 = arith.select %and3A_330, %sub3A_332, %div3A_311 : i32
      %jit3A_334 = arith.constant 8 : i32
      %eq3A_335 = arith.constant 0 : i32
      %eq3A_336 = arith.cmpi eq, %jit3A_334, %eq3A_335 : i32
      %jit3A_337 = arith.constant 1 : i32
      %select_n3A_338 = arith.select %eq3A_336, %jit3A_337, %jit3A_334 : i32
      %rem3A_339 = arith.remsi %scan3A_307, %select_n3A_338 : i32
      %ne3A_340 = arith.constant 0 : i32
      %ne3A_341 = arith.cmpi ne, %rem3A_339, %ne3A_340 : i32
      %lt3A_342 = arith.constant 0 : i32
      %lt3A_343 = arith.cmpi slt, %rem3A_339, %lt3A_342 : i32
      %lt3A_344 = arith.constant 0 : i32
      %lt3A_345 = arith.cmpi slt, %select_n3A_338, %lt3A_344 : i32
      %ne3A_346 = arith.xori %lt3A_343, %lt3A_345 : i1
      %and3A_347 = arith.andi %ne3A_346, %ne3A_341 : i1
      %add3A_348 = arith.addi %rem3A_339, %select_n3A_338 : i32
      %select_n3A_349 = arith.select %and3A_347, %add3A_348, %rem3A_339 : i32
      %mul3A_350 = arith.constant 16 : i32
      %mul3A_351 = arith.muli %select_n3A_349, %mul3A_350 : i32
      %swap3A_352 = arith.index_cast %select_n3A_333 : i32 to index
      %swap3A_353 = arith.index_cast %mul3A_351 : i32 to index
      %swap3A_354 = tpu.vector_load %arg10[%swap3A_352, %swap3A_353] {strides = array<i32>} : memref<80x128xf32, #tpu.memory_space<vmem>>, vector<1x16xf32>,
      %swap3A_355 = vector.shape_cast %swap3A_354 : vector<1x16xf32> to vector<16xf32>
      %swap3A_356 = vector.shape_cast %broadcast_in_dim3A_309 : vector<16xf32> to vector<1x16xf32>
      tpu.vector_store %arg10[%swap3A_352, %swap3A_353], %swap3A_356 {strides = array<i32>} : memref<80x128xf32, #tpu.memory_space<vmem>>, vector<1x16xf32>,
      %scan3A_357 = arith.constant 4 : i32
      %scan3A_358 = arith.addi %scan3A_165, %scan3A_357 : i32
      %broadcast_in_dim3A_359 = arith.constant 0.000000e+00 : f32
      %broadcast_in_dim3A_360 = vector.broadcast %broadcast_in_dim3A_359 : f32 to vector<16xf32>
      %jit3A_361 = arith.constant 8 : i32
      %div3A_362 = arith.divsi %scan3A_358, %jit3A_361 : i32
      %sign3A_363 = arith.constant 0 : i32
      %sign3A_364 = arith.cmpi sgt, %scan3A_358, %sign3A_363 : i32
      %sign3A_365 = arith.extui %sign3A_364 : i1 to i32
      %sign3A_366 = arith.constant 0 : i32
      %sign3A_367 = arith.cmpi slt, %scan3A_358, %sign3A_366 : i32
      %sign3A_368 = arith.extui %sign3A_367 : i1 to i32
      %sign3A_369 = arith.subi %sign3A_365, %sign3A_368 : i32
      %sign3A_370 = arith.constant 0 : i32
      %sign3A_371 = arith.cmpi sgt, %jit3A_361, %sign3A_370 : i32
      %sign3A_372 = arith.extui %sign3A_371 : i1 to i32
      %sign3A_373 = arith.constant 0 : i32
      %sign3A_374 = arith.cmpi slt, %jit3A_361, %sign3A_373 : i32
      %sign3A_375 = arith.extui %sign3A_374 : i1 to i32
      %sign3A_376 = arith.subi %sign3A_372, %sign3A_375 : i32
      %ne3A_377 = arith.cmpi ne, %sign3A_369, %sign3A_376 : i32
      %rem3A_378 = arith.remsi %scan3A_358, %jit3A_361 : i32
      %ne3A_379 = arith.constant 0 : i32
      %ne3A_380 = arith.cmpi ne, %rem3A_378, %ne3A_379 : i32
      %and3A_381 = arith.andi %ne3A_377, %ne3A_380 : i1
      %sub3A_382 = arith.constant 1 : i32
      %sub3A_383 = arith.subi %div3A_362, %sub3A_382 : i32
      %select_n3A_384 = arith.select %and3A_381, %sub3A_383, %div3A_362 : i32
      %jit3A_385 = arith.constant 8 : i32
      %eq3A_386 = arith.constant 0 : i32
      %eq3A_387 = arith.cmpi eq, %jit3A_385, %eq3A_386 : i32
      %jit3A_388 = arith.constant 1 : i32
      %select_n3A_389 = arith.select %eq3A_387, %jit3A_388, %jit3A_385 : i32
      %rem3A_390 = arith.remsi %scan3A_358, %select_n3A_389 : i32
      %ne3A_391 = arith.constant 0 : i32
      %ne3A_392 = arith.cmpi ne, %rem3A_390, %ne3A_391 : i32
      %lt3A_393 = arith.constant 0 : i32
      %lt3A_394 = arith.cmpi slt, %rem3A_390, %lt3A_393 : i32
      %lt3A_395 = arith.constant 0 : i32
      %lt3A_396 = arith.cmpi slt, %select_n3A_389, %lt3A_395 : i32
      %ne3A_397 = arith.xori %lt3A_394, %lt3A_396 : i1
      %and3A_398 = arith.andi %ne3A_397, %ne3A_392 : i1
      %add3A_399 = arith.addi %rem3A_390, %select_n3A_389 : i32
      %select_n3A_400 = arith.select %and3A_398, %add3A_399, %rem3A_390 : i32
      %mul3A_401 = arith.constant 16 : i32
      %mul3A_402 = arith.muli %select_n3A_400, %mul3A_401 : i32
      %swap3A_403 = arith.index_cast %select_n3A_384 : i32 to index
      %swap3A_404 = arith.index_cast %mul3A_402 : i32 to index
      %swap3A_405 = tpu.vector_load %arg10[%swap3A_403, %swap3A_404] {strides = array<i32>} : memref<80x128xf32, #tpu.memory_space<vmem>>, vector<1x16xf32>,
      %swap3A_406 = vector.shape_cast %swap3A_405 : vector<1x16xf32> to vector<16xf32>
      %swap3A_407 = vector.shape_cast %broadcast_in_dim3A_360 : vector<16xf32> to vector<1x16xf32>
      tpu.vector_store %arg10[%swap3A_403, %swap3A_404], %swap3A_407 {strides = array<i32>} : memref<80x128xf32, #tpu.memory_space<vmem>>, vector<1x16xf32>,
      %scan3A_408 = arith.constant 5 : i32
      %scan3A_409 = arith.addi %scan3A_165, %scan3A_408 : i32
      %broadcast_in_dim3A_410 = arith.constant 0.000000e+00 : f32
      %broadcast_in_dim3A_411 = vector.broadcast %broadcast_in_dim3A_410 : f32 to vector<16xf32>
      %jit3A_412 = arith.constant 8 : i32
      %div3A_413 = arith.divsi %scan3A_409, %jit3A_412 : i32
      %sign3A_414 = arith.constant 0 : i32
      %sign3A_415 = arith.cmpi sgt, %scan3A_409, %sign3A_414 : i32
      %sign3A_416 = arith.extui %sign3A_415 : i1 to i32
      %sign3A_417 = arith.constant 0 : i32
      %sign3A_418 = arith.cmpi slt, %scan3A_409, %sign3A_417 : i32
      %sign3A_419 = arith.extui %sign3A_418 : i1 to i32
      %sign3A_420 = arith.subi %sign3A_416, %sign3A_419 : i32
      %sign3A_421 = arith.constant 0 : i32
      %sign3A_422 = arith.cmpi sgt, %jit3A_412, %sign3A_421 : i32
      %sign3A_423 = arith.extui %sign3A_422 : i1 to i32
      %sign3A_424 = arith.constant 0 : i32
      %sign3A_425 = arith.cmpi slt, %jit3A_412, %sign3A_424 : i32
      %sign3A_426 = arith.extui %sign3A_425 : i1 to i32
      %sign3A_427 = arith.subi %sign3A_423, %sign3A_426 : i32
      %ne3A_428 = arith.cmpi ne, %sign3A_420, %sign3A_427 : i32
      %rem3A_429 = arith.remsi %scan3A_409, %jit3A_412 : i32
      %ne3A_430 = arith.constant 0 : i32
      %ne3A_431 = arith.cmpi ne, %rem3A_429, %ne3A_430 : i32
      %and3A_432 = arith.andi %ne3A_428, %ne3A_431 : i1
      %sub3A_433 = arith.constant 1 : i32
      %sub3A_434 = arith.subi %div3A_413, %sub3A_433 : i32
      %select_n3A_435 = arith.select %and3A_432, %sub3A_434, %div3A_413 : i32
      %jit3A_436 = arith.constant 8 : i32
      %eq3A_437 = arith.constant 0 : i32
      %eq3A_438 = arith.cmpi eq, %jit3A_436, %eq3A_437 : i32
      %jit3A_439 = arith.constant 1 : i32
      %select_n3A_440 = arith.select %eq3A_438, %jit3A_439, %jit3A_436 : i32
      %rem3A_441 = arith.remsi %scan3A_409, %select_n3A_440 : i32
      %ne3A_442 = arith.constant 0 : i32
      %ne3A_443 = arith.cmpi ne, %rem3A_441, %ne3A_442 : i32
      %lt3A_444 = arith.constant 0 : i32
      %lt3A_445 = arith.cmpi slt, %rem3A_441, %lt3A_444 : i32
      %lt3A_446 = arith.constant 0 : i32
      %lt3A_447 = arith.cmpi slt, %select_n3A_440, %lt3A_446 : i32
      %ne3A_448 = arith.xori %lt3A_445, %lt3A_447 : i1
      %and3A_449 = arith.andi %ne3A_448, %ne3A_443 : i1
      %add3A_450 = arith.addi %rem3A_441, %select_n3A_440 : i32
      %select_n3A_451 = arith.select %and3A_449, %add3A_450, %rem3A_441 : i32
      %mul3A_452 = arith.constant 16 : i32
      %mul3A_453 = arith.muli %select_n3A_451, %mul3A_452 : i32
      %swap3A_454 = arith.index_cast %select_n3A_435 : i32 to index
      %swap3A_455 = arith.index_cast %mul3A_453 : i32 to index
      %swap3A_456 = tpu.vector_load %arg10[%swap3A_454, %swap3A_455] {strides = array<i32>} : memref<80x128xf32, #tpu.memory_space<vmem>>, vector<1x16xf32>,
      %swap3A_457 = vector.shape_cast %swap3A_456 : vector<1x16xf32> to vector<16xf32>
      %swap3A_458 = vector.shape_cast %broadcast_in_dim3A_411 : vector<16xf32> to vector<1x16xf32>
      tpu.vector_store %arg10[%swap3A_454, %swap3A_455], %swap3A_458 {strides = array<i32>} : memref<80x128xf32, #tpu.memory_space<vmem>>, vector<1x16xf32>,
      %scan3A_459 = arith.constant 6 : i32
      %scan3A_460 = arith.addi %scan3A_165, %scan3A_459 : i32
      %broadcast_in_dim3A_461 = arith.constant 0.000000e+00 : f32
      %broadcast_in_dim3A_462 = vector.broadcast %broadcast_in_dim3A_461 : f32 to vector<16xf32>
      %jit3A_463 = arith.constant 8 : i32
      %div3A_464 = arith.divsi %scan3A_460, %jit3A_463 : i32
      %sign3A_465 = arith.constant 0 : i32
      %sign3A_466 = arith.cmpi sgt, %scan3A_460, %sign3A_465 : i32
      %sign3A_467 = arith.extui %sign3A_466 : i1 to i32
      %sign3A_468 = arith.constant 0 : i32
      %sign3A_469 = arith.cmpi slt, %scan3A_460, %sign3A_468 : i32
      %sign3A_470 = arith.extui %sign3A_469 : i1 to i32
      %sign3A_471 = arith.subi %sign3A_467, %sign3A_470 : i32
      %sign3A_472 = arith.constant 0 : i32
      %sign3A_473 = arith.cmpi sgt, %jit3A_463, %sign3A_472 : i32
      %sign3A_474 = arith.extui %sign3A_473 : i1 to i32
      %sign3A_475 = arith.constant 0 : i32
      %sign3A_476 = arith.cmpi slt, %jit3A_463, %sign3A_475 : i32
      %sign3A_477 = arith.extui %sign3A_476 : i1 to i32
      %sign3A_478 = arith.subi %sign3A_474, %sign3A_477 : i32
      %ne3A_479 = arith.cmpi ne, %sign3A_471, %sign3A_478 : i32
      %rem3A_480 = arith.remsi %scan3A_460, %jit3A_463 : i32
      %ne3A_481 = arith.constant 0 : i32
      %ne3A_482 = arith.cmpi ne, %rem3A_480, %ne3A_481 : i32
      %and3A_483 = arith.andi %ne3A_479, %ne3A_482 : i1
      %sub3A_484 = arith.constant 1 : i32
      %sub3A_485 = arith.subi %div3A_464, %sub3A_484 : i32
      %select_n3A_486 = arith.select %and3A_483, %sub3A_485, %div3A_464 : i32
      %jit3A_487 = arith.constant 8 : i32
      %eq3A_488 = arith.constant 0 : i32
      %eq3A_489 = arith.cmpi eq, %jit3A_487, %eq3A_488 : i32
      %jit3A_490 = arith.constant 1 : i32
      %select_n3A_491 = arith.select %eq3A_489, %jit3A_490, %jit3A_487 : i32
      %rem3A_492 = arith.remsi %scan3A_460, %select_n3A_491 : i32
      %ne3A_493 = arith.constant 0 : i32
      %ne3A_494 = arith.cmpi ne, %rem3A_492, %ne3A_493 : i32
      %lt3A_495 = arith.constant 0 : i32
      %lt3A_496 = arith.cmpi slt, %rem3A_492, %lt3A_495 : i32
      %lt3A_497 = arith.constant 0 : i32
      %lt3A_498 = arith.cmpi slt, %select_n3A_491, %lt3A_497 : i32
      %ne3A_499 = arith.xori %lt3A_496, %lt3A_498 : i1
      %and3A_500 = arith.andi %ne3A_499, %ne3A_494 : i1
      %add3A_501 = arith.addi %rem3A_492, %select_n3A_491 : i32
      %select_n3A_502 = arith.select %and3A_500, %add3A_501, %rem3A_492 : i32
      %mul3A_503 = arith.constant 16 : i32
      %mul3A_504 = arith.muli %select_n3A_502, %mul3A_503 : i32
      %swap3A_505 = arith.index_cast %select_n3A_486 : i32 to index
      %swap3A_506 = arith.index_cast %mul3A_504 : i32 to index
      %swap3A_507 = tpu.vector_load %arg10[%swap3A_505, %swap3A_506] {strides = array<i32>} : memref<80x128xf32, #tpu.memory_space<vmem>>, vector<1x16xf32>,
      %swap3A_508 = vector.shape_cast %swap3A_507 : vector<1x16xf32> to vector<16xf32>
      %swap3A_509 = vector.shape_cast %broadcast_in_dim3A_462 : vector<16xf32> to vector<1x16xf32>
      tpu.vector_store %arg10[%swap3A_505, %swap3A_506], %swap3A_509 {strides = array<i32>} : memref<80x128xf32, #tpu.memory_space<vmem>>, vector<1x16xf32>,
      %scan3A_510 = arith.constant 7 : i32
      %scan3A_511 = arith.addi %scan3A_165, %scan3A_510 : i32
      %broadcast_in_dim3A_512 = arith.constant 0.000000e+00 : f32
      %broadcast_in_dim3A_513 = vector.broadcast %broadcast_in_dim3A_512 : f32 to vector<16xf32>
      %jit3A_514 = arith.constant 8 : i32
      %div3A_515 = arith.divsi %scan3A_511, %jit3A_514 : i32
      %sign3A_516 = arith.constant 0 : i32
      %sign3A_517 = arith.cmpi sgt, %scan3A_511, %sign3A_516 : i32
      %sign3A_518 = arith.extui %sign3A_517 : i1 to i32
      %sign3A_519 = arith.constant 0 : i32
      %sign3A_520 = arith.cmpi slt, %scan3A_511, %sign3A_519 : i32
      %sign3A_521 = arith.extui %sign3A_520 : i1 to i32
      %sign3A_522 = arith.subi %sign3A_518, %sign3A_521 : i32
      %sign3A_523 = arith.constant 0 : i32
      %sign3A_524 = arith.cmpi sgt, %jit3A_514, %sign3A_523 : i32
      %sign3A_525 = arith.extui %sign3A_524 : i1 to i32
      %sign3A_526 = arith.constant 0 : i32
      %sign3A_527 = arith.cmpi slt, %jit3A_514, %sign3A_526 : i32
      %sign3A_528 = arith.extui %sign3A_527 : i1 to i32
      %sign3A_529 = arith.subi %sign3A_525, %sign3A_528 : i32
      %ne3A_530 = arith.cmpi ne, %sign3A_522, %sign3A_529 : i32
      %rem3A_531 = arith.remsi %scan3A_511, %jit3A_514 : i32
      %ne3A_532 = arith.constant 0 : i32
      %ne3A_533 = arith.cmpi ne, %rem3A_531, %ne3A_532 : i32
      %and3A_534 = arith.andi %ne3A_530, %ne3A_533 : i1
      %sub3A_535 = arith.constant 1 : i32
      %sub3A_536 = arith.subi %div3A_515, %sub3A_535 : i32
      %select_n3A_537 = arith.select %and3A_534, %sub3A_536, %div3A_515 : i32
      %jit3A_538 = arith.constant 8 : i32
      %eq3A_539 = arith.constant 0 : i32
      %eq3A_540 = arith.cmpi eq, %jit3A_538, %eq3A_539 : i32
      %jit3A_541 = arith.constant 1 : i32
      %select_n3A_542 = arith.select %eq3A_540, %jit3A_541, %jit3A_538 : i32
      %rem3A_543 = arith.remsi %scan3A_511, %select_n3A_542 : i32
      %ne3A_544 = arith.constant 0 : i32
      %ne3A_545 = arith.cmpi ne, %rem3A_543, %ne3A_544 : i32
      %lt3A_546 = arith.constant 0 : i32
      %lt3A_547 = arith.cmpi slt, %rem3A_543, %lt3A_546 : i32
      %lt3A_548 = arith.constant 0 : i32
      %lt3A_549 = arith.cmpi slt, %select_n3A_542, %lt3A_548 : i32
      %ne3A_550 = arith.xori %lt3A_547, %lt3A_549 : i1
      %and3A_551 = arith.andi %ne3A_550, %ne3A_545 : i1
      %add3A_552 = arith.addi %rem3A_543, %select_n3A_542 : i32
      %select_n3A_553 = arith.select %and3A_551, %add3A_552, %rem3A_543 : i32
      %mul3A_554 = arith.constant 16 : i32
      %mul3A_555 = arith.muli %select_n3A_553, %mul3A_554 : i32
      %swap3A_556 = arith.index_cast %select_n3A_537 : i32 to index
      %swap3A_557 = arith.index_cast %mul3A_555 : i32 to index
      %swap3A_558 = tpu.vector_load %arg10[%swap3A_556, %swap3A_557] {strides = array<i32>} : memref<80x128xf32, #tpu.memory_space<vmem>>, vector<1x16xf32>,
      %swap3A_559 = vector.shape_cast %swap3A_558 : vector<1x16xf32> to vector<16xf32>
      %swap3A_560 = vector.shape_cast %broadcast_in_dim3A_513 : vector<16xf32> to vector<1x16xf32>
      tpu.vector_store %arg10[%swap3A_556, %swap3A_557], %swap3A_560 {strides = array<i32>} : memref<80x128xf32, #tpu.memory_space<vmem>>, vector<1x16xf32>,
    }
    %scan3A_7 = arith.constant 640 : i32
    %add3A_8 = arith.constant 0 : i32
    %add3A_9 = arith.addi %arg1, %add3A_8 : i32
    %lt3A = arith.constant 125 : i32
    %lt3A_10 = arith.cmpi slt, %add3A_9, %lt3A : i32
    %convert_element_type3A = arith.extui %lt3A_10 : i1 to i32
    %cond3A = arith.constant 0 : i32
    %cond3A_11 = arith.cmpi ne, %convert_element_type3A, %cond3A : i32
    scf.if %cond3A_11 {
      %mul3A_165 = arith.constant 80 : i32
      %mul3A_166 = arith.muli %add3A_9, %mul3A_165 : i32
      "tpu.region"() ({
        %run_scoped3A = tpu.sem_alloc : memref<!tpu.dma_semaphore, #tpu.memory_space<semaphore_mem>>
        %dma_start3A_167 = arith.constant 0 : i32
        %dma_start3A_168 = tpu.memref_slice %arg15[%mul3A_166, %dma_start3A_167] : memref<10000x128xf32, #tpu.memory_space<vmem_shared>> -> memref<80x128xf32, #tpu.memory_space<vmem_shared>>
        %dma_start3A_169 = arith.constant 0 : i32
        %dma_start3A_170 = tpu.memref_slice %arg15[%mul3A_166, %dma_start3A_169] : memref<10000x128xf32, #tpu.memory_space<vmem_shared>> -> memref<80x128xf32, #tpu.memory_space<vmem_shared>>
        tpu.enqueue_dma source(%arg10 : memref<80x128xf32, #tpu.memory_space<vmem>>) target(%dma_start3A_170 : memref<80x128xf32, #tpu.memory_space<vmem_shared>>) target_semaphore(%run_scoped3A : memref<!tpu.dma_semaphore, #tpu.memory_space<semaphore_mem>>)
        %dma_wait3A_171 = arith.constant 0 : i32
        %dma_wait3A_172 = tpu.memref_slice %arg15[%mul3A_166, %dma_wait3A_171] : memref<10000x128xf32, #tpu.memory_space<vmem_shared>> -> memref<80x128xf32, #tpu.memory_space<vmem_shared>>
        %dma_wait3A_173 = arith.constant 0 : i32
        %dma_wait3A_174 = tpu.memref_slice %arg15[%mul3A_166, %dma_wait3A_173] : memref<10000x128xf32, #tpu.memory_space<vmem_shared>> -> memref<80x128xf32, #tpu.memory_space<vmem_shared>>
        tpu.wait_dma2 semaphore(%run_scoped3A : memref<!tpu.dma_semaphore, #tpu.memory_space<semaphore_mem>>) src(%arg10 : memref<80x128xf32, #tpu.memory_space<vmem>>) dst(%dma_wait3A_174 : memref<80x128xf32, #tpu.memory_space<vmem_shared>>)
        tpu.yield
      }) : () -> ()
    } else {
    }
    %add3A_12 = arith.constant 16 : i32
    %add3A_13 = arith.addi %arg1, %add3A_12 : i32
    %lt3A_14 = arith.constant 125 : i32
    %lt3A_15 = arith.cmpi slt, %add3A_13, %lt3A_14 : i32
    %convert_element_type3A_16 = arith.extui %lt3A_15 : i1 to i32
    %cond3A_17 = arith.constant 0 : i32
    %cond3A_18 = arith.cmpi ne, %convert_element_type3A_16, %cond3A_17 : i32
    scf.if %cond3A_18 {
      %mul3A_165 = arith.constant 80 : i32
      %mul3A_166 = arith.muli %add3A_13, %mul3A_165 : i32
      "tpu.region"() ({
        %run_scoped3A = tpu.sem_alloc : memref<!tpu.dma_semaphore, #tpu.memory_space<semaphore_mem>>
        %dma_start3A_167 = arith.constant 0 : i32
        %dma_start3A_168 = tpu.memref_slice %arg15[%mul3A_166, %dma_start3A_167] : memref<10000x128xf32, #tpu.memory_space<vmem_shared>> -> memref<80x128xf32, #tpu.memory_space<vmem_shared>>
        %dma_start3A_169 = arith.constant 0 : i32
        %dma_start3A_170 = tpu.memref_slice %arg15[%mul3A_166, %dma_start3A_169] : memref<10000x128xf32, #tpu.memory_space<vmem_shared>> -> memref<80x128xf32, #tpu.memory_space<vmem_shared>>
        tpu.enqueue_dma source(%arg10 : memref<80x128xf32, #tpu.memory_space<vmem>>) target(%dma_start3A_170 : memref<80x128xf32, #tpu.memory_space<vmem_shared>>) target_semaphore(%run_scoped3A : memref<!tpu.dma_semaphore, #tpu.memory_space<semaphore_mem>>)
        %dma_wait3A_171 = arith.constant 0 : i32
        %dma_wait3A_172 = tpu.memref_slice %arg15[%mul3A_166, %dma_wait3A_171] : memref<10000x128xf32, #tpu.memory_space<vmem_shared>> -> memref<80x128xf32, #tpu.memory_space<vmem_shared>>
        %dma_wait3A_173 = arith.constant 0 : i32
        %dma_wait3A_174 = tpu.memref_slice %arg15[%mul3A_166, %dma_wait3A_173] : memref<10000x128xf32, #tpu.memory_space<vmem_shared>> -> memref<80x128xf32, #tpu.memory_space<vmem_shared>>
        tpu.wait_dma2 semaphore(%run_scoped3A : memref<!tpu.dma_semaphore, #tpu.memory_space<semaphore_mem>>) src(%arg10 : memref<80x128xf32, #tpu.memory_space<vmem>>) dst(%dma_wait3A_174 : memref<80x128xf32, #tpu.memory_space<vmem_shared>>)
        tpu.yield
      }) : () -> ()
    } else {
    }
    %add3A_19 = arith.constant 32 : i32
    %add3A_20 = arith.addi %arg1, %add3A_19 : i32
    %lt3A_21 = arith.constant 125 : i32
    %lt3A_22 = arith.cmpi slt, %add3A_20, %lt3A_21 : i32
    %convert_element_type3A_23 = arith.extui %lt3A_22 : i1 to i32
    %cond3A_24 = arith.constant 0 : i32
    %cond3A_25 = arith.cmpi ne, %convert_element_type3A_23, %cond3A_24 : i32
    scf.if %cond3A_25 {
      %mul3A_165 = arith.constant 80 : i32
      %mul3A_166 = arith.muli %add3A_20, %mul3A_165 : i32
      "tpu.region"() ({
        %run_scoped3A = tpu.sem_alloc : memref<!tpu.dma_semaphore, #tpu.memory_space<semaphore_mem>>
        %dma_start3A_167 = arith.constant 0 : i32
        %dma_start3A_168 = tpu.memref_slice %arg15[%mul3A_166, %dma_start3A_167] : memref<10000x128xf32, #tpu.memory_space<vmem_shared>> -> memref<80x128xf32, #tpu.memory_space<vmem_shared>>
        %dma_start3A_169 = arith.constant 0 : i32
        %dma_start3A_170 = tpu.memref_slice %arg15[%mul3A_166, %dma_start3A_169] : memref<10000x128xf32, #tpu.memory_space<vmem_shared>> -> memref<80x128xf32, #tpu.memory_space<vmem_shared>>
        tpu.enqueue_dma source(%arg10 : memref<80x128xf32, #tpu.memory_space<vmem>>) target(%dma_start3A_170 : memref<80x128xf32, #tpu.memory_space<vmem_shared>>) target_semaphore(%run_scoped3A : memref<!tpu.dma_semaphore, #tpu.memory_space<semaphore_mem>>)
        %dma_wait3A_171 = arith.constant 0 : i32
        %dma_wait3A_172 = tpu.memref_slice %arg15[%mul3A_166, %dma_wait3A_171] : memref<10000x128xf32, #tpu.memory_space<vmem_shared>> -> memref<80x128xf32, #tpu.memory_space<vmem_shared>>
        %dma_wait3A_173 = arith.constant 0 : i32
        %dma_wait3A_174 = tpu.memref_slice %arg15[%mul3A_166, %dma_wait3A_173] : memref<10000x128xf32, #tpu.memory_space<vmem_shared>> -> memref<80x128xf32, #tpu.memory_space<vmem_shared>>
        tpu.wait_dma2 semaphore(%run_scoped3A : memref<!tpu.dma_semaphore, #tpu.memory_space<semaphore_mem>>) src(%arg10 : memref<80x128xf32, #tpu.memory_space<vmem>>) dst(%dma_wait3A_174 : memref<80x128xf32, #tpu.memory_space<vmem_shared>>)
        tpu.yield
      }) : () -> ()
    } else {
    }
    %add3A_26 = arith.constant 48 : i32
    %add3A_27 = arith.addi %arg1, %add3A_26 : i32
    %lt3A_28 = arith.constant 125 : i32
    %lt3A_29 = arith.cmpi slt, %add3A_27, %lt3A_28 : i32
    %convert_element_type3A_30 = arith.extui %lt3A_29 : i1 to i32
    %cond3A_31 = arith.constant 0 : i32
    %cond3A_32 = arith.cmpi ne, %convert_element_type3A_30, %cond3A_31 : i32
    scf.if %cond3A_32 {
      %mul3A_165 = arith.constant 80 : i32
      %mul3A_166 = arith.muli %add3A_27, %mul3A_165 : i32
      "tpu.region"() ({
        %run_scoped3A = tpu.sem_alloc : memref<!tpu.dma_semaphore, #tpu.memory_space<semaphore_mem>>
        %dma_start3A_167 = arith.constant 0 : i32
        %dma_start3A_168 = tpu.memref_slice %arg15[%mul3A_166, %dma_start3A_167] : memref<10000x128xf32, #tpu.memory_space<vmem_shared>> -> memref<80x128xf32, #tpu.memory_space<vmem_shared>>
        %dma_start3A_169 = arith.constant 0 : i32
        %dma_start3A_170 = tpu.memref_slice %arg15[%mul3A_166, %dma_start3A_169] : memref<10000x128xf32, #tpu.memory_space<vmem_shared>> -> memref<80x128xf32, #tpu.memory_space<vmem_shared>>
        tpu.enqueue_dma source(%arg10 : memref<80x128xf32, #tpu.memory_space<vmem>>) target(%dma_start3A_170 : memref<80x128xf32, #tpu.memory_space<vmem_shared>>) target_semaphore(%run_scoped3A : memref<!tpu.dma_semaphore, #tpu.memory_space<semaphore_mem>>)
        %dma_wait3A_171 = arith.constant 0 : i32
        %dma_wait3A_172 = tpu.memref_slice %arg15[%mul3A_166, %dma_wait3A_171] : memref<10000x128xf32, #tpu.memory_space<vmem_shared>> -> memref<80x128xf32, #tpu.memory_space<vmem_shared>>
        %dma_wait3A_173 = arith.constant 0 : i32
        %dma_wait3A_174 = tpu.memref_slice %arg15[%mul3A_166, %dma_wait3A_173] : memref<10000x128xf32, #tpu.memory_space<vmem_shared>> -> memref<80x128xf32, #tpu.memory_space<vmem_shared>>
        tpu.wait_dma2 semaphore(%run_scoped3A : memref<!tpu.dma_semaphore, #tpu.memory_space<semaphore_mem>>) src(%arg10 : memref<80x128xf32, #tpu.memory_space<vmem>>) dst(%dma_wait3A_174 : memref<80x128xf32, #tpu.memory_space<vmem_shared>>)
        tpu.yield
      }) : () -> ()
    } else {
    }
    %add3A_33 = arith.constant 64 : i32
    %add3A_34 = arith.addi %arg1, %add3A_33 : i32
    %lt3A_35 = arith.constant 125 : i32
    %lt3A_36 = arith.cmpi slt, %add3A_34, %lt3A_35 : i32
    %convert_element_type3A_37 = arith.extui %lt3A_36 : i1 to i32
    %cond3A_38 = arith.constant 0 : i32
    %cond3A_39 = arith.cmpi ne, %convert_element_type3A_37, %cond3A_38 : i32
    scf.if %cond3A_39 {
      %mul3A_165 = arith.constant 80 : i32
      %mul3A_166 = arith.muli %add3A_34, %mul3A_165 : i32
      "tpu.region"() ({
        %run_scoped3A = tpu.sem_alloc : memref<!tpu.dma_semaphore, #tpu.memory_space<semaphore_mem>>
        %dma_start3A_167 = arith.constant 0 : i32
        %dma_start3A_168 = tpu.memref_slice %arg15[%mul3A_166, %dma_start3A_167] : memref<10000x128xf32, #tpu.memory_space<vmem_shared>> -> memref<80x128xf32, #tpu.memory_space<vmem_shared>>
        %dma_start3A_169 = arith.constant 0 : i32
        %dma_start3A_170 = tpu.memref_slice %arg15[%mul3A_166, %dma_start3A_169] : memref<10000x128xf32, #tpu.memory_space<vmem_shared>> -> memref<80x128xf32, #tpu.memory_space<vmem_shared>>
        tpu.enqueue_dma source(%arg10 : memref<80x128xf32, #tpu.memory_space<vmem>>) target(%dma_start3A_170 : memref<80x128xf32, #tpu.memory_space<vmem_shared>>) target_semaphore(%run_scoped3A : memref<!tpu.dma_semaphore, #tpu.memory_space<semaphore_mem>>)
        %dma_wait3A_171 = arith.constant 0 : i32
        %dma_wait3A_172 = tpu.memref_slice %arg15[%mul3A_166, %dma_wait3A_171] : memref<10000x128xf32, #tpu.memory_space<vmem_shared>> -> memref<80x128xf32, #tpu.memory_space<vmem_shared>>
        %dma_wait3A_173 = arith.constant 0 : i32
        %dma_wait3A_174 = tpu.memref_slice %arg15[%mul3A_166, %dma_wait3A_173] : memref<10000x128xf32, #tpu.memory_space<vmem_shared>> -> memref<80x128xf32, #tpu.memory_space<vmem_shared>>
        tpu.wait_dma2 semaphore(%run_scoped3A : memref<!tpu.dma_semaphore, #tpu.memory_space<semaphore_mem>>) src(%arg10 : memref<80x128xf32, #tpu.memory_space<vmem>>) dst(%dma_wait3A_174 : memref<80x128xf32, #tpu.memory_space<vmem_shared>>)
        tpu.yield
      }) : () -> ()
    } else {
    }
    %add3A_40 = arith.constant 80 : i32
    %add3A_41 = arith.addi %arg1, %add3A_40 : i32
    %lt3A_42 = arith.constant 125 : i32
    %lt3A_43 = arith.cmpi slt, %add3A_41, %lt3A_42 : i32
    %convert_element_type3A_44 = arith.extui %lt3A_43 : i1 to i32
    %cond3A_45 = arith.constant 0 : i32
    %cond3A_46 = arith.cmpi ne, %convert_element_type3A_44, %cond3A_45 : i32
    scf.if %cond3A_46 {
      %mul3A_165 = arith.constant 80 : i32
      %mul3A_166 = arith.muli %add3A_41, %mul3A_165 : i32
      "tpu.region"() ({
        %run_scoped3A = tpu.sem_alloc : memref<!tpu.dma_semaphore, #tpu.memory_space<semaphore_mem>>
        %dma_start3A_167 = arith.constant 0 : i32
        %dma_start3A_168 = tpu.memref_slice %arg15[%mul3A_166, %dma_start3A_167] : memref<10000x128xf32, #tpu.memory_space<vmem_shared>> -> memref<80x128xf32, #tpu.memory_space<vmem_shared>>
        %dma_start3A_169 = arith.constant 0 : i32
        %dma_start3A_170 = tpu.memref_slice %arg15[%mul3A_166, %dma_start3A_169] : memref<10000x128xf32, #tpu.memory_space<vmem_shared>> -> memref<80x128xf32, #tpu.memory_space<vmem_shared>>
        tpu.enqueue_dma source(%arg10 : memref<80x128xf32, #tpu.memory_space<vmem>>) target(%dma_start3A_170 : memref<80x128xf32, #tpu.memory_space<vmem_shared>>) target_semaphore(%run_scoped3A : memref<!tpu.dma_semaphore, #tpu.memory_space<semaphore_mem>>)
        %dma_wait3A_171 = arith.constant 0 : i32
        %dma_wait3A_172 = tpu.memref_slice %arg15[%mul3A_166, %dma_wait3A_171] : memref<10000x128xf32, #tpu.memory_space<vmem_shared>> -> memref<80x128xf32, #tpu.memory_space<vmem_shared>>
        %dma_wait3A_173 = arith.constant 0 : i32
        %dma_wait3A_174 = tpu.memref_slice %arg15[%mul3A_166, %dma_wait3A_173] : memref<10000x128xf32, #tpu.memory_space<vmem_shared>> -> memref<80x128xf32, #tpu.memory_space<vmem_shared>>
        tpu.wait_dma2 semaphore(%run_scoped3A : memref<!tpu.dma_semaphore, #tpu.memory_space<semaphore_mem>>) src(%arg10 : memref<80x128xf32, #tpu.memory_space<vmem>>) dst(%dma_wait3A_174 : memref<80x128xf32, #tpu.memory_space<vmem_shared>>)
        tpu.yield
      }) : () -> ()
    } else {
    }
    %add3A_47 = arith.constant 96 : i32
    %add3A_48 = arith.addi %arg1, %add3A_47 : i32
    %lt3A_49 = arith.constant 125 : i32
    %lt3A_50 = arith.cmpi slt, %add3A_48, %lt3A_49 : i32
    %convert_element_type3A_51 = arith.extui %lt3A_50 : i1 to i32
    %cond3A_52 = arith.constant 0 : i32
    %cond3A_53 = arith.cmpi ne, %convert_element_type3A_51, %cond3A_52 : i32
    scf.if %cond3A_53 {
      %mul3A_165 = arith.constant 80 : i32
      %mul3A_166 = arith.muli %add3A_48, %mul3A_165 : i32
      "tpu.region"() ({
        %run_scoped3A = tpu.sem_alloc : memref<!tpu.dma_semaphore, #tpu.memory_space<semaphore_mem>>
        %dma_start3A_167 = arith.constant 0 : i32
        %dma_start3A_168 = tpu.memref_slice %arg15[%mul3A_166, %dma_start3A_167] : memref<10000x128xf32, #tpu.memory_space<vmem_shared>> -> memref<80x128xf32, #tpu.memory_space<vmem_shared>>
        %dma_start3A_169 = arith.constant 0 : i32
        %dma_start3A_170 = tpu.memref_slice %arg15[%mul3A_166, %dma_start3A_169] : memref<10000x128xf32, #tpu.memory_space<vmem_shared>> -> memref<80x128xf32, #tpu.memory_space<vmem_shared>>
        tpu.enqueue_dma source(%arg10 : memref<80x128xf32, #tpu.memory_space<vmem>>) target(%dma_start3A_170 : memref<80x128xf32, #tpu.memory_space<vmem_shared>>) target_semaphore(%run_scoped3A : memref<!tpu.dma_semaphore, #tpu.memory_space<semaphore_mem>>)
        %dma_wait3A_171 = arith.constant 0 : i32
        %dma_wait3A_172 = tpu.memref_slice %arg15[%mul3A_166, %dma_wait3A_171] : memref<10000x128xf32, #tpu.memory_space<vmem_shared>> -> memref<80x128xf32, #tpu.memory_space<vmem_shared>>
        %dma_wait3A_173 = arith.constant 0 : i32
        %dma_wait3A_174 = tpu.memref_slice %arg15[%mul3A_166, %dma_wait3A_173] : memref<10000x128xf32, #tpu.memory_space<vmem_shared>> -> memref<80x128xf32, #tpu.memory_space<vmem_shared>>
        tpu.wait_dma2 semaphore(%run_scoped3A : memref<!tpu.dma_semaphore, #tpu.memory_space<semaphore_mem>>) src(%arg10 : memref<80x128xf32, #tpu.memory_space<vmem>>) dst(%dma_wait3A_174 : memref<80x128xf32, #tpu.memory_space<vmem_shared>>)
        tpu.yield
      }) : () -> ()
    } else {
    }
    %add3A_54 = arith.constant 112 : i32
    %add3A_55 = arith.addi %arg1, %add3A_54 : i32
    %lt3A_56 = arith.constant 125 : i32
    %lt3A_57 = arith.cmpi slt, %add3A_55, %lt3A_56 : i32
    %convert_element_type3A_58 = arith.extui %lt3A_57 : i1 to i32
    %cond3A_59 = arith.constant 0 : i32
    %cond3A_60 = arith.cmpi ne, %convert_element_type3A_58, %cond3A_59 : i32
    scf.if %cond3A_60 {
      %mul3A_165 = arith.constant 80 : i32
      %mul3A_166 = arith.muli %add3A_55, %mul3A_165 : i32
      "tpu.region"() ({
        %run_scoped3A = tpu.sem_alloc : memref<!tpu.dma_semaphore, #tpu.memory_space<semaphore_mem>>
        %dma_start3A_167 = arith.constant 0 : i32
        %dma_start3A_168 = tpu.memref_slice %arg15[%mul3A_166, %dma_start3A_167] : memref<10000x128xf32, #tpu.memory_space<vmem_shared>> -> memref<80x128xf32, #tpu.memory_space<vmem_shared>>
        %dma_start3A_169 = arith.constant 0 : i32
        %dma_start3A_170 = tpu.memref_slice %arg15[%mul3A_166, %dma_start3A_169] : memref<10000x128xf32, #tpu.memory_space<vmem_shared>> -> memref<80x128xf32, #tpu.memory_space<vmem_shared>>
        tpu.enqueue_dma source(%arg10 : memref<80x128xf32, #tpu.memory_space<vmem>>) target(%dma_start3A_170 : memref<80x128xf32, #tpu.memory_space<vmem_shared>>) target_semaphore(%run_scoped3A : memref<!tpu.dma_semaphore, #tpu.memory_space<semaphore_mem>>)
        %dma_wait3A_171 = arith.constant 0 : i32
        %dma_wait3A_172 = tpu.memref_slice %arg15[%mul3A_166, %dma_wait3A_171] : memref<10000x128xf32, #tpu.memory_space<vmem_shared>> -> memref<80x128xf32, #tpu.memory_space<vmem_shared>>
        %dma_wait3A_173 = arith.constant 0 : i32
        %dma_wait3A_174 = tpu.memref_slice %arg15[%mul3A_166, %dma_wait3A_173] : memref<10000x128xf32, #tpu.memory_space<vmem_shared>> -> memref<80x128xf32, #tpu.memory_space<vmem_shared>>
        tpu.wait_dma2 semaphore(%run_scoped3A : memref<!tpu.dma_semaphore, #tpu.memory_space<semaphore_mem>>) src(%arg10 : memref<80x128xf32, #tpu.memory_space<vmem>>) dst(%dma_wait3A_174 : memref<80x128xf32, #tpu.memory_space<vmem_shared>>)
        tpu.yield
      }) : () -> ()
    } else {
    }
    %barrier3A = arith.constant 0 : index
    tpu.barrier barrier_id(%barrier3A)
    %dma_start3A = tpu.memref_slice %arg3[%mul3A_2] : memref<320000xi32, #tpu.memory_space<hbm>> -> memref<80xi32, #tpu.memory_space<hbm>>
    %dma_start3A_61 = tpu.memref_slice %arg3[%mul3A_2] : memref<320000xi32, #tpu.memory_space<hbm>> -> memref<80xi32, #tpu.memory_space<hbm>>
    tpu.enqueue_dma source(%dma_start3A_61 : memref<80xi32, #tpu.memory_space<hbm>>) target(%arg7 : memref<80xi32, #tpu.memory_space<vmem>>) target_semaphore(%arg16 : memref<!tpu.dma_semaphore, #tpu.memory_space<semaphore_mem>>)
    %dma_start3A_62 = tpu.memref_slice %arg4[%mul3A_2] : memref<320000xi32, #tpu.memory_space<hbm>> -> memref<80xi32, #tpu.memory_space<hbm>>
    %dma_start3A_63 = tpu.memref_slice %arg4[%mul3A_2] : memref<320000xi32, #tpu.memory_space<hbm>> -> memref<80xi32, #tpu.memory_space<hbm>>
    tpu.enqueue_dma source(%dma_start3A_63 : memref<80xi32, #tpu.memory_space<hbm>>) target(%arg8 : memref<80xi32, #tpu.memory_space<vmem>>) target_semaphore(%arg16 : memref<!tpu.dma_semaphore, #tpu.memory_space<semaphore_mem>>)
    %dma_start3A_64 = arith.constant 0 : i32
    %dma_start3A_65 = tpu.memref_slice %arg5[%mul3A_2, %dma_start3A_64] : memref<320000x128xf32, #tpu.memory_space<hbm>> -> memref<80x128xf32, #tpu.memory_space<hbm>>
    %dma_start3A_66 = arith.constant 0 : i32
    %dma_start3A_67 = tpu.memref_slice %arg5[%mul3A_2, %dma_start3A_66] : memref<320000x128xf32, #tpu.memory_space<hbm>> -> memref<80x128xf32, #tpu.memory_space<hbm>>
    tpu.enqueue_dma source(%dma_start3A_67 : memref<80x128xf32, #tpu.memory_space<hbm>>) target(%arg9 : memref<80x128xf32, #tpu.memory_space<vmem>>) target_semaphore(%arg17 : memref<!tpu.dma_semaphore, #tpu.memory_space<semaphore_mem>>)
    %dma_wait3A = arith.constant 0 : i32
    %dma_wait3A_68 = tpu.memref_slice %arg3[%dma_wait3A] : memref<320000xi32, #tpu.memory_space<hbm>> -> memref<80xi32, #tpu.memory_space<hbm>>
    %dma_wait3A_69 = arith.constant 0 : i32
    %dma_wait3A_70 = tpu.memref_slice %arg3[%dma_wait3A_69] : memref<320000xi32, #tpu.memory_space<hbm>> -> memref<80xi32, #tpu.memory_space<hbm>>
    tpu.wait_dma2 semaphore(%arg16 : memref<!tpu.dma_semaphore, #tpu.memory_space<semaphore_mem>>) src(%dma_wait3A_70 : memref<80xi32, #tpu.memory_space<hbm>>) dst(%arg7 : memref<80xi32, #tpu.memory_space<vmem>>)
    %dma_wait3A_71 = arith.constant 0 : i32
    %dma_wait3A_72 = tpu.memref_slice %arg4[%dma_wait3A_71] : memref<320000xi32, #tpu.memory_space<hbm>> -> memref<80xi32, #tpu.memory_space<hbm>>
    %dma_wait3A_73 = arith.constant 0 : i32
    %dma_wait3A_74 = tpu.memref_slice %arg4[%dma_wait3A_73] : memref<320000xi32, #tpu.memory_space<hbm>> -> memref<80xi32, #tpu.memory_space<hbm>>
    tpu.wait_dma2 semaphore(%arg16 : memref<!tpu.dma_semaphore, #tpu.memory_space<semaphore_mem>>) src(%dma_wait3A_74 : memref<80xi32, #tpu.memory_space<hbm>>) dst(%arg8 : memref<80xi32, #tpu.memory_space<vmem>>)
    %dma_start3A_75 = arith.constant 0 : i32
    %dma_start3A_76 = arith.constant 0 : i32
    %dma_start3A_77 = tpu.memref_slice %arg2[%dma_start3A_75, %dma_start3A_76] : memref<10000x128xf32, #tpu.memory_space<hbm>> -> memref<10000x128xf32, #tpu.memory_space<hbm>>
    tpu.enqueue_indirect_dma source(%dma_start3A_77 : memref<10000x128xf32, #tpu.memory_space<hbm>>) target(%arg10 : memref<80x128xf32, #tpu.memory_space<vmem>>) offsets(%arg7 : memref<80xi32, #tpu.memory_space<vmem>>) semaphore(%arg18 : memref<!tpu.dma_semaphore, #tpu.memory_space<semaphore_mem>>)
    %scan3A_78 = arith.constant 0 : i32
    %scan3A_79 = arith.constant 0 : i32
    %scan3A_80 = arith.constant 62 : i32
    %scan3A_81 = arith.addi %scan3A_79, %scan3A_80 : i32
    %scan3A_82 = arith.constant 1 : i32
    scf.for %scan3A_165 = %scan3A_79 to %scan3A_81 step %scan3A_82  : i32 {
      %mul3A_166 = arith.constant 2 : i32
      %mul3A_167 = arith.muli %mul3A_166, %scan3A_165 : i32
      %add3A_168 = arith.constant 0 : i32
      %add3A_169 = arith.addi %mul3A_167, %add3A_168 : i32
      %dma_wait3A_170 = arith.constant 0 : i32
      %dma_wait3A_171 = arith.constant 0 : i32
      %dma_wait3A_172 = tpu.memref_slice %arg2[%dma_wait3A_170, %dma_wait3A_171] : memref<10000x128xf32, #tpu.memory_space<hbm>> -> memref<10000x128xf32, #tpu.memory_space<hbm>>
      tpu.wait_indirect_dma semaphore(%arg18 : memref<!tpu.dma_semaphore, #tpu.memory_space<semaphore_mem>>) src(%dma_wait3A_172 : memref<10000x128xf32, #tpu.memory_space<hbm>>) dst(%arg10 : memref<80x128xf32, #tpu.memory_space<vmem>>)
      %dma_wait3A_173 = arith.constant 0 : i32
      %dma_wait3A_174 = arith.constant 0 : i32
      %dma_wait3A_175 = tpu.memref_slice %arg5[%dma_wait3A_173, %dma_wait3A_174] : memref<320000x128xf32, #tpu.memory_space<hbm>> -> memref<80x128xf32, #tpu.memory_space<hbm>>
      %dma_wait3A_176 = arith.constant 0 : i32
      %dma_wait3A_177 = arith.constant 0 : i32
      %dma_wait3A_178 = tpu.memref_slice %arg5[%dma_wait3A_176, %dma_wait3A_177] : memref<320000x128xf32, #tpu.memory_space<hbm>> -> memref<80x128xf32, #tpu.memory_space<hbm>>
      tpu.wait_dma2 semaphore(%arg17 : memref<!tpu.dma_semaphore, #tpu.memory_space<semaphore_mem>>) src(%dma_wait3A_178 : memref<80x128xf32, #tpu.memory_space<hbm>>) dst(%arg9 : memref<80x128xf32, #tpu.memory_space<vmem>>)
      %gt3A = arith.constant 0 : i32
      %gt3A_179 = arith.cmpi sgt, %scan3A_165, %gt3A : i32
      %convert_element_type3A_180 = arith.extui %gt3A_179 : i1 to i32
      %cond3A_181 = arith.constant 0 : i32
      %cond3A_182 = arith.cmpi ne, %convert_element_type3A_180, %cond3A_181 : i32
      scf.if %cond3A_182 {
        %dma_wait3A_265 = arith.constant 0 : i32
        %dma_wait3A_266 = arith.constant 0 : i32
        %dma_wait3A_267 = tpu.memref_slice %arg15[%dma_wait3A_265, %dma_wait3A_266] : memref<10000x128xf32, #tpu.memory_space<vmem_shared>> -> memref<10000x128xf32, #tpu.memory_space<vmem_shared>>
        tpu.wait_indirect_dma semaphore(%arg23 : memref<!tpu.dma_semaphore, #tpu.memory_space<semaphore_mem>>) src(%arg13 : memref<80x128xf32, #tpu.memory_space<vmem>>) dst(%dma_wait3A_267 : memref<10000x128xf32, #tpu.memory_space<vmem_shared>>)
      } else {
      }
      %add3A_183 = arith.constant 1 : i32
      %add3A_184 = arith.addi %add3A_169, %add3A_183 : i32
      %mul3A_185 = arith.constant 80 : i32
      %mul3A_186 = arith.muli %add3A_184, %mul3A_185 : i32
      %add3A_187 = arith.addi %mul3A_2, %mul3A_186 : i32
      %dma_start3A_188 = tpu.memref_slice %arg3[%add3A_187] : memref<320000xi32, #tpu.memory_space<hbm>> -> memref<80xi32, #tpu.memory_space<hbm>>
      %dma_start3A_189 = tpu.memref_slice %arg3[%add3A_187] : memref<320000xi32, #tpu.memory_space<hbm>> -> memref<80xi32, #tpu.memory_space<hbm>>
      tpu.enqueue_dma source(%dma_start3A_189 : memref<80xi32, #tpu.memory_space<hbm>>) target(%arg11 : memref<80xi32, #tpu.memory_space<vmem>>) target_semaphore(%arg20 : memref<!tpu.dma_semaphore, #tpu.memory_space<semaphore_mem>>)
      %dma_start3A_190 = tpu.memref_slice %arg4[%add3A_187] : memref<320000xi32, #tpu.memory_space<hbm>> -> memref<80xi32, #tpu.memory_space<hbm>>
      %dma_start3A_191 = tpu.memref_slice %arg4[%add3A_187] : memref<320000xi32, #tpu.memory_space<hbm>> -> memref<80xi32, #tpu.memory_space<hbm>>
      tpu.enqueue_dma source(%dma_start3A_191 : memref<80xi32, #tpu.memory_space<hbm>>) target(%arg12 : memref<80xi32, #tpu.memory_space<vmem>>) target_semaphore(%arg20 : memref<!tpu.dma_semaphore, #tpu.memory_space<semaphore_mem>>)
      %dma_start3A_192 = arith.constant 0 : i32
      %dma_start3A_193 = tpu.memref_slice %arg5[%add3A_187, %dma_start3A_192] : memref<320000x128xf32, #tpu.memory_space<hbm>> -> memref<80x128xf32, #tpu.memory_space<hbm>>
      %dma_start3A_194 = arith.constant 0 : i32
      %dma_start3A_195 = tpu.memref_slice %arg5[%add3A_187, %dma_start3A_194] : memref<320000x128xf32, #tpu.memory_space<hbm>> -> memref<80x128xf32, #tpu.memory_space<hbm>>
      tpu.enqueue_dma source(%dma_start3A_195 : memref<80x128xf32, #tpu.memory_space<hbm>>) target(%arg13 : memref<80x128xf32, #tpu.memory_space<vmem>>) target_semaphore(%arg21 : memref<!tpu.dma_semaphore, #tpu.memory_space<semaphore_mem>>)
      %dma_wait3A_196 = arith.constant 0 : i32
      %dma_wait3A_197 = tpu.memref_slice %arg3[%dma_wait3A_196] : memref<320000xi32, #tpu.memory_space<hbm>> -> memref<80xi32, #tpu.memory_space<hbm>>
      %dma_wait3A_198 = arith.constant 0 : i32
      %dma_wait3A_199 = tpu.memref_slice %arg3[%dma_wait3A_198] : memref<320000xi32, #tpu.memory_space<hbm>> -> memref<80xi32, #tpu.memory_space<hbm>>
      tpu.wait_dma2 semaphore(%arg20 : memref<!tpu.dma_semaphore, #tpu.memory_space<semaphore_mem>>) src(%dma_wait3A_199 : memref<80xi32, #tpu.memory_space<hbm>>) dst(%arg11 : memref<80xi32, #tpu.memory_space<vmem>>)
      %dma_wait3A_200 = arith.constant 0 : i32
      %dma_wait3A_201 = tpu.memref_slice %arg4[%dma_wait3A_200] : memref<320000xi32, #tpu.memory_space<hbm>> -> memref<80xi32, #tpu.memory_space<hbm>>
      %dma_wait3A_202 = arith.constant 0 : i32
      %dma_wait3A_203 = tpu.memref_slice %arg4[%dma_wait3A_202] : memref<320000xi32, #tpu.memory_space<hbm>> -> memref<80xi32, #tpu.memory_space<hbm>>
      tpu.wait_dma2 semaphore(%arg20 : memref<!tpu.dma_semaphore, #tpu.memory_space<semaphore_mem>>) src(%dma_wait3A_203 : memref<80xi32, #tpu.memory_space<hbm>>) dst(%arg12 : memref<80xi32, #tpu.memory_space<vmem>>)
      %dma_start3A_204 = arith.constant 0 : i32
      %dma_start3A_205 = arith.constant 0 : i32
      %dma_start3A_206 = tpu.memref_slice %arg2[%dma_start3A_204, %dma_start3A_205] : memref<10000x128xf32, #tpu.memory_space<hbm>> -> memref<10000x128xf32, #tpu.memory_space<hbm>>
      tpu.enqueue_indirect_dma source(%dma_start3A_206 : memref<10000x128xf32, #tpu.memory_space<hbm>>) target(%arg14 : memref<80x128xf32, #tpu.memory_space<vmem>>) offsets(%arg11 : memref<80xi32, #tpu.memory_space<vmem>>) semaphore(%arg22 : memref<!tpu.dma_semaphore, #tpu.memory_space<semaphore_mem>>)
      %scan3A_207 = arith.constant 0 : i32
      %scan3A_208 = arith.constant 0 : i32
      %scan3A_209 = arith.constant 80 : i32
      %scan3A_210 = arith.addi %scan3A_208, %scan3A_209 : i32
      %scan3A_211 = arith.constant 2 : i32
      scf.for %scan3A_265 = %scan3A_208 to %scan3A_210 step %scan3A_211  : i32 {
        %get3A = arith.index_cast %scan3A_265 : i32 to index
        %get3A_266 = arith.constant 0 : index
        %get3A_267 = tpu.vector_load %arg10[%get3A, %get3A_266] {strides = array<i32>} : memref<80x128xf32, #tpu.memory_space<vmem>>, vector<1x16xf32>,
        %get3A_268 = vector.shape_cast %get3A_267 : vector<1x16xf32> to vector<16xf32>
        %get3A_269 = arith.index_cast %scan3A_265 : i32 to index
        %get3A_270 = arith.constant 0 : index
        %get3A_271 = tpu.vector_load %arg9[%get3A_269, %get3A_270] {strides = array<i32>} : memref<80x128xf32, #tpu.memory_space<vmem>>, vector<1x16xf32>,
        %get3A_272 = vector.shape_cast %get3A_271 : vector<1x16xf32> to vector<16xf32>
        %add3A_273 = arith.addf %get3A_268, %get3A_272 : vector<16xf32>
        %max3A = arith.constant 0.000000e+00 : f32
        %max3A_274 = vector.broadcast %max3A : f32 to vector<16xf32>
        %max3A_275 = arith.maximumf %add3A_273, %max3A_274 : vector<16xf32>
        %swap3A = arith.index_cast %scan3A_265 : i32 to index
        %swap3A_276 = arith.constant 0 : index
        %swap3A_277 = tpu.vector_load %arg9[%swap3A, %swap3A_276] {strides = array<i32>} : memref<80x128xf32, #tpu.memory_space<vmem>>, vector<1x16xf32>,
        %swap3A_278 = vector.shape_cast %swap3A_277 : vector<1x16xf32> to vector<16xf32>
        %swap3A_279 = vector.shape_cast %max3A_275 : vector<16xf32> to vector<1x16xf32>
        tpu.vector_store %arg9[%swap3A, %swap3A_276], %swap3A_279 {strides = array<i32>} : memref<80x128xf32, #tpu.memory_space<vmem>>, vector<1x16xf32>,
        %get3A_280 = arith.index_cast %scan3A_265 : i32 to index
        %get3A_281 = arith.constant 16 : index
        %get3A_282 = tpu.vector_load %arg10[%get3A_280, %get3A_281] {strides = array<i32>} : memref<80x128xf32, #tpu.memory_space<vmem>>, vector<1x16xf32>,
        %get3A_283 = vector.shape_cast %get3A_282 : vector<1x16xf32> to vector<16xf32>
        %get3A_284 = arith.index_cast %scan3A_265 : i32 to index
        %get3A_285 = arith.constant 16 : index
        %get3A_286 = tpu.vector_load %arg9[%get3A_284, %get3A_285] {strides = array<i32>} : memref<80x128xf32, #tpu.memory_space<vmem>>, vector<1x16xf32>,
        %get3A_287 = vector.shape_cast %get3A_286 : vector<1x16xf32> to vector<16xf32>
        %add3A_288 = arith.addf %get3A_283, %get3A_287 : vector<16xf32>
        %max3A_289 = arith.constant 0.000000e+00 : f32
        %max3A_290 = vector.broadcast %max3A_289 : f32 to vector<16xf32>
        %max3A_291 = arith.maximumf %add3A_288, %max3A_290 : vector<16xf32>
        %swap3A_292 = arith.index_cast %scan3A_265 : i32 to index
        %swap3A_293 = arith.constant 16 : index
        %swap3A_294 = tpu.vector_load %arg9[%swap3A_292, %swap3A_293] {strides = array<i32>} : memref<80x128xf32, #tpu.memory_space<vmem>>, vector<1x16xf32>,
        %swap3A_295 = vector.shape_cast %swap3A_294 : vector<1x16xf32> to vector<16xf32>
        %swap3A_296 = vector.shape_cast %max3A_291 : vector<16xf32> to vector<1x16xf32>
        tpu.vector_store %arg9[%swap3A_292, %swap3A_293], %swap3A_296 {strides = array<i32>} : memref<80x128xf32, #tpu.memory_space<vmem>>, vector<1x16xf32>,
        %get3A_297 = arith.index_cast %scan3A_265 : i32 to index
        %get3A_298 = arith.constant 32 : index
        %get3A_299 = tpu.vector_load %arg10[%get3A_297, %get3A_298] {strides = array<i32>} : memref<80x128xf32, #tpu.memory_space<vmem>>, vector<1x16xf32>,
        %get3A_300 = vector.shape_cast %get3A_299 : vector<1x16xf32> to vector<16xf32>
        %get3A_301 = arith.index_cast %scan3A_265 : i32 to index
        %get3A_302 = arith.constant 32 : index
        %get3A_303 = tpu.vector_load %arg9[%get3A_301, %get3A_302] {strides = array<i32>} : memref<80x128xf32, #tpu.memory_space<vmem>>, vector<1x16xf32>,
        %get3A_304 = vector.shape_cast %get3A_303 : vector<1x16xf32> to vector<16xf32>
        %add3A_305 = arith.addf %get3A_300, %get3A_304 : vector<16xf32>
        %max3A_306 = arith.constant 0.000000e+00 : f32
        %max3A_307 = vector.broadcast %max3A_306 : f32 to vector<16xf32>
        %max3A_308 = arith.maximumf %add3A_305, %max3A_307 : vector<16xf32>
        %swap3A_309 = arith.index_cast %scan3A_265 : i32 to index
        %swap3A_310 = arith.constant 32 : index
        %swap3A_311 = tpu.vector_load %arg9[%swap3A_309, %swap3A_310] {strides = array<i32>} : memref<80x128xf32, #tpu.memory_space<vmem>>, vector<1x16xf32>,
        %swap3A_312 = vector.shape_cast %swap3A_311 : vector<1x16xf32> to vector<16xf32>
        %swap3A_313 = vector.shape_cast %max3A_308 : vector<16xf32> to vector<1x16xf32>
        tpu.vector_store %arg9[%swap3A_309, %swap3A_310], %swap3A_313 {strides = array<i32>} : memref<80x128xf32, #tpu.memory_space<vmem>>, vector<1x16xf32>,
        %get3A_314 = arith.index_cast %scan3A_265 : i32 to index
        %get3A_315 = arith.constant 48 : index
        %get3A_316 = tpu.vector_load %arg10[%get3A_314, %get3A_315] {strides = array<i32>} : memref<80x128xf32, #tpu.memory_space<vmem>>, vector<1x16xf32>,
        %get3A_317 = vector.shape_cast %get3A_316 : vector<1x16xf32> to vector<16xf32>
        %get3A_318 = arith.index_cast %scan3A_265 : i32 to index
        %get3A_319 = arith.constant 48 : index
        %get3A_320 = tpu.vector_load %arg9[%get3A_318, %get3A_319] {strides = array<i32>} : memref<80x128xf32, #tpu.memory_space<vmem>>, vector<1x16xf32>,
        %get3A_321 = vector.shape_cast %get3A_320 : vector<1x16xf32> to vector<16xf32>
        %add3A_322 = arith.addf %get3A_317, %get3A_321 : vector<16xf32>
        %max3A_323 = arith.constant 0.000000e+00 : f32
        %max3A_324 = vector.broadcast %max3A_323 : f32 to vector<16xf32>
        %max3A_325 = arith.maximumf %add3A_322, %max3A_324 : vector<16xf32>
        %swap3A_326 = arith.index_cast %scan3A_265 : i32 to index
        %swap3A_327 = arith.constant 48 : index
        %swap3A_328 = tpu.vector_load %arg9[%swap3A_326, %swap3A_327] {strides = array<i32>} : memref<80x128xf32, #tpu.memory_space<vmem>>, vector<1x16xf32>,
        %swap3A_329 = vector.shape_cast %swap3A_328 : vector<1x16xf32> to vector<16xf32>
        %swap3A_330 = vector.shape_cast %max3A_325 : vector<16xf32> to vector<1x16xf32>
        tpu.vector_store %arg9[%swap3A_326, %swap3A_327], %swap3A_330 {strides = array<i32>} : memref<80x128xf32, #tpu.memory_space<vmem>>, vector<1x16xf32>,
        %get3A_331 = arith.index_cast %scan3A_265 : i32 to index
        %get3A_332 = arith.constant 64 : index
        %get3A_333 = tpu.vector_load %arg10[%get3A_331, %get3A_332] {strides = array<i32>} : memref<80x128xf32, #tpu.memory_space<vmem>>, vector<1x16xf32>,
        %get3A_334 = vector.shape_cast %get3A_333 : vector<1x16xf32> to vector<16xf32>
        %get3A_335 = arith.index_cast %scan3A_265 : i32 to index
        %get3A_336 = arith.constant 64 : index
        %get3A_337 = tpu.vector_load %arg9[%get3A_335, %get3A_336] {strides = array<i32>} : memref<80x128xf32, #tpu.memory_space<vmem>>, vector<1x16xf32>,
        %get3A_338 = vector.shape_cast %get3A_337 : vector<1x16xf32> to vector<16xf32>
        %add3A_339 = arith.addf %get3A_334, %get3A_338 : vector<16xf32>
        %max3A_340 = arith.constant 0.000000e+00 : f32
        %max3A_341 = vector.broadcast %max3A_340 : f32 to vector<16xf32>
        %max3A_342 = arith.maximumf %add3A_339, %max3A_341 : vector<16xf32>
        %swap3A_343 = arith.index_cast %scan3A_265 : i32 to index
        %swap3A_344 = arith.constant 64 : index
        %swap3A_345 = tpu.vector_load %arg9[%swap3A_343, %swap3A_344] {strides = array<i32>} : memref<80x128xf32, #tpu.memory_space<vmem>>, vector<1x16xf32>,
        %swap3A_346 = vector.shape_cast %swap3A_345 : vector<1x16xf32> to vector<16xf32>
        %swap3A_347 = vector.shape_cast %max3A_342 : vector<16xf32> to vector<1x16xf32>
        tpu.vector_store %arg9[%swap3A_343, %swap3A_344], %swap3A_347 {strides = array<i32>} : memref<80x128xf32, #tpu.memory_space<vmem>>, vector<1x16xf32>,
        %get3A_348 = arith.index_cast %scan3A_265 : i32 to index
        %get3A_349 = arith.constant 80 : index
        %get3A_350 = tpu.vector_load %arg10[%get3A_348, %get3A_349] {strides = array<i32>} : memref<80x128xf32, #tpu.memory_space<vmem>>, vector<1x16xf32>,
        %get3A_351 = vector.shape_cast %get3A_350 : vector<1x16xf32> to vector<16xf32>
        %get3A_352 = arith.index_cast %scan3A_265 : i32 to index
        %get3A_353 = arith.constant 80 : index
        %get3A_354 = tpu.vector_load %arg9[%get3A_352, %get3A_353] {strides = array<i32>} : memref<80x128xf32, #tpu.memory_space<vmem>>, vector<1x16xf32>,
        %get3A_355 = vector.shape_cast %get3A_354 : vector<1x16xf32> to vector<16xf32>
        %add3A_356 = arith.addf %get3A_351, %get3A_355 : vector<16xf32>
        %max3A_357 = arith.constant 0.000000e+00 : f32
        %max3A_358 = vector.broadcast %max3A_357 : f32 to vector<16xf32>
        %max3A_359 = arith.maximumf %add3A_356, %max3A_358 : vector<16xf32>
        %swap3A_360 = arith.index_cast %scan3A_265 : i32 to index
        %swap3A_361 = arith.constant 80 : index
        %swap3A_362 = tpu.vector_load %arg9[%swap3A_360, %swap3A_361] {strides = array<i32>} : memref<80x128xf32, #tpu.memory_space<vmem>>, vector<1x16xf32>,
        %swap3A_363 = vector.shape_cast %swap3A_362 : vector<1x16xf32> to vector<16xf32>
        %swap3A_364 = vector.shape_cast %max3A_359 : vector<16xf32> to vector<1x16xf32>
        tpu.vector_store %arg9[%swap3A_360, %swap3A_361], %swap3A_364 {strides = array<i32>} : memref<80x128xf32, #tpu.memory_space<vmem>>, vector<1x16xf32>,
        %get3A_365 = arith.index_cast %scan3A_265 : i32 to index
        %get3A_366 = arith.constant 96 : index
        %get3A_367 = tpu.vector_load %arg10[%get3A_365, %get3A_366] {strides = array<i32>} : memref<80x128xf32, #tpu.memory_space<vmem>>, vector<1x16xf32>,
        %get3A_368 = vector.shape_cast %get3A_367 : vector<1x16xf32> to vector<16xf32>
        %get3A_369 = arith.index_cast %scan3A_265 : i32 to index
        %get3A_370 = arith.constant 96 : index
        %get3A_371 = tpu.vector_load %arg9[%get3A_369, %get3A_370] {strides = array<i32>} : memref<80x128xf32, #tpu.memory_space<vmem>>, vector<1x16xf32>,
        %get3A_372 = vector.shape_cast %get3A_371 : vector<1x16xf32> to vector<16xf32>
        %add3A_373 = arith.addf %get3A_368, %get3A_372 : vector<16xf32>
        %max3A_374 = arith.constant 0.000000e+00 : f32
        %max3A_375 = vector.broadcast %max3A_374 : f32 to vector<16xf32>
        %max3A_376 = arith.maximumf %add3A_373, %max3A_375 : vector<16xf32>
        %swap3A_377 = arith.index_cast %scan3A_265 : i32 to index
        %swap3A_378 = arith.constant 96 : index
        %swap3A_379 = tpu.vector_load %arg9[%swap3A_377, %swap3A_378] {strides = array<i32>} : memref<80x128xf32, #tpu.memory_space<vmem>>, vector<1x16xf32>,
        %swap3A_380 = vector.shape_cast %swap3A_379 : vector<1x16xf32> to vector<16xf32>
        %swap3A_381 = vector.shape_cast %max3A_376 : vector<16xf32> to vector<1x16xf32>
        tpu.vector_store %arg9[%swap3A_377, %swap3A_378], %swap3A_381 {strides = array<i32>} : memref<80x128xf32, #tpu.memory_space<vmem>>, vector<1x16xf32>,
        %get3A_382 = arith.index_cast %scan3A_265 : i32 to index
        %get3A_383 = arith.constant 112 : index
        %get3A_384 = tpu.vector_load %arg10[%get3A_382, %get3A_383] {strides = array<i32>} : memref<80x128xf32, #tpu.memory_space<vmem>>, vector<1x16xf32>,
        %get3A_385 = vector.shape_cast %get3A_384 : vector<1x16xf32> to vector<16xf32>
        %get3A_386 = arith.index_cast %scan3A_265 : i32 to index
        %get3A_387 = arith.constant 112 : index
        %get3A_388 = tpu.vector_load %arg9[%get3A_386, %get3A_387] {strides = array<i32>} : memref<80x128xf32, #tpu.memory_space<vmem>>, vector<1x16xf32>,
        %get3A_389 = vector.shape_cast %get3A_388 : vector<1x16xf32> to vector<16xf32>
        %add3A_390 = arith.addf %get3A_385, %get3A_389 : vector<16xf32>
        %max3A_391 = arith.constant 0.000000e+00 : f32
        %max3A_392 = vector.broadcast %max3A_391 : f32 to vector<16xf32>
        %max3A_393 = arith.maximumf %add3A_390, %max3A_392 : vector<16xf32>
        %swap3A_394 = arith.index_cast %scan3A_265 : i32 to index
        %swap3A_395 = arith.constant 112 : index
        %swap3A_396 = tpu.vector_load %arg9[%swap3A_394, %swap3A_395] {strides = array<i32>} : memref<80x128xf32, #tpu.memory_space<vmem>>, vector<1x16xf32>,
        %swap3A_397 = vector.shape_cast %swap3A_396 : vector<1x16xf32> to vector<16xf32>
        %swap3A_398 = vector.shape_cast %max3A_393 : vector<16xf32> to vector<1x16xf32>
        tpu.vector_store %arg9[%swap3A_394, %swap3A_395], %swap3A_398 {strides = array<i32>} : memref<80x128xf32, #tpu.memory_space<vmem>>, vector<1x16xf32>,
        %scan3A_399 = arith.constant 1 : i32
        %scan3A_400 = arith.addi %scan3A_265, %scan3A_399 : i32
        %get3A_401 = arith.index_cast %scan3A_400 : i32 to index
        %get3A_402 = arith.constant 0 : index
        %get3A_403 = tpu.vector_load %arg10[%get3A_401, %get3A_402] {strides = array<i32>} : memref<80x128xf32, #tpu.memory_space<vmem>>, vector<1x16xf32>,
        %get3A_404 = vector.shape_cast %get3A_403 : vector<1x16xf32> to vector<16xf32>
        %get3A_405 = arith.index_cast %scan3A_400 : i32 to index
        %get3A_406 = arith.constant 0 : index
        %get3A_407 = tpu.vector_load %arg9[%get3A_405, %get3A_406] {strides = array<i32>} : memref<80x128xf32, #tpu.memory_space<vmem>>, vector<1x16xf32>,
        %get3A_408 = vector.shape_cast %get3A_407 : vector<1x16xf32> to vector<16xf32>
        %add3A_409 = arith.addf %get3A_404, %get3A_408 : vector<16xf32>
        %max3A_410 = arith.constant 0.000000e+00 : f32
        %max3A_411 = vector.broadcast %max3A_410 : f32 to vector<16xf32>
        %max3A_412 = arith.maximumf %add3A_409, %max3A_411 : vector<16xf32>
        %swap3A_413 = arith.index_cast %scan3A_400 : i32 to index
        %swap3A_414 = arith.constant 0 : index
        %swap3A_415 = tpu.vector_load %arg9[%swap3A_413, %swap3A_414] {strides = array<i32>} : memref<80x128xf32, #tpu.memory_space<vmem>>, vector<1x16xf32>,
        %swap3A_416 = vector.shape_cast %swap3A_415 : vector<1x16xf32> to vector<16xf32>
        %swap3A_417 = vector.shape_cast %max3A_412 : vector<16xf32> to vector<1x16xf32>
        tpu.vector_store %arg9[%swap3A_413, %swap3A_414], %swap3A_417 {strides = array<i32>} : memref<80x128xf32, #tpu.memory_space<vmem>>, vector<1x16xf32>,
        %get3A_418 = arith.index_cast %scan3A_400 : i32 to index
        %get3A_419 = arith.constant 16 : index
        %get3A_420 = tpu.vector_load %arg10[%get3A_418, %get3A_419] {strides = array<i32>} : memref<80x128xf32, #tpu.memory_space<vmem>>, vector<1x16xf32>,
        %get3A_421 = vector.shape_cast %get3A_420 : vector<1x16xf32> to vector<16xf32>
        %get3A_422 = arith.index_cast %scan3A_400 : i32 to index
        %get3A_423 = arith.constant 16 : index
        %get3A_424 = tpu.vector_load %arg9[%get3A_422, %get3A_423] {strides = array<i32>} : memref<80x128xf32, #tpu.memory_space<vmem>>, vector<1x16xf32>,
        %get3A_425 = vector.shape_cast %get3A_424 : vector<1x16xf32> to vector<16xf32>
        %add3A_426 = arith.addf %get3A_421, %get3A_425 : vector<16xf32>
        %max3A_427 = arith.constant 0.000000e+00 : f32
        %max3A_428 = vector.broadcast %max3A_427 : f32 to vector<16xf32>
        %max3A_429 = arith.maximumf %add3A_426, %max3A_428 : vector<16xf32>
        %swap3A_430 = arith.index_cast %scan3A_400 : i32 to index
        %swap3A_431 = arith.constant 16 : index
        %swap3A_432 = tpu.vector_load %arg9[%swap3A_430, %swap3A_431] {strides = array<i32>} : memref<80x128xf32, #tpu.memory_space<vmem>>, vector<1x16xf32>,
        %swap3A_433 = vector.shape_cast %swap3A_432 : vector<1x16xf32> to vector<16xf32>
        %swap3A_434 = vector.shape_cast %max3A_429 : vector<16xf32> to vector<1x16xf32>
        tpu.vector_store %arg9[%swap3A_430, %swap3A_431], %swap3A_434 {strides = array<i32>} : memref<80x128xf32, #tpu.memory_space<vmem>>, vector<1x16xf32>,
        %get3A_435 = arith.index_cast %scan3A_400 : i32 to index
        %get3A_436 = arith.constant 32 : index
        %get3A_437 = tpu.vector_load %arg10[%get3A_435, %get3A_436] {strides = array<i32>} : memref<80x128xf32, #tpu.memory_space<vmem>>, vector<1x16xf32>,
        %get3A_438 = vector.shape_cast %get3A_437 : vector<1x16xf32> to vector<16xf32>
        %get3A_439 = arith.index_cast %scan3A_400 : i32 to index
        %get3A_440 = arith.constant 32 : index
        %get3A_441 = tpu.vector_load %arg9[%get3A_439, %get3A_440] {strides = array<i32>} : memref<80x128xf32, #tpu.memory_space<vmem>>, vector<1x16xf32>,
        %get3A_442 = vector.shape_cast %get3A_441 : vector<1x16xf32> to vector<16xf32>
        %add3A_443 = arith.addf %get3A_438, %get3A_442 : vector<16xf32>
        %max3A_444 = arith.constant 0.000000e+00 : f32
        %max3A_445 = vector.broadcast %max3A_444 : f32 to vector<16xf32>
        %max3A_446 = arith.maximumf %add3A_443, %max3A_445 : vector<16xf32>
        %swap3A_447 = arith.index_cast %scan3A_400 : i32 to index
        %swap3A_448 = arith.constant 32 : index
        %swap3A_449 = tpu.vector_load %arg9[%swap3A_447, %swap3A_448] {strides = array<i32>} : memref<80x128xf32, #tpu.memory_space<vmem>>, vector<1x16xf32>,
        %swap3A_450 = vector.shape_cast %swap3A_449 : vector<1x16xf32> to vector<16xf32>
        %swap3A_451 = vector.shape_cast %max3A_446 : vector<16xf32> to vector<1x16xf32>
        tpu.vector_store %arg9[%swap3A_447, %swap3A_448], %swap3A_451 {strides = array<i32>} : memref<80x128xf32, #tpu.memory_space<vmem>>, vector<1x16xf32>,
        %get3A_452 = arith.index_cast %scan3A_400 : i32 to index
        %get3A_453 = arith.constant 48 : index
        %get3A_454 = tpu.vector_load %arg10[%get3A_452, %get3A_453] {strides = array<i32>} : memref<80x128xf32, #tpu.memory_space<vmem>>, vector<1x16xf32>,
        %get3A_455 = vector.shape_cast %get3A_454 : vector<1x16xf32> to vector<16xf32>
        %get3A_456 = arith.index_cast %scan3A_400 : i32 to index
        %get3A_457 = arith.constant 48 : index
        %get3A_458 = tpu.vector_load %arg9[%get3A_456, %get3A_457] {strides = array<i32>} : memref<80x128xf32, #tpu.memory_space<vmem>>, vector<1x16xf32>,
        %get3A_459 = vector.shape_cast %get3A_458 : vector<1x16xf32> to vector<16xf32>
        %add3A_460 = arith.addf %get3A_455, %get3A_459 : vector<16xf32>
        %max3A_461 = arith.constant 0.000000e+00 : f32
        %max3A_462 = vector.broadcast %max3A_461 : f32 to vector<16xf32>
        %max3A_463 = arith.maximumf %add3A_460, %max3A_462 : vector<16xf32>
        %swap3A_464 = arith.index_cast %scan3A_400 : i32 to index
        %swap3A_465 = arith.constant 48 : index
        %swap3A_466 = tpu.vector_load %arg9[%swap3A_464, %swap3A_465] {strides = array<i32>} : memref<80x128xf32, #tpu.memory_space<vmem>>, vector<1x16xf32>,
        %swap3A_467 = vector.shape_cast %swap3A_466 : vector<1x16xf32> to vector<16xf32>
        %swap3A_468 = vector.shape_cast %max3A_463 : vector<16xf32> to vector<1x16xf32>
        tpu.vector_store %arg9[%swap3A_464, %swap3A_465], %swap3A_468 {strides = array<i32>} : memref<80x128xf32, #tpu.memory_space<vmem>>, vector<1x16xf32>,
        %get3A_469 = arith.index_cast %scan3A_400 : i32 to index
        %get3A_470 = arith.constant 64 : index
        %get3A_471 = tpu.vector_load %arg10[%get3A_469, %get3A_470] {strides = array<i32>} : memref<80x128xf32, #tpu.memory_space<vmem>>, vector<1x16xf32>,
        %get3A_472 = vector.shape_cast %get3A_471 : vector<1x16xf32> to vector<16xf32>
        %get3A_473 = arith.index_cast %scan3A_400 : i32 to index
        %get3A_474 = arith.constant 64 : index
        %get3A_475 = tpu.vector_load %arg9[%get3A_473, %get3A_474] {strides = array<i32>} : memref<80x128xf32, #tpu.memory_space<vmem>>, vector<1x16xf32>,
        %get3A_476 = vector.shape_cast %get3A_475 : vector<1x16xf32> to vector<16xf32>
        %add3A_477 = arith.addf %get3A_472, %get3A_476 : vector<16xf32>
        %max3A_478 = arith.constant 0.000000e+00 : f32
        %max3A_479 = vector.broadcast %max3A_478 : f32 to vector<16xf32>
        %max3A_480 = arith.maximumf %add3A_477, %max3A_479 : vector<16xf32>
        %swap3A_481 = arith.index_cast %scan3A_400 : i32 to index
        %swap3A_482 = arith.constant 64 : index
        %swap3A_483 = tpu.vector_load %arg9[%swap3A_481, %swap3A_482] {strides = array<i32>} : memref<80x128xf32, #tpu.memory_space<vmem>>, vector<1x16xf32>,
        %swap3A_484 = vector.shape_cast %swap3A_483 : vector<1x16xf32> to vector<16xf32>
        %swap3A_485 = vector.shape_cast %max3A_480 : vector<16xf32> to vector<1x16xf32>
        tpu.vector_store %arg9[%swap3A_481, %swap3A_482], %swap3A_485 {strides = array<i32>} : memref<80x128xf32, #tpu.memory_space<vmem>>, vector<1x16xf32>,
        %get3A_486 = arith.index_cast %scan3A_400 : i32 to index
        %get3A_487 = arith.constant 80 : index
        %get3A_488 = tpu.vector_load %arg10[%get3A_486, %get3A_487] {strides = array<i32>} : memref<80x128xf32, #tpu.memory_space<vmem>>, vector<1x16xf32>,
        %get3A_489 = vector.shape_cast %get3A_488 : vector<1x16xf32> to vector<16xf32>
        %get3A_490 = arith.index_cast %scan3A_400 : i32 to index
        %get3A_491 = arith.constant 80 : index
        %get3A_492 = tpu.vector_load %arg9[%get3A_490, %get3A_491] {strides = array<i32>} : memref<80x128xf32, #tpu.memory_space<vmem>>, vector<1x16xf32>,
        %get3A_493 = vector.shape_cast %get3A_492 : vector<1x16xf32> to vector<16xf32>
        %add3A_494 = arith.addf %get3A_489, %get3A_493 : vector<16xf32>
        %max3A_495 = arith.constant 0.000000e+00 : f32
        %max3A_496 = vector.broadcast %max3A_495 : f32 to vector<16xf32>
        %max3A_497 = arith.maximumf %add3A_494, %max3A_496 : vector<16xf32>
        %swap3A_498 = arith.index_cast %scan3A_400 : i32 to index
        %swap3A_499 = arith.constant 80 : index
        %swap3A_500 = tpu.vector_load %arg9[%swap3A_498, %swap3A_499] {strides = array<i32>} : memref<80x128xf32, #tpu.memory_space<vmem>>, vector<1x16xf32>,
        %swap3A_501 = vector.shape_cast %swap3A_500 : vector<1x16xf32> to vector<16xf32>
        %swap3A_502 = vector.shape_cast %max3A_497 : vector<16xf32> to vector<1x16xf32>
        tpu.vector_store %arg9[%swap3A_498, %swap3A_499], %swap3A_502 {strides = array<i32>} : memref<80x128xf32, #tpu.memory_space<vmem>>, vector<1x16xf32>,
        %get3A_503 = arith.index_cast %scan3A_400 : i32 to index
        %get3A_504 = arith.constant 96 : index
        %get3A_505 = tpu.vector_load %arg10[%get3A_503, %get3A_504] {strides = array<i32>} : memref<80x128xf32, #tpu.memory_space<vmem>>, vector<1x16xf32>,
        %get3A_506 = vector.shape_cast %get3A_505 : vector<1x16xf32> to vector<16xf32>
        %get3A_507 = arith.index_cast %scan3A_400 : i32 to index
        %get3A_508 = arith.constant 96 : index
        %get3A_509 = tpu.vector_load %arg9[%get3A_507, %get3A_508] {strides = array<i32>} : memref<80x128xf32, #tpu.memory_space<vmem>>, vector<1x16xf32>,
        %get3A_510 = vector.shape_cast %get3A_509 : vector<1x16xf32> to vector<16xf32>
        %add3A_511 = arith.addf %get3A_506, %get3A_510 : vector<16xf32>
        %max3A_512 = arith.constant 0.000000e+00 : f32
        %max3A_513 = vector.broadcast %max3A_512 : f32 to vector<16xf32>
        %max3A_514 = arith.maximumf %add3A_511, %max3A_513 : vector<16xf32>
        %swap3A_515 = arith.index_cast %scan3A_400 : i32 to index
        %swap3A_516 = arith.constant 96 : index
        %swap3A_517 = tpu.vector_load %arg9[%swap3A_515, %swap3A_516] {strides = array<i32>} : memref<80x128xf32, #tpu.memory_space<vmem>>, vector<1x16xf32>,
        %swap3A_518 = vector.shape_cast %swap3A_517 : vector<1x16xf32> to vector<16xf32>
        %swap3A_519 = vector.shape_cast %max3A_514 : vector<16xf32> to vector<1x16xf32>
        tpu.vector_store %arg9[%swap3A_515, %swap3A_516], %swap3A_519 {strides = array<i32>} : memref<80x128xf32, #tpu.memory_space<vmem>>, vector<1x16xf32>,
        %get3A_520 = arith.index_cast %scan3A_400 : i32 to index
        %get3A_521 = arith.constant 112 : index
        %get3A_522 = tpu.vector_load %arg10[%get3A_520, %get3A_521] {strides = array<i32>} : memref<80x128xf32, #tpu.memory_space<vmem>>, vector<1x16xf32>,
        %get3A_523 = vector.shape_cast %get3A_522 : vector<1x16xf32> to vector<16xf32>
        %get3A_524 = arith.index_cast %scan3A_400 : i32 to index
        %get3A_525 = arith.constant 112 : index
        %get3A_526 = tpu.vector_load %arg9[%get3A_524, %get3A_525] {strides = array<i32>} : memref<80x128xf32, #tpu.memory_space<vmem>>, vector<1x16xf32>,
        %get3A_527 = vector.shape_cast %get3A_526 : vector<1x16xf32> to vector<16xf32>
        %add3A_528 = arith.addf %get3A_523, %get3A_527 : vector<16xf32>
        %max3A_529 = arith.constant 0.000000e+00 : f32
        %max3A_530 = vector.broadcast %max3A_529 : f32 to vector<16xf32>
        %max3A_531 = arith.maximumf %add3A_528, %max3A_530 : vector<16xf32>
        %swap3A_532 = arith.index_cast %scan3A_400 : i32 to index
        %swap3A_533 = arith.constant 112 : index
        %swap3A_534 = tpu.vector_load %arg9[%swap3A_532, %swap3A_533] {strides = array<i32>} : memref<80x128xf32, #tpu.memory_space<vmem>>, vector<1x16xf32>,
        %swap3A_535 = vector.shape_cast %swap3A_534 : vector<1x16xf32> to vector<16xf32>
        %swap3A_536 = vector.shape_cast %max3A_531 : vector<16xf32> to vector<1x16xf32>
        tpu.vector_store %arg9[%swap3A_532, %swap3A_533], %swap3A_536 {strides = array<i32>} : memref<80x128xf32, #tpu.memory_space<vmem>>, vector<1x16xf32>,
      }
      %scan3A_212 = arith.constant 80 : i32
      %dma_start3A_213 = arith.constant 0 : i32
      %dma_start3A_214 = arith.constant 0 : i32
      %dma_start3A_215 = tpu.memref_slice %arg15[%dma_start3A_213, %dma_start3A_214] : memref<10000x128xf32, #tpu.memory_space<vmem_shared>> -> memref<10000x128xf32, #tpu.memory_space<vmem_shared>>
      tpu.enqueue_indirect_dma source(%arg9 : memref<80x128xf32, #tpu.memory_space<vmem>>) target(%dma_start3A_215 : memref<10000x128xf32, #tpu.memory_space<vmem_shared>>) offsets(%arg8 : memref<80xi32, #tpu.memory_space<vmem>>) semaphore(%arg19 : memref<!tpu.dma_semaphore, #tpu.memory_space<semaphore_mem>>) {add = true}
      %mul3A_216 = arith.constant 2 : i32
      %mul3A_217 = arith.muli %mul3A_216, %scan3A_165 : i32
      %add3A_218 = arith.constant 1 : i32
      %add3A_219 = arith.addi %mul3A_217, %add3A_218 : i32
      %dma_wait3A_220 = arith.constant 0 : i32
      %dma_wait3A_221 = arith.constant 0 : i32
      %dma_wait3A_222 = tpu.memref_slice %arg2[%dma_wait3A_220, %dma_wait3A_221] : memref<10000x128xf32, #tpu.memory_space<hbm>> -> memref<10000x128xf32, #tpu.memory_space<hbm>>
      tpu.wait_indirect_dma semaphore(%arg22 : memref<!tpu.dma_semaphore, #tpu.memory_space<semaphore_mem>>) src(%dma_wait3A_222 : memref<10000x128xf32, #tpu.memory_space<hbm>>) dst(%arg14 : memref<80x128xf32, #tpu.memory_space<vmem>>)
      %dma_wait3A_223 = arith.constant 0 : i32
      %dma_wait3A_224 = arith.constant 0 : i32
      %dma_wait3A_225 = tpu.memref_slice %arg5[%dma_wait3A_223, %dma_wait3A_224] : memref<320000x128xf32, #tpu.memory_space<hbm>> -> memref<80x128xf32, #tpu.memory_space<hbm>>
      %dma_wait3A_226 = arith.constant 0 : i32
      %dma_wait3A_227 = arith.constant 0 : i32
      %dma_wait3A_228 = tpu.memref_slice %arg5[%dma_wait3A_226, %dma_wait3A_227] : memref<320000x128xf32, #tpu.memory_space<hbm>> -> memref<80x128xf32, #tpu.memory_space<hbm>>
      tpu.wait_dma2 semaphore(%arg21 : memref<!tpu.dma_semaphore, #tpu.memory_space<semaphore_mem>>) src(%dma_wait3A_228 : memref<80x128xf32, #tpu.memory_space<hbm>>) dst(%arg13 : memref<80x128xf32, #tpu.memory_space<vmem>>)
      %dma_wait3A_229 = arith.constant 0 : i32
      %dma_wait3A_230 = arith.constant 0 : i32
      %dma_wait3A_231 = tpu.memref_slice %arg15[%dma_wait3A_229, %dma_wait3A_230] : memref<10000x128xf32, #tpu.memory_space<vmem_shared>> -> memref<10000x128xf32, #tpu.memory_space<vmem_shared>>
      tpu.wait_indirect_dma semaphore(%arg19 : memref<!tpu.dma_semaphore, #tpu.memory_space<semaphore_mem>>) src(%arg9 : memref<80x128xf32, #tpu.memory_space<vmem>>) dst(%dma_wait3A_231 : memref<10000x128xf32, #tpu.memory_space<vmem_shared>>)
      %add3A_232 = arith.constant 1 : i32
      %add3A_233 = arith.addi %add3A_219, %add3A_232 : i32
      %mul3A_234 = arith.constant 80 : i32
      %mul3A_235 = arith.muli %add3A_233, %mul3A_234 : i32
      %add3A_236 = arith.addi %mul3A_2, %mul3A_235 : i32
      %dma_start3A_237 = tpu.memref_slice %arg3[%add3A_236] : memref<320000xi32, #tpu.memory_space<hbm>> -> memref<80xi32, #tpu.memory_space<hbm>>
      %dma_start3A_238 = tpu.memref_slice %arg3[%add3A_236] : memref<320000xi32, #tpu.memory_space<hbm>> -> memref<80xi32, #tpu.memory_space<hbm>>
      tpu.enqueue_dma source(%dma_start3A_238 : memref<80xi32, #tpu.memory_space<hbm>>) target(%arg7 : memref<80xi32, #tpu.memory_space<vmem>>) target_semaphore(%arg16 : memref<!tpu.dma_semaphore, #tpu.memory_space<semaphore_mem>>)
      %dma_start3A_239 = tpu.memref_slice %arg4[%add3A_236] : memref<320000xi32, #tpu.memory_space<hbm>> -> memref<80xi32, #tpu.memory_space<hbm>>
      %dma_start3A_240 = tpu.memref_slice %arg4[%add3A_236] : memref<320000xi32, #tpu.memory_space<hbm>> -> memref<80xi32, #tpu.memory_space<hbm>>
      tpu.enqueue_dma source(%dma_start3A_240 : memref<80xi32, #tpu.memory_space<hbm>>) target(%arg8 : memref<80xi32, #tpu.memory_space<vmem>>) target_semaphore(%arg16 : memref<!tpu.dma_semaphore, #tpu.memory_space<semaphore_mem>>)
      %dma_start3A_241 = arith.constant 0 : i32
      %dma_start3A_242 = tpu.memref_slice %arg5[%add3A_236, %dma_start3A_241] : memref<320000x128xf32, #tpu.memory_space<hbm>> -> memref<80x128xf32, #tpu.memory_space<hbm>>
      %dma_start3A_243 = arith.constant 0 : i32
      %dma_start3A_244 = tpu.memref_slice %arg5[%add3A_236, %dma_start3A_243] : memref<320000x128xf32, #tpu.memory_space<hbm>> -> memref<80x128xf32, #tpu.memory_space<hbm>>
      tpu.enqueue_dma source(%dma_start3A_244 : memref<80x128xf32, #tpu.memory_space<hbm>>) target(%arg9 : memref<80x128xf32, #tpu.memory_space<vmem>>) target_semaphore(%arg17 : memref<!tpu.dma_semaphore, #tpu.memory_space<semaphore_mem>>)
      %dma_wait3A_245 = arith.constant 0 : i32
      %dma_wait3A_246 = tpu.memref_slice %arg3[%dma_wait3A_245] : memref<320000xi32, #tpu.memory_space<hbm>> -> memref<80xi32, #tpu.memory_space<hbm>>
      %dma_wait3A_247 = arith.constant 0 : i32
      %dma_wait3A_248 = tpu.memref_slice %arg3[%dma_wait3A_247] : memref<320000xi32, #tpu.memory_space<hbm>> -> memref<80xi32, #tpu.memory_space<hbm>>
      tpu.wait_dma2 semaphore(%arg16 : memref<!tpu.dma_semaphore, #tpu.memory_space<semaphore_mem>>) src(%dma_wait3A_248 : memref<80xi32, #tpu.memory_space<hbm>>) dst(%arg7 : memref<80xi32, #tpu.memory_space<vmem>>)
      %dma_wait3A_249 = arith.constant 0 : i32
      %dma_wait3A_250 = tpu.memref_slice %arg4[%dma_wait3A_249] : memref<320000xi32, #tpu.memory_space<hbm>> -> memref<80xi32, #tpu.memory_space<hbm>>
      %dma_wait3A_251 = arith.constant 0 : i32
      %dma_wait3A_252 = tpu.memref_slice %arg4[%dma_wait3A_251] : memref<320000xi32, #tpu.memory_space<hbm>> -> memref<80xi32, #tpu.memory_space<hbm>>
      tpu.wait_dma2 semaphore(%arg16 : memref<!tpu.dma_semaphore, #tpu.memory_space<semaphore_mem>>) src(%dma_wait3A_252 : memref<80xi32, #tpu.memory_space<hbm>>) dst(%arg8 : memref<80xi32, #tpu.memory_space<vmem>>)
      %dma_start3A_253 = arith.constant 0 : i32
      %dma_start3A_254 = arith.constant 0 : i32
      %dma_start3A_255 = tpu.memref_slice %arg2[%dma_start3A_253, %dma_start3A_254] : memref<10000x128xf32, #tpu.memory_space<hbm>> -> memref<10000x128xf32, #tpu.memory_space<hbm>>
      tpu.enqueue_indirect_dma source(%dma_start3A_255 : memref<10000x128xf32, #tpu.memory_space<hbm>>) target(%arg10 : memref<80x128xf32, #tpu.memory_space<vmem>>) offsets(%arg7 : memref<80xi32, #tpu.memory_space<vmem>>) semaphore(%arg18 : memref<!tpu.dma_semaphore, #tpu.memory_space<semaphore_mem>>)
      %scan3A_256 = arith.constant 0 : i32
      %scan3A_257 = arith.constant 0 : i32
      %scan3A_258 = arith.constant 80 : i32
      %scan3A_259 = arith.addi %scan3A_257, %scan3A_258 : i32
      %scan3A_260 = arith.constant 2 : i32
      scf.for %scan3A_265 = %scan3A_257 to %scan3A_259 step %scan3A_260  : i32 {
        %get3A = arith.index_cast %scan3A_265 : i32 to index
        %get3A_266 = arith.constant 0 : index
        %get3A_267 = tpu.vector_load %arg14[%get3A, %get3A_266] {strides = array<i32>} : memref<80x128xf32, #tpu.memory_space<vmem>>, vector<1x16xf32>,
        %get3A_268 = vector.shape_cast %get3A_267 : vector<1x16xf32> to vector<16xf32>
        %get3A_269 = arith.index_cast %scan3A_265 : i32 to index
        %get3A_270 = arith.constant 0 : index
        %get3A_271 = tpu.vector_load %arg13[%get3A_269, %get3A_270] {strides = array<i32>} : memref<80x128xf32, #tpu.memory_space<vmem>>, vector<1x16xf32>,
        %get3A_272 = vector.shape_cast %get3A_271 : vector<1x16xf32> to vector<16xf32>
        %add3A_273 = arith.addf %get3A_268, %get3A_272 : vector<16xf32>
        %max3A = arith.constant 0.000000e+00 : f32
        %max3A_274 = vector.broadcast %max3A : f32 to vector<16xf32>
        %max3A_275 = arith.maximumf %add3A_273, %max3A_274 : vector<16xf32>
        %swap3A = arith.index_cast %scan3A_265 : i32 to index
        %swap3A_276 = arith.constant 0 : index
        %swap3A_277 = tpu.vector_load %arg13[%swap3A, %swap3A_276] {strides = array<i32>} : memref<80x128xf32, #tpu.memory_space<vmem>>, vector<1x16xf32>,
        %swap3A_278 = vector.shape_cast %swap3A_277 : vector<1x16xf32> to vector<16xf32>
        %swap3A_279 = vector.shape_cast %max3A_275 : vector<16xf32> to vector<1x16xf32>
        tpu.vector_store %arg13[%swap3A, %swap3A_276], %swap3A_279 {strides = array<i32>} : memref<80x128xf32, #tpu.memory_space<vmem>>, vector<1x16xf32>,
        %get3A_280 = arith.index_cast %scan3A_265 : i32 to index
        %get3A_281 = arith.constant 16 : index
        %get3A_282 = tpu.vector_load %arg14[%get3A_280, %get3A_281] {strides = array<i32>} : memref<80x128xf32, #tpu.memory_space<vmem>>, vector<1x16xf32>,
        %get3A_283 = vector.shape_cast %get3A_282 : vector<1x16xf32> to vector<16xf32>
        %get3A_284 = arith.index_cast %scan3A_265 : i32 to index
        %get3A_285 = arith.constant 16 : index
        %get3A_286 = tpu.vector_load %arg13[%get3A_284, %get3A_285] {strides = array<i32>} : memref<80x128xf32, #tpu.memory_space<vmem>>, vector<1x16xf32>,
        %get3A_287 = vector.shape_cast %get3A_286 : vector<1x16xf32> to vector<16xf32>
        %add3A_288 = arith.addf %get3A_283, %get3A_287 : vector<16xf32>
        %max3A_289 = arith.constant 0.000000e+00 : f32
        %max3A_290 = vector.broadcast %max3A_289 : f32 to vector<16xf32>
        %max3A_291 = arith.maximumf %add3A_288, %max3A_290 : vector<16xf32>
        %swap3A_292 = arith.index_cast %scan3A_265 : i32 to index
        %swap3A_293 = arith.constant 16 : index
        %swap3A_294 = tpu.vector_load %arg13[%swap3A_292, %swap3A_293] {strides = array<i32>} : memref<80x128xf32, #tpu.memory_space<vmem>>, vector<1x16xf32>,
        %swap3A_295 = vector.shape_cast %swap3A_294 : vector<1x16xf32> to vector<16xf32>
        %swap3A_296 = vector.shape_cast %max3A_291 : vector<16xf32> to vector<1x16xf32>
        tpu.vector_store %arg13[%swap3A_292, %swap3A_293], %swap3A_296 {strides = array<i32>} : memref<80x128xf32, #tpu.memory_space<vmem>>, vector<1x16xf32>,
        %get3A_297 = arith.index_cast %scan3A_265 : i32 to index
        %get3A_298 = arith.constant 32 : index
        %get3A_299 = tpu.vector_load %arg14[%get3A_297, %get3A_298] {strides = array<i32>} : memref<80x128xf32, #tpu.memory_space<vmem>>, vector<1x16xf32>,
        %get3A_300 = vector.shape_cast %get3A_299 : vector<1x16xf32> to vector<16xf32>
        %get3A_301 = arith.index_cast %scan3A_265 : i32 to index
        %get3A_302 = arith.constant 32 : index
        %get3A_303 = tpu.vector_load %arg13[%get3A_301, %get3A_302] {strides = array<i32>} : memref<80x128xf32, #tpu.memory_space<vmem>>, vector<1x16xf32>,
        %get3A_304 = vector.shape_cast %get3A_303 : vector<1x16xf32> to vector<16xf32>
        %add3A_305 = arith.addf %get3A_300, %get3A_304 : vector<16xf32>
        %max3A_306 = arith.constant 0.000000e+00 : f32
        %max3A_307 = vector.broadcast %max3A_306 : f32 to vector<16xf32>
        %max3A_308 = arith.maximumf %add3A_305, %max3A_307 : vector<16xf32>
        %swap3A_309 = arith.index_cast %scan3A_265 : i32 to index
        %swap3A_310 = arith.constant 32 : index
        %swap3A_311 = tpu.vector_load %arg13[%swap3A_309, %swap3A_310] {strides = array<i32>} : memref<80x128xf32, #tpu.memory_space<vmem>>, vector<1x16xf32>,
        %swap3A_312 = vector.shape_cast %swap3A_311 : vector<1x16xf32> to vector<16xf32>
        %swap3A_313 = vector.shape_cast %max3A_308 : vector<16xf32> to vector<1x16xf32>
        tpu.vector_store %arg13[%swap3A_309, %swap3A_310], %swap3A_313 {strides = array<i32>} : memref<80x128xf32, #tpu.memory_space<vmem>>, vector<1x16xf32>,
        %get3A_314 = arith.index_cast %scan3A_265 : i32 to index
        %get3A_315 = arith.constant 48 : index
        %get3A_316 = tpu.vector_load %arg14[%get3A_314, %get3A_315] {strides = array<i32>} : memref<80x128xf32, #tpu.memory_space<vmem>>, vector<1x16xf32>,
        %get3A_317 = vector.shape_cast %get3A_316 : vector<1x16xf32> to vector<16xf32>
        %get3A_318 = arith.index_cast %scan3A_265 : i32 to index
        %get3A_319 = arith.constant 48 : index
        %get3A_320 = tpu.vector_load %arg13[%get3A_318, %get3A_319] {strides = array<i32>} : memref<80x128xf32, #tpu.memory_space<vmem>>, vector<1x16xf32>,
        %get3A_321 = vector.shape_cast %get3A_320 : vector<1x16xf32> to vector<16xf32>
        %add3A_322 = arith.addf %get3A_317, %get3A_321 : vector<16xf32>
        %max3A_323 = arith.constant 0.000000e+00 : f32
        %max3A_324 = vector.broadcast %max3A_323 : f32 to vector<16xf32>
        %max3A_325 = arith.maximumf %add3A_322, %max3A_324 : vector<16xf32>
        %swap3A_326 = arith.index_cast %scan3A_265 : i32 to index
        %swap3A_327 = arith.constant 48 : index
        %swap3A_328 = tpu.vector_load %arg13[%swap3A_326, %swap3A_327] {strides = array<i32>} : memref<80x128xf32, #tpu.memory_space<vmem>>, vector<1x16xf32>,
        %swap3A_329 = vector.shape_cast %swap3A_328 : vector<1x16xf32> to vector<16xf32>
        %swap3A_330 = vector.shape_cast %max3A_325 : vector<16xf32> to vector<1x16xf32>
        tpu.vector_store %arg13[%swap3A_326, %swap3A_327], %swap3A_330 {strides = array<i32>} : memref<80x128xf32, #tpu.memory_space<vmem>>, vector<1x16xf32>,
        %get3A_331 = arith.index_cast %scan3A_265 : i32 to index
        %get3A_332 = arith.constant 64 : index
        %get3A_333 = tpu.vector_load %arg14[%get3A_331, %get3A_332] {strides = array<i32>} : memref<80x128xf32, #tpu.memory_space<vmem>>, vector<1x16xf32>,
        %get3A_334 = vector.shape_cast %get3A_333 : vector<1x16xf32> to vector<16xf32>
        %get3A_335 = arith.index_cast %scan3A_265 : i32 to index
        %get3A_336 = arith.constant 64 : index
        %get3A_337 = tpu.vector_load %arg13[%get3A_335, %get3A_336] {strides = array<i32>} : memref<80x128xf32, #tpu.memory_space<vmem>>, vector<1x16xf32>,
        %get3A_338 = vector.shape_cast %get3A_337 : vector<1x16xf32> to vector<16xf32>
        %add3A_339 = arith.addf %get3A_334, %get3A_338 : vector<16xf32>
        %max3A_340 = arith.constant 0.000000e+00 : f32
        %max3A_341 = vector.broadcast %max3A_340 : f32 to vector<16xf32>
        %max3A_342 = arith.maximumf %add3A_339, %max3A_341 : vector<16xf32>
        %swap3A_343 = arith.index_cast %scan3A_265 : i32 to index
        %swap3A_344 = arith.constant 64 : index
        %swap3A_345 = tpu.vector_load %arg13[%swap3A_343, %swap3A_344] {strides = array<i32>} : memref<80x128xf32, #tpu.memory_space<vmem>>, vector<1x16xf32>,
        %swap3A_346 = vector.shape_cast %swap3A_345 : vector<1x16xf32> to vector<16xf32>
        %swap3A_347 = vector.shape_cast %max3A_342 : vector<16xf32> to vector<1x16xf32>
        tpu.vector_store %arg13[%swap3A_343, %swap3A_344], %swap3A_347 {strides = array<i32>} : memref<80x128xf32, #tpu.memory_space<vmem>>, vector<1x16xf32>,
        %get3A_348 = arith.index_cast %scan3A_265 : i32 to index
        %get3A_349 = arith.constant 80 : index
        %get3A_350 = tpu.vector_load %arg14[%get3A_348, %get3A_349] {strides = array<i32>} : memref<80x128xf32, #tpu.memory_space<vmem>>, vector<1x16xf32>,
        %get3A_351 = vector.shape_cast %get3A_350 : vector<1x16xf32> to vector<16xf32>
        %get3A_352 = arith.index_cast %scan3A_265 : i32 to index
        %get3A_353 = arith.constant 80 : index
        %get3A_354 = tpu.vector_load %arg13[%get3A_352, %get3A_353] {strides = array<i32>} : memref<80x128xf32, #tpu.memory_space<vmem>>, vector<1x16xf32>,
        %get3A_355 = vector.shape_cast %get3A_354 : vector<1x16xf32> to vector<16xf32>
        %add3A_356 = arith.addf %get3A_351, %get3A_355 : vector<16xf32>
        %max3A_357 = arith.constant 0.000000e+00 : f32
        %max3A_358 = vector.broadcast %max3A_357 : f32 to vector<16xf32>
        %max3A_359 = arith.maximumf %add3A_356, %max3A_358 : vector<16xf32>
        %swap3A_360 = arith.index_cast %scan3A_265 : i32 to index
        %swap3A_361 = arith.constant 80 : index
        %swap3A_362 = tpu.vector_load %arg13[%swap3A_360, %swap3A_361] {strides = array<i32>} : memref<80x128xf32, #tpu.memory_space<vmem>>, vector<1x16xf32>,
        %swap3A_363 = vector.shape_cast %swap3A_362 : vector<1x16xf32> to vector<16xf32>
        %swap3A_364 = vector.shape_cast %max3A_359 : vector<16xf32> to vector<1x16xf32>
        tpu.vector_store %arg13[%swap3A_360, %swap3A_361], %swap3A_364 {strides = array<i32>} : memref<80x128xf32, #tpu.memory_space<vmem>>, vector<1x16xf32>,
        %get3A_365 = arith.index_cast %scan3A_265 : i32 to index
        %get3A_366 = arith.constant 96 : index
        %get3A_367 = tpu.vector_load %arg14[%get3A_365, %get3A_366] {strides = array<i32>} : memref<80x128xf32, #tpu.memory_space<vmem>>, vector<1x16xf32>,
        %get3A_368 = vector.shape_cast %get3A_367 : vector<1x16xf32> to vector<16xf32>
        %get3A_369 = arith.index_cast %scan3A_265 : i32 to index
        %get3A_370 = arith.constant 96 : index
        %get3A_371 = tpu.vector_load %arg13[%get3A_369, %get3A_370] {strides = array<i32>} : memref<80x128xf32, #tpu.memory_space<vmem>>, vector<1x16xf32>,
        %get3A_372 = vector.shape_cast %get3A_371 : vector<1x16xf32> to vector<16xf32>
        %add3A_373 = arith.addf %get3A_368, %get3A_372 : vector<16xf32>
        %max3A_374 = arith.constant 0.000000e+00 : f32
        %max3A_375 = vector.broadcast %max3A_374 : f32 to vector<16xf32>
        %max3A_376 = arith.maximumf %add3A_373, %max3A_375 : vector<16xf32>
        %swap3A_377 = arith.index_cast %scan3A_265 : i32 to index
        %swap3A_378 = arith.constant 96 : index
        %swap3A_379 = tpu.vector_load %arg13[%swap3A_377, %swap3A_378] {strides = array<i32>} : memref<80x128xf32, #tpu.memory_space<vmem>>, vector<1x16xf32>,
        %swap3A_380 = vector.shape_cast %swap3A_379 : vector<1x16xf32> to vector<16xf32>
        %swap3A_381 = vector.shape_cast %max3A_376 : vector<16xf32> to vector<1x16xf32>
        tpu.vector_store %arg13[%swap3A_377, %swap3A_378], %swap3A_381 {strides = array<i32>} : memref<80x128xf32, #tpu.memory_space<vmem>>, vector<1x16xf32>,
        %get3A_382 = arith.index_cast %scan3A_265 : i32 to index
        %get3A_383 = arith.constant 112 : index
        %get3A_384 = tpu.vector_load %arg14[%get3A_382, %get3A_383] {strides = array<i32>} : memref<80x128xf32, #tpu.memory_space<vmem>>, vector<1x16xf32>,
        %get3A_385 = vector.shape_cast %get3A_384 : vector<1x16xf32> to vector<16xf32>
        %get3A_386 = arith.index_cast %scan3A_265 : i32 to index
        %get3A_387 = arith.constant 112 : index
        %get3A_388 = tpu.vector_load %arg13[%get3A_386, %get3A_387] {strides = array<i32>} : memref<80x128xf32, #tpu.memory_space<vmem>>, vector<1x16xf32>,
        %get3A_389 = vector.shape_cast %get3A_388 : vector<1x16xf32> to vector<16xf32>
        %add3A_390 = arith.addf %get3A_385, %get3A_389 : vector<16xf32>
        %max3A_391 = arith.constant 0.000000e+00 : f32
        %max3A_392 = vector.broadcast %max3A_391 : f32 to vector<16xf32>
        %max3A_393 = arith.maximumf %add3A_390, %max3A_392 : vector<16xf32>
        %swap3A_394 = arith.index_cast %scan3A_265 : i32 to index
        %swap3A_395 = arith.constant 112 : index
        %swap3A_396 = tpu.vector_load %arg13[%swap3A_394, %swap3A_395] {strides = array<i32>} : memref<80x128xf32, #tpu.memory_space<vmem>>, vector<1x16xf32>,
        %swap3A_397 = vector.shape_cast %swap3A_396 : vector<1x16xf32> to vector<16xf32>
        %swap3A_398 = vector.shape_cast %max3A_393 : vector<16xf32> to vector<1x16xf32>
        tpu.vector_store %arg13[%swap3A_394, %swap3A_395], %swap3A_398 {strides = array<i32>} : memref<80x128xf32, #tpu.memory_space<vmem>>, vector<1x16xf32>,
        %scan3A_399 = arith.constant 1 : i32
        %scan3A_400 = arith.addi %scan3A_265, %scan3A_399 : i32
        %get3A_401 = arith.index_cast %scan3A_400 : i32 to index
        %get3A_402 = arith.constant 0 : index
        %get3A_403 = tpu.vector_load %arg14[%get3A_401, %get3A_402] {strides = array<i32>} : memref<80x128xf32, #tpu.memory_space<vmem>>, vector<1x16xf32>,
        %get3A_404 = vector.shape_cast %get3A_403 : vector<1x16xf32> to vector<16xf32>
        %get3A_405 = arith.index_cast %scan3A_400 : i32 to index
        %get3A_406 = arith.constant 0 : index
        %get3A_407 = tpu.vector_load %arg13[%get3A_405, %get3A_406] {strides = array<i32>} : memref<80x128xf32, #tpu.memory_space<vmem>>, vector<1x16xf32>,
        %get3A_408 = vector.shape_cast %get3A_407 : vector<1x16xf32> to vector<16xf32>
        %add3A_409 = arith.addf %get3A_404, %get3A_408 : vector<16xf32>
        %max3A_410 = arith.constant 0.000000e+00 : f32
        %max3A_411 = vector.broadcast %max3A_410 : f32 to vector<16xf32>
        %max3A_412 = arith.maximumf %add3A_409, %max3A_411 : vector<16xf32>
        %swap3A_413 = arith.index_cast %scan3A_400 : i32 to index
        %swap3A_414 = arith.constant 0 : index
        %swap3A_415 = tpu.vector_load %arg13[%swap3A_413, %swap3A_414] {strides = array<i32>} : memref<80x128xf32, #tpu.memory_space<vmem>>, vector<1x16xf32>,
        %swap3A_416 = vector.shape_cast %swap3A_415 : vector<1x16xf32> to vector<16xf32>
        %swap3A_417 = vector.shape_cast %max3A_412 : vector<16xf32> to vector<1x16xf32>
        tpu.vector_store %arg13[%swap3A_413, %swap3A_414], %swap3A_417 {strides = array<i32>} : memref<80x128xf32, #tpu.memory_space<vmem>>, vector<1x16xf32>,
        %get3A_418 = arith.index_cast %scan3A_400 : i32 to index
        %get3A_419 = arith.constant 16 : index
        %get3A_420 = tpu.vector_load %arg14[%get3A_418, %get3A_419] {strides = array<i32>} : memref<80x128xf32, #tpu.memory_space<vmem>>, vector<1x16xf32>,
        %get3A_421 = vector.shape_cast %get3A_420 : vector<1x16xf32> to vector<16xf32>
        %get3A_422 = arith.index_cast %scan3A_400 : i32 to index
        %get3A_423 = arith.constant 16 : index
        %get3A_424 = tpu.vector_load %arg13[%get3A_422, %get3A_423] {strides = array<i32>} : memref<80x128xf32, #tpu.memory_space<vmem>>, vector<1x16xf32>,
        %get3A_425 = vector.shape_cast %get3A_424 : vector<1x16xf32> to vector<16xf32>
        %add3A_426 = arith.addf %get3A_421, %get3A_425 : vector<16xf32>
        %max3A_427 = arith.constant 0.000000e+00 : f32
        %max3A_428 = vector.broadcast %max3A_427 : f32 to vector<16xf32>
        %max3A_429 = arith.maximumf %add3A_426, %max3A_428 : vector<16xf32>
        %swap3A_430 = arith.index_cast %scan3A_400 : i32 to index
        %swap3A_431 = arith.constant 16 : index
        %swap3A_432 = tpu.vector_load %arg13[%swap3A_430, %swap3A_431] {strides = array<i32>} : memref<80x128xf32, #tpu.memory_space<vmem>>, vector<1x16xf32>,
        %swap3A_433 = vector.shape_cast %swap3A_432 : vector<1x16xf32> to vector<16xf32>
        %swap3A_434 = vector.shape_cast %max3A_429 : vector<16xf32> to vector<1x16xf32>
        tpu.vector_store %arg13[%swap3A_430, %swap3A_431], %swap3A_434 {strides = array<i32>} : memref<80x128xf32, #tpu.memory_space<vmem>>, vector<1x16xf32>,
        %get3A_435 = arith.index_cast %scan3A_400 : i32 to index
        %get3A_436 = arith.constant 32 : index
        %get3A_437 = tpu.vector_load %arg14[%get3A_435, %get3A_436] {strides = array<i32>} : memref<80x128xf32, #tpu.memory_space<vmem>>, vector<1x16xf32>,
        %get3A_438 = vector.shape_cast %get3A_437 : vector<1x16xf32> to vector<16xf32>
        %get3A_439 = arith.index_cast %scan3A_400 : i32 to index
        %get3A_440 = arith.constant 32 : index
        %get3A_441 = tpu.vector_load %arg13[%get3A_439, %get3A_440] {strides = array<i32>} : memref<80x128xf32, #tpu.memory_space<vmem>>, vector<1x16xf32>,
        %get3A_442 = vector.shape_cast %get3A_441 : vector<1x16xf32> to vector<16xf32>
        %add3A_443 = arith.addf %get3A_438, %get3A_442 : vector<16xf32>
        %max3A_444 = arith.constant 0.000000e+00 : f32
        %max3A_445 = vector.broadcast %max3A_444 : f32 to vector<16xf32>
        %max3A_446 = arith.maximumf %add3A_443, %max3A_445 : vector<16xf32>
        %swap3A_447 = arith.index_cast %scan3A_400 : i32 to index
        %swap3A_448 = arith.constant 32 : index
        %swap3A_449 = tpu.vector_load %arg13[%swap3A_447, %swap3A_448] {strides = array<i32>} : memref<80x128xf32, #tpu.memory_space<vmem>>, vector<1x16xf32>,
        %swap3A_450 = vector.shape_cast %swap3A_449 : vector<1x16xf32> to vector<16xf32>
        %swap3A_451 = vector.shape_cast %max3A_446 : vector<16xf32> to vector<1x16xf32>
        tpu.vector_store %arg13[%swap3A_447, %swap3A_448], %swap3A_451 {strides = array<i32>} : memref<80x128xf32, #tpu.memory_space<vmem>>, vector<1x16xf32>,
        %get3A_452 = arith.index_cast %scan3A_400 : i32 to index
        %get3A_453 = arith.constant 48 : index
        %get3A_454 = tpu.vector_load %arg14[%get3A_452, %get3A_453] {strides = array<i32>} : memref<80x128xf32, #tpu.memory_space<vmem>>, vector<1x16xf32>,
        %get3A_455 = vector.shape_cast %get3A_454 : vector<1x16xf32> to vector<16xf32>
        %get3A_456 = arith.index_cast %scan3A_400 : i32 to index
        %get3A_457 = arith.constant 48 : index
        %get3A_458 = tpu.vector_load %arg13[%get3A_456, %get3A_457] {strides = array<i32>} : memref<80x128xf32, #tpu.memory_space<vmem>>, vector<1x16xf32>,
        %get3A_459 = vector.shape_cast %get3A_458 : vector<1x16xf32> to vector<16xf32>
        %add3A_460 = arith.addf %get3A_455, %get3A_459 : vector<16xf32>
        %max3A_461 = arith.constant 0.000000e+00 : f32
        %max3A_462 = vector.broadcast %max3A_461 : f32 to vector<16xf32>
        %max3A_463 = arith.maximumf %add3A_460, %max3A_462 : vector<16xf32>
        %swap3A_464 = arith.index_cast %scan3A_400 : i32 to index
        %swap3A_465 = arith.constant 48 : index
        %swap3A_466 = tpu.vector_load %arg13[%swap3A_464, %swap3A_465] {strides = array<i32>} : memref<80x128xf32, #tpu.memory_space<vmem>>, vector<1x16xf32>,
        %swap3A_467 = vector.shape_cast %swap3A_466 : vector<1x16xf32> to vector<16xf32>
        %swap3A_468 = vector.shape_cast %max3A_463 : vector<16xf32> to vector<1x16xf32>
        tpu.vector_store %arg13[%swap3A_464, %swap3A_465], %swap3A_468 {strides = array<i32>} : memref<80x128xf32, #tpu.memory_space<vmem>>, vector<1x16xf32>,
        %get3A_469 = arith.index_cast %scan3A_400 : i32 to index
        %get3A_470 = arith.constant 64 : index
        %get3A_471 = tpu.vector_load %arg14[%get3A_469, %get3A_470] {strides = array<i32>} : memref<80x128xf32, #tpu.memory_space<vmem>>, vector<1x16xf32>,
        %get3A_472 = vector.shape_cast %get3A_471 : vector<1x16xf32> to vector<16xf32>
        %get3A_473 = arith.index_cast %scan3A_400 : i32 to index
        %get3A_474 = arith.constant 64 : index
        %get3A_475 = tpu.vector_load %arg13[%get3A_473, %get3A_474] {strides = array<i32>} : memref<80x128xf32, #tpu.memory_space<vmem>>, vector<1x16xf32>,
        %get3A_476 = vector.shape_cast %get3A_475 : vector<1x16xf32> to vector<16xf32>
        %add3A_477 = arith.addf %get3A_472, %get3A_476 : vector<16xf32>
        %max3A_478 = arith.constant 0.000000e+00 : f32
        %max3A_479 = vector.broadcast %max3A_478 : f32 to vector<16xf32>
        %max3A_480 = arith.maximumf %add3A_477, %max3A_479 : vector<16xf32>
        %swap3A_481 = arith.index_cast %scan3A_400 : i32 to index
        %swap3A_482 = arith.constant 64 : index
        %swap3A_483 = tpu.vector_load %arg13[%swap3A_481, %swap3A_482] {strides = array<i32>} : memref<80x128xf32, #tpu.memory_space<vmem>>, vector<1x16xf32>,
        %swap3A_484 = vector.shape_cast %swap3A_483 : vector<1x16xf32> to vector<16xf32>
        %swap3A_485 = vector.shape_cast %max3A_480 : vector<16xf32> to vector<1x16xf32>
        tpu.vector_store %arg13[%swap3A_481, %swap3A_482], %swap3A_485 {strides = array<i32>} : memref<80x128xf32, #tpu.memory_space<vmem>>, vector<1x16xf32>,
        %get3A_486 = arith.index_cast %scan3A_400 : i32 to index
        %get3A_487 = arith.constant 80 : index
        %get3A_488 = tpu.vector_load %arg14[%get3A_486, %get3A_487] {strides = array<i32>} : memref<80x128xf32, #tpu.memory_space<vmem>>, vector<1x16xf32>,
        %get3A_489 = vector.shape_cast %get3A_488 : vector<1x16xf32> to vector<16xf32>
        %get3A_490 = arith.index_cast %scan3A_400 : i32 to index
        %get3A_491 = arith.constant 80 : index
        %get3A_492 = tpu.vector_load %arg13[%get3A_490, %get3A_491] {strides = array<i32>} : memref<80x128xf32, #tpu.memory_space<vmem>>, vector<1x16xf32>,
        %get3A_493 = vector.shape_cast %get3A_492 : vector<1x16xf32> to vector<16xf32>
        %add3A_494 = arith.addf %get3A_489, %get3A_493 : vector<16xf32>
        %max3A_495 = arith.constant 0.000000e+00 : f32
        %max3A_496 = vector.broadcast %max3A_495 : f32 to vector<16xf32>
        %max3A_497 = arith.maximumf %add3A_494, %max3A_496 : vector<16xf32>
        %swap3A_498 = arith.index_cast %scan3A_400 : i32 to index
        %swap3A_499 = arith.constant 80 : index
        %swap3A_500 = tpu.vector_load %arg13[%swap3A_498, %swap3A_499] {strides = array<i32>} : memref<80x128xf32, #tpu.memory_space<vmem>>, vector<1x16xf32>,
        %swap3A_501 = vector.shape_cast %swap3A_500 : vector<1x16xf32> to vector<16xf32>
        %swap3A_502 = vector.shape_cast %max3A_497 : vector<16xf32> to vector<1x16xf32>
        tpu.vector_store %arg13[%swap3A_498, %swap3A_499], %swap3A_502 {strides = array<i32>} : memref<80x128xf32, #tpu.memory_space<vmem>>, vector<1x16xf32>,
        %get3A_503 = arith.index_cast %scan3A_400 : i32 to index
        %get3A_504 = arith.constant 96 : index
        %get3A_505 = tpu.vector_load %arg14[%get3A_503, %get3A_504] {strides = array<i32>} : memref<80x128xf32, #tpu.memory_space<vmem>>, vector<1x16xf32>,
        %get3A_506 = vector.shape_cast %get3A_505 : vector<1x16xf32> to vector<16xf32>
        %get3A_507 = arith.index_cast %scan3A_400 : i32 to index
        %get3A_508 = arith.constant 96 : index
        %get3A_509 = tpu.vector_load %arg13[%get3A_507, %get3A_508] {strides = array<i32>} : memref<80x128xf32, #tpu.memory_space<vmem>>, vector<1x16xf32>,
        %get3A_510 = vector.shape_cast %get3A_509 : vector<1x16xf32> to vector<16xf32>
        %add3A_511 = arith.addf %get3A_506, %get3A_510 : vector<16xf32>
        %max3A_512 = arith.constant 0.000000e+00 : f32
        %max3A_513 = vector.broadcast %max3A_512 : f32 to vector<16xf32>
        %max3A_514 = arith.maximumf %add3A_511, %max3A_513 : vector<16xf32>
        %swap3A_515 = arith.index_cast %scan3A_400 : i32 to index
        %swap3A_516 = arith.constant 96 : index
        %swap3A_517 = tpu.vector_load %arg13[%swap3A_515, %swap3A_516] {strides = array<i32>} : memref<80x128xf32, #tpu.memory_space<vmem>>, vector<1x16xf32>,
        %swap3A_518 = vector.shape_cast %swap3A_517 : vector<1x16xf32> to vector<16xf32>
        %swap3A_519 = vector.shape_cast %max3A_514 : vector<16xf32> to vector<1x16xf32>
        tpu.vector_store %arg13[%swap3A_515, %swap3A_516], %swap3A_519 {strides = array<i32>} : memref<80x128xf32, #tpu.memory_space<vmem>>, vector<1x16xf32>,
        %get3A_520 = arith.index_cast %scan3A_400 : i32 to index
        %get3A_521 = arith.constant 112 : index
        %get3A_522 = tpu.vector_load %arg14[%get3A_520, %get3A_521] {strides = array<i32>} : memref<80x128xf32, #tpu.memory_space<vmem>>, vector<1x16xf32>,
        %get3A_523 = vector.shape_cast %get3A_522 : vector<1x16xf32> to vector<16xf32>
        %get3A_524 = arith.index_cast %scan3A_400 : i32 to index
        %get3A_525 = arith.constant 112 : index
        %get3A_526 = tpu.vector_load %arg13[%get3A_524, %get3A_525] {strides = array<i32>} : memref<80x128xf32, #tpu.memory_space<vmem>>, vector<1x16xf32>,
        %get3A_527 = vector.shape_cast %get3A_526 : vector<1x16xf32> to vector<16xf32>
        %add3A_528 = arith.addf %get3A_523, %get3A_527 : vector<16xf32>
        %max3A_529 = arith.constant 0.000000e+00 : f32
        %max3A_530 = vector.broadcast %max3A_529 : f32 to vector<16xf32>
        %max3A_531 = arith.maximumf %add3A_528, %max3A_530 : vector<16xf32>
        %swap3A_532 = arith.index_cast %scan3A_400 : i32 to index
        %swap3A_533 = arith.constant 112 : index
        %swap3A_534 = tpu.vector_load %arg13[%swap3A_532, %swap3A_533] {strides = array<i32>} : memref<80x128xf32, #tpu.memory_space<vmem>>, vector<1x16xf32>,
        %swap3A_535 = vector.shape_cast %swap3A_534 : vector<1x16xf32> to vector<16xf32>
        %swap3A_536 = vector.shape_cast %max3A_531 : vector<16xf32> to vector<1x16xf32>
        tpu.vector_store %arg13[%swap3A_532, %swap3A_533], %swap3A_536 {strides = array<i32>} : memref<80x128xf32, #tpu.memory_space<vmem>>, vector<1x16xf32>,
      }
      %scan3A_261 = arith.constant 80 : i32
      %dma_start3A_262 = arith.constant 0 : i32
      %dma_start3A_263 = arith.constant 0 : i32
      %dma_start3A_264 = tpu.memref_slice %arg15[%dma_start3A_262, %dma_start3A_263] : memref<10000x128xf32, #tpu.memory_space<vmem_shared>> -> memref<10000x128xf32, #tpu.memory_space<vmem_shared>>
      tpu.enqueue_indirect_dma source(%arg13 : memref<80x128xf32, #tpu.memory_space<vmem>>) target(%dma_start3A_264 : memref<10000x128xf32, #tpu.memory_space<vmem_shared>>) offsets(%arg12 : memref<80xi32, #tpu.memory_space<vmem>>) semaphore(%arg23 : memref<!tpu.dma_semaphore, #tpu.memory_space<semaphore_mem>>) {add = true}
    }
    %scan3A_83 = arith.constant 62 : i32
    %dma_wait3A_84 = arith.constant 0 : i32
    %dma_wait3A_85 = arith.constant 0 : i32
    %dma_wait3A_86 = tpu.memref_slice %arg2[%dma_wait3A_84, %dma_wait3A_85] : memref<10000x128xf32, #tpu.memory_space<hbm>> -> memref<10000x128xf32, #tpu.memory_space<hbm>>
    tpu.wait_indirect_dma semaphore(%arg18 : memref<!tpu.dma_semaphore, #tpu.memory_space<semaphore_mem>>) src(%dma_wait3A_86 : memref<10000x128xf32, #tpu.memory_space<hbm>>) dst(%arg10 : memref<80x128xf32, #tpu.memory_space<vmem>>)
    %dma_wait3A_87 = arith.constant 0 : i32
    %dma_wait3A_88 = arith.constant 0 : i32
    %dma_wait3A_89 = tpu.memref_slice %arg5[%dma_wait3A_87, %dma_wait3A_88] : memref<320000x128xf32, #tpu.memory_space<hbm>> -> memref<80x128xf32, #tpu.memory_space<hbm>>
    %dma_wait3A_90 = arith.constant 0 : i32
    %dma_wait3A_91 = arith.constant 0 : i32
    %dma_wait3A_92 = tpu.memref_slice %arg5[%dma_wait3A_90, %dma_wait3A_91] : memref<320000x128xf32, #tpu.memory_space<hbm>> -> memref<80x128xf32, #tpu.memory_space<hbm>>
    tpu.wait_dma2 semaphore(%arg17 : memref<!tpu.dma_semaphore, #tpu.memory_space<semaphore_mem>>) src(%dma_wait3A_92 : memref<80x128xf32, #tpu.memory_space<hbm>>) dst(%arg9 : memref<80x128xf32, #tpu.memory_space<vmem>>)
    %dma_wait3A_93 = arith.constant 0 : i32
    %dma_wait3A_94 = arith.constant 0 : i32
    %dma_wait3A_95 = tpu.memref_slice %arg15[%dma_wait3A_93, %dma_wait3A_94] : memref<10000x128xf32, #tpu.memory_space<vmem_shared>> -> memref<10000x128xf32, #tpu.memory_space<vmem_shared>>
    tpu.wait_indirect_dma semaphore(%arg23 : memref<!tpu.dma_semaphore, #tpu.memory_space<semaphore_mem>>) src(%arg13 : memref<80x128xf32, #tpu.memory_space<vmem>>) dst(%dma_wait3A_95 : memref<10000x128xf32, #tpu.memory_space<vmem_shared>>)
    %scan3A_96 = arith.constant 0 : i32
    %scan3A_97 = arith.constant 0 : i32
    %scan3A_98 = arith.constant 80 : i32
    %scan3A_99 = arith.addi %scan3A_97, %scan3A_98 : i32
    %scan3A_100 = arith.constant 2 : i32
    scf.for %scan3A_165 = %scan3A_97 to %scan3A_99 step %scan3A_100  : i32 {
      %get3A = arith.index_cast %scan3A_165 : i32 to index
      %get3A_166 = arith.constant 0 : index
      %get3A_167 = tpu.vector_load %arg10[%get3A, %get3A_166] {strides = array<i32>} : memref<80x128xf32, #tpu.memory_space<vmem>>, vector<1x16xf32>,
      %get3A_168 = vector.shape_cast %get3A_167 : vector<1x16xf32> to vector<16xf32>
      %get3A_169 = arith.index_cast %scan3A_165 : i32 to index
      %get3A_170 = arith.constant 0 : index
      %get3A_171 = tpu.vector_load %arg9[%get3A_169, %get3A_170] {strides = array<i32>} : memref<80x128xf32, #tpu.memory_space<vmem>>, vector<1x16xf32>,
      %get3A_172 = vector.shape_cast %get3A_171 : vector<1x16xf32> to vector<16xf32>
      %add3A_173 = arith.addf %get3A_168, %get3A_172 : vector<16xf32>
      %max3A = arith.constant 0.000000e+00 : f32
      %max3A_174 = vector.broadcast %max3A : f32 to vector<16xf32>
      %max3A_175 = arith.maximumf %add3A_173, %max3A_174 : vector<16xf32>
      %swap3A = arith.index_cast %scan3A_165 : i32 to index
      %swap3A_176 = arith.constant 0 : index
      %swap3A_177 = tpu.vector_load %arg9[%swap3A, %swap3A_176] {strides = array<i32>} : memref<80x128xf32, #tpu.memory_space<vmem>>, vector<1x16xf32>,
      %swap3A_178 = vector.shape_cast %swap3A_177 : vector<1x16xf32> to vector<16xf32>
      %swap3A_179 = vector.shape_cast %max3A_175 : vector<16xf32> to vector<1x16xf32>
      tpu.vector_store %arg9[%swap3A, %swap3A_176], %swap3A_179 {strides = array<i32>} : memref<80x128xf32, #tpu.memory_space<vmem>>, vector<1x16xf32>,
      %get3A_180 = arith.index_cast %scan3A_165 : i32 to index
      %get3A_181 = arith.constant 16 : index
      %get3A_182 = tpu.vector_load %arg10[%get3A_180, %get3A_181] {strides = array<i32>} : memref<80x128xf32, #tpu.memory_space<vmem>>, vector<1x16xf32>,
      %get3A_183 = vector.shape_cast %get3A_182 : vector<1x16xf32> to vector<16xf32>
      %get3A_184 = arith.index_cast %scan3A_165 : i32 to index
      %get3A_185 = arith.constant 16 : index
      %get3A_186 = tpu.vector_load %arg9[%get3A_184, %get3A_185] {strides = array<i32>} : memref<80x128xf32, #tpu.memory_space<vmem>>, vector<1x16xf32>,
      %get3A_187 = vector.shape_cast %get3A_186 : vector<1x16xf32> to vector<16xf32>
      %add3A_188 = arith.addf %get3A_183, %get3A_187 : vector<16xf32>
      %max3A_189 = arith.constant 0.000000e+00 : f32
      %max3A_190 = vector.broadcast %max3A_189 : f32 to vector<16xf32>
      %max3A_191 = arith.maximumf %add3A_188, %max3A_190 : vector<16xf32>
      %swap3A_192 = arith.index_cast %scan3A_165 : i32 to index
      %swap3A_193 = arith.constant 16 : index
      %swap3A_194 = tpu.vector_load %arg9[%swap3A_192, %swap3A_193] {strides = array<i32>} : memref<80x128xf32, #tpu.memory_space<vmem>>, vector<1x16xf32>,
      %swap3A_195 = vector.shape_cast %swap3A_194 : vector<1x16xf32> to vector<16xf32>
      %swap3A_196 = vector.shape_cast %max3A_191 : vector<16xf32> to vector<1x16xf32>
      tpu.vector_store %arg9[%swap3A_192, %swap3A_193], %swap3A_196 {strides = array<i32>} : memref<80x128xf32, #tpu.memory_space<vmem>>, vector<1x16xf32>,
      %get3A_197 = arith.index_cast %scan3A_165 : i32 to index
      %get3A_198 = arith.constant 32 : index
      %get3A_199 = tpu.vector_load %arg10[%get3A_197, %get3A_198] {strides = array<i32>} : memref<80x128xf32, #tpu.memory_space<vmem>>, vector<1x16xf32>,
      %get3A_200 = vector.shape_cast %get3A_199 : vector<1x16xf32> to vector<16xf32>
      %get3A_201 = arith.index_cast %scan3A_165 : i32 to index
      %get3A_202 = arith.constant 32 : index
      %get3A_203 = tpu.vector_load %arg9[%get3A_201, %get3A_202] {strides = array<i32>} : memref<80x128xf32, #tpu.memory_space<vmem>>, vector<1x16xf32>,
      %get3A_204 = vector.shape_cast %get3A_203 : vector<1x16xf32> to vector<16xf32>
      %add3A_205 = arith.addf %get3A_200, %get3A_204 : vector<16xf32>
      %max3A_206 = arith.constant 0.000000e+00 : f32
      %max3A_207 = vector.broadcast %max3A_206 : f32 to vector<16xf32>
      %max3A_208 = arith.maximumf %add3A_205, %max3A_207 : vector<16xf32>
      %swap3A_209 = arith.index_cast %scan3A_165 : i32 to index
      %swap3A_210 = arith.constant 32 : index
      %swap3A_211 = tpu.vector_load %arg9[%swap3A_209, %swap3A_210] {strides = array<i32>} : memref<80x128xf32, #tpu.memory_space<vmem>>, vector<1x16xf32>,
      %swap3A_212 = vector.shape_cast %swap3A_211 : vector<1x16xf32> to vector<16xf32>
      %swap3A_213 = vector.shape_cast %max3A_208 : vector<16xf32> to vector<1x16xf32>
      tpu.vector_store %arg9[%swap3A_209, %swap3A_210], %swap3A_213 {strides = array<i32>} : memref<80x128xf32, #tpu.memory_space<vmem>>, vector<1x16xf32>,
      %get3A_214 = arith.index_cast %scan3A_165 : i32 to index
      %get3A_215 = arith.constant 48 : index
      %get3A_216 = tpu.vector_load %arg10[%get3A_214, %get3A_215] {strides = array<i32>} : memref<80x128xf32, #tpu.memory_space<vmem>>, vector<1x16xf32>,
      %get3A_217 = vector.shape_cast %get3A_216 : vector<1x16xf32> to vector<16xf32>
      %get3A_218 = arith.index_cast %scan3A_165 : i32 to index
      %get3A_219 = arith.constant 48 : index
      %get3A_220 = tpu.vector_load %arg9[%get3A_218, %get3A_219] {strides = array<i32>} : memref<80x128xf32, #tpu.memory_space<vmem>>, vector<1x16xf32>,
      %get3A_221 = vector.shape_cast %get3A_220 : vector<1x16xf32> to vector<16xf32>
      %add3A_222 = arith.addf %get3A_217, %get3A_221 : vector<16xf32>
      %max3A_223 = arith.constant 0.000000e+00 : f32
      %max3A_224 = vector.broadcast %max3A_223 : f32 to vector<16xf32>
      %max3A_225 = arith.maximumf %add3A_222, %max3A_224 : vector<16xf32>
      %swap3A_226 = arith.index_cast %scan3A_165 : i32 to index
      %swap3A_227 = arith.constant 48 : index
      %swap3A_228 = tpu.vector_load %arg9[%swap3A_226, %swap3A_227] {strides = array<i32>} : memref<80x128xf32, #tpu.memory_space<vmem>>, vector<1x16xf32>,
      %swap3A_229 = vector.shape_cast %swap3A_228 : vector<1x16xf32> to vector<16xf32>
      %swap3A_230 = vector.shape_cast %max3A_225 : vector<16xf32> to vector<1x16xf32>
      tpu.vector_store %arg9[%swap3A_226, %swap3A_227], %swap3A_230 {strides = array<i32>} : memref<80x128xf32, #tpu.memory_space<vmem>>, vector<1x16xf32>,
      %get3A_231 = arith.index_cast %scan3A_165 : i32 to index
      %get3A_232 = arith.constant 64 : index
      %get3A_233 = tpu.vector_load %arg10[%get3A_231, %get3A_232] {strides = array<i32>} : memref<80x128xf32, #tpu.memory_space<vmem>>, vector<1x16xf32>,
      %get3A_234 = vector.shape_cast %get3A_233 : vector<1x16xf32> to vector<16xf32>
      %get3A_235 = arith.index_cast %scan3A_165 : i32 to index
      %get3A_236 = arith.constant 64 : index
      %get3A_237 = tpu.vector_load %arg9[%get3A_235, %get3A_236] {strides = array<i32>} : memref<80x128xf32, #tpu.memory_space<vmem>>, vector<1x16xf32>,
      %get3A_238 = vector.shape_cast %get3A_237 : vector<1x16xf32> to vector<16xf32>
      %add3A_239 = arith.addf %get3A_234, %get3A_238 : vector<16xf32>
      %max3A_240 = arith.constant 0.000000e+00 : f32
      %max3A_241 = vector.broadcast %max3A_240 : f32 to vector<16xf32>
      %max3A_242 = arith.maximumf %add3A_239, %max3A_241 : vector<16xf32>
      %swap3A_243 = arith.index_cast %scan3A_165 : i32 to index
      %swap3A_244 = arith.constant 64 : index
      %swap3A_245 = tpu.vector_load %arg9[%swap3A_243, %swap3A_244] {strides = array<i32>} : memref<80x128xf32, #tpu.memory_space<vmem>>, vector<1x16xf32>,
      %swap3A_246 = vector.shape_cast %swap3A_245 : vector<1x16xf32> to vector<16xf32>
      %swap3A_247 = vector.shape_cast %max3A_242 : vector<16xf32> to vector<1x16xf32>
      tpu.vector_store %arg9[%swap3A_243, %swap3A_244], %swap3A_247 {strides = array<i32>} : memref<80x128xf32, #tpu.memory_space<vmem>>, vector<1x16xf32>,
      %get3A_248 = arith.index_cast %scan3A_165 : i32 to index
      %get3A_249 = arith.constant 80 : index
      %get3A_250 = tpu.vector_load %arg10[%get3A_248, %get3A_249] {strides = array<i32>} : memref<80x128xf32, #tpu.memory_space<vmem>>, vector<1x16xf32>,
      %get3A_251 = vector.shape_cast %get3A_250 : vector<1x16xf32> to vector<16xf32>
      %get3A_252 = arith.index_cast %scan3A_165 : i32 to index
      %get3A_253 = arith.constant 80 : index
      %get3A_254 = tpu.vector_load %arg9[%get3A_252, %get3A_253] {strides = array<i32>} : memref<80x128xf32, #tpu.memory_space<vmem>>, vector<1x16xf32>,
      %get3A_255 = vector.shape_cast %get3A_254 : vector<1x16xf32> to vector<16xf32>
      %add3A_256 = arith.addf %get3A_251, %get3A_255 : vector<16xf32>
      %max3A_257 = arith.constant 0.000000e+00 : f32
      %max3A_258 = vector.broadcast %max3A_257 : f32 to vector<16xf32>
      %max3A_259 = arith.maximumf %add3A_256, %max3A_258 : vector<16xf32>
      %swap3A_260 = arith.index_cast %scan3A_165 : i32 to index
      %swap3A_261 = arith.constant 80 : index
      %swap3A_262 = tpu.vector_load %arg9[%swap3A_260, %swap3A_261] {strides = array<i32>} : memref<80x128xf32, #tpu.memory_space<vmem>>, vector<1x16xf32>,
      %swap3A_263 = vector.shape_cast %swap3A_262 : vector<1x16xf32> to vector<16xf32>
      %swap3A_264 = vector.shape_cast %max3A_259 : vector<16xf32> to vector<1x16xf32>
      tpu.vector_store %arg9[%swap3A_260, %swap3A_261], %swap3A_264 {strides = array<i32>} : memref<80x128xf32, #tpu.memory_space<vmem>>, vector<1x16xf32>,
      %get3A_265 = arith.index_cast %scan3A_165 : i32 to index
      %get3A_266 = arith.constant 96 : index
      %get3A_267 = tpu.vector_load %arg10[%get3A_265, %get3A_266] {strides = array<i32>} : memref<80x128xf32, #tpu.memory_space<vmem>>, vector<1x16xf32>,
      %get3A_268 = vector.shape_cast %get3A_267 : vector<1x16xf32> to vector<16xf32>
      %get3A_269 = arith.index_cast %scan3A_165 : i32 to index
      %get3A_270 = arith.constant 96 : index
      %get3A_271 = tpu.vector_load %arg9[%get3A_269, %get3A_270] {strides = array<i32>} : memref<80x128xf32, #tpu.memory_space<vmem>>, vector<1x16xf32>,
      %get3A_272 = vector.shape_cast %get3A_271 : vector<1x16xf32> to vector<16xf32>
      %add3A_273 = arith.addf %get3A_268, %get3A_272 : vector<16xf32>
      %max3A_274 = arith.constant 0.000000e+00 : f32
      %max3A_275 = vector.broadcast %max3A_274 : f32 to vector<16xf32>
      %max3A_276 = arith.maximumf %add3A_273, %max3A_275 : vector<16xf32>
      %swap3A_277 = arith.index_cast %scan3A_165 : i32 to index
      %swap3A_278 = arith.constant 96 : index
      %swap3A_279 = tpu.vector_load %arg9[%swap3A_277, %swap3A_278] {strides = array<i32>} : memref<80x128xf32, #tpu.memory_space<vmem>>, vector<1x16xf32>,
      %swap3A_280 = vector.shape_cast %swap3A_279 : vector<1x16xf32> to vector<16xf32>
      %swap3A_281 = vector.shape_cast %max3A_276 : vector<16xf32> to vector<1x16xf32>
      tpu.vector_store %arg9[%swap3A_277, %swap3A_278], %swap3A_281 {strides = array<i32>} : memref<80x128xf32, #tpu.memory_space<vmem>>, vector<1x16xf32>,
      %get3A_282 = arith.index_cast %scan3A_165 : i32 to index
      %get3A_283 = arith.constant 112 : index
      %get3A_284 = tpu.vector_load %arg10[%get3A_282, %get3A_283] {strides = array<i32>} : memref<80x128xf32, #tpu.memory_space<vmem>>, vector<1x16xf32>,
      %get3A_285 = vector.shape_cast %get3A_284 : vector<1x16xf32> to vector<16xf32>
      %get3A_286 = arith.index_cast %scan3A_165 : i32 to index
      %get3A_287 = arith.constant 112 : index
      %get3A_288 = tpu.vector_load %arg9[%get3A_286, %get3A_287] {strides = array<i32>} : memref<80x128xf32, #tpu.memory_space<vmem>>, vector<1x16xf32>,
      %get3A_289 = vector.shape_cast %get3A_288 : vector<1x16xf32> to vector<16xf32>
      %add3A_290 = arith.addf %get3A_285, %get3A_289 : vector<16xf32>
      %max3A_291 = arith.constant 0.000000e+00 : f32
      %max3A_292 = vector.broadcast %max3A_291 : f32 to vector<16xf32>
      %max3A_293 = arith.maximumf %add3A_290, %max3A_292 : vector<16xf32>
      %swap3A_294 = arith.index_cast %scan3A_165 : i32 to index
      %swap3A_295 = arith.constant 112 : index
      %swap3A_296 = tpu.vector_load %arg9[%swap3A_294, %swap3A_295] {strides = array<i32>} : memref<80x128xf32, #tpu.memory_space<vmem>>, vector<1x16xf32>,
      %swap3A_297 = vector.shape_cast %swap3A_296 : vector<1x16xf32> to vector<16xf32>
      %swap3A_298 = vector.shape_cast %max3A_293 : vector<16xf32> to vector<1x16xf32>
      tpu.vector_store %arg9[%swap3A_294, %swap3A_295], %swap3A_298 {strides = array<i32>} : memref<80x128xf32, #tpu.memory_space<vmem>>, vector<1x16xf32>,
      %scan3A_299 = arith.constant 1 : i32
      %scan3A_300 = arith.addi %scan3A_165, %scan3A_299 : i32
      %get3A_301 = arith.index_cast %scan3A_300 : i32 to index
      %get3A_302 = arith.constant 0 : index
      %get3A_303 = tpu.vector_load %arg10[%get3A_301, %get3A_302] {strides = array<i32>} : memref<80x128xf32, #tpu.memory_space<vmem>>, vector<1x16xf32>,
      %get3A_304 = vector.shape_cast %get3A_303 : vector<1x16xf32> to vector<16xf32>
      %get3A_305 = arith.index_cast %scan3A_300 : i32 to index
      %get3A_306 = arith.constant 0 : index
      %get3A_307 = tpu.vector_load %arg9[%get3A_305, %get3A_306] {strides = array<i32>} : memref<80x128xf32, #tpu.memory_space<vmem>>, vector<1x16xf32>,
      %get3A_308 = vector.shape_cast %get3A_307 : vector<1x16xf32> to vector<16xf32>
      %add3A_309 = arith.addf %get3A_304, %get3A_308 : vector<16xf32>
      %max3A_310 = arith.constant 0.000000e+00 : f32
      %max3A_311 = vector.broadcast %max3A_310 : f32 to vector<16xf32>
      %max3A_312 = arith.maximumf %add3A_309, %max3A_311 : vector<16xf32>
      %swap3A_313 = arith.index_cast %scan3A_300 : i32 to index
      %swap3A_314 = arith.constant 0 : index
      %swap3A_315 = tpu.vector_load %arg9[%swap3A_313, %swap3A_314] {strides = array<i32>} : memref<80x128xf32, #tpu.memory_space<vmem>>, vector<1x16xf32>,
      %swap3A_316 = vector.shape_cast %swap3A_315 : vector<1x16xf32> to vector<16xf32>
      %swap3A_317 = vector.shape_cast %max3A_312 : vector<16xf32> to vector<1x16xf32>
      tpu.vector_store %arg9[%swap3A_313, %swap3A_314], %swap3A_317 {strides = array<i32>} : memref<80x128xf32, #tpu.memory_space<vmem>>, vector<1x16xf32>,
      %get3A_318 = arith.index_cast %scan3A_300 : i32 to index
      %get3A_319 = arith.constant 16 : index
      %get3A_320 = tpu.vector_load %arg10[%get3A_318, %get3A_319] {strides = array<i32>} : memref<80x128xf32, #tpu.memory_space<vmem>>, vector<1x16xf32>,
      %get3A_321 = vector.shape_cast %get3A_320 : vector<1x16xf32> to vector<16xf32>
      %get3A_322 = arith.index_cast %scan3A_300 : i32 to index
      %get3A_323 = arith.constant 16 : index
      %get3A_324 = tpu.vector_load %arg9[%get3A_322, %get3A_323] {strides = array<i32>} : memref<80x128xf32, #tpu.memory_space<vmem>>, vector<1x16xf32>,
      %get3A_325 = vector.shape_cast %get3A_324 : vector<1x16xf32> to vector<16xf32>
      %add3A_326 = arith.addf %get3A_321, %get3A_325 : vector<16xf32>
      %max3A_327 = arith.constant 0.000000e+00 : f32
      %max3A_328 = vector.broadcast %max3A_327 : f32 to vector<16xf32>
      %max3A_329 = arith.maximumf %add3A_326, %max3A_328 : vector<16xf32>
      %swap3A_330 = arith.index_cast %scan3A_300 : i32 to index
      %swap3A_331 = arith.constant 16 : index
      %swap3A_332 = tpu.vector_load %arg9[%swap3A_330, %swap3A_331] {strides = array<i32>} : memref<80x128xf32, #tpu.memory_space<vmem>>, vector<1x16xf32>,
      %swap3A_333 = vector.shape_cast %swap3A_332 : vector<1x16xf32> to vector<16xf32>
      %swap3A_334 = vector.shape_cast %max3A_329 : vector<16xf32> to vector<1x16xf32>
      tpu.vector_store %arg9[%swap3A_330, %swap3A_331], %swap3A_334 {strides = array<i32>} : memref<80x128xf32, #tpu.memory_space<vmem>>, vector<1x16xf32>,
      %get3A_335 = arith.index_cast %scan3A_300 : i32 to index
      %get3A_336 = arith.constant 32 : index
      %get3A_337 = tpu.vector_load %arg10[%get3A_335, %get3A_336] {strides = array<i32>} : memref<80x128xf32, #tpu.memory_space<vmem>>, vector<1x16xf32>,
      %get3A_338 = vector.shape_cast %get3A_337 : vector<1x16xf32> to vector<16xf32>
      %get3A_339 = arith.index_cast %scan3A_300 : i32 to index
      %get3A_340 = arith.constant 32 : index
      %get3A_341 = tpu.vector_load %arg9[%get3A_339, %get3A_340] {strides = array<i32>} : memref<80x128xf32, #tpu.memory_space<vmem>>, vector<1x16xf32>,
      %get3A_342 = vector.shape_cast %get3A_341 : vector<1x16xf32> to vector<16xf32>
      %add3A_343 = arith.addf %get3A_338, %get3A_342 : vector<16xf32>
      %max3A_344 = arith.constant 0.000000e+00 : f32
      %max3A_345 = vector.broadcast %max3A_344 : f32 to vector<16xf32>
      %max3A_346 = arith.maximumf %add3A_343, %max3A_345 : vector<16xf32>
      %swap3A_347 = arith.index_cast %scan3A_300 : i32 to index
      %swap3A_348 = arith.constant 32 : index
      %swap3A_349 = tpu.vector_load %arg9[%swap3A_347, %swap3A_348] {strides = array<i32>} : memref<80x128xf32, #tpu.memory_space<vmem>>, vector<1x16xf32>,
      %swap3A_350 = vector.shape_cast %swap3A_349 : vector<1x16xf32> to vector<16xf32>
      %swap3A_351 = vector.shape_cast %max3A_346 : vector<16xf32> to vector<1x16xf32>
      tpu.vector_store %arg9[%swap3A_347, %swap3A_348], %swap3A_351 {strides = array<i32>} : memref<80x128xf32, #tpu.memory_space<vmem>>, vector<1x16xf32>,
      %get3A_352 = arith.index_cast %scan3A_300 : i32 to index
      %get3A_353 = arith.constant 48 : index
      %get3A_354 = tpu.vector_load %arg10[%get3A_352, %get3A_353] {strides = array<i32>} : memref<80x128xf32, #tpu.memory_space<vmem>>, vector<1x16xf32>,
      %get3A_355 = vector.shape_cast %get3A_354 : vector<1x16xf32> to vector<16xf32>
      %get3A_356 = arith.index_cast %scan3A_300 : i32 to index
      %get3A_357 = arith.constant 48 : index
      %get3A_358 = tpu.vector_load %arg9[%get3A_356, %get3A_357] {strides = array<i32>} : memref<80x128xf32, #tpu.memory_space<vmem>>, vector<1x16xf32>,
      %get3A_359 = vector.shape_cast %get3A_358 : vector<1x16xf32> to vector<16xf32>
      %add3A_360 = arith.addf %get3A_355, %get3A_359 : vector<16xf32>
      %max3A_361 = arith.constant 0.000000e+00 : f32
      %max3A_362 = vector.broadcast %max3A_361 : f32 to vector<16xf32>
      %max3A_363 = arith.maximumf %add3A_360, %max3A_362 : vector<16xf32>
      %swap3A_364 = arith.index_cast %scan3A_300 : i32 to index
      %swap3A_365 = arith.constant 48 : index
      %swap3A_366 = tpu.vector_load %arg9[%swap3A_364, %swap3A_365] {strides = array<i32>} : memref<80x128xf32, #tpu.memory_space<vmem>>, vector<1x16xf32>,
      %swap3A_367 = vector.shape_cast %swap3A_366 : vector<1x16xf32> to vector<16xf32>
      %swap3A_368 = vector.shape_cast %max3A_363 : vector<16xf32> to vector<1x16xf32>
      tpu.vector_store %arg9[%swap3A_364, %swap3A_365], %swap3A_368 {strides = array<i32>} : memref<80x128xf32, #tpu.memory_space<vmem>>, vector<1x16xf32>,
      %get3A_369 = arith.index_cast %scan3A_300 : i32 to index
      %get3A_370 = arith.constant 64 : index
      %get3A_371 = tpu.vector_load %arg10[%get3A_369, %get3A_370] {strides = array<i32>} : memref<80x128xf32, #tpu.memory_space<vmem>>, vector<1x16xf32>,
      %get3A_372 = vector.shape_cast %get3A_371 : vector<1x16xf32> to vector<16xf32>
      %get3A_373 = arith.index_cast %scan3A_300 : i32 to index
      %get3A_374 = arith.constant 64 : index
      %get3A_375 = tpu.vector_load %arg9[%get3A_373, %get3A_374] {strides = array<i32>} : memref<80x128xf32, #tpu.memory_space<vmem>>, vector<1x16xf32>,
      %get3A_376 = vector.shape_cast %get3A_375 : vector<1x16xf32> to vector<16xf32>
      %add3A_377 = arith.addf %get3A_372, %get3A_376 : vector<16xf32>
      %max3A_378 = arith.constant 0.000000e+00 : f32
      %max3A_379 = vector.broadcast %max3A_378 : f32 to vector<16xf32>
      %max3A_380 = arith.maximumf %add3A_377, %max3A_379 : vector<16xf32>
      %swap3A_381 = arith.index_cast %scan3A_300 : i32 to index
      %swap3A_382 = arith.constant 64 : index
      %swap3A_383 = tpu.vector_load %arg9[%swap3A_381, %swap3A_382] {strides = array<i32>} : memref<80x128xf32, #tpu.memory_space<vmem>>, vector<1x16xf32>,
      %swap3A_384 = vector.shape_cast %swap3A_383 : vector<1x16xf32> to vector<16xf32>
      %swap3A_385 = vector.shape_cast %max3A_380 : vector<16xf32> to vector<1x16xf32>
      tpu.vector_store %arg9[%swap3A_381, %swap3A_382], %swap3A_385 {strides = array<i32>} : memref<80x128xf32, #tpu.memory_space<vmem>>, vector<1x16xf32>,
      %get3A_386 = arith.index_cast %scan3A_300 : i32 to index
      %get3A_387 = arith.constant 80 : index
      %get3A_388 = tpu.vector_load %arg10[%get3A_386, %get3A_387] {strides = array<i32>} : memref<80x128xf32, #tpu.memory_space<vmem>>, vector<1x16xf32>,
      %get3A_389 = vector.shape_cast %get3A_388 : vector<1x16xf32> to vector<16xf32>
      %get3A_390 = arith.index_cast %scan3A_300 : i32 to index
      %get3A_391 = arith.constant 80 : index
      %get3A_392 = tpu.vector_load %arg9[%get3A_390, %get3A_391] {strides = array<i32>} : memref<80x128xf32, #tpu.memory_space<vmem>>, vector<1x16xf32>,
      %get3A_393 = vector.shape_cast %get3A_392 : vector<1x16xf32> to vector<16xf32>
      %add3A_394 = arith.addf %get3A_389, %get3A_393 : vector<16xf32>
      %max3A_395 = arith.constant 0.000000e+00 : f32
      %max3A_396 = vector.broadcast %max3A_395 : f32 to vector<16xf32>
      %max3A_397 = arith.maximumf %add3A_394, %max3A_396 : vector<16xf32>
      %swap3A_398 = arith.index_cast %scan3A_300 : i32 to index
      %swap3A_399 = arith.constant 80 : index
      %swap3A_400 = tpu.vector_load %arg9[%swap3A_398, %swap3A_399] {strides = array<i32>} : memref<80x128xf32, #tpu.memory_space<vmem>>, vector<1x16xf32>,
      %swap3A_401 = vector.shape_cast %swap3A_400 : vector<1x16xf32> to vector<16xf32>
      %swap3A_402 = vector.shape_cast %max3A_397 : vector<16xf32> to vector<1x16xf32>
      tpu.vector_store %arg9[%swap3A_398, %swap3A_399], %swap3A_402 {strides = array<i32>} : memref<80x128xf32, #tpu.memory_space<vmem>>, vector<1x16xf32>,
      %get3A_403 = arith.index_cast %scan3A_300 : i32 to index
      %get3A_404 = arith.constant 96 : index
      %get3A_405 = tpu.vector_load %arg10[%get3A_403, %get3A_404] {strides = array<i32>} : memref<80x128xf32, #tpu.memory_space<vmem>>, vector<1x16xf32>,
      %get3A_406 = vector.shape_cast %get3A_405 : vector<1x16xf32> to vector<16xf32>
      %get3A_407 = arith.index_cast %scan3A_300 : i32 to index
      %get3A_408 = arith.constant 96 : index
      %get3A_409 = tpu.vector_load %arg9[%get3A_407, %get3A_408] {strides = array<i32>} : memref<80x128xf32, #tpu.memory_space<vmem>>, vector<1x16xf32>,
      %get3A_410 = vector.shape_cast %get3A_409 : vector<1x16xf32> to vector<16xf32>
      %add3A_411 = arith.addf %get3A_406, %get3A_410 : vector<16xf32>
      %max3A_412 = arith.constant 0.000000e+00 : f32
      %max3A_413 = vector.broadcast %max3A_412 : f32 to vector<16xf32>
      %max3A_414 = arith.maximumf %add3A_411, %max3A_413 : vector<16xf32>
      %swap3A_415 = arith.index_cast %scan3A_300 : i32 to index
      %swap3A_416 = arith.constant 96 : index
      %swap3A_417 = tpu.vector_load %arg9[%swap3A_415, %swap3A_416] {strides = array<i32>} : memref<80x128xf32, #tpu.memory_space<vmem>>, vector<1x16xf32>,
      %swap3A_418 = vector.shape_cast %swap3A_417 : vector<1x16xf32> to vector<16xf32>
      %swap3A_419 = vector.shape_cast %max3A_414 : vector<16xf32> to vector<1x16xf32>
      tpu.vector_store %arg9[%swap3A_415, %swap3A_416], %swap3A_419 {strides = array<i32>} : memref<80x128xf32, #tpu.memory_space<vmem>>, vector<1x16xf32>,
      %get3A_420 = arith.index_cast %scan3A_300 : i32 to index
      %get3A_421 = arith.constant 112 : index
      %get3A_422 = tpu.vector_load %arg10[%get3A_420, %get3A_421] {strides = array<i32>} : memref<80x128xf32, #tpu.memory_space<vmem>>, vector<1x16xf32>,
      %get3A_423 = vector.shape_cast %get3A_422 : vector<1x16xf32> to vector<16xf32>
      %get3A_424 = arith.index_cast %scan3A_300 : i32 to index
      %get3A_425 = arith.constant 112 : index
      %get3A_426 = tpu.vector_load %arg9[%get3A_424, %get3A_425] {strides = array<i32>} : memref<80x128xf32, #tpu.memory_space<vmem>>, vector<1x16xf32>,
      %get3A_427 = vector.shape_cast %get3A_426 : vector<1x16xf32> to vector<16xf32>
      %add3A_428 = arith.addf %get3A_423, %get3A_427 : vector<16xf32>
      %max3A_429 = arith.constant 0.000000e+00 : f32
      %max3A_430 = vector.broadcast %max3A_429 : f32 to vector<16xf32>
      %max3A_431 = arith.maximumf %add3A_428, %max3A_430 : vector<16xf32>
      %swap3A_432 = arith.index_cast %scan3A_300 : i32 to index
      %swap3A_433 = arith.constant 112 : index
      %swap3A_434 = tpu.vector_load %arg9[%swap3A_432, %swap3A_433] {strides = array<i32>} : memref<80x128xf32, #tpu.memory_space<vmem>>, vector<1x16xf32>,
      %swap3A_435 = vector.shape_cast %swap3A_434 : vector<1x16xf32> to vector<16xf32>
      %swap3A_436 = vector.shape_cast %max3A_431 : vector<16xf32> to vector<1x16xf32>
      tpu.vector_store %arg9[%swap3A_432, %swap3A_433], %swap3A_436 {strides = array<i32>} : memref<80x128xf32, #tpu.memory_space<vmem>>, vector<1x16xf32>,
    }
    %scan3A_101 = arith.constant 80 : i32
    %dma_start3A_102 = arith.constant 0 : i32
    %dma_start3A_103 = arith.constant 0 : i32
    %dma_start3A_104 = tpu.memref_slice %arg15[%dma_start3A_102, %dma_start3A_103] : memref<10000x128xf32, #tpu.memory_space<vmem_shared>> -> memref<10000x128xf32, #tpu.memory_space<vmem_shared>>
    tpu.enqueue_indirect_dma source(%arg9 : memref<80x128xf32, #tpu.memory_space<vmem>>) target(%dma_start3A_104 : memref<10000x128xf32, #tpu.memory_space<vmem_shared>>) offsets(%arg8 : memref<80xi32, #tpu.memory_space<vmem>>) semaphore(%arg19 : memref<!tpu.dma_semaphore, #tpu.memory_space<semaphore_mem>>) {add = true}
    %dma_wait3A_105 = arith.constant 0 : i32
    %dma_wait3A_106 = arith.constant 0 : i32
    %dma_wait3A_107 = tpu.memref_slice %arg15[%dma_wait3A_105, %dma_wait3A_106] : memref<10000x128xf32, #tpu.memory_space<vmem_shared>> -> memref<10000x128xf32, #tpu.memory_space<vmem_shared>>
    tpu.wait_indirect_dma semaphore(%arg19 : memref<!tpu.dma_semaphore, #tpu.memory_space<semaphore_mem>>) src(%arg9 : memref<80x128xf32, #tpu.memory_space<vmem>>) dst(%dma_wait3A_107 : memref<10000x128xf32, #tpu.memory_space<vmem_shared>>)
    %barrier3A_108 = arith.constant 0 : index
    tpu.barrier barrier_id(%barrier3A_108)
    %add3A_109 = arith.constant 0 : i32
    %add3A_110 = arith.addi %arg1, %add3A_109 : i32
    %lt3A_111 = arith.constant 125 : i32
    %lt3A_112 = arith.cmpi slt, %add3A_110, %lt3A_111 : i32
    %convert_element_type3A_113 = arith.extui %lt3A_112 : i1 to i32
    %cond3A_114 = arith.constant 0 : i32
    %cond3A_115 = arith.cmpi ne, %convert_element_type3A_113, %cond3A_114 : i32
    scf.if %cond3A_115 {
      %mul3A_165 = arith.constant 80 : i32
      %mul3A_166 = arith.muli %add3A_110, %mul3A_165 : i32
      "tpu.region"() ({
        %run_scoped3A = tpu.sem_alloc : memref<!tpu.dma_semaphore, #tpu.memory_space<semaphore_mem>>
        %dma_start3A_172 = arith.constant 0 : i32
        %dma_start3A_173 = tpu.memref_slice %arg15[%mul3A_166, %dma_start3A_172] : memref<10000x128xf32, #tpu.memory_space<vmem_shared>> -> memref<80x128xf32, #tpu.memory_space<vmem_shared>>
        %dma_start3A_174 = arith.constant 0 : i32
        %dma_start3A_175 = tpu.memref_slice %arg15[%mul3A_166, %dma_start3A_174] : memref<10000x128xf32, #tpu.memory_space<vmem_shared>> -> memref<80x128xf32, #tpu.memory_space<vmem_shared>>
        tpu.enqueue_dma source(%dma_start3A_175 : memref<80x128xf32, #tpu.memory_space<vmem_shared>>) target(%arg10 : memref<80x128xf32, #tpu.memory_space<vmem>>) target_semaphore(%run_scoped3A : memref<!tpu.dma_semaphore, #tpu.memory_space<semaphore_mem>>)
        %dma_wait3A_176 = arith.constant 0 : i32
        %dma_wait3A_177 = tpu.memref_slice %arg15[%mul3A_166, %dma_wait3A_176] : memref<10000x128xf32, #tpu.memory_space<vmem_shared>> -> memref<80x128xf32, #tpu.memory_space<vmem_shared>>
        %dma_wait3A_178 = arith.constant 0 : i32
        %dma_wait3A_179 = tpu.memref_slice %arg15[%mul3A_166, %dma_wait3A_178] : memref<10000x128xf32, #tpu.memory_space<vmem_shared>> -> memref<80x128xf32, #tpu.memory_space<vmem_shared>>
        tpu.wait_dma2 semaphore(%run_scoped3A : memref<!tpu.dma_semaphore, #tpu.memory_space<semaphore_mem>>) src(%dma_wait3A_179 : memref<80x128xf32, #tpu.memory_space<vmem_shared>>) dst(%arg10 : memref<80x128xf32, #tpu.memory_space<vmem>>)
        tpu.yield
      }) : () -> ()
      %mul3A_167 = arith.constant 10000 : i32
      %mul3A_168 = arith.muli %arg0, %mul3A_167 : i32
      %mul3A_169 = arith.constant 80 : i32
      %mul3A_170 = arith.muli %add3A_110, %mul3A_169 : i32
      %add3A_171 = arith.addi %mul3A_168, %mul3A_170 : i32
      "tpu.region"() ({
        %run_scoped3A = tpu.sem_alloc : memref<!tpu.dma_semaphore, #tpu.memory_space<semaphore_mem>>
        %dma_start3A_172 = arith.constant 0 : i32
        %dma_start3A_173 = tpu.memref_slice %arg6[%add3A_171, %dma_start3A_172] : memref<20000x128xf32, #tpu.memory_space<hbm>> -> memref<80x128xf32, #tpu.memory_space<hbm>>
        %dma_start3A_174 = arith.constant 0 : i32
        %dma_start3A_175 = tpu.memref_slice %arg6[%add3A_171, %dma_start3A_174] : memref<20000x128xf32, #tpu.memory_space<hbm>> -> memref<80x128xf32, #tpu.memory_space<hbm>>
        tpu.enqueue_dma source(%arg10 : memref<80x128xf32, #tpu.memory_space<vmem>>) target(%dma_start3A_175 : memref<80x128xf32, #tpu.memory_space<hbm>>) target_semaphore(%run_scoped3A : memref<!tpu.dma_semaphore, #tpu.memory_space<semaphore_mem>>)
        %dma_wait3A_176 = arith.constant 0 : i32
        %dma_wait3A_177 = tpu.memref_slice %arg6[%add3A_171, %dma_wait3A_176] : memref<20000x128xf32, #tpu.memory_space<hbm>> -> memref<80x128xf32, #tpu.memory_space<hbm>>
        %dma_wait3A_178 = arith.constant 0 : i32
        %dma_wait3A_179 = tpu.memref_slice %arg6[%add3A_171, %dma_wait3A_178] : memref<20000x128xf32, #tpu.memory_space<hbm>> -> memref<80x128xf32, #tpu.memory_space<hbm>>
        tpu.wait_dma2 semaphore(%run_scoped3A : memref<!tpu.dma_semaphore, #tpu.memory_space<semaphore_mem>>) src(%arg10 : memref<80x128xf32, #tpu.memory_space<vmem>>) dst(%dma_wait3A_179 : memref<80x128xf32, #tpu.memory_space<hbm>>)
        tpu.yield
      }) : () -> ()
    } else {
    }
    %add3A_116 = arith.constant 16 : i32
    %add3A_117 = arith.addi %arg1, %add3A_116 : i32
    %lt3A_118 = arith.constant 125 : i32
    %lt3A_119 = arith.cmpi slt, %add3A_117, %lt3A_118 : i32
    %convert_element_type3A_120 = arith.extui %lt3A_119 : i1 to i32
    %cond3A_121 = arith.constant 0 : i32
    %cond3A_122 = arith.cmpi ne, %convert_element_type3A_120, %cond3A_121 : i32
    scf.if %cond3A_122 {
      %mul3A_165 = arith.constant 80 : i32
      %mul3A_166 = arith.muli %add3A_117, %mul3A_165 : i32
      "tpu.region"() ({
        %run_scoped3A = tpu.sem_alloc : memref<!tpu.dma_semaphore, #tpu.memory_space<semaphore_mem>>
        %dma_start3A_172 = arith.constant 0 : i32
        %dma_start3A_173 = tpu.memref_slice %arg15[%mul3A_166, %dma_start3A_172] : memref<10000x128xf32, #tpu.memory_space<vmem_shared>> -> memref<80x128xf32, #tpu.memory_space<vmem_shared>>
        %dma_start3A_174 = arith.constant 0 : i32
        %dma_start3A_175 = tpu.memref_slice %arg15[%mul3A_166, %dma_start3A_174] : memref<10000x128xf32, #tpu.memory_space<vmem_shared>> -> memref<80x128xf32, #tpu.memory_space<vmem_shared>>
        tpu.enqueue_dma source(%dma_start3A_175 : memref<80x128xf32, #tpu.memory_space<vmem_shared>>) target(%arg10 : memref<80x128xf32, #tpu.memory_space<vmem>>) target_semaphore(%run_scoped3A : memref<!tpu.dma_semaphore, #tpu.memory_space<semaphore_mem>>)
        %dma_wait3A_176 = arith.constant 0 : i32
        %dma_wait3A_177 = tpu.memref_slice %arg15[%mul3A_166, %dma_wait3A_176] : memref<10000x128xf32, #tpu.memory_space<vmem_shared>> -> memref<80x128xf32, #tpu.memory_space<vmem_shared>>
        %dma_wait3A_178 = arith.constant 0 : i32
        %dma_wait3A_179 = tpu.memref_slice %arg15[%mul3A_166, %dma_wait3A_178] : memref<10000x128xf32, #tpu.memory_space<vmem_shared>> -> memref<80x128xf32, #tpu.memory_space<vmem_shared>>
        tpu.wait_dma2 semaphore(%run_scoped3A : memref<!tpu.dma_semaphore, #tpu.memory_space<semaphore_mem>>) src(%dma_wait3A_179 : memref<80x128xf32, #tpu.memory_space<vmem_shared>>) dst(%arg10 : memref<80x128xf32, #tpu.memory_space<vmem>>)
        tpu.yield
      }) : () -> ()
      %mul3A_167 = arith.constant 10000 : i32
      %mul3A_168 = arith.muli %arg0, %mul3A_167 : i32
      %mul3A_169 = arith.constant 80 : i32
      %mul3A_170 = arith.muli %add3A_117, %mul3A_169 : i32
      %add3A_171 = arith.addi %mul3A_168, %mul3A_170 : i32
      "tpu.region"() ({
        %run_scoped3A = tpu.sem_alloc : memref<!tpu.dma_semaphore, #tpu.memory_space<semaphore_mem>>
        %dma_start3A_172 = arith.constant 0 : i32
        %dma_start3A_173 = tpu.memref_slice %arg6[%add3A_171, %dma_start3A_172] : memref<20000x128xf32, #tpu.memory_space<hbm>> -> memref<80x128xf32, #tpu.memory_space<hbm>>
        %dma_start3A_174 = arith.constant 0 : i32
        %dma_start3A_175 = tpu.memref_slice %arg6[%add3A_171, %dma_start3A_174] : memref<20000x128xf32, #tpu.memory_space<hbm>> -> memref<80x128xf32, #tpu.memory_space<hbm>>
        tpu.enqueue_dma source(%arg10 : memref<80x128xf32, #tpu.memory_space<vmem>>) target(%dma_start3A_175 : memref<80x128xf32, #tpu.memory_space<hbm>>) target_semaphore(%run_scoped3A : memref<!tpu.dma_semaphore, #tpu.memory_space<semaphore_mem>>)
        %dma_wait3A_176 = arith.constant 0 : i32
        %dma_wait3A_177 = tpu.memref_slice %arg6[%add3A_171, %dma_wait3A_176] : memref<20000x128xf32, #tpu.memory_space<hbm>> -> memref<80x128xf32, #tpu.memory_space<hbm>>
        %dma_wait3A_178 = arith.constant 0 : i32
        %dma_wait3A_179 = tpu.memref_slice %arg6[%add3A_171, %dma_wait3A_178] : memref<20000x128xf32, #tpu.memory_space<hbm>> -> memref<80x128xf32, #tpu.memory_space<hbm>>
        tpu.wait_dma2 semaphore(%run_scoped3A : memref<!tpu.dma_semaphore, #tpu.memory_space<semaphore_mem>>) src(%arg10 : memref<80x128xf32, #tpu.memory_space<vmem>>) dst(%dma_wait3A_179 : memref<80x128xf32, #tpu.memory_space<hbm>>)
        tpu.yield
      }) : () -> ()
    } else {
    }
    %add3A_123 = arith.constant 32 : i32
    %add3A_124 = arith.addi %arg1, %add3A_123 : i32
    %lt3A_125 = arith.constant 125 : i32
    %lt3A_126 = arith.cmpi slt, %add3A_124, %lt3A_125 : i32
    %convert_element_type3A_127 = arith.extui %lt3A_126 : i1 to i32
    %cond3A_128 = arith.constant 0 : i32
    %cond3A_129 = arith.cmpi ne, %convert_element_type3A_127, %cond3A_128 : i32
    scf.if %cond3A_129 {
      %mul3A_165 = arith.constant 80 : i32
      %mul3A_166 = arith.muli %add3A_124, %mul3A_165 : i32
      "tpu.region"() ({
        %run_scoped3A = tpu.sem_alloc : memref<!tpu.dma_semaphore, #tpu.memory_space<semaphore_mem>>
        %dma_start3A_172 = arith.constant 0 : i32
        %dma_start3A_173 = tpu.memref_slice %arg15[%mul3A_166, %dma_start3A_172] : memref<10000x128xf32, #tpu.memory_space<vmem_shared>> -> memref<80x128xf32, #tpu.memory_space<vmem_shared>>
        %dma_start3A_174 = arith.constant 0 : i32
        %dma_start3A_175 = tpu.memref_slice %arg15[%mul3A_166, %dma_start3A_174] : memref<10000x128xf32, #tpu.memory_space<vmem_shared>> -> memref<80x128xf32, #tpu.memory_space<vmem_shared>>
        tpu.enqueue_dma source(%dma_start3A_175 : memref<80x128xf32, #tpu.memory_space<vmem_shared>>) target(%arg10 : memref<80x128xf32, #tpu.memory_space<vmem>>) target_semaphore(%run_scoped3A : memref<!tpu.dma_semaphore, #tpu.memory_space<semaphore_mem>>)
        %dma_wait3A_176 = arith.constant 0 : i32
        %dma_wait3A_177 = tpu.memref_slice %arg15[%mul3A_166, %dma_wait3A_176] : memref<10000x128xf32, #tpu.memory_space<vmem_shared>> -> memref<80x128xf32, #tpu.memory_space<vmem_shared>>
        %dma_wait3A_178 = arith.constant 0 : i32
        %dma_wait3A_179 = tpu.memref_slice %arg15[%mul3A_166, %dma_wait3A_178] : memref<10000x128xf32, #tpu.memory_space<vmem_shared>> -> memref<80x128xf32, #tpu.memory_space<vmem_shared>>
        tpu.wait_dma2 semaphore(%run_scoped3A : memref<!tpu.dma_semaphore, #tpu.memory_space<semaphore_mem>>) src(%dma_wait3A_179 : memref<80x128xf32, #tpu.memory_space<vmem_shared>>) dst(%arg10 : memref<80x128xf32, #tpu.memory_space<vmem>>)
        tpu.yield
      }) : () -> ()
      %mul3A_167 = arith.constant 10000 : i32
      %mul3A_168 = arith.muli %arg0, %mul3A_167 : i32
      %mul3A_169 = arith.constant 80 : i32
      %mul3A_170 = arith.muli %add3A_124, %mul3A_169 : i32
      %add3A_171 = arith.addi %mul3A_168, %mul3A_170 : i32
      "tpu.region"() ({
        %run_scoped3A = tpu.sem_alloc : memref<!tpu.dma_semaphore, #tpu.memory_space<semaphore_mem>>
        %dma_start3A_172 = arith.constant 0 : i32
        %dma_start3A_173 = tpu.memref_slice %arg6[%add3A_171, %dma_start3A_172] : memref<20000x128xf32, #tpu.memory_space<hbm>> -> memref<80x128xf32, #tpu.memory_space<hbm>>
        %dma_start3A_174 = arith.constant 0 : i32
        %dma_start3A_175 = tpu.memref_slice %arg6[%add3A_171, %dma_start3A_174] : memref<20000x128xf32, #tpu.memory_space<hbm>> -> memref<80x128xf32, #tpu.memory_space<hbm>>
        tpu.enqueue_dma source(%arg10 : memref<80x128xf32, #tpu.memory_space<vmem>>) target(%dma_start3A_175 : memref<80x128xf32, #tpu.memory_space<hbm>>) target_semaphore(%run_scoped3A : memref<!tpu.dma_semaphore, #tpu.memory_space<semaphore_mem>>)
        %dma_wait3A_176 = arith.constant 0 : i32
        %dma_wait3A_177 = tpu.memref_slice %arg6[%add3A_171, %dma_wait3A_176] : memref<20000x128xf32, #tpu.memory_space<hbm>> -> memref<80x128xf32, #tpu.memory_space<hbm>>
        %dma_wait3A_178 = arith.constant 0 : i32
        %dma_wait3A_179 = tpu.memref_slice %arg6[%add3A_171, %dma_wait3A_178] : memref<20000x128xf32, #tpu.memory_space<hbm>> -> memref<80x128xf32, #tpu.memory_space<hbm>>
        tpu.wait_dma2 semaphore(%run_scoped3A : memref<!tpu.dma_semaphore, #tpu.memory_space<semaphore_mem>>) src(%arg10 : memref<80x128xf32, #tpu.memory_space<vmem>>) dst(%dma_wait3A_179 : memref<80x128xf32, #tpu.memory_space<hbm>>)
        tpu.yield
      }) : () -> ()
    } else {
    }
    %add3A_130 = arith.constant 48 : i32
    %add3A_131 = arith.addi %arg1, %add3A_130 : i32
    %lt3A_132 = arith.constant 125 : i32
    %lt3A_133 = arith.cmpi slt, %add3A_131, %lt3A_132 : i32
    %convert_element_type3A_134 = arith.extui %lt3A_133 : i1 to i32
    %cond3A_135 = arith.constant 0 : i32
    %cond3A_136 = arith.cmpi ne, %convert_element_type3A_134, %cond3A_135 : i32
    scf.if %cond3A_136 {
      %mul3A_165 = arith.constant 80 : i32
      %mul3A_166 = arith.muli %add3A_131, %mul3A_165 : i32
      "tpu.region"() ({
        %run_scoped3A = tpu.sem_alloc : memref<!tpu.dma_semaphore, #tpu.memory_space<semaphore_mem>>
        %dma_start3A_172 = arith.constant 0 : i32
        %dma_start3A_173 = tpu.memref_slice %arg15[%mul3A_166, %dma_start3A_172] : memref<10000x128xf32, #tpu.memory_space<vmem_shared>> -> memref<80x128xf32, #tpu.memory_space<vmem_shared>>
        %dma_start3A_174 = arith.constant 0 : i32
        %dma_start3A_175 = tpu.memref_slice %arg15[%mul3A_166, %dma_start3A_174] : memref<10000x128xf32, #tpu.memory_space<vmem_shared>> -> memref<80x128xf32, #tpu.memory_space<vmem_shared>>
        tpu.enqueue_dma source(%dma_start3A_175 : memref<80x128xf32, #tpu.memory_space<vmem_shared>>) target(%arg10 : memref<80x128xf32, #tpu.memory_space<vmem>>) target_semaphore(%run_scoped3A : memref<!tpu.dma_semaphore, #tpu.memory_space<semaphore_mem>>)
        %dma_wait3A_176 = arith.constant 0 : i32
        %dma_wait3A_177 = tpu.memref_slice %arg15[%mul3A_166, %dma_wait3A_176] : memref<10000x128xf32, #tpu.memory_space<vmem_shared>> -> memref<80x128xf32, #tpu.memory_space<vmem_shared>>
        %dma_wait3A_178 = arith.constant 0 : i32
        %dma_wait3A_179 = tpu.memref_slice %arg15[%mul3A_166, %dma_wait3A_178] : memref<10000x128xf32, #tpu.memory_space<vmem_shared>> -> memref<80x128xf32, #tpu.memory_space<vmem_shared>>
        tpu.wait_dma2 semaphore(%run_scoped3A : memref<!tpu.dma_semaphore, #tpu.memory_space<semaphore_mem>>) src(%dma_wait3A_179 : memref<80x128xf32, #tpu.memory_space<vmem_shared>>) dst(%arg10 : memref<80x128xf32, #tpu.memory_space<vmem>>)
        tpu.yield
      }) : () -> ()
      %mul3A_167 = arith.constant 10000 : i32
      %mul3A_168 = arith.muli %arg0, %mul3A_167 : i32
      %mul3A_169 = arith.constant 80 : i32
      %mul3A_170 = arith.muli %add3A_131, %mul3A_169 : i32
      %add3A_171 = arith.addi %mul3A_168, %mul3A_170 : i32
      "tpu.region"() ({
        %run_scoped3A = tpu.sem_alloc : memref<!tpu.dma_semaphore, #tpu.memory_space<semaphore_mem>>
        %dma_start3A_172 = arith.constant 0 : i32
        %dma_start3A_173 = tpu.memref_slice %arg6[%add3A_171, %dma_start3A_172] : memref<20000x128xf32, #tpu.memory_space<hbm>> -> memref<80x128xf32, #tpu.memory_space<hbm>>
        %dma_start3A_174 = arith.constant 0 : i32
        %dma_start3A_175 = tpu.memref_slice %arg6[%add3A_171, %dma_start3A_174] : memref<20000x128xf32, #tpu.memory_space<hbm>> -> memref<80x128xf32, #tpu.memory_space<hbm>>
        tpu.enqueue_dma source(%arg10 : memref<80x128xf32, #tpu.memory_space<vmem>>) target(%dma_start3A_175 : memref<80x128xf32, #tpu.memory_space<hbm>>) target_semaphore(%run_scoped3A : memref<!tpu.dma_semaphore, #tpu.memory_space<semaphore_mem>>)
        %dma_wait3A_176 = arith.constant 0 : i32
        %dma_wait3A_177 = tpu.memref_slice %arg6[%add3A_171, %dma_wait3A_176] : memref<20000x128xf32, #tpu.memory_space<hbm>> -> memref<80x128xf32, #tpu.memory_space<hbm>>
        %dma_wait3A_178 = arith.constant 0 : i32
        %dma_wait3A_179 = tpu.memref_slice %arg6[%add3A_171, %dma_wait3A_178] : memref<20000x128xf32, #tpu.memory_space<hbm>> -> memref<80x128xf32, #tpu.memory_space<hbm>>
        tpu.wait_dma2 semaphore(%run_scoped3A : memref<!tpu.dma_semaphore, #tpu.memory_space<semaphore_mem>>) src(%arg10 : memref<80x128xf32, #tpu.memory_space<vmem>>) dst(%dma_wait3A_179 : memref<80x128xf32, #tpu.memory_space<hbm>>)
        tpu.yield
      }) : () -> ()
    } else {
    }
    %add3A_137 = arith.constant 64 : i32
    %add3A_138 = arith.addi %arg1, %add3A_137 : i32
    %lt3A_139 = arith.constant 125 : i32
    %lt3A_140 = arith.cmpi slt, %add3A_138, %lt3A_139 : i32
    %convert_element_type3A_141 = arith.extui %lt3A_140 : i1 to i32
    %cond3A_142 = arith.constant 0 : i32
    %cond3A_143 = arith.cmpi ne, %convert_element_type3A_141, %cond3A_142 : i32
    scf.if %cond3A_143 {
      %mul3A_165 = arith.constant 80 : i32
      %mul3A_166 = arith.muli %add3A_138, %mul3A_165 : i32
      "tpu.region"() ({
        %run_scoped3A = tpu.sem_alloc : memref<!tpu.dma_semaphore, #tpu.memory_space<semaphore_mem>>
        %dma_start3A_172 = arith.constant 0 : i32
        %dma_start3A_173 = tpu.memref_slice %arg15[%mul3A_166, %dma_start3A_172] : memref<10000x128xf32, #tpu.memory_space<vmem_shared>> -> memref<80x128xf32, #tpu.memory_space<vmem_shared>>
        %dma_start3A_174 = arith.constant 0 : i32
        %dma_start3A_175 = tpu.memref_slice %arg15[%mul3A_166, %dma_start3A_174] : memref<10000x128xf32, #tpu.memory_space<vmem_shared>> -> memref<80x128xf32, #tpu.memory_space<vmem_shared>>
        tpu.enqueue_dma source(%dma_start3A_175 : memref<80x128xf32, #tpu.memory_space<vmem_shared>>) target(%arg10 : memref<80x128xf32, #tpu.memory_space<vmem>>) target_semaphore(%run_scoped3A : memref<!tpu.dma_semaphore, #tpu.memory_space<semaphore_mem>>)
        %dma_wait3A_176 = arith.constant 0 : i32
        %dma_wait3A_177 = tpu.memref_slice %arg15[%mul3A_166, %dma_wait3A_176] : memref<10000x128xf32, #tpu.memory_space<vmem_shared>> -> memref<80x128xf32, #tpu.memory_space<vmem_shared>>
        %dma_wait3A_178 = arith.constant 0 : i32
        %dma_wait3A_179 = tpu.memref_slice %arg15[%mul3A_166, %dma_wait3A_178] : memref<10000x128xf32, #tpu.memory_space<vmem_shared>> -> memref<80x128xf32, #tpu.memory_space<vmem_shared>>
        tpu.wait_dma2 semaphore(%run_scoped3A : memref<!tpu.dma_semaphore, #tpu.memory_space<semaphore_mem>>) src(%dma_wait3A_179 : memref<80x128xf32, #tpu.memory_space<vmem_shared>>) dst(%arg10 : memref<80x128xf32, #tpu.memory_space<vmem>>)
        tpu.yield
      }) : () -> ()
      %mul3A_167 = arith.constant 10000 : i32
      %mul3A_168 = arith.muli %arg0, %mul3A_167 : i32
      %mul3A_169 = arith.constant 80 : i32
      %mul3A_170 = arith.muli %add3A_138, %mul3A_169 : i32
      %add3A_171 = arith.addi %mul3A_168, %mul3A_170 : i32
      "tpu.region"() ({
        %run_scoped3A = tpu.sem_alloc : memref<!tpu.dma_semaphore, #tpu.memory_space<semaphore_mem>>
        %dma_start3A_172 = arith.constant 0 : i32
        %dma_start3A_173 = tpu.memref_slice %arg6[%add3A_171, %dma_start3A_172] : memref<20000x128xf32, #tpu.memory_space<hbm>> -> memref<80x128xf32, #tpu.memory_space<hbm>>
        %dma_start3A_174 = arith.constant 0 : i32
        %dma_start3A_175 = tpu.memref_slice %arg6[%add3A_171, %dma_start3A_174] : memref<20000x128xf32, #tpu.memory_space<hbm>> -> memref<80x128xf32, #tpu.memory_space<hbm>>
        tpu.enqueue_dma source(%arg10 : memref<80x128xf32, #tpu.memory_space<vmem>>) target(%dma_start3A_175 : memref<80x128xf32, #tpu.memory_space<hbm>>) target_semaphore(%run_scoped3A : memref<!tpu.dma_semaphore, #tpu.memory_space<semaphore_mem>>)
        %dma_wait3A_176 = arith.constant 0 : i32
        %dma_wait3A_177 = tpu.memref_slice %arg6[%add3A_171, %dma_wait3A_176] : memref<20000x128xf32, #tpu.memory_space<hbm>> -> memref<80x128xf32, #tpu.memory_space<hbm>>
        %dma_wait3A_178 = arith.constant 0 : i32
        %dma_wait3A_179 = tpu.memref_slice %arg6[%add3A_171, %dma_wait3A_178] : memref<20000x128xf32, #tpu.memory_space<hbm>> -> memref<80x128xf32, #tpu.memory_space<hbm>>
        tpu.wait_dma2 semaphore(%run_scoped3A : memref<!tpu.dma_semaphore, #tpu.memory_space<semaphore_mem>>) src(%arg10 : memref<80x128xf32, #tpu.memory_space<vmem>>) dst(%dma_wait3A_179 : memref<80x128xf32, #tpu.memory_space<hbm>>)
        tpu.yield
      }) : () -> ()
    } else {
    }
    %add3A_144 = arith.constant 80 : i32
    %add3A_145 = arith.addi %arg1, %add3A_144 : i32
    %lt3A_146 = arith.constant 125 : i32
    %lt3A_147 = arith.cmpi slt, %add3A_145, %lt3A_146 : i32
    %convert_element_type3A_148 = arith.extui %lt3A_147 : i1 to i32
    %cond3A_149 = arith.constant 0 : i32
    %cond3A_150 = arith.cmpi ne, %convert_element_type3A_148, %cond3A_149 : i32
    scf.if %cond3A_150 {
      %mul3A_165 = arith.constant 80 : i32
      %mul3A_166 = arith.muli %add3A_145, %mul3A_165 : i32
      "tpu.region"() ({
        %run_scoped3A = tpu.sem_alloc : memref<!tpu.dma_semaphore, #tpu.memory_space<semaphore_mem>>
        %dma_start3A_172 = arith.constant 0 : i32
        %dma_start3A_173 = tpu.memref_slice %arg15[%mul3A_166, %dma_start3A_172] : memref<10000x128xf32, #tpu.memory_space<vmem_shared>> -> memref<80x128xf32, #tpu.memory_space<vmem_shared>>
        %dma_start3A_174 = arith.constant 0 : i32
        %dma_start3A_175 = tpu.memref_slice %arg15[%mul3A_166, %dma_start3A_174] : memref<10000x128xf32, #tpu.memory_space<vmem_shared>> -> memref<80x128xf32, #tpu.memory_space<vmem_shared>>
        tpu.enqueue_dma source(%dma_start3A_175 : memref<80x128xf32, #tpu.memory_space<vmem_shared>>) target(%arg10 : memref<80x128xf32, #tpu.memory_space<vmem>>) target_semaphore(%run_scoped3A : memref<!tpu.dma_semaphore, #tpu.memory_space<semaphore_mem>>)
        %dma_wait3A_176 = arith.constant 0 : i32
        %dma_wait3A_177 = tpu.memref_slice %arg15[%mul3A_166, %dma_wait3A_176] : memref<10000x128xf32, #tpu.memory_space<vmem_shared>> -> memref<80x128xf32, #tpu.memory_space<vmem_shared>>
        %dma_wait3A_178 = arith.constant 0 : i32
        %dma_wait3A_179 = tpu.memref_slice %arg15[%mul3A_166, %dma_wait3A_178] : memref<10000x128xf32, #tpu.memory_space<vmem_shared>> -> memref<80x128xf32, #tpu.memory_space<vmem_shared>>
        tpu.wait_dma2 semaphore(%run_scoped3A : memref<!tpu.dma_semaphore, #tpu.memory_space<semaphore_mem>>) src(%dma_wait3A_179 : memref<80x128xf32, #tpu.memory_space<vmem_shared>>) dst(%arg10 : memref<80x128xf32, #tpu.memory_space<vmem>>)
        tpu.yield
      }) : () -> ()
      %mul3A_167 = arith.constant 10000 : i32
      %mul3A_168 = arith.muli %arg0, %mul3A_167 : i32
      %mul3A_169 = arith.constant 80 : i32
      %mul3A_170 = arith.muli %add3A_145, %mul3A_169 : i32
      %add3A_171 = arith.addi %mul3A_168, %mul3A_170 : i32
      "tpu.region"() ({
        %run_scoped3A = tpu.sem_alloc : memref<!tpu.dma_semaphore, #tpu.memory_space<semaphore_mem>>
        %dma_start3A_172 = arith.constant 0 : i32
        %dma_start3A_173 = tpu.memref_slice %arg6[%add3A_171, %dma_start3A_172] : memref<20000x128xf32, #tpu.memory_space<hbm>> -> memref<80x128xf32, #tpu.memory_space<hbm>>
        %dma_start3A_174 = arith.constant 0 : i32
        %dma_start3A_175 = tpu.memref_slice %arg6[%add3A_171, %dma_start3A_174] : memref<20000x128xf32, #tpu.memory_space<hbm>> -> memref<80x128xf32, #tpu.memory_space<hbm>>
        tpu.enqueue_dma source(%arg10 : memref<80x128xf32, #tpu.memory_space<vmem>>) target(%dma_start3A_175 : memref<80x128xf32, #tpu.memory_space<hbm>>) target_semaphore(%run_scoped3A : memref<!tpu.dma_semaphore, #tpu.memory_space<semaphore_mem>>)
        %dma_wait3A_176 = arith.constant 0 : i32
        %dma_wait3A_177 = tpu.memref_slice %arg6[%add3A_171, %dma_wait3A_176] : memref<20000x128xf32, #tpu.memory_space<hbm>> -> memref<80x128xf32, #tpu.memory_space<hbm>>
        %dma_wait3A_178 = arith.constant 0 : i32
        %dma_wait3A_179 = tpu.memref_slice %arg6[%add3A_171, %dma_wait3A_178] : memref<20000x128xf32, #tpu.memory_space<hbm>> -> memref<80x128xf32, #tpu.memory_space<hbm>>
        tpu.wait_dma2 semaphore(%run_scoped3A : memref<!tpu.dma_semaphore, #tpu.memory_space<semaphore_mem>>) src(%arg10 : memref<80x128xf32, #tpu.memory_space<vmem>>) dst(%dma_wait3A_179 : memref<80x128xf32, #tpu.memory_space<hbm>>)
        tpu.yield
      }) : () -> ()
    } else {
    }
    %add3A_151 = arith.constant 96 : i32
    %add3A_152 = arith.addi %arg1, %add3A_151 : i32
    %lt3A_153 = arith.constant 125 : i32
    %lt3A_154 = arith.cmpi slt, %add3A_152, %lt3A_153 : i32
    %convert_element_type3A_155 = arith.extui %lt3A_154 : i1 to i32
    %cond3A_156 = arith.constant 0 : i32
    %cond3A_157 = arith.cmpi ne, %convert_element_type3A_155, %cond3A_156 : i32
    scf.if %cond3A_157 {
      %mul3A_165 = arith.constant 80 : i32
      %mul3A_166 = arith.muli %add3A_152, %mul3A_165 : i32
      "tpu.region"() ({
        %run_scoped3A = tpu.sem_alloc : memref<!tpu.dma_semaphore, #tpu.memory_space<semaphore_mem>>
        %dma_start3A_172 = arith.constant 0 : i32
        %dma_start3A_173 = tpu.memref_slice %arg15[%mul3A_166, %dma_start3A_172] : memref<10000x128xf32, #tpu.memory_space<vmem_shared>> -> memref<80x128xf32, #tpu.memory_space<vmem_shared>>
        %dma_start3A_174 = arith.constant 0 : i32
        %dma_start3A_175 = tpu.memref_slice %arg15[%mul3A_166, %dma_start3A_174] : memref<10000x128xf32, #tpu.memory_space<vmem_shared>> -> memref<80x128xf32, #tpu.memory_space<vmem_shared>>
        tpu.enqueue_dma source(%dma_start3A_175 : memref<80x128xf32, #tpu.memory_space<vmem_shared>>) target(%arg10 : memref<80x128xf32, #tpu.memory_space<vmem>>) target_semaphore(%run_scoped3A : memref<!tpu.dma_semaphore, #tpu.memory_space<semaphore_mem>>)
        %dma_wait3A_176 = arith.constant 0 : i32
        %dma_wait3A_177 = tpu.memref_slice %arg15[%mul3A_166, %dma_wait3A_176] : memref<10000x128xf32, #tpu.memory_space<vmem_shared>> -> memref<80x128xf32, #tpu.memory_space<vmem_shared>>
        %dma_wait3A_178 = arith.constant 0 : i32
        %dma_wait3A_179 = tpu.memref_slice %arg15[%mul3A_166, %dma_wait3A_178] : memref<10000x128xf32, #tpu.memory_space<vmem_shared>> -> memref<80x128xf32, #tpu.memory_space<vmem_shared>>
        tpu.wait_dma2 semaphore(%run_scoped3A : memref<!tpu.dma_semaphore, #tpu.memory_space<semaphore_mem>>) src(%dma_wait3A_179 : memref<80x128xf32, #tpu.memory_space<vmem_shared>>) dst(%arg10 : memref<80x128xf32, #tpu.memory_space<vmem>>)
        tpu.yield
      }) : () -> ()
      %mul3A_167 = arith.constant 10000 : i32
      %mul3A_168 = arith.muli %arg0, %mul3A_167 : i32
      %mul3A_169 = arith.constant 80 : i32
      %mul3A_170 = arith.muli %add3A_152, %mul3A_169 : i32
      %add3A_171 = arith.addi %mul3A_168, %mul3A_170 : i32
      "tpu.region"() ({
        %run_scoped3A = tpu.sem_alloc : memref<!tpu.dma_semaphore, #tpu.memory_space<semaphore_mem>>
        %dma_start3A_172 = arith.constant 0 : i32
        %dma_start3A_173 = tpu.memref_slice %arg6[%add3A_171, %dma_start3A_172] : memref<20000x128xf32, #tpu.memory_space<hbm>> -> memref<80x128xf32, #tpu.memory_space<hbm>>
        %dma_start3A_174 = arith.constant 0 : i32
        %dma_start3A_175 = tpu.memref_slice %arg6[%add3A_171, %dma_start3A_174] : memref<20000x128xf32, #tpu.memory_space<hbm>> -> memref<80x128xf32, #tpu.memory_space<hbm>>
        tpu.enqueue_dma source(%arg10 : memref<80x128xf32, #tpu.memory_space<vmem>>) target(%dma_start3A_175 : memref<80x128xf32, #tpu.memory_space<hbm>>) target_semaphore(%run_scoped3A : memref<!tpu.dma_semaphore, #tpu.memory_space<semaphore_mem>>)
        %dma_wait3A_176 = arith.constant 0 : i32
        %dma_wait3A_177 = tpu.memref_slice %arg6[%add3A_171, %dma_wait3A_176] : memref<20000x128xf32, #tpu.memory_space<hbm>> -> memref<80x128xf32, #tpu.memory_space<hbm>>
        %dma_wait3A_178 = arith.constant 0 : i32
        %dma_wait3A_179 = tpu.memref_slice %arg6[%add3A_171, %dma_wait3A_178] : memref<20000x128xf32, #tpu.memory_space<hbm>> -> memref<80x128xf32, #tpu.memory_space<hbm>>
        tpu.wait_dma2 semaphore(%run_scoped3A : memref<!tpu.dma_semaphore, #tpu.memory_space<semaphore_mem>>) src(%arg10 : memref<80x128xf32, #tpu.memory_space<vmem>>) dst(%dma_wait3A_179 : memref<80x128xf32, #tpu.memory_space<hbm>>)
        tpu.yield
      }) : () -> ()
    } else {
    }
    %add3A_158 = arith.constant 112 : i32
    %add3A_159 = arith.addi %arg1, %add3A_158 : i32
    %lt3A_160 = arith.constant 125 : i32
    %lt3A_161 = arith.cmpi slt, %add3A_159, %lt3A_160 : i32
    %convert_element_type3A_162 = arith.extui %lt3A_161 : i1 to i32
    %cond3A_163 = arith.constant 0 : i32
    %cond3A_164 = arith.cmpi ne, %convert_element_type3A_162, %cond3A_163 : i32
    scf.if %cond3A_164 {
      %mul3A_165 = arith.constant 80 : i32
      %mul3A_166 = arith.muli %add3A_159, %mul3A_165 : i32
      "tpu.region"() ({
        %run_scoped3A = tpu.sem_alloc : memref<!tpu.dma_semaphore, #tpu.memory_space<semaphore_mem>>
        %dma_start3A_172 = arith.constant 0 : i32
        %dma_start3A_173 = tpu.memref_slice %arg15[%mul3A_166, %dma_start3A_172] : memref<10000x128xf32, #tpu.memory_space<vmem_shared>> -> memref<80x128xf32, #tpu.memory_space<vmem_shared>>
        %dma_start3A_174 = arith.constant 0 : i32
        %dma_start3A_175 = tpu.memref_slice %arg15[%mul3A_166, %dma_start3A_174] : memref<10000x128xf32, #tpu.memory_space<vmem_shared>> -> memref<80x128xf32, #tpu.memory_space<vmem_shared>>
        tpu.enqueue_dma source(%dma_start3A_175 : memref<80x128xf32, #tpu.memory_space<vmem_shared>>) target(%arg10 : memref<80x128xf32, #tpu.memory_space<vmem>>) target_semaphore(%run_scoped3A : memref<!tpu.dma_semaphore, #tpu.memory_space<semaphore_mem>>)
        %dma_wait3A_176 = arith.constant 0 : i32
        %dma_wait3A_177 = tpu.memref_slice %arg15[%mul3A_166, %dma_wait3A_176] : memref<10000x128xf32, #tpu.memory_space<vmem_shared>> -> memref<80x128xf32, #tpu.memory_space<vmem_shared>>
        %dma_wait3A_178 = arith.constant 0 : i32
        %dma_wait3A_179 = tpu.memref_slice %arg15[%mul3A_166, %dma_wait3A_178] : memref<10000x128xf32, #tpu.memory_space<vmem_shared>> -> memref<80x128xf32, #tpu.memory_space<vmem_shared>>
        tpu.wait_dma2 semaphore(%run_scoped3A : memref<!tpu.dma_semaphore, #tpu.memory_space<semaphore_mem>>) src(%dma_wait3A_179 : memref<80x128xf32, #tpu.memory_space<vmem_shared>>) dst(%arg10 : memref<80x128xf32, #tpu.memory_space<vmem>>)
        tpu.yield
      }) : () -> ()
      %mul3A_167 = arith.constant 10000 : i32
      %mul3A_168 = arith.muli %arg0, %mul3A_167 : i32
      %mul3A_169 = arith.constant 80 : i32
      %mul3A_170 = arith.muli %add3A_159, %mul3A_169 : i32
      %add3A_171 = arith.addi %mul3A_168, %mul3A_170 : i32
      "tpu.region"() ({
        %run_scoped3A = tpu.sem_alloc : memref<!tpu.dma_semaphore, #tpu.memory_space<semaphore_mem>>
        %dma_start3A_172 = arith.constant 0 : i32
        %dma_start3A_173 = tpu.memref_slice %arg6[%add3A_171, %dma_start3A_172] : memref<20000x128xf32, #tpu.memory_space<hbm>> -> memref<80x128xf32, #tpu.memory_space<hbm>>
        %dma_start3A_174 = arith.constant 0 : i32
        %dma_start3A_175 = tpu.memref_slice %arg6[%add3A_171, %dma_start3A_174] : memref<20000x128xf32, #tpu.memory_space<hbm>> -> memref<80x128xf32, #tpu.memory_space<hbm>>
        tpu.enqueue_dma source(%arg10 : memref<80x128xf32, #tpu.memory_space<vmem>>) target(%dma_start3A_175 : memref<80x128xf32, #tpu.memory_space<hbm>>) target_semaphore(%run_scoped3A : memref<!tpu.dma_semaphore, #tpu.memory_space<semaphore_mem>>)
        %dma_wait3A_176 = arith.constant 0 : i32
        %dma_wait3A_177 = tpu.memref_slice %arg6[%add3A_171, %dma_wait3A_176] : memref<20000x128xf32, #tpu.memory_space<hbm>> -> memref<80x128xf32, #tpu.memory_space<hbm>>
        %dma_wait3A_178 = arith.constant 0 : i32
        %dma_wait3A_179 = tpu.memref_slice %arg6[%add3A_171, %dma_wait3A_178] : memref<20000x128xf32, #tpu.memory_space<hbm>> -> memref<80x128xf32, #tpu.memory_space<hbm>>
        tpu.wait_dma2 semaphore(%run_scoped3A : memref<!tpu.dma_semaphore, #tpu.memory_space<semaphore_mem>>) src(%arg10 : memref<80x128xf32, #tpu.memory_space<vmem>>) dst(%dma_wait3A_179 : memref<80x128xf32, #tpu.memory_space<hbm>>)
        tpu.yield
      }) : () -> ()
    } else {
    }
    return
  }
}

module attributes {stable_mosaic.version = 14 : i64} {
  func.func @body(%arg0: i32, %arg1: memref<1280x16xf32, #tpu.memory_space<vmem>>, %arg2: memref<16x256xf32, #tpu.memory_space<vmem>>, %arg3: memref<1x256xf32, #tpu.memory_space<vmem>>, %arg4: memref<1280x128xf32, #tpu.memory_space<vmem>>, %arg5: memref<1280x128xf32, #tpu.memory_space<vmem>>) attributes {dimension_semantics = [#tpu.dimension_semantics<arbitrary>], iteration_bounds = array<i64: 250>, scalar_prefetch = 0 : i64, scratch_operands = 0 : i64, tpu.core_type = #tpu.core_type<tc>, window_params = [{transform_indices = @transform_0, window_bounds = array<i64: 1280, 16>}, {pipeline_mode = #tpu.pipeline_mode<synchronous>, transform_indices = @transform_1, window_bounds = array<i64: 16, 256>}, {pipeline_mode = #tpu.pipeline_mode<synchronous>, transform_indices = @transform_2, window_bounds = array<i64: 1, 256>}, {transform_indices = @transform_3, window_bounds = array<i64: 1280, 128>}, {transform_indices = @transform_4, window_bounds = array<i64: 1280, 128>}]} {
    %get3A = arith.constant 0 : index
    %get3A_0 = arith.constant 0 : index
    %get3A_1 = vector.load %arg1[%get3A, %get3A_0] : memref<1280x16xf32, #tpu.memory_space<vmem>>, vector<1280x16xf32>
    %get3A_2 = arith.constant 0 : index
    %get3A_3 = arith.constant 0 : index
    %get3A_4 = vector.load %arg2[%get3A_2, %get3A_3] : memref<16x256xf32, #tpu.memory_space<vmem>>, vector<16x256xf32>
    %dot_general3A = arith.constant dense<0.000000e+00> : vector<1280x256xf32>
    %dot_general3A_5 = tpu.matmul %get3A_1, %get3A_4, %dot_general3A {dimension_numbers = #tpu.dot_dimension_numbers<[1], [0], [0], [1], [0, 0, 1, 1], [], []>, transpose_lhs_hint = false} : vector<1280x16xf32>, vector<16x256xf32>, vector<1280x256xf32> -> vector<1280x256xf32>
    %get3A_6 = arith.constant 0 : index
    %get3A_7 = arith.constant 0 : index
    %get3A_8 = vector.load %arg3[%get3A_6, %get3A_7] : memref<1x256xf32, #tpu.memory_space<vmem>>, vector<1x256xf32>
    %add3A = vector.broadcast %get3A_8 : vector<1x256xf32> to vector<1280x256xf32>
    %add3A_9 = arith.addf %dot_general3A_5, %add3A : vector<1280x256xf32>
    %slice3A = vector.extract_strided_slice %add3A_9 {offsets = [0, 0], sizes = [1280, 128], strides = [1, 1]} : vector<1280x256xf32> to vector<1280x128xf32>
    %swap3A = arith.constant 0 : index
    %swap3A_10 = arith.constant 0 : index
    %swap3A_11 = vector.load %arg4[%swap3A, %swap3A_10] : memref<1280x128xf32, #tpu.memory_space<vmem>>, vector<1280x128xf32>
    tpu.vector_store %arg4[%swap3A, %swap3A_10], %slice3A {strides = array<i32>} : memref<1280x128xf32, #tpu.memory_space<vmem>>, vector<1280x128xf32>,
    %slice3A_12 = vector.extract_strided_slice %add3A_9 {offsets = [0, 128], sizes = [1280, 128], strides = [1, 1]} : vector<1280x256xf32> to vector<1280x128xf32>
    %swap3A_13 = arith.constant 0 : index
    %swap3A_14 = arith.constant 0 : index
    %swap3A_15 = vector.load %arg5[%swap3A_13, %swap3A_14] : memref<1280x128xf32, #tpu.memory_space<vmem>>, vector<1280x128xf32>
    tpu.vector_store %arg5[%swap3A_13, %swap3A_14], %slice3A_12 {strides = array<i32>} : memref<1280x128xf32, #tpu.memory_space<vmem>>, vector<1280x128xf32>,
    return
  }
  func.func @transform_0(%arg0: i32) -> (i32, i32) {
    %c0_i32 = arith.constant 0 : i32
    %c0_i32_0 = arith.constant 0 : i32
    return %arg0, %c0_i32 : i32, i32
  }
  func.func @transform_1(%arg0: i32) -> (i32, i32) {
    %c0_i32 = arith.constant 0 : i32
    %c0_i32_0 = arith.constant 0 : i32
    %c0_i32_1 = arith.constant 0 : i32
    return %c0_i32, %c0_i32_0 : i32, i32
  }
  func.func @transform_2(%arg0: i32) -> (i32, i32) {
    %c0_i32 = arith.constant 0 : i32
    %c0_i32_0 = arith.constant 0 : i32
    %c0_i32_1 = arith.constant 0 : i32
    return %c0_i32, %c0_i32_0 : i32, i32
  }
  func.func @transform_3(%arg0: i32) -> (i32, i32) {
    %c0_i32 = arith.constant 0 : i32
    %c0_i32_0 = arith.constant 0 : i32
    return %arg0, %c0_i32 : i32, i32
  }
  func.func @transform_4(%arg0: i32) -> (i32, i32) {
    %c0_i32 = arith.constant 0 : i32
    %c0_i32_0 = arith.constant 0 : i32
    return %arg0, %c0_i32 : i32, i32
  }
}

module attributes {stable_mosaic.version = 14 : i64} {
  func.func @body(%arg0: i32, %arg1: memref<1000x128xf32, #tpu.memory_space<vmem>>, %arg2: memref<1000x128xf32, #tpu.memory_space<vmem>>, %arg3: memref<1000x128xf32, #tpu.memory_space<vmem>>, %arg4: memref<1xf32, #tpu.memory_space<smem>>, %arg5: memref<128x128xf32, #tpu.memory_space<vmem>>, %arg6: memref<1x128xf32, #tpu.memory_space<vmem>>, %arg7: memref<128x128xf32, #tpu.memory_space<vmem>>, %arg8: memref<1x128xf32, #tpu.memory_space<vmem>>, %arg9: memref<1000x128xf32, #tpu.memory_space<vmem>>) attributes {dimension_semantics = [#tpu.dimension_semantics<arbitrary>], iteration_bounds = array<i64: 10>, scalar_prefetch = 0 : i64, scratch_operands = 0 : i64, tpu.core_type = #tpu.core_type<tc>, window_params = [{transform_indices = @transform_0, window_bounds = array<i64: 1000, 128>}, {transform_indices = @transform_1, window_bounds = array<i64: 1000, 128>}, {transform_indices = @transform_2, window_bounds = array<i64: 1000, 128>}, {transform_indices = @transform_3, window_bounds = array<i64: 1>}, {pipeline_mode = #tpu.pipeline_mode<synchronous>, transform_indices = @transform_4, window_bounds = array<i64: 128, 128>}, {pipeline_mode = #tpu.pipeline_mode<synchronous>, transform_indices = @transform_5, window_bounds = array<i64: 1, 128>}, {pipeline_mode = #tpu.pipeline_mode<synchronous>, transform_indices = @transform_6, window_bounds = array<i64: 128, 128>}, {pipeline_mode = #tpu.pipeline_mode<synchronous>, transform_indices = @transform_7, window_bounds = array<i64: 1, 128>}, {transform_indices = @transform_8, window_bounds = array<i64: 1000, 128>}]} {
    %get3A = arith.constant 0 : index
    %get3A_0 = memref.load %arg4[%get3A] : memref<1xf32, #tpu.memory_space<smem>>
    %add3A = arith.constant 1.000000e+00 : f32
    %add3A_1 = arith.addf %add3A, %get3A_0 : f32
    %get3A_2 = arith.constant 0 : index
    %get3A_3 = arith.constant 0 : index
    %get3A_4 = vector.load %arg1[%get3A_2, %get3A_3] : memref<1000x128xf32, #tpu.memory_space<vmem>>, vector<1000x128xf32>
    %mul3A = vector.broadcast %add3A_1 : f32 to vector<1000x128xf32>
    %mul3A_5 = arith.mulf %mul3A, %get3A_4 : vector<1000x128xf32>
    %get3A_6 = arith.constant 0 : index
    %get3A_7 = arith.constant 0 : index
    %get3A_8 = vector.load %arg2[%get3A_6, %get3A_7] : memref<1000x128xf32, #tpu.memory_space<vmem>>, vector<1000x128xf32>
    %add3A_9 = arith.addf %mul3A_5, %get3A_8 : vector<1000x128xf32>
    %get3A_10 = arith.constant 0 : index
    %get3A_11 = arith.constant 0 : index
    %get3A_12 = vector.load %arg3[%get3A_10, %get3A_11] : memref<1000x128xf32, #tpu.memory_space<vmem>>, vector<1000x128xf32>
    %add3A_13 = arith.addf %add3A_9, %get3A_12 : vector<1000x128xf32>
    %get3A_14 = arith.constant 0 : index
    %get3A_15 = arith.constant 0 : index
    %get3A_16 = vector.load %arg5[%get3A_14, %get3A_15] : memref<128x128xf32, #tpu.memory_space<vmem>>, vector<128x128xf32>
    %dot_general3A = arith.constant dense<0.000000e+00> : vector<1000x128xf32>
    %dot_general3A_17 = tpu.matmul %add3A_13, %get3A_16, %dot_general3A {dimension_numbers = #tpu.dot_dimension_numbers<[1], [0], [0], [1], [0, 0, 1, 1], [], []>, transpose_lhs_hint = false} : vector<1000x128xf32>, vector<128x128xf32>, vector<1000x128xf32> -> vector<1000x128xf32>
    %get3A_18 = arith.constant 0 : index
    %get3A_19 = arith.constant 0 : index
    %get3A_20 = vector.load %arg6[%get3A_18, %get3A_19] : memref<1x128xf32, #tpu.memory_space<vmem>>, vector<1x128xf32>
    %add3A_21 = vector.broadcast %get3A_20 : vector<1x128xf32> to vector<1000x128xf32>
    %add3A_22 = arith.addf %dot_general3A_17, %add3A_21 : vector<1000x128xf32>
    %max3A = arith.constant 0.000000e+00 : f32
    %max3A_23 = vector.broadcast %max3A : f32 to vector<1000x128xf32>
    %max3A_24 = arith.maximumf %add3A_22, %max3A_23 : vector<1000x128xf32>
    %get3A_25 = arith.constant 0 : index
    %get3A_26 = arith.constant 0 : index
    %get3A_27 = vector.load %arg7[%get3A_25, %get3A_26] : memref<128x128xf32, #tpu.memory_space<vmem>>, vector<128x128xf32>
    %dot_general3A_28 = arith.constant dense<0.000000e+00> : vector<1000x128xf32>
    %dot_general3A_29 = tpu.matmul %max3A_24, %get3A_27, %dot_general3A_28 {dimension_numbers = #tpu.dot_dimension_numbers<[1], [0], [0], [1], [0, 0, 1, 1], [], []>, transpose_lhs_hint = false} : vector<1000x128xf32>, vector<128x128xf32>, vector<1000x128xf32> -> vector<1000x128xf32>
    %get3A_30 = arith.constant 0 : index
    %get3A_31 = arith.constant 0 : index
    %get3A_32 = vector.load %arg8[%get3A_30, %get3A_31] : memref<1x128xf32, #tpu.memory_space<vmem>>, vector<1x128xf32>
    %add3A_33 = vector.broadcast %get3A_32 : vector<1x128xf32> to vector<1000x128xf32>
    %add3A_34 = arith.addf %dot_general3A_29, %add3A_33 : vector<1000x128xf32>
    %max3A_35 = arith.constant 0.000000e+00 : f32
    %max3A_36 = vector.broadcast %max3A_35 : f32 to vector<1000x128xf32>
    %max3A_37 = arith.maximumf %add3A_34, %max3A_36 : vector<1000x128xf32>
    %swap3A = arith.constant 0 : index
    %swap3A_38 = arith.constant 0 : index
    %swap3A_39 = vector.load %arg9[%swap3A, %swap3A_38] : memref<1000x128xf32, #tpu.memory_space<vmem>>, vector<1000x128xf32>
    tpu.vector_store %arg9[%swap3A, %swap3A_38], %max3A_37 {strides = array<i32>} : memref<1000x128xf32, #tpu.memory_space<vmem>>, vector<1000x128xf32>,
    return
  }
  func.func @transform_0(%arg0: i32) -> (i32, i32) {
    %c0_i32 = arith.constant 0 : i32
    %c0_i32_0 = arith.constant 0 : i32
    return %arg0, %c0_i32 : i32, i32
  }
  func.func @transform_1(%arg0: i32) -> (i32, i32) {
    %c0_i32 = arith.constant 0 : i32
    %c0_i32_0 = arith.constant 0 : i32
    return %arg0, %c0_i32 : i32, i32
  }
  func.func @transform_2(%arg0: i32) -> (i32, i32) {
    %add3A = arith.constant 10 : i32
    %add3A_0 = arith.addi %arg0, %add3A : i32
    %c0_i32 = arith.constant 0 : i32
    %c0_i32_1 = arith.constant 0 : i32
    return %add3A_0, %c0_i32 : i32, i32
  }
  func.func @transform_3(%arg0: i32) -> i32 {
    %c0_i32 = arith.constant 0 : i32
    %c0_i32_0 = arith.constant 0 : i32
    return %c0_i32 : i32
  }
  func.func @transform_4(%arg0: i32) -> (i32, i32) {
    %c0_i32 = arith.constant 0 : i32
    %c0_i32_0 = arith.constant 0 : i32
    %c0_i32_1 = arith.constant 0 : i32
    return %c0_i32, %c0_i32_0 : i32, i32
  }
  func.func @transform_5(%arg0: i32) -> (i32, i32) {
    %c0_i32 = arith.constant 0 : i32
    %c0_i32_0 = arith.constant 0 : i32
    %c0_i32_1 = arith.constant 0 : i32
    return %c0_i32, %c0_i32_0 : i32, i32
  }
  func.func @transform_6(%arg0: i32) -> (i32, i32) {
    %c0_i32 = arith.constant 0 : i32
    %c0_i32_0 = arith.constant 0 : i32
    %c0_i32_1 = arith.constant 0 : i32
    return %c0_i32, %c0_i32_0 : i32, i32
  }
  func.func @transform_7(%arg0: i32) -> (i32, i32) {
    %c0_i32 = arith.constant 0 : i32
    %c0_i32_0 = arith.constant 0 : i32
    %c0_i32_1 = arith.constant 0 : i32
    return %c0_i32, %c0_i32_0 : i32, i32
  }
  func.func @transform_8(%arg0: i32) -> (i32, i32) {
    %c0_i32 = arith.constant 0 : i32
    %c0_i32_0 = arith.constant 0 : i32
    return %arg0, %c0_i32 : i32, i32
  }
}

module attributes {stable_mosaic.version = 14 : i64} {
  func.func @body(%arg0: memref<10000x128xf32, #tpu.memory_space<vmem>>, %arg1: memref<1x10000xi32, #tpu.memory_space<vmem>>, %arg2: memref<128x256xf32, #tpu.memory_space<vmem>>, %arg3: memref<1x256xf32, #tpu.memory_space<vmem>>, %arg4: memref<256x128xf32, #tpu.memory_space<vmem>>, %arg5: memref<1x128xf32, #tpu.memory_space<vmem>>, %arg6: memref<64x128xf32, #tpu.memory_space<vmem>>) attributes {dimension_semantics = [], scalar_prefetch = 0 : i64, scratch_operands = 0 : i64, tpu.core_type = #tpu.core_type<tc>} {
    %iota3A = tpu.iota {dimensions = array<i32: 0>} : vector<64x10000xi32>
    %get3A = arith.constant 0 : index
    %get3A_0 = arith.constant 0 : index
    %get3A_1 = vector.load %arg1[%get3A, %get3A_0] : memref<1x10000xi32, #tpu.memory_space<vmem>>, vector<1x10000xi32>
    %eq3A = vector.broadcast %get3A_1 : vector<1x10000xi32> to vector<64x10000xi32>
    %eq3A_2 = arith.cmpi eq, %iota3A, %eq3A : vector<64x10000xi32>
    %jit3A = arith.constant 1.000000e+00 : f32
    %jit3A_3 = arith.constant 0.000000e+00 : f32
    %broadcast_in_dim3A = vector.broadcast %jit3A : f32 to vector<64x10000xf32>
    %broadcast_in_dim3A_4 = vector.broadcast %jit3A_3 : f32 to vector<64x10000xf32>
    %select_n3A = arith.select %eq3A_2, %broadcast_in_dim3A, %broadcast_in_dim3A_4 : vector<64x10000xi1>, vector<64x10000xf32>
    %get3A_5 = arith.constant 0 : index
    %get3A_6 = arith.constant 0 : index
    %get3A_7 = vector.load %arg0[%get3A_5, %get3A_6] : memref<10000x128xf32, #tpu.memory_space<vmem>>, vector<10000x128xf32>
    %dot_general3A = arith.constant dense<0.000000e+00> : vector<64x128xf32>
    %dot_general3A_8 = tpu.matmul %select_n3A, %get3A_7, %dot_general3A {dimension_numbers = #tpu.dot_dimension_numbers<[1], [0], [0], [1], [0, 0, 1, 1], [], []>, transpose_lhs_hint = false} : vector<64x10000xf32>, vector<10000x128xf32>, vector<64x128xf32> -> vector<64x128xf32>
    %get3A_9 = arith.constant 0 : index
    %get3A_10 = arith.constant 0 : index
    %get3A_11 = vector.load %arg2[%get3A_9, %get3A_10] : memref<128x256xf32, #tpu.memory_space<vmem>>, vector<128x256xf32>
    %dot_general3A_12 = arith.constant dense<0.000000e+00> : vector<64x256xf32>
    %dot_general3A_13 = tpu.matmul %dot_general3A_8, %get3A_11, %dot_general3A_12 {dimension_numbers = #tpu.dot_dimension_numbers<[1], [0], [0], [1], [0, 0, 1, 1], [], []>, transpose_lhs_hint = false} : vector<64x128xf32>, vector<128x256xf32>, vector<64x256xf32> -> vector<64x256xf32>
    %get3A_14 = arith.constant 0 : index
    %get3A_15 = arith.constant 0 : index
    %get3A_16 = vector.load %arg3[%get3A_14, %get3A_15] : memref<1x256xf32, #tpu.memory_space<vmem>>, vector<1x256xf32>
    %add3A = vector.broadcast %get3A_16 : vector<1x256xf32> to vector<64x256xf32>
    %add3A_17 = arith.addf %dot_general3A_13, %add3A : vector<64x256xf32>
    %max3A = arith.constant 0.000000e+00 : f32
    %max3A_18 = vector.broadcast %max3A : f32 to vector<64x256xf32>
    %max3A_19 = arith.maximumf %add3A_17, %max3A_18 : vector<64x256xf32>
    %get3A_20 = arith.constant 0 : index
    %get3A_21 = arith.constant 0 : index
    %get3A_22 = vector.load %arg4[%get3A_20, %get3A_21] : memref<256x128xf32, #tpu.memory_space<vmem>>, vector<256x128xf32>
    %dot_general3A_23 = arith.constant dense<0.000000e+00> : vector<64x128xf32>
    %dot_general3A_24 = tpu.matmul %max3A_19, %get3A_22, %dot_general3A_23 {dimension_numbers = #tpu.dot_dimension_numbers<[1], [0], [0], [1], [0, 0, 1, 1], [], []>, transpose_lhs_hint = false} : vector<64x256xf32>, vector<256x128xf32>, vector<64x128xf32> -> vector<64x128xf32>
    %get3A_25 = arith.constant 0 : index
    %get3A_26 = arith.constant 0 : index
    %get3A_27 = vector.load %arg5[%get3A_25, %get3A_26] : memref<1x128xf32, #tpu.memory_space<vmem>>, vector<1x128xf32>
    %add3A_28 = vector.broadcast %get3A_27 : vector<1x128xf32> to vector<64x128xf32>
    %add3A_29 = arith.addf %dot_general3A_24, %add3A_28 : vector<64x128xf32>
    %swap3A = arith.constant 0 : index
    %swap3A_30 = arith.constant 0 : index
    %swap3A_31 = vector.load %arg6[%swap3A, %swap3A_30] : memref<64x128xf32, #tpu.memory_space<vmem>>, vector<64x128xf32>
    tpu.vector_store %arg6[%swap3A, %swap3A_30], %add3A_29 {strides = array<i32>} : memref<64x128xf32, #tpu.memory_space<vmem>>, vector<64x128xf32>,
    return
  }
}

</mosaic_0001>

<sc_bundles>
// kernel: kernel.11.cloned.1.call-start
scs
__scs_entry_jumppad:
0x0: {  	(pc) =	sbr.rel $0x88, $3  }
0x1: {  	(tag) =	ssettag $0x0;
	lr =	simm.s32 $0x1  }
0x2: {  	[smem:$0x3F8B] =	sst lr;
	_ =	strace $0xD0000000  }
0x3: {  	_ = 	snop  }
0x4: {  	_ = 	snop  }
0x5: {  	_ = 	snop  }
0x6: {  	_ = 	snop  }
0x7: {  	_ = 	snop  }
__scs_overlays_trampoline_lowered:
0x8: {  	[smem:$0x3F9A] =	sst s0  }
0x9: {  	[smem:$0x3F9B] =	sst s1  }
0xa: {  	[smem:$0x3F9C] =	sst s2  }
0xb: {  	[smem:$0x3F9D] =	sst s3  }
0xc: {  	[smem:$0x3F9E] =	sst s4  }
0xd: {  	[smem:$0x3F9F] =	sst s5  }
0xe: {  	[smem:$0x3FA0] =	sst s6  }
0xf: {  	[smem:$0x3FA1] =	sst s7  }
0x10: {  	[smem:$0x3FA2] =	sst s8  }
0x11: {  	[smem:$0x3FA3] =	sst s9;
	s0 =	simm.s32 @!p0 $0x0  }
0x12: {  	s1 =	sld [smem:$0x3F89];
	s0 =	simm.s32 @p0 $0x1  }
0x13: {  	[smem:$0x3FA4] =	sst s0;
	s0 =	simm.s32 @!p1 $0x0  }
0x14: {  	s2 =	sld [smem:$0x3F88];
	s0 =	simm.s32 @p1 $0x1  }
0x15: {  	[smem:$0x3FA5] =	sst s0;
	s0 =	simm.s32 @!p2 $0x0  }
0x16: {  	s3 =	sld [smem:$0x3FDB];
	s0 =	simm.s32 @p2 $0x1  }
0x17: {  	s4 =	simm.s32 $0x1BF5;
	[smem:$0x3FA7] =	sst s0  }
0x18: {  	s0 =	sld [smem:$0x3F8A];
	_ =	swait.ge [sflag:s4], $0x0  }
0x19: {  	s7 =	sld [smem:$0x3F8B]  }
0x1a: {  	s8 =	sadd.s32 $0xFFFFE003, lr  }
0x1b: {  	s9 =	sadd.s32 $0xFFFFFEF7, lr;
	s5 =	simm.s32 $0xFFFFFFFF;
	p2 =	slt.u32 s8, $0xFFFFF086  }
0x1c: {  	p1 =	slt.u32 s9, $0xF7A;
	s5 =	simm.s32 @!p2 $0x0  }
0x1d: {  	s5 =	simm.s32 @p1 $0x1;
	p0 =	seq.s32 s7, s2  }
0x1e: {  	s7 =	smul.u32 @!p0 $0xF7A, s2;
	p2 =	seq.s32 @!p0 s5, $0x0  }
0x1f: {  	s9 =	smul.u32 $0xF7A, s1;
	s8 =	simm.s32 @!p0 $0x1BF5;
	p2 =	por !p2, p0  }
0x20: {  	[sflag:s8] =	ssyncset.s32 @!p0 $0xFFFFF086;
	s6 =	sadd.s32 @!p0 s3, s7;
	s7 =	simm.s32 @!p0 $0x108  }
0x21: {  	s3 =	sadd.s32 s3, s9;
	s6 =	sadd.s32 @!p0 $0x88, s6;
	s7 =	simm.s32 @p2 $0x1082  }
0x22: {  	[simem:s7], [sflag:s8] =	dma.local @!p0 [hbm:s6], $0xF7A  }
0x23: {  	s9 =	sor.u32 $0xD0000000, s2;
	s6 =	simm.s32 $0x108;
	_ =	swait.ge @!p0 [sflag:s8], $0x0  }
0x24: {  	s3 =	sadd.s32 $0x88, s3;
	s6 =	simm.s32 @!p1 $0x1082;
	[sflag:s4] =	ssyncset.s32 $0xFFFFF086  }
0x25: {  	[simem:s6], [sflag:s4] =	dma.local [hbm:s3], $0xF7A  }
0x26: {  	[smem:$0x3F8B] =	sst s1;
	(tag) =	ssettag s2;
	_ =	strace s9  }
0x27: {  	s1 =	sld [smem:$0x3F9B]  }
0x28: {  	s2 =	sld [smem:$0x3F9C]  }
0x29: {  	s4 =	sld [smem:$0x3F9E]  }
0x2a: {  	p0 =	seq.s32 s5, $0x0;
	s5 =	sld [smem:$0x3F9F]  }
0x2b: {  	s6 =	sld [smem:$0x3FA0]  }
0x2c: {  	s7 =	sld [smem:$0x3FA1]  }
0x2d: {  	s3 =	simm.s32 $0x108;
	s8 =	sld [smem:$0x3FA2]  }
0x2e: {  	s3 =	simm.s32 @!p0 $0x1082;
	s9 =	sld [smem:$0x3FA3]  }
0x2f: {  	lr =	sadd.s32 s0, s3;
	s0 =	sld [smem:$0x3F9A]  }
0x30: {  	s3 =	sld [smem:$0x3F9D]  }
0x31: {  	[smem:$0x3FA6] =	sst s10  }
0x32: {  	s10 =	sld [smem:$0x3FA4];
	_ =	sdelay $0x3  }
0x33: {  	p0 =	seq.s32 s10, $0x1;
	s10 =	sld [smem:$0x3FA6];
	_ =	sdelay $0x3  }
0x34: {  	[smem:$0x3FA6] =	sst s10  }
0x35: {  	s10 =	sld [smem:$0x3FA5];
	_ =	sdelay $0x3  }
0x36: {  	p1 =	seq.s32 s10, $0x1;
	s10 =	sld [smem:$0x3FA6];
	_ =	sdelay $0x3  }
0x37: {  	[smem:$0x3FA6] =	sst s10  }
0x38: {  	s10 =	sld [smem:$0x3FA7]  }
0x39: {  	_ = 	snop;
	(pc) =	sbr.ind lr, $3  }
0x3a: {  	_ = 	snop  }
0x3b: {  	_ = 	snop  }
0x3c: {  	p2 =	seq.s32 s10, $0x1;
	s10 =	sld [smem:$0x3FA6]  }
0x3d: {  	_ =	shalt  }
0x3e: {  	_ =	shalt  }
0x3f: {  	_ =	shalt  }
0x40: {  	_ =	shalt  }
0x41: {  	_ =	shalt  }
0x42: {  	_ =	shalt  }
0x43: {  	_ =	shalt  }
0x44: {  	_ =	shalt  }
0x45: {  	_ =	shalt  }
0x46: {  	_ =	shalt  }
0x47: {  	_ =	shalt  }
0x48: {  	_ =	shalt  }
0x49: {  	_ =	shalt  }
0x4a: {  	_ =	shalt  }
0x4b: {  	_ =	shalt  }
0x4c: {  	_ =	shalt  }
0x4d: {  	_ =	shalt  }
0x4e: {  	_ =	shalt  }
0x4f: {  	_ =	shalt  }
0x50: {  	_ =	shalt  }
0x51: {  	_ =	shalt  }
0x52: {  	_ =	shalt  }
0x53: {  	_ =	shalt  }
0x54: {  	_ =	shalt  }
0x55: {  	_ =	shalt  }
0x56: {  	_ =	shalt  }
0x57: {  	_ =	shalt  }
0x58: {  	_ =	shalt  }
0x59: {  	_ =	shalt  }
0x5a: {  	_ =	shalt  }
0x5b: {  	_ =	shalt  }
0x5c: {  	_ =	shalt  }
0x5d: {  	_ =	shalt  }
0x5e: {  	_ =	shalt  }
0x5f: {  	_ =	shalt  }
0x60: {  	_ =	shalt  }
0x61: {  	_ =	shalt  }
0x62: {  	_ =	shalt  }
0x63: {  	_ =	shalt  }
0x64: {  	_ =	shalt  }
0x65: {  	_ =	shalt  }
0x66: {  	_ =	shalt  }
0x67: {  	_ =	shalt  }
0x68: {  	_ =	shalt  }
0x69: {  	_ =	shalt  }
0x6a: {  	_ =	shalt  }
0x6b: {  	_ =	shalt  }
0x6c: {  	_ =	shalt  }
0x6d: {  	_ =	shalt  }
0x6e: {  	_ =	shalt  }
0x6f: {  	_ =	shalt  }
0x70: {  	_ =	shalt  }
0x71: {  	_ =	shalt  }
0x72: {  	_ =	shalt  }
0x73: {  	_ =	shalt  }
0x74: {  	_ =	shalt  }
0x75: {  	_ =	shalt  }
0x76: {  	_ =	shalt  }
0x77: {  	_ =	shalt  }
0x78: {  	_ =	shalt  }
0x79: {  	_ =	shalt  }
0x7a: {  	_ =	shalt  }
0x7b: {  	_ =	shalt  }
0x7c: {  	_ =	shalt  }
0x7d: {  	_ =	shalt  }
0x7e: {  	_ =	shalt  }
0x7f: {  	_ =	shalt  }
0x80: {  	_ =	shalt  }
0x81: {  	_ =	shalt  }
0x82: {  	_ =	shalt  }
0x83: {  	_ =	shalt  }
0x84: {  	_ =	shalt  }
0x85: {  	_ =	shalt  }
0x86: {  	_ =	shalt  }
0x87: {  	_ =	shalt  }
.Lfunc_end0:
.L_simem_size_0:
called_computation.1_lowered:
.L_overlay_start_0:
0x88: {  	s2 =	sld [smem:$0x3FD9]  }
0x89: {  	s3 =	sld [smem:$0x3FFE];
	_ =	sdelay $0x1  }
0x8a: {  	s1 =	srdreg.scid  }
0x8b: {  	s0 =	sand.u32 $0x1, s1  }
0x8c: {  	s16 =	sshll.u32 s0, $0xA;
	s2 =	sadd.s32 s3, s2  }
0x8d: {  	s2 =	sadd.s32 s2, s16  }
0x8e: {  	[smem:$0x3FB2] =	sst s2  }
0x8f: {  	_ = 	snop  }
0x90: {  	(tm) =	ssettm $0x1  }
0x91: {  	s17 =	sld [smem:$0x3FFB];
	_ =	sdelay $0x3  }
0x92: {  	_ =	strace s17  }
0x93: {  	s2 =	sld [smem:$0x3FFC];
	_ =	sdelay $0x3  }
0x94: {  	_ =	strace s2  }
0x95: {  	s2 =	sld [smem:$0x3FFD];
	_ =	sdelay $0x3  }
0x96: {  	_ =	strace s2  }
0x97: {  	_ =	strace $0x8FFFFFFF  }
0x98: {  	s18 =	sld [smem:$0x3FDB];
	_ =	sdelay $0x1  }
0x99: {  	s19 =	simm.s32 $_scs_section_size  }
0x9a: {  	s4 =	simm.s32 $_size__tile_overlayer_lowered;
	s5 =	simm.s32 $_tile_overlayer_lowered  }
0x9b: {  	s22 =	simm.s32 $0x1BFF;
	s21 =	sshll.u32 s5, $0x1;
	s2 =	sadd.s32 s19, s18  }
0x9c: {  	s6 =	simm.s32 $0x0;
	s20 =	sshll.u32 s4, $0x1;
	s4 =	sadd.s32 s21, s2  }
0x9d: {  	[timem:s6], [sflag:s22] =	dma.local [hbm:s4], s20  }
0x9e: {  	_ =	swait.ge [sflag:s22], s20  }
0x9f: {  	s3 =	ssub.s32 $0x0, s20;
	[sflag:s22] =	ssyncset.done $0x0  }
0xa0: {  	[sflag:s22] =	ssyncadd.s32 s3;
	_ =	sdelay $0x1  }
0xa1: {  	s23 =	simm.s32 $0x1B8B  }
0xa2: {  	_ =	swait.ge [sflag:s23], $0x1  }
0xa3: {  	[sflag:s23] =	ssyncset.done $0x0  }
0xa4: {  	s25 =	simm.s32 $0x1B8E;
	s24 =	sld [smem:$0x3FFE];
	[sflag:s23] =	ssyncadd.s32 $0xFFFFFFFF  }
0xa5: {  	s26 =	simm.s32 $execute0_lowered;
	[smem:$0x3FD2] =	sst s25  }
0xa6: {  	s4 =	sshll.u32 s26, $0x1;
	_ =	strace $0x80000049;
	[dreg:$0x1] =	wrdreg $0xFFFFFFFF  }
0xa7: {  	s28 =	simm.s32 $_size_execute0_lowered;
	s2 =	sadd.s32 s2, s4;
	[dreg:$0x0] =	wrdreg $0x0  }
0xa8: {  	s4 =	sshll.u32 s28, $0x1;
	[dreg:$0x2] =	wrdreg s2  }
0xa9: {  	[dreg:$0x3] =	wrdreg s4  }
0xaa: {  	[dreg:$0x4] =	wrdreg $0xC0  }
0xab: {  	_ =	task [dreg:s6], $0x5FFFF  }
0xac: {  	[dreg:$0x1] =	wrdreg $0xFFFFFFFF  }
0xad: {  	[dreg:$0x0] =	wrdreg $0x60  }
0xae: {  	[dreg:$0x2] =	wrdreg s24  }
0xaf: {  	[dreg:$0x3] =	wrdreg $0xA2000  }
0xb0: {  	[dreg:$0x4] =	wrdreg $0x9  }
0xb1: {  	_ =	task.clear_ibuf [dreg:s6], $0x5FFFF;
	_ =	strace $0x90000049  }
0xb2: {  	s29 =	simm.s32 $0x9;
	_ =	strace $0x8000004B  }
0xb3: {  	_ =	swait.ge [sflag:s29], $0x1  }
0xb4: {  	[sflag:s29] =	ssyncadd.s32 $0xFFFFFFFF  }
0xb5: {  	_ =	strace $0x9000004B  }
0xb6: {  	_ =	sfence  }
0xb7: {  	s30 =	sld [smem:$0x0];
	_ =	sdelay $0x2  }
0xb8: {  	s31 =	sshll.u32 s1, $0xD;
	s1 =	sshrl.u32 s1, $0x2  }
0xb9: {  	s3 =	sand.u32 $0x4000, s31;
	s1 =	sadd.s32 s1, s30  }
0xba: {  	s0 =	sor.u32 s3, s0;
	s1 =	sshll.u32 s1, $0x11  }
0xbb: {  	s0 =	sor.u32 s1, s0  }
0xbc: {  	s0 =	sadd.s32 $0x8F2B, s0  }
0xbd: {  	[sflag:s0] =	ssyncadd.remote.s32 $0x1  }
0xbe: {  	_ =	sfence.sel $0xFFFF  }
0xbf: {  	[dreg:$0x0] =	wrdreg $0xFFFFFFFF;
	(pc) =	sbr.abs _section_cstart, $3  }
0xc0: {  	[dreg:$0x1] =	wrdreg $0xFFFFFFFF  }
0xc1: {  	_ =	task.clear_ibuf [dreg:s6], $0x2FFFF;
	_ =	strace $0x9FFFFFFF  }
0xc2: {  	(tm) =	ssettm $0x7FFFFFFF  }
0xc3: {  	_ =	shalt  }
tec
execute0_lowered:
.L_overlay_start_1:
0x0: {  	(tag) =	ssettag $0x1  }
0x1: {  	s2 =	rddreg [dreg:$0x0]  }
0x2: {  	s1 =	rddreg [dreg:$0x1];
	s3 =	simm.s32 $0x0  }
0x3: {  	s0 =	srdreg.scid;
	s24 =	stileid.u32;
	s31 =	simm.s32 $0x2900  }
0x4: {  	s30 =	simm.s32 $0x6;
	s6 =	sand.u32 $0x1, s0;
	s9 =	smul.u32 $0x50, s24  }
0x5: {  	[smem:$0x7FF] =	sst s3;
	s8 =	sor.u32 $0x10, s24;
	s7 =	smul.u32 $0x2710, s6  }
0x6: {  	s4 =	sadd.s32 $0x16800, s2;
	s10 =	sor.u32 $0x20, s24;
	s11 =	smul.u32 $0x50, s8  }
0x7: {  	s5 =	sadd.s32 $0xCA00, s2;
	s12 =	sor.u32 $0x30, s24;
	s13 =	smul.u32 $0x50, s10  }
0x8: {  	s14 =	sadd.s32 $0x3DA00, s2;
	s16 =	sor.u32 $0x40, s24;
	s15 =	smul.u32 $0x50, s12  }
0x9: {  	s17 =	sor.u32 $0x50, s24;
	s20 =	sor.u32 $0x60, s24;
	s18 =	smul.u32 $0x50, s16  }
0xa: {  	p0 =	sgt.u32 s24, $0xC;
	s0 =	ssub.s32 $0x2, s6;
	s21 =	smul.u32 $0x50, s17  }
0xb: {  	_ =	strace $0x8000004A;
	s22 =	smul.u32 $0x50, s20;
	s19 =	sshrl.u32 s0, $0x1  }
0xc: {  	s8 =	smul.u32 $0xA000, s8;
	s6 =	sshll.u32 s6, $0x4;
	s0 =	ssub.s32 s0, s19  }
0xd: {  	s19 =	sor.u32 $0x70, s24;
	s9 =	sadd.s32 s9, s7;
	s11 =	sadd.s32 s7, s11  }
0xe: {  	s13 =	sadd.s32 s7, s13;
	s15 =	sadd.s32 s7, s15;
	s18 =	sadd.s32 s7, s18  }
0xf: {  	s21 =	sadd.s32 s7, s21;
	s22 =	sadd.s32 s7, s22;
	s8 =	sshrl.u32 s8, $0x2  }
0x10: {  	s23 =	smul.u32 $0x50, s19;
	s9 =	sshll.u32 s9, $0x4;
	s11 =	sshll.u32 s11, $0x4  }
0x11: {  	s13 =	sshll.u32 s13, $0x4;
	s15 =	sshll.u32 s15, $0x4;
	s25 =	sshll.u32 s18, $0x4  }
0x12: {  	s0 =	smax.u32 s0, $0x1;
	s9 =	sadd.s32 s14, s9;
	s11 =	sadd.s32 s14, s11  }
0x13: {  	s26 =	sadd.s32 s14, s15;
	s15 =	sshll.u32 s22, $0x4;
	[dreg:$0x16] =	wrdreg s0  }
0x14: {  	s0 =	simm.s32 $0x9;
	s7 =	sadd.s32 s7, s23;
	[dreg:$0x3] =	wrdreg s9  }
0x15: {  	s23 =	smul.u32 $0xA000, s24;
	[dreg:$0x4] =	wrdreg s11;
	s9 =	sadd.s32 s14, s13  }
0x16: {  	[dreg:$0x6] =	wrdreg s26;
	s13 =	sshll.u32 s21, $0x4;
	s21 =	smul.u32 $0xA000, s10  }
0x17: {  	s11 =	sadd.s32 s14, s25;
	s18 =	sadd.s32 s14, s15;
	s26 =	smul.u32 $0xA000, s12  }
0x18: {  	s15 =	sadd.s32 $0x9DA800, s2;
	s25 =	sor.u32 s24, s6;
	s12 =	smul.u32 $0xA000, s17  }
0x19: {  	s24 =	simm.s32 $0x5;
	[dreg:$0x7] =	wrdreg s11;
	s11 =	smul.u32 $0xA000, s16  }
0x1a: {  	[dreg:$0x5] =	wrdreg s9;
	s9 =	sadd.s32 s14, s13;
	s13 =	smul.u32 $0xA000, s20  }
0x1b: {  	s7 =	sshll.u32 s7, $0x4;
	[dreg:$0x9] =	wrdreg s18;
	s16 =	smul.u32 $0xA000, s19  }
0x1c: {  	s18 =	smul.u32 $0x2710, s25;
	[dreg:$0x8] =	wrdreg s9;
	s7 =	sadd.s32 s14, s7  }
0x1d: {  	s14 =	sadd.s32 $0x2C00, s2;
	s10 =	sshrl.u32 s23, $0x2;
	s23 =	sadd.s32 s8, s1  }
0x1e: {  	s6 =	sshrl.u32 s26, $0x2;
	s8 =	sshrl.u32 s12, $0x2;
	s2 =	smul.u32 $0x27100, s25  }
0x1f: {  	s9 =	simm.s32 $0x3;
	s12 =	simm.s32 $0x5180;
	[dreg:$0xa] =	wrdreg s7  }
0x20: {  	s22 =	sadd.s32 s10, s1;
	s7 =	sshrl.u32 s21, $0x2;
	s6 =	sadd.s32 s6, s1  }
0x21: {  	s17 =	sshrl.u32 s11, $0x2;
	s19 =	sadd.s32 s8, s1;
	s20 =	sshrl.u32 s13, $0x2  }
0x22: {  	s21 =	sshrl.u32 s18, $0x3;
	s28 =	sadd.s32 $0x50, s18;
	[dreg:$0xc] =	wrdreg s23  }
0x23: {  	s29 =	sadd.s32 $0xA0, s18;
	s8 =	simm.s32 $0x50;
	[dreg:$0xe] =	wrdreg s6  }
0x24: {  	s10 =	simm.s32 $0x2;
	s11 =	simm.s32 $0x5100;
	[dreg:$0x10] =	wrdreg s19  }
0x25: {  	s13 =	simm.s32 $0x5200;
	s7 =	sadd.s32 s7, s1;
	[dreg:$0xb] =	wrdreg s22  }
0x26: {  	s6 =	sshrl.u32 s16, $0x2;
	s25 =	sadd.s32 s5, s21;
	[dreg:$0xd] =	wrdreg s7  }
0x27: {  	s26 =	sadd.s32 s14, s21;
	s2 =	sadd.s32 s15, s2;
	[dreg:$0x13] =	wrdreg s25  }
0x28: {  	s16 =	simm.s32 $0x4;
	s7 =	sadd.s32 s17, s1;
	[dreg:$0x14] =	wrdreg s26  }
0x29: {  	s6 =	sadd.s32 s6, s1;
	[dreg:$0x15] =	wrdreg s2;
	s2 =	simm.s32 $0x80  }
0x2a: {  	s25 =	simm.s32 $0x7A00;
	s26 =	simm.s32 $0x7;
	[dreg:$0xf] =	wrdreg s7  }
0x2b: {  	s17 =	simm.s32 $0x0;
	s7 =	sadd.s32 s20, s1;
	[dreg:$0x12] =	wrdreg s6  }
0x2c: {  	v0 =	vimm.f32 $0.0e+00;
	s6 =	simm.s32 $0x100;
	[dreg:$0x11] =	wrdreg s7;
	s7 =	simm.s32 $0x1  }
.LBB2_1:
0x2d: {  	s18 =	simm.s32 $0x2940  }
0x2e: {  	[tilespmem:s18+$0xFFFFFFC0] =	vst v0  }
0x2f: {  	[tilespmem:s18+$0x30] =	vst v0  }
0x30: {  	[tilespmem:s18+$0x20] =	vst v0  }
0x31: {  	[tilespmem:s18+$0x10] =	vst v0  }
0x32: {  	[tilespmem:s18+$0x0] =	vst v0  }
0x33: {  	[tilespmem:s18+$0xFFFFFFF0] =	vst v0  }
0x34: {  	s19 =	simm.s32 $0x0;
	[tilespmem:s18+$0xFFFFFFE0] =	vst v0  }
.LBB2_2:
0x35: {  	s19 =	sadd.s32 $0x8, s19;
	[tilespmem:s18+$0xFFFFFFD0] =	vst v0;
	s18 =	sadd.s32 $0x80, s18  }
0x36: {  	[tilespmem:s18+$0xFFFFFFC0] =	vst v0;
	p1 =	slt.u32 s19, $0x278  }
0x37: {  	[tilespmem:s18+$0x30] =	vst v0  }
.Ltmp0:
0x38: {  	[tilespmem:s18+$0x20] =	vst v0;
	(pc) =	sbr.rel @p1 .LBB2_2-.Ltmp0, $4  }
0x39: {  	[tilespmem:s18+$0x10] =	vst v0  }
0x3a: {  	[tilespmem:s18+$0x0] =	vst v0  }
0x3b: {  	[tilespmem:s18+$0xFFFFFFF0] =	vst v0  }
0x3c: {  	[tilespmem:s18+$0xFFFFFFE0] =	vst v0  }
0x3d: {  	[tilespmem:s18+$0xFFFFFFD0] =	vst v0  }
0x3e: {  	[spmem:s22] =	stream.linear.scatter [tilespmem:s31], [sflag:$0x9], $0x2800, $0x38;
	[tilespmem:$0x1DA80] =	vst v63  }
0x3f: {  	_ =	swait.ge [sflag:s0], $0x2800  }
0x40: {  	[sflag:s0] =	ssyncset.done $0x0  }
0x41: {  	[sflag:s0] =	ssyncadd.s32 $0xFFFFD800  }
0x42: {  	[spmem:s23] =	stream.linear.scatter [tilespmem:s31], [sflag:$0x9], $0x2800, $0x38;
	[tilespmem:$0x1DA80] =	vst v63  }
0x43: {  	_ =	swait.ge [sflag:s0], $0x2800  }
0x44: {  	[sflag:s0] =	ssyncset.done $0x0  }
0x45: {  	s21 =	rddreg [dreg:$0xd];
	[sflag:s0] =	ssyncadd.s32 $0xFFFFD800  }
0x46: {  	[spmem:s21] =	stream.linear.scatter [tilespmem:s31], [sflag:$0x9], $0x2800, $0x38;
	[tilespmem:$0x1DA80] =	vst v63  }
0x47: {  	_ =	swait.ge [sflag:s0], $0x2800  }
0x48: {  	[sflag:s0] =	ssyncset.done $0x0  }
0x49: {  	s22 =	rddreg [dreg:$0xe];
	[sflag:s0] =	ssyncadd.s32 $0xFFFFD800  }
0x4a: {  	[spmem:s22] =	stream.linear.scatter [tilespmem:s31], [sflag:$0x9], $0x2800, $0x38;
	[tilespmem:$0x1DA80] =	vst v63  }
0x4b: {  	_ =	swait.ge [sflag:s0], $0x2800  }
0x4c: {  	[sflag:s0] =	ssyncset.done $0x0  }
0x4d: {  	s23 =	rddreg [dreg:$0xf];
	[sflag:s0] =	ssyncadd.s32 $0xFFFFD800  }
0x4e: {  	[spmem:s23] =	stream.linear.scatter [tilespmem:s31], [sflag:$0x9], $0x2800, $0x38;
	[tilespmem:$0x1DA80] =	vst v63  }
0x4f: {  	_ =	swait.ge [sflag:s0], $0x2800  }
0x50: {  	[sflag:s0] =	ssyncset.done $0x0  }
0x51: {  	s19 =	rddreg [dreg:$0x10];
	[sflag:s0] =	ssyncadd.s32 $0xFFFFD800  }
0x52: {  	[spmem:s19] =	stream.linear.scatter [tilespmem:s31], [sflag:$0x9], $0x2800, $0x38;
	[tilespmem:$0x1DA80] =	vst v63  }
0x53: {  	_ =	swait.ge [sflag:s0], $0x2800  }
0x54: {  	[sflag:s0] =	ssyncset.done $0x0  }
0x55: {  	s20 =	rddreg [dreg:$0x11];
	[sflag:s0] =	ssyncadd.s32 $0xFFFFD800  }
0x56: {  	[spmem:s20] =	stream.linear.scatter [tilespmem:s31], [sflag:$0x9], $0x2800, $0x38;
	[tilespmem:$0x1DA80] =	vst v63  }
0x57: {  	_ =	swait.ge [sflag:s0], $0x2800  }
0x58: {  	[sflag:s0] =	ssyncset.done $0x0  }
0x59: {  	s18 =	simm.s32 @!p0 $0x2900;
	s19 =	rddreg [dreg:$0x12];
	[sflag:s0] =	ssyncadd.s32 $0xFFFFD800  }
0x5a: {  	[spmem:s19] =	stream.linear.scatter @!p0 [tilespmem:s18], [sflag:$0x9], $0x2800, $0x38;
	[tilespmem:$0x1DA80] =	vst v63  }
0x5b: {  	s18 =	simm.s32 @!p0 $0x9  }
0x5c: {  	_ =	swait.ge @!p0 [sflag:s18], $0x2800  }
0x5d: {  	[sflag:s18] =	ssyncset.done @!p0 $0x0  }
0x5e: {  	[sflag:s18] =	ssyncadd.s32 @!p0 $0xFFFFD800  }
0x5f: {  	[bflag:$0x0] =	sbarrier.arrive $0xFFFF  }
0x60: {  	s18 =	simm.s32 $0x0;
	s21 =	rddreg [dreg:$0x13]  }
0x61: {  	[tilespmem:s18], [sflag:$0x1] =	stream.linear.gather [hbm4b:s21+s18], $0x50, $0x38;
	[tilespmem:$0x1DA80] =	vst v63  }
0x62: {  	s22 =	rddreg [dreg:$0x14]  }
0x63: {  	[tilespmem:s2], [sflag:$0x1] =	stream.linear.gather [hbm4b:s22+s18], $0x50, $0x38;
	[tilespmem:$0x1DA80] =	vst v63  }
0x64: {  	s23 =	rddreg [dreg:$0x15]  }
0x65: {  	[tilespmem:s6], [sflag:$0x2] =	stream.linear.gather [hbm4b:s23+s18], $0x2800, $0x38;
	[tilespmem:$0x1DA80] =	vst v63  }
0x66: {  	_ =	swait.ge [sflag:s7], $0x50  }
0x67: {  	[sflag:s7] =	ssyncset.done $0x0  }
0x68: {  	[sflag:s7] =	ssyncadd.s32 $0xFFFFFFB0  }
0x69: {  	_ =	swait.ge [sflag:s7], $0x50  }
0x6a: {  	[sflag:s7] =	ssyncset.done $0x0  }
0x6b: {  	[sflag:s7] =	ssyncadd.s32 $0xFFFFFFB0  }
0x6c: {  	[tilespmem:s31], [sflag:$0x3] =	stream.indirect.gather [hbm4b:s4+s8], $0x80, s18, s8, $0xb8;
	[tilespmem:$0x1DA80] =	vst v63  }
.LBB2_4:
0x6d: {  	_ =	swait.ge [sflag:s9], $0x2800  }
0x6e: {  	[sflag:s9] =	ssyncset.done $0x0  }
0x6f: {  	[sflag:s9] =	ssyncadd.s32 $0xFFFFD800  }
0x70: {  	_ =	swait.ge [sflag:s10], $0x2800  }
0x71: {  	p1 =	seq.s32 s18, $0x0;
	s19 =	smul.u32 $0xA0, s18;
	[sflag:s10] =	ssyncset.done $0x0  }
0x72: {  	s20 =	simm.s32 @!p1 $0x8;
	[sflag:s10] =	ssyncadd.s32 $0xFFFFD800  }
0x73: {  	s21 =	sadd.s32 s19, s28;
	_ =	swait.ge @!p1 [sflag:s20], $0x2800  }
0x74: {  	s22 =	sshrl.u32 s21, $0x3;
	[sflag:s20] =	ssyncset.done @!p1 $0x0  }
0x75: {  	s23 =	sadd.s32 s5, s22;
	[sflag:s20] =	ssyncadd.s32 @!p1 $0xFFFFD800  }
0x76: {  	[tilespmem:s11], [sflag:$0x5] =	stream.linear.gather [hbm4b:s23+s3], $0x50, $0x38;
	[tilespmem:$0x1DA80] =	vst v63  }
0x77: {  	s22 =	sadd.s32 s14, s22;
	s23 =	sshll.u32 s21, $0x4  }
0x78: {  	[tilespmem:s12], [sflag:$0x5] =	stream.linear.gather [hbm4b:s22+s3], $0x50, $0x38;
	[tilespmem:$0x1DA80] =	vst v63  }
0x79: {  	s20 =	sadd.s32 s15, s23  }
0x7a: {  	[tilespmem:s13], [sflag:$0x6] =	stream.linear.gather [hbm4b:s20+s3], $0x2800, $0x38;
	[tilespmem:$0x1DA80] =	vst v63  }
0x7b: {  	_ =	swait.ge [sflag:s24], $0x50  }
0x7c: {  	[sflag:s24] =	ssyncset.done $0x0  }
0x7d: {  	[sflag:s24] =	ssyncadd.s32 $0xFFFFFFB0  }
0x7e: {  	_ =	swait.ge [sflag:s24], $0x50  }
0x7f: {  	[sflag:s24] =	ssyncset.done $0x0  }
0x80: {  	s20 =	simm.s32 $0x180;
	[sflag:s24] =	ssyncadd.s32 $0xFFFFFFB0  }
0x81: {  	[tilespmem:s25], [sflag:$0x7] =	stream.indirect.gather [hbm4b:s4+s8], $0x80, s11, s8, $0xb8;
	[tilespmem:$0x1DA80] =	vst v63  }
0x82: {  	s21 =	simm.s32 $0x2980;
	v1 =	vld [tilespmem:s20+$0xFFFFFF80]  }
0x83: {  	v2 =	vld [tilespmem:s21+$0xFFFFFF80];
	_ =	sdelay $0x4  }
0x84: {  	v1 =	vadd.f32 v1, v2;
	_ =	sdelay $0x1  }
0x85: {  	v1 =	vmax.f32 v1, $0.0e+00  }
0x86: {  	[tilespmem:s20+$0xFFFFFF80] =	vst v1;
	v1 =	vld [tilespmem:s20+$0xFFFFFF90]  }
0x87: {  	v2 =	vld [tilespmem:s21+$0xFFFFFF90];
	_ =	sdelay $0x4  }
0x88: {  	v1 =	vadd.f32 v1, v2;
	_ =	sdelay $0x1  }
0x89: {  	v1 =	vmax.f32 v1, $0.0e+00  }
0x8a: {  	[tilespmem:s20+$0xFFFFFF90] =	vst v1;
	v1 =	vld [tilespmem:s20+$0xFFFFFFA0]  }
0x8b: {  	v2 =	vld [tilespmem:s21+$0xFFFFFFA0];
	_ =	sdelay $0x4  }
0x8c: {  	v1 =	vadd.f32 v1, v2;
	_ =	sdelay $0x1  }
0x8d: {  	v1 =	vmax.f32 v1, $0.0e+00  }
0x8e: {  	[tilespmem:s20+$0xFFFFFFA0] =	vst v1;
	v1 =	vld [tilespmem:s20+$0xFFFFFFB0]  }
0x8f: {  	v2 =	vld [tilespmem:s21+$0xFFFFFFB0];
	_ =	sdelay $0x4  }
0x90: {  	v1 =	vadd.f32 v1, v2;
	_ =	sdelay $0x1  }
0x91: {  	v1 =	vmax.f32 v1, $0.0e+00  }
0x92: {  	[tilespmem:s20+$0xFFFFFFB0] =	vst v1;
	v1 =	vld [tilespmem:s20+$0xFFFFFFC0]  }
0x93: {  	v2 =	vld [tilespmem:s21+$0xFFFFFFC0];
	_ =	sdelay $0x4  }
0x94: {  	v1 =	vadd.f32 v1, v2;
	_ =	sdelay $0x1  }
0x95: {  	v1 =	vmax.f32 v1, $0.0e+00  }
0x96: {  	[tilespmem:s20+$0xFFFFFFC0] =	vst v1;
	v1 =	vld [tilespmem:s20+$0xFFFFFFD0]  }
0x97: {  	v2 =	vld [tilespmem:s21+$0xFFFFFFD0];
	_ =	sdelay $0x4  }
0x98: {  	v1 =	vadd.f32 v1, v2;
	_ =	sdelay $0x1  }
0x99: {  	v1 =	vmax.f32 v1, $0.0e+00  }
0x9a: {  	[tilespmem:s20+$0xFFFFFFD0] =	vst v1;
	v1 =	vld [tilespmem:s20+$0xFFFFFFE0]  }
0x9b: {  	v2 =	vld [tilespmem:s21+$0xFFFFFFE0];
	_ =	sdelay $0x4  }
0x9c: {  	v1 =	vadd.f32 v1, v2;
	_ =	sdelay $0x1  }
0x9d: {  	v1 =	vmax.f32 v1, $0.0e+00  }
0x9e: {  	[tilespmem:s20+$0xFFFFFFE0] =	vst v1;
	v1 =	vld [tilespmem:s20+$0xFFFFFFF0]  }
0x9f: {  	v2 =	vld [tilespmem:s21+$0xFFFFFFF0];
	_ =	sdelay $0x4  }
0xa0: {  	v1 =	vadd.f32 v1, v2;
	_ =	sdelay $0x1  }
0xa1: {  	v1 =	vmax.f32 v1, $0.0e+00  }
0xa2: {  	[tilespmem:s20+$0xFFFFFFF0] =	vst v1;
	v1 =	vld [tilespmem:s20+$0x0]  }
0xa3: {  	v2 =	vld [tilespmem:s21+$0x0];
	_ =	sdelay $0x4  }
0xa4: {  	v1 =	vadd.f32 v1, v2;
	_ =	sdelay $0x1  }
0xa5: {  	v1 =	vmax.f32 v1, $0.0e+00  }
0xa6: {  	[tilespmem:s20+$0x0] =	vst v1;
	v1 =	vld [tilespmem:s20+$0x10]  }
0xa7: {  	v2 =	vld [tilespmem:s21+$0x10];
	_ =	sdelay $0x4  }
0xa8: {  	v1 =	vadd.f32 v1, v2;
	_ =	sdelay $0x1  }
0xa9: {  	v1 =	vmax.f32 v1, $0.0e+00  }
0xaa: {  	[tilespmem:s20+$0x10] =	vst v1;
	v1 =	vld [tilespmem:s20+$0x20]  }
0xab: {  	v2 =	vld [tilespmem:s21+$0x20];
	_ =	sdelay $0x4  }
0xac: {  	v1 =	vadd.f32 v1, v2;
	_ =	sdelay $0x1  }
0xad: {  	v1 =	vmax.f32 v1, $0.0e+00  }
0xae: {  	[tilespmem:s20+$0x20] =	vst v1;
	v1 =	vld [tilespmem:s20+$0x30]  }
0xaf: {  	v2 =	vld [tilespmem:s21+$0x30];
	_ =	sdelay $0x4  }
0xb0: {  	v1 =	vadd.f32 v1, v2;
	_ =	sdelay $0x1  }
0xb1: {  	v1 =	vmax.f32 v1, $0.0e+00  }
0xb2: {  	[tilespmem:s20+$0x30] =	vst v1;
	v1 =	vld [tilespmem:s20+$0x40]  }
0xb3: {  	v2 =	vld [tilespmem:s21+$0x40];
	_ =	sdelay $0x4  }
0xb4: {  	v1 =	vadd.f32 v1, v2;
	_ =	sdelay $0x1  }
0xb5: {  	v1 =	vmax.f32 v1, $0.0e+00  }
0xb6: {  	[tilespmem:s20+$0x40] =	vst v1;
	v1 =	vld [tilespmem:s20+$0x50]  }
0xb7: {  	v2 =	vld [tilespmem:s21+$0x50];
	_ =	sdelay $0x4  }
0xb8: {  	v1 =	vadd.f32 v1, v2;
	_ =	sdelay $0x1  }
0xb9: {  	v1 =	vmax.f32 v1, $0.0e+00  }
0xba: {  	[tilespmem:s20+$0x50] =	vst v1;
	v1 =	vld [tilespmem:s20+$0x60]  }
0xbb: {  	v2 =	vld [tilespmem:s21+$0x60];
	_ =	sdelay $0x4  }
0xbc: {  	v1 =	vadd.f32 v1, v2;
	_ =	sdelay $0x1  }
0xbd: {  	v1 =	vmax.f32 v1, $0.0e+00  }
0xbe: {  	[tilespmem:s20+$0x60] =	vst v1;
	v1 =	vld [tilespmem:s20+$0x70]  }
0xbf: {  	v2 =	vld [tilespmem:s21+$0x70];
	_ =	sdelay $0x4  }
0xc0: {  	v1 =	vadd.f32 v1, v2;
	_ =	sdelay $0x1  }
0xc1: {  	s23 =	simm.s32 $0x280;
	s22 =	simm.s32 $0x0;
	v1 =	vmax.f32 v1, $0.0e+00  }
.LBB2_5:
0xc2: {  	v2 =	vld [tilespmem:s23+$0xFFFFFF80];
	[tilespmem:s20+$0x70] =	vst v1;
	s21 =	sadd.s32 $0x100, s21;
	s20 =	smov.u32 s23  }
0xc3: {  	s22 =	sadd.s32 $0x2, s22;
	v1 =	vld [tilespmem:s21+$0xFFFFFF80]  }
0xc4: {  	p1 =	slt.u32 s22, $0x4E;
	_ =	sdelay $0x3  }
0xc5: {  	v1 =	vadd.f32 v2, v1;
	_ =	sdelay $0x1  }
0xc6: {  	v1 =	vmax.f32 v1, $0.0e+00  }
0xc7: {  	[tilespmem:s23+$0xFFFFFF80] =	vst v1;
	v1 =	vld [tilespmem:s23+$0xFFFFFF90]  }
0xc8: {  	v2 =	vld [tilespmem:s21+$0xFFFFFF90];
	_ =	sdelay $0x4  }
0xc9: {  	v1 =	vadd.f32 v1, v2;
	_ =	sdelay $0x1  }
0xca: {  	v1 =	vmax.f32 v1, $0.0e+00  }
0xcb: {  	[tilespmem:s23+$0xFFFFFF90] =	vst v1;
	v1 =	vld [tilespmem:s23+$0xFFFFFFA0]  }
0xcc: {  	v2 =	vld [tilespmem:s21+$0xFFFFFFA0];
	_ =	sdelay $0x4  }
0xcd: {  	v1 =	vadd.f32 v1, v2;
	_ =	sdelay $0x1  }
0xce: {  	v1 =	vmax.f32 v1, $0.0e+00  }
0xcf: {  	[tilespmem:s23+$0xFFFFFFA0] =	vst v1;
	v1 =	vld [tilespmem:s23+$0xFFFFFFB0]  }
0xd0: {  	v2 =	vld [tilespmem:s21+$0xFFFFFFB0];
	_ =	sdelay $0x4  }
0xd1: {  	v1 =	vadd.f32 v1, v2;
	_ =	sdelay $0x1  }
0xd2: {  	v1 =	vmax.f32 v1, $0.0e+00  }
0xd3: {  	[tilespmem:s23+$0xFFFFFFB0] =	vst v1;
	v1 =	vld [tilespmem:s23+$0xFFFFFFC0]  }
0xd4: {  	v2 =	vld [tilespmem:s21+$0xFFFFFFC0];
	_ =	sdelay $0x4  }
0xd5: {  	v1 =	vadd.f32 v1, v2;
	_ =	sdelay $0x1  }
0xd6: {  	v1 =	vmax.f32 v1, $0.0e+00  }
0xd7: {  	[tilespmem:s23+$0xFFFFFFC0] =	vst v1;
	v1 =	vld [tilespmem:s23+$0xFFFFFFD0]  }
0xd8: {  	v2 =	vld [tilespmem:s21+$0xFFFFFFD0];
	_ =	sdelay $0x4  }
0xd9: {  	v1 =	vadd.f32 v1, v2;
	_ =	sdelay $0x1  }
0xda: {  	v1 =	vmax.f32 v1, $0.0e+00  }
0xdb: {  	[tilespmem:s23+$0xFFFFFFD0] =	vst v1;
	v1 =	vld [tilespmem:s23+$0xFFFFFFE0]  }
0xdc: {  	v2 =	vld [tilespmem:s21+$0xFFFFFFE0];
	_ =	sdelay $0x4  }
0xdd: {  	v1 =	vadd.f32 v1, v2;
	_ =	sdelay $0x1  }
0xde: {  	v1 =	vmax.f32 v1, $0.0e+00  }
0xdf: {  	[tilespmem:s23+$0xFFFFFFE0] =	vst v1;
	v1 =	vld [tilespmem:s23+$0xFFFFFFF0]  }
0xe0: {  	v2 =	vld [tilespmem:s21+$0xFFFFFFF0];
	_ =	sdelay $0x4  }
0xe1: {  	v1 =	vadd.f32 v1, v2;
	_ =	sdelay $0x1  }
0xe2: {  	v1 =	vmax.f32 v1, $0.0e+00  }
0xe3: {  	[tilespmem:s23+$0xFFFFFFF0] =	vst v1;
	v1 =	vld [tilespmem:s23+$0x0]  }
0xe4: {  	v2 =	vld [tilespmem:s21+$0x0];
	_ =	sdelay $0x4  }
0xe5: {  	v1 =	vadd.f32 v1, v2;
	_ =	sdelay $0x1  }
0xe6: {  	v1 =	vmax.f32 v1, $0.0e+00  }
0xe7: {  	[tilespmem:s23+$0x0] =	vst v1;
	v1 =	vld [tilespmem:s23+$0x10]  }
0xe8: {  	v2 =	vld [tilespmem:s21+$0x10];
	_ =	sdelay $0x4  }
0xe9: {  	v1 =	vadd.f32 v1, v2;
	_ =	sdelay $0x1  }
0xea: {  	v1 =	vmax.f32 v1, $0.0e+00  }
0xeb: {  	[tilespmem:s23+$0x10] =	vst v1;
	v1 =	vld [tilespmem:s23+$0x20]  }
0xec: {  	v2 =	vld [tilespmem:s21+$0x20];
	_ =	sdelay $0x4  }
0xed: {  	v1 =	vadd.f32 v1, v2;
	_ =	sdelay $0x1  }
0xee: {  	v1 =	vmax.f32 v1, $0.0e+00  }
0xef: {  	[tilespmem:s23+$0x20] =	vst v1;
	v1 =	vld [tilespmem:s23+$0x30]  }
0xf0: {  	v2 =	vld [tilespmem:s21+$0x30];
	_ =	sdelay $0x4  }
0xf1: {  	v1 =	vadd.f32 v1, v2;
	_ =	sdelay $0x1  }
0xf2: {  	v1 =	vmax.f32 v1, $0.0e+00  }
0xf3: {  	[tilespmem:s23+$0x30] =	vst v1;
	v1 =	vld [tilespmem:s23+$0x40]  }
0xf4: {  	v2 =	vld [tilespmem:s21+$0x40];
	_ =	sdelay $0x4  }
0xf5: {  	v1 =	vadd.f32 v1, v2;
	_ =	sdelay $0x1  }
0xf6: {  	v1 =	vmax.f32 v1, $0.0e+00  }
0xf7: {  	[tilespmem:s23+$0x40] =	vst v1;
	v1 =	vld [tilespmem:s23+$0x50]  }
0xf8: {  	v2 =	vld [tilespmem:s21+$0x50];
	_ =	sdelay $0x4  }
0xf9: {  	v1 =	vadd.f32 v1, v2;
	_ =	sdelay $0x1  }
0xfa: {  	v1 =	vmax.f32 v1, $0.0e+00  }
0xfb: {  	[tilespmem:s23+$0x50] =	vst v1;
	v1 =	vld [tilespmem:s23+$0x60]  }
0xfc: {  	v2 =	vld [tilespmem:s21+$0x60];
	_ =	sdelay $0x4  }
0xfd: {  	v1 =	vadd.f32 v1, v2;
	_ =	sdelay $0x1  }
0xfe: {  	v1 =	vmax.f32 v1, $0.0e+00  }
0xff: {  	[tilespmem:s23+$0x60] =	vst v1;
	v1 =	vld [tilespmem:s23+$0x70]  }
0x100: {  	v2 =	vld [tilespmem:s21+$0x70];
	_ =	sdelay $0x2  }
.Ltmp1:
0x101: {  	(pc) =	sbr.rel @p1 .LBB2_5-.Ltmp1, $3  }
0x102: {  	_ = 	snop  }
0x103: {  	v1 =	vadd.f32 v1, v2;
	_ =	sdelay $0x1  }
0x104: {  	s23 =	sadd.s32 $0x100, s23;
	v1 =	vmax.f32 v1, $0.0e+00  }
0x105: {  	[tilespmem:s20+$0x70] =	vst v1  }
0x106: {  	[spmem:s1] =	stream.indirect.scatter.add.f32 [tilespmem:s6], [sflag:$0x4], $0x80, s2, s8, $0xb8;
	[tilespmem:$0x1DA80] =	vst v63  }
0x107: {  	_ =	swait.ge [sflag:s26], $0x2800  }
0x108: {  	[sflag:s26] =	ssyncset.done $0x0  }
0x109: {  	[sflag:s26] =	ssyncadd.s32 $0xFFFFD800  }
0x10a: {  	_ =	swait.ge [sflag:s30], $0x2800  }
0x10b: {  	[sflag:s30] =	ssyncset.done $0x0  }
0x10c: {  	[sflag:s30] =	ssyncadd.s32 $0xFFFFD800  }
0x10d: {  	s19 =	sadd.s32 s19, s29;
	_ =	swait.ge [sflag:s16], $0x2800  }
0x10e: {  	s23 =	sshrl.u32 s19, $0x3;
	[sflag:s16] =	ssyncset.done $0x0  }
0x10f: {  	s21 =	sadd.s32 s5, s23;
	[sflag:s16] =	ssyncadd.s32 $0xFFFFD800  }
0x110: {  	[tilespmem:s3], [sflag:$0x1] =	stream.linear.gather [hbm4b:s21+s3], $0x50, $0x38;
	[tilespmem:$0x1DA80] =	vst v63  }
0x111: {  	s19 =	sshll.u32 s19, $0x4;
	s20 =	sadd.s32 s14, s23  }
0x112: {  	[tilespmem:s2], [sflag:$0x1] =	stream.linear.gather [hbm4b:s20+s3], $0x50, $0x38;
	[tilespmem:$0x1DA80] =	vst v63  }
0x113: {  	s19 =	sadd.s32 s15, s19  }
0x114: {  	[tilespmem:s6], [sflag:$0x2] =	stream.linear.gather [hbm4b:s19+s3], $0x2800, $0x38;
	[tilespmem:$0x1DA80] =	vst v63  }
0x115: {  	_ =	swait.ge [sflag:s7], $0x50  }
0x116: {  	[sflag:s7] =	ssyncset.done $0x0  }
0x117: {  	[sflag:s7] =	ssyncadd.s32 $0xFFFFFFB0  }
0x118: {  	_ =	swait.ge [sflag:s7], $0x50  }
0x119: {  	[sflag:s7] =	ssyncset.done $0x0  }
0x11a: {  	s19 =	simm.s32 $0x5280;
	[sflag:s7] =	ssyncadd.s32 $0xFFFFFFB0  }
0x11b: {  	[tilespmem:s31], [sflag:$0x3] =	stream.indirect.gather [hbm4b:s4+s8], $0x80, s3, s8, $0xb8;
	[tilespmem:$0x1DA80] =	vst v63  }
0x11c: {  	s20 =	simm.s32 $0x7A80;
	v1 =	vld [tilespmem:s19+$0xFFFFFF80]  }
0x11d: {  	v2 =	vld [tilespmem:s20+$0xFFFFFF80];
	_ =	sdelay $0x4  }
0x11e: {  	v1 =	vadd.f32 v1, v2;
	_ =	sdelay $0x1  }
0x11f: {  	v1 =	vmax.f32 v1, $0.0e+00  }
0x120: {  	[tilespmem:s19+$0xFFFFFF80] =	vst v1;
	v1 =	vld [tilespmem:s19+$0xFFFFFF90]  }
0x121: {  	v2 =	vld [tilespmem:s20+$0xFFFFFF90];
	_ =	sdelay $0x4  }
0x122: {  	v1 =	vadd.f32 v1, v2;
	_ =	sdelay $0x1  }
0x123: {  	v1 =	vmax.f32 v1, $0.0e+00  }
0x124: {  	[tilespmem:s19+$0xFFFFFF90] =	vst v1;
	v1 =	vld [tilespmem:s19+$0xFFFFFFA0]  }
0x125: {  	v2 =	vld [tilespmem:s20+$0xFFFFFFA0];
	_ =	sdelay $0x4  }
0x126: {  	v1 =	vadd.f32 v1, v2;
	_ =	sdelay $0x1  }
0x127: {  	v1 =	vmax.f32 v1, $0.0e+00  }
0x128: {  	[tilespmem:s19+$0xFFFFFFA0] =	vst v1;
	v1 =	vld [tilespmem:s19+$0xFFFFFFB0]  }
0x129: {  	v2 =	vld [tilespmem:s20+$0xFFFFFFB0];
	_ =	sdelay $0x4  }
0x12a: {  	v1 =	vadd.f32 v1, v2;
	_ =	sdelay $0x1  }
0x12b: {  	v1 =	vmax.f32 v1, $0.0e+00  }
0x12c: {  	[tilespmem:s19+$0xFFFFFFB0] =	vst v1;
	v1 =	vld [tilespmem:s19+$0xFFFFFFC0]  }
0x12d: {  	v2 =	vld [tilespmem:s20+$0xFFFFFFC0];
	_ =	sdelay $0x4  }
0x12e: {  	v1 =	vadd.f32 v1, v2;
	_ =	sdelay $0x1  }
0x12f: {  	v1 =	vmax.f32 v1, $0.0e+00  }
0x130: {  	[tilespmem:s19+$0xFFFFFFC0] =	vst v1;
	v1 =	vld [tilespmem:s19+$0xFFFFFFD0]  }
0x131: {  	v2 =	vld [tilespmem:s20+$0xFFFFFFD0];
	_ =	sdelay $0x4  }
0x132: {  	v1 =	vadd.f32 v1, v2;
	_ =	sdelay $0x1  }
0x133: {  	v1 =	vmax.f32 v1, $0.0e+00  }
0x134: {  	[tilespmem:s19+$0xFFFFFFD0] =	vst v1;
	v1 =	vld [tilespmem:s19+$0xFFFFFFE0]  }
0x135: {  	v2 =	vld [tilespmem:s20+$0xFFFFFFE0];
	_ =	sdelay $0x4  }
0x136: {  	v1 =	vadd.f32 v1, v2;
	_ =	sdelay $0x1  }
0x137: {  	v1 =	vmax.f32 v1, $0.0e+00  }
0x138: {  	[tilespmem:s19+$0xFFFFFFE0] =	vst v1;
	v1 =	vld [tilespmem:s19+$0xFFFFFFF0]  }
0x139: {  	v2 =	vld [tilespmem:s20+$0xFFFFFFF0];
	_ =	sdelay $0x4  }
0x13a: {  	v1 =	vadd.f32 v1, v2;
	_ =	sdelay $0x1  }
0x13b: {  	v1 =	vmax.f32 v1, $0.0e+00  }
0x13c: {  	[tilespmem:s19+$0xFFFFFFF0] =	vst v1;
	v1 =	vld [tilespmem:s19+$0x0]  }
0x13d: {  	v2 =	vld [tilespmem:s20+$0x0];
	_ =	sdelay $0x4  }
0x13e: {  	v1 =	vadd.f32 v1, v2;
	_ =	sdelay $0x1  }
0x13f: {  	v1 =	vmax.f32 v1, $0.0e+00  }
0x140: {  	[tilespmem:s19+$0x0] =	vst v1;
	v1 =	vld [tilespmem:s19+$0x10]  }
0x141: {  	v2 =	vld [tilespmem:s20+$0x10];
	_ =	sdelay $0x4  }
0x142: {  	v1 =	vadd.f32 v1, v2;
	_ =	sdelay $0x1  }
0x143: {  	v1 =	vmax.f32 v1, $0.0e+00  }
0x144: {  	[tilespmem:s19+$0x10] =	vst v1;
	v1 =	vld [tilespmem:s19+$0x20]  }
0x145: {  	v2 =	vld [tilespmem:s20+$0x20];
	_ =	sdelay $0x4  }
0x146: {  	v1 =	vadd.f32 v1, v2;
	_ =	sdelay $0x1  }
0x147: {  	v1 =	vmax.f32 v1, $0.0e+00  }
0x148: {  	[tilespmem:s19+$0x20] =	vst v1;
	v1 =	vld [tilespmem:s19+$0x30]  }
0x149: {  	v2 =	vld [tilespmem:s20+$0x30];
	_ =	sdelay $0x4  }
0x14a: {  	v1 =	vadd.f32 v1, v2;
	_ =	sdelay $0x1  }
0x14b: {  	v1 =	vmax.f32 v1, $0.0e+00  }
0x14c: {  	[tilespmem:s19+$0x30] =	vst v1;
	v1 =	vld [tilespmem:s19+$0x40]  }
0x14d: {  	v2 =	vld [tilespmem:s20+$0x40];
	_ =	sdelay $0x4  }
0x14e: {  	v1 =	vadd.f32 v1, v2;
	_ =	sdelay $0x1  }
0x14f: {  	v1 =	vmax.f32 v1, $0.0e+00  }
0x150: {  	[tilespmem:s19+$0x40] =	vst v1;
	v1 =	vld [tilespmem:s19+$0x50]  }
0x151: {  	v2 =	vld [tilespmem:s20+$0x50];
	_ =	sdelay $0x4  }
0x152: {  	v1 =	vadd.f32 v1, v2;
	_ =	sdelay $0x1  }
0x153: {  	v1 =	vmax.f32 v1, $0.0e+00  }
0x154: {  	[tilespmem:s19+$0x50] =	vst v1;
	v1 =	vld [tilespmem:s19+$0x60]  }
0x155: {  	v2 =	vld [tilespmem:s20+$0x60];
	_ =	sdelay $0x4  }
0x156: {  	v1 =	vadd.f32 v1, v2;
	_ =	sdelay $0x1  }
0x157: {  	v1 =	vmax.f32 v1, $0.0e+00  }
0x158: {  	[tilespmem:s19+$0x60] =	vst v1;
	v1 =	vld [tilespmem:s19+$0x70]  }
0x159: {  	v2 =	vld [tilespmem:s20+$0x70];
	_ =	sdelay $0x4  }
0x15a: {  	v1 =	vadd.f32 v1, v2;
	_ =	sdelay $0x1  }
0x15b: {  	s22 =	simm.s32 $0x5380;
	s21 =	simm.s32 $0x0;
	v1 =	vmax.f32 v1, $0.0e+00  }
.LBB2_7:
0x15c: {  	v2 =	vld [tilespmem:s22+$0xFFFFFF80];
	[tilespmem:s19+$0x70] =	vst v1;
	s20 =	sadd.s32 $0x100, s20;
	s19 =	smov.u32 s22  }
0x15d: {  	s21 =	sadd.s32 $0x2, s21;
	v1 =	vld [tilespmem:s20+$0xFFFFFF80]  }
0x15e: {  	p1 =	slt.u32 s21, $0x4E;
	_ =	sdelay $0x3  }
0x15f: {  	v1 =	vadd.f32 v2, v1;
	_ =	sdelay $0x1  }
0x160: {  	v1 =	vmax.f32 v1, $0.0e+00  }
0x161: {  	[tilespmem:s22+$0xFFFFFF80] =	vst v1;
	v1 =	vld [tilespmem:s22+$0xFFFFFF90]  }
0x162: {  	v2 =	vld [tilespmem:s20+$0xFFFFFF90];
	_ =	sdelay $0x4  }
0x163: {  	v1 =	vadd.f32 v1, v2;
	_ =	sdelay $0x1  }
0x164: {  	v1 =	vmax.f32 v1, $0.0e+00  }
0x165: {  	[tilespmem:s22+$0xFFFFFF90] =	vst v1;
	v1 =	vld [tilespmem:s22+$0xFFFFFFA0]  }
0x166: {  	v2 =	vld [tilespmem:s20+$0xFFFFFFA0];
	_ =	sdelay $0x4  }
0x167: {  	v1 =	vadd.f32 v1, v2;
	_ =	sdelay $0x1  }
0x168: {  	v1 =	vmax.f32 v1, $0.0e+00  }
0x169: {  	[tilespmem:s22+$0xFFFFFFA0] =	vst v1;
	v1 =	vld [tilespmem:s22+$0xFFFFFFB0]  }
0x16a: {  	v2 =	vld [tilespmem:s20+$0xFFFFFFB0];
	_ =	sdelay $0x4  }
0x16b: {  	v1 =	vadd.f32 v1, v2;
	_ =	sdelay $0x1  }
0x16c: {  	v1 =	vmax.f32 v1, $0.0e+00  }
0x16d: {  	[tilespmem:s22+$0xFFFFFFB0] =	vst v1;
	v1 =	vld [tilespmem:s22+$0xFFFFFFC0]  }
0x16e: {  	v2 =	vld [tilespmem:s20+$0xFFFFFFC0];
	_ =	sdelay $0x4  }
0x16f: {  	v1 =	vadd.f32 v1, v2;
	_ =	sdelay $0x1  }
0x170: {  	v1 =	vmax.f32 v1, $0.0e+00  }
0x171: {  	[tilespmem:s22+$0xFFFFFFC0] =	vst v1;
	v1 =	vld [tilespmem:s22+$0xFFFFFFD0]  }
0x172: {  	v2 =	vld [tilespmem:s20+$0xFFFFFFD0];
	_ =	sdelay $0x4  }
0x173: {  	v1 =	vadd.f32 v1, v2;
	_ =	sdelay $0x1  }
0x174: {  	v1 =	vmax.f32 v1, $0.0e+00  }
0x175: {  	[tilespmem:s22+$0xFFFFFFD0] =	vst v1;
	v1 =	vld [tilespmem:s22+$0xFFFFFFE0]  }
0x176: {  	v2 =	vld [tilespmem:s20+$0xFFFFFFE0];
	_ =	sdelay $0x4  }
0x177: {  	v1 =	vadd.f32 v1, v2;
	_ =	sdelay $0x1  }
0x178: {  	v1 =	vmax.f32 v1, $0.0e+00  }
0x179: {  	[tilespmem:s22+$0xFFFFFFE0] =	vst v1;
	v1 =	vld [tilespmem:s22+$0xFFFFFFF0]  }
0x17a: {  	v2 =	vld [tilespmem:s20+$0xFFFFFFF0];
	_ =	sdelay $0x4  }
0x17b: {  	v1 =	vadd.f32 v1, v2;
	_ =	sdelay $0x1  }
0x17c: {  	v1 =	vmax.f32 v1, $0.0e+00  }
0x17d: {  	[tilespmem:s22+$0xFFFFFFF0] =	vst v1;
	v1 =	vld [tilespmem:s22+$0x0]  }
0x17e: {  	v2 =	vld [tilespmem:s20+$0x0];
	_ =	sdelay $0x4  }
0x17f: {  	v1 =	vadd.f32 v1, v2;
	_ =	sdelay $0x1  }
0x180: {  	v1 =	vmax.f32 v1, $0.0e+00  }
0x181: {  	[tilespmem:s22+$0x0] =	vst v1;
	v1 =	vld [tilespmem:s22+$0x10]  }
0x182: {  	v2 =	vld [tilespmem:s20+$0x10];
	_ =	sdelay $0x4  }
0x183: {  	v1 =	vadd.f32 v1, v2;
	_ =	sdelay $0x1  }
0x184: {  	v1 =	vmax.f32 v1, $0.0e+00  }
0x185: {  	[tilespmem:s22+$0x10] =	vst v1;
	v1 =	vld [tilespmem:s22+$0x20]  }
0x186: {  	v2 =	vld [tilespmem:s20+$0x20];
	_ =	sdelay $0x4  }
0x187: {  	v1 =	vadd.f32 v1, v2;
	_ =	sdelay $0x1  }
0x188: {  	v1 =	vmax.f32 v1, $0.0e+00  }
0x189: {  	[tilespmem:s22+$0x20] =	vst v1;
	v1 =	vld [tilespmem:s22+$0x30]  }
0x18a: {  	v2 =	vld [tilespmem:s20+$0x30];
	_ =	sdelay $0x4  }
0x18b: {  	v1 =	vadd.f32 v1, v2;
	_ =	sdelay $0x1  }
0x18c: {  	v1 =	vmax.f32 v1, $0.0e+00  }
0x18d: {  	[tilespmem:s22+$0x30] =	vst v1;
	v1 =	vld [tilespmem:s22+$0x40]  }
0x18e: {  	v2 =	vld [tilespmem:s20+$0x40];
	_ =	sdelay $0x4  }
0x18f: {  	v1 =	vadd.f32 v1, v2;
	_ =	sdelay $0x1  }
0x190: {  	v1 =	vmax.f32 v1, $0.0e+00  }
0x191: {  	[tilespmem:s22+$0x40] =	vst v1;
	v1 =	vld [tilespmem:s22+$0x50]  }
0x192: {  	v2 =	vld [tilespmem:s20+$0x50];
	_ =	sdelay $0x4  }
0x193: {  	v1 =	vadd.f32 v1, v2;
	_ =	sdelay $0x1  }
0x194: {  	v1 =	vmax.f32 v1, $0.0e+00  }
0x195: {  	[tilespmem:s22+$0x50] =	vst v1;
	v1 =	vld [tilespmem:s22+$0x60]  }
0x196: {  	v2 =	vld [tilespmem:s20+$0x60];
	_ =	sdelay $0x4  }
0x197: {  	v1 =	vadd.f32 v1, v2;
	_ =	sdelay $0x1  }
0x198: {  	v1 =	vmax.f32 v1, $0.0e+00  }
0x199: {  	[tilespmem:s22+$0x60] =	vst v1;
	v1 =	vld [tilespmem:s22+$0x70]  }
0x19a: {  	v2 =	vld [tilespmem:s20+$0x70];
	_ =	sdelay $0x2  }
.Ltmp2:
0x19b: {  	(pc) =	sbr.rel @p1 .LBB2_7-.Ltmp2, $3  }
0x19c: {  	_ = 	snop  }
0x19d: {  	v1 =	vadd.f32 v1, v2;
	_ =	sdelay $0x1  }
0x19e: {  	s22 =	sadd.s32 $0x100, s22;
	v1 =	vmax.f32 v1, $0.0e+00  }
0x19f: {  	s18 =	sadd.s32 $0x1, s18  }
0x1a0: {  	p1 =	sne.s32 s18, $0x3E  }
.Ltmp3:
0x1a1: {  	_ = 	snop;
	(pc) =	sbr.rel @p1 .LBB2_4-.Ltmp3, $3  }
0x1a2: {  	_ =	sdelay $0x1  }
0x1a3: {  	[tilespmem:s19+$0x70] =	vst v1  }
0x1a4: {  	[spmem:s1] =	stream.indirect.scatter.add.f32 [tilespmem:s13], [sflag:$0x8], $0x80, s12, s8, $0xb8;
	[tilespmem:$0x1DA80] =	vst v63  }
0x1a5: {  	_ =	swait.ge [sflag:s9], $0x2800  }
0x1a6: {  	[sflag:s9] =	ssyncset.done $0x0  }
0x1a7: {  	[sflag:s9] =	ssyncadd.s32 $0xFFFFD800  }
0x1a8: {  	_ =	swait.ge [sflag:s10], $0x2800  }
0x1a9: {  	[sflag:s10] =	ssyncset.done $0x0  }
0x1aa: {  	s18 =	simm.s32 $0x8;
	[sflag:s10] =	ssyncadd.s32 $0xFFFFD800  }
0x1ab: {  	_ =	swait.ge [sflag:s18], $0x2800  }
0x1ac: {  	[sflag:s18] =	ssyncset.done $0x0  }
0x1ad: {  	[sflag:s18] =	ssyncadd.s32 $0xFFFFD800;
	s18 =	simm.s32 $0x180  }
0x1ae: {  	s19 =	simm.s32 $0x2980;
	v1 =	vld [tilespmem:s18+$0xFFFFFF80]  }
0x1af: {  	v2 =	vld [tilespmem:s19+$0xFFFFFF80];
	_ =	sdelay $0x4  }
0x1b0: {  	v1 =	vadd.f32 v1, v2;
	_ =	sdelay $0x1  }
0x1b1: {  	v1 =	vmax.f32 v1, $0.0e+00  }
0x1b2: {  	[tilespmem:s18+$0xFFFFFF80] =	vst v1;
	v1 =	vld [tilespmem:s18+$0xFFFFFF90]  }
0x1b3: {  	v2 =	vld [tilespmem:s19+$0xFFFFFF90];
	_ =	sdelay $0x4  }
0x1b4: {  	v1 =	vadd.f32 v1, v2;
	_ =	sdelay $0x1  }
0x1b5: {  	v1 =	vmax.f32 v1, $0.0e+00  }
0x1b6: {  	[tilespmem:s18+$0xFFFFFF90] =	vst v1;
	v1 =	vld [tilespmem:s18+$0xFFFFFFA0]  }
0x1b7: {  	v2 =	vld [tilespmem:s19+$0xFFFFFFA0];
	_ =	sdelay $0x4  }
0x1b8: {  	v1 =	vadd.f32 v1, v2;
	_ =	sdelay $0x1  }
0x1b9: {  	v1 =	vmax.f32 v1, $0.0e+00  }
0x1ba: {  	[tilespmem:s18+$0xFFFFFFA0] =	vst v1;
	v1 =	vld [tilespmem:s18+$0xFFFFFFB0]  }
0x1bb: {  	v2 =	vld [tilespmem:s19+$0xFFFFFFB0];
	_ =	sdelay $0x4  }
0x1bc: {  	v1 =	vadd.f32 v1, v2;
	_ =	sdelay $0x1  }
0x1bd: {  	v1 =	vmax.f32 v1, $0.0e+00  }
0x1be: {  	[tilespmem:s18+$0xFFFFFFB0] =	vst v1;
	v1 =	vld [tilespmem:s18+$0xFFFFFFC0]  }
0x1bf: {  	v2 =	vld [tilespmem:s19+$0xFFFFFFC0];
	_ =	sdelay $0x4  }
0x1c0: {  	v1 =	vadd.f32 v1, v2;
	_ =	sdelay $0x1  }
0x1c1: {  	v1 =	vmax.f32 v1, $0.0e+00  }
0x1c2: {  	[tilespmem:s18+$0xFFFFFFC0] =	vst v1;
	v1 =	vld [tilespmem:s18+$0xFFFFFFD0]  }
0x1c3: {  	v2 =	vld [tilespmem:s19+$0xFFFFFFD0];
	_ =	sdelay $0x4  }
0x1c4: {  	v1 =	vadd.f32 v1, v2;
	_ =	sdelay $0x1  }
0x1c5: {  	v1 =	vmax.f32 v1, $0.0e+00  }
0x1c6: {  	[tilespmem:s18+$0xFFFFFFD0] =	vst v1;
	v1 =	vld [tilespmem:s18+$0xFFFFFFE0]  }
0x1c7: {  	v2 =	vld [tilespmem:s19+$0xFFFFFFE0];
	_ =	sdelay $0x4  }
0x1c8: {  	v1 =	vadd.f32 v1, v2;
	_ =	sdelay $0x1  }
0x1c9: {  	v1 =	vmax.f32 v1, $0.0e+00  }
0x1ca: {  	[tilespmem:s18+$0xFFFFFFE0] =	vst v1;
	v1 =	vld [tilespmem:s18+$0xFFFFFFF0]  }
0x1cb: {  	v2 =	vld [tilespmem:s19+$0xFFFFFFF0];
	_ =	sdelay $0x4  }
0x1cc: {  	v1 =	vadd.f32 v1, v2;
	_ =	sdelay $0x1  }
0x1cd: {  	v1 =	vmax.f32 v1, $0.0e+00  }
0x1ce: {  	[tilespmem:s18+$0xFFFFFFF0] =	vst v1;
	v1 =	vld [tilespmem:s18+$0x0]  }
0x1cf: {  	v2 =	vld [tilespmem:s19+$0x0];
	_ =	sdelay $0x4  }
0x1d0: {  	v1 =	vadd.f32 v1, v2;
	_ =	sdelay $0x1  }
0x1d1: {  	v1 =	vmax.f32 v1, $0.0e+00  }
0x1d2: {  	[tilespmem:s18+$0x0] =	vst v1;
	v1 =	vld [tilespmem:s18+$0x10]  }
0x1d3: {  	v2 =	vld [tilespmem:s19+$0x10];
	_ =	sdelay $0x4  }
0x1d4: {  	v1 =	vadd.f32 v1, v2;
	_ =	sdelay $0x1  }
0x1d5: {  	v1 =	vmax.f32 v1, $0.0e+00  }
0x1d6: {  	[tilespmem:s18+$0x10] =	vst v1;
	v1 =	vld [tilespmem:s18+$0x20]  }
0x1d7: {  	v2 =	vld [tilespmem:s19+$0x20];
	_ =	sdelay $0x4  }
0x1d8: {  	v1 =	vadd.f32 v1, v2;
	_ =	sdelay $0x1  }
0x1d9: {  	v1 =	vmax.f32 v1, $0.0e+00  }
0x1da: {  	[tilespmem:s18+$0x20] =	vst v1;
	v1 =	vld [tilespmem:s18+$0x30]  }
0x1db: {  	v2 =	vld [tilespmem:s19+$0x30];
	_ =	sdelay $0x4  }
0x1dc: {  	v1 =	vadd.f32 v1, v2;
	_ =	sdelay $0x1  }
0x1dd: {  	v1 =	vmax.f32 v1, $0.0e+00  }
0x1de: {  	[tilespmem:s18+$0x30] =	vst v1;
	v1 =	vld [tilespmem:s18+$0x40]  }
0x1df: {  	v2 =	vld [tilespmem:s19+$0x40];
	_ =	sdelay $0x4  }
0x1e0: {  	v1 =	vadd.f32 v1, v2;
	_ =	sdelay $0x1  }
0x1e1: {  	v1 =	vmax.f32 v1, $0.0e+00  }
0x1e2: {  	[tilespmem:s18+$0x40] =	vst v1;
	v1 =	vld [tilespmem:s18+$0x50]  }
0x1e3: {  	v2 =	vld [tilespmem:s19+$0x50];
	_ =	sdelay $0x4  }
0x1e4: {  	v1 =	vadd.f32 v1, v2;
	_ =	sdelay $0x1  }
0x1e5: {  	v1 =	vmax.f32 v1, $0.0e+00  }
0x1e6: {  	[tilespmem:s18+$0x50] =	vst v1;
	v1 =	vld [tilespmem:s18+$0x60]  }
0x1e7: {  	v2 =	vld [tilespmem:s19+$0x60];
	_ =	sdelay $0x4  }
0x1e8: {  	v1 =	vadd.f32 v1, v2;
	_ =	sdelay $0x1  }
0x1e9: {  	v1 =	vmax.f32 v1, $0.0e+00  }
0x1ea: {  	[tilespmem:s18+$0x60] =	vst v1;
	v1 =	vld [tilespmem:s18+$0x70]  }
0x1eb: {  	v2 =	vld [tilespmem:s19+$0x70];
	_ =	sdelay $0x4  }
0x1ec: {  	v1 =	vadd.f32 v1, v2;
	_ =	sdelay $0x1  }
0x1ed: {  	s20 =	simm.s32 $0x0;
	s21 =	simm.s32 $0x280;
	v1 =	vmax.f32 v1, $0.0e+00  }
.LBB2_10:
0x1ee: {  	v2 =	vld [tilespmem:s21+$0xFFFFFF80];
	[tilespmem:s18+$0x70] =	vst v1;
	s19 =	sadd.s32 $0x100, s19;
	s18 =	smov.u32 s21  }
0x1ef: {  	s20 =	sadd.s32 $0x2, s20;
	v1 =	vld [tilespmem:s19+$0xFFFFFF80]  }
0x1f0: {  	p1 =	slt.u32 s20, $0x4E;
	_ =	sdelay $0x3  }
0x1f1: {  	v1 =	vadd.f32 v2, v1;
	_ =	sdelay $0x1  }
0x1f2: {  	v1 =	vmax.f32 v1, $0.0e+00  }
0x1f3: {  	[tilespmem:s21+$0xFFFFFF80] =	vst v1;
	v1 =	vld [tilespmem:s21+$0xFFFFFF90]  }
0x1f4: {  	v2 =	vld [tilespmem:s19+$0xFFFFFF90];
	_ =	sdelay $0x4  }
0x1f5: {  	v1 =	vadd.f32 v1, v2;
	_ =	sdelay $0x1  }
0x1f6: {  	v1 =	vmax.f32 v1, $0.0e+00  }
0x1f7: {  	[tilespmem:s21+$0xFFFFFF90] =	vst v1;
	v1 =	vld [tilespmem:s21+$0xFFFFFFA0]  }
0x1f8: {  	v2 =	vld [tilespmem:s19+$0xFFFFFFA0];
	_ =	sdelay $0x4  }
0x1f9: {  	v1 =	vadd.f32 v1, v2;
	_ =	sdelay $0x1  }
0x1fa: {  	v1 =	vmax.f32 v1, $0.0e+00  }
0x1fb: {  	[tilespmem:s21+$0xFFFFFFA0] =	vst v1;
	v1 =	vld [tilespmem:s21+$0xFFFFFFB0]  }
0x1fc: {  	v2 =	vld [tilespmem:s19+$0xFFFFFFB0];
	_ =	sdelay $0x4  }
0x1fd: {  	v1 =	vadd.f32 v1, v2;
	_ =	sdelay $0x1  }
0x1fe: {  	v1 =	vmax.f32 v1, $0.0e+00  }
0x1ff: {  	[tilespmem:s21+$0xFFFFFFB0] =	vst v1;
	v1 =	vld [tilespmem:s21+$0xFFFFFFC0]  }
0x200: {  	v2 =	vld [tilespmem:s19+$0xFFFFFFC0];
	_ =	sdelay $0x4  }
0x201: {  	v1 =	vadd.f32 v1, v2;
	_ =	sdelay $0x1  }
0x202: {  	v1 =	vmax.f32 v1, $0.0e+00  }
0x203: {  	[tilespmem:s21+$0xFFFFFFC0] =	vst v1;
	v1 =	vld [tilespmem:s21+$0xFFFFFFD0]  }
0x204: {  	v2 =	vld [tilespmem:s19+$0xFFFFFFD0];
	_ =	sdelay $0x4  }
0x205: {  	v1 =	vadd.f32 v1, v2;
	_ =	sdelay $0x1  }
0x206: {  	v1 =	vmax.f32 v1, $0.0e+00  }
0x207: {  	[tilespmem:s21+$0xFFFFFFD0] =	vst v1;
	v1 =	vld [tilespmem:s21+$0xFFFFFFE0]  }
0x208: {  	v2 =	vld [tilespmem:s19+$0xFFFFFFE0];
	_ =	sdelay $0x4  }
0x209: {  	v1 =	vadd.f32 v1, v2;
	_ =	sdelay $0x1  }
0x20a: {  	v1 =	vmax.f32 v1, $0.0e+00  }
0x20b: {  	[tilespmem:s21+$0xFFFFFFE0] =	vst v1;
	v1 =	vld [tilespmem:s21+$0xFFFFFFF0]  }
0x20c: {  	v2 =	vld [tilespmem:s19+$0xFFFFFFF0];
	_ =	sdelay $0x4  }
0x20d: {  	v1 =	vadd.f32 v1, v2;
	_ =	sdelay $0x1  }
0x20e: {  	v1 =	vmax.f32 v1, $0.0e+00  }
0x20f: {  	[tilespmem:s21+$0xFFFFFFF0] =	vst v1;
	v1 =	vld [tilespmem:s21+$0x0]  }
0x210: {  	v2 =	vld [tilespmem:s19+$0x0];
	_ =	sdelay $0x4  }
0x211: {  	v1 =	vadd.f32 v1, v2;
	_ =	sdelay $0x1  }
0x212: {  	v1 =	vmax.f32 v1, $0.0e+00  }
0x213: {  	[tilespmem:s21+$0x0] =	vst v1;
	v1 =	vld [tilespmem:s21+$0x10]  }
0x214: {  	v2 =	vld [tilespmem:s19+$0x10];
	_ =	sdelay $0x4  }
0x215: {  	v1 =	vadd.f32 v1, v2;
	_ =	sdelay $0x1  }
0x216: {  	v1 =	vmax.f32 v1, $0.0e+00  }
0x217: {  	[tilespmem:s21+$0x10] =	vst v1;
	v1 =	vld [tilespmem:s21+$0x20]  }
0x218: {  	v2 =	vld [tilespmem:s19+$0x20];
	_ =	sdelay $0x4  }
0x219: {  	v1 =	vadd.f32 v1, v2;
	_ =	sdelay $0x1  }
0x21a: {  	v1 =	vmax.f32 v1, $0.0e+00  }
0x21b: {  	[tilespmem:s21+$0x20] =	vst v1;
	v1 =	vld [tilespmem:s21+$0x30]  }
0x21c: {  	v2 =	vld [tilespmem:s19+$0x30];
	_ =	sdelay $0x4  }
0x21d: {  	v1 =	vadd.f32 v1, v2;
	_ =	sdelay $0x1  }
0x21e: {  	v1 =	vmax.f32 v1, $0.0e+00  }
0x21f: {  	[tilespmem:s21+$0x30] =	vst v1;
	v1 =	vld [tilespmem:s21+$0x40]  }
0x220: {  	v2 =	vld [tilespmem:s19+$0x40];
	_ =	sdelay $0x4  }
0x221: {  	v1 =	vadd.f32 v1, v2;
	_ =	sdelay $0x1  }
0x222: {  	v1 =	vmax.f32 v1, $0.0e+00  }
0x223: {  	[tilespmem:s21+$0x40] =	vst v1;
	v1 =	vld [tilespmem:s21+$0x50]  }
0x224: {  	v2 =	vld [tilespmem:s19+$0x50];
	_ =	sdelay $0x4  }
0x225: {  	v1 =	vadd.f32 v1, v2;
	_ =	sdelay $0x1  }
0x226: {  	v1 =	vmax.f32 v1, $0.0e+00  }
0x227: {  	[tilespmem:s21+$0x50] =	vst v1;
	v1 =	vld [tilespmem:s21+$0x60]  }
0x228: {  	v2 =	vld [tilespmem:s19+$0x60];
	_ =	sdelay $0x4  }
0x229: {  	v1 =	vadd.f32 v1, v2;
	_ =	sdelay $0x1  }
0x22a: {  	v1 =	vmax.f32 v1, $0.0e+00  }
0x22b: {  	[tilespmem:s21+$0x60] =	vst v1;
	v1 =	vld [tilespmem:s21+$0x70]  }
0x22c: {  	v2 =	vld [tilespmem:s19+$0x70];
	_ =	sdelay $0x2  }
.Ltmp4:
0x22d: {  	(pc) =	sbr.rel @p1 .LBB2_10-.Ltmp4, $3  }
0x22e: {  	_ = 	snop  }
0x22f: {  	v1 =	vadd.f32 v1, v2;
	_ =	sdelay $0x1  }
0x230: {  	s21 =	sadd.s32 $0x100, s21;
	v1 =	vmax.f32 v1, $0.0e+00  }
0x231: {  	[tilespmem:s18+$0x70] =	vst v1  }
0x232: {  	[spmem:s1] =	stream.indirect.scatter.add.f32 [tilespmem:s6], [sflag:$0x4], $0x80, s2, s8, $0xb8;
	[tilespmem:$0x1DA80] =	vst v63  }
0x233: {  	_ =	swait.ge [sflag:s16], $0x2800  }
0x234: {  	[sflag:s16] =	ssyncset.done $0x0  }
0x235: {  	[sflag:s16] =	ssyncadd.s32 $0xFFFFD800  }
0x236: {  	[bflag:$0x0] =	sbarrier.arrive $0xFFFF  }
0x237: {  	s22 =	rddreg [dreg:$0xb]  }
0x238: {  	[tilespmem:s31], [sflag:$0x9] =	stream.linear.gather [spmem:s22], $0x2800, $0x38;
	[tilespmem:$0x1DA80] =	vst v63  }
0x239: {  	_ =	swait.ge [sflag:s0], $0x2800  }
0x23a: {  	[sflag:s0] =	ssyncset.done $0x0  }
0x23b: {  	s23 =	rddreg [dreg:$0x3];
	[sflag:s0] =	ssyncadd.s32 $0xFFFFD800  }
0x23c: {  	[hbm4b:s23+s3] =	stream.linear.scatter [tilespmem:s31], [sflag:$0x9], $0x2800, $0x38;
	[tilespmem:$0x1DA80] =	vst v63  }
0x23d: {  	_ =	swait.ge [sflag:s0], $0x2800  }
0x23e: {  	[sflag:s0] =	ssyncset.done $0x0  }
0x23f: {  	s23 =	rddreg [dreg:$0xc];
	[sflag:s0] =	ssyncadd.s32 $0xFFFFD800  }
0x240: {  	[tilespmem:s31], [sflag:$0x9] =	stream.linear.gather [spmem:s23], $0x2800, $0x38;
	[tilespmem:$0x1DA80] =	vst v63  }
0x241: {  	_ =	swait.ge [sflag:s0], $0x2800  }
0x242: {  	[sflag:s0] =	ssyncset.done $0x0  }
0x243: {  	s19 =	rddreg [dreg:$0x4];
	[sflag:s0] =	ssyncadd.s32 $0xFFFFD800  }
0x244: {  	[hbm4b:s19+s3] =	stream.linear.scatter [tilespmem:s31], [sflag:$0x9], $0x2800, $0x38;
	[tilespmem:$0x1DA80] =	vst v63  }
0x245: {  	_ =	swait.ge [sflag:s0], $0x2800  }
0x246: {  	[sflag:s0] =	ssyncset.done $0x0  }
0x247: {  	s20 =	rddreg [dreg:$0xd];
	[sflag:s0] =	ssyncadd.s32 $0xFFFFD800  }
0x248: {  	[tilespmem:s31], [sflag:$0x9] =	stream.linear.gather [spmem:s20], $0x2800, $0x38;
	[tilespmem:$0x1DA80] =	vst v63  }
0x249: {  	_ =	swait.ge [sflag:s0], $0x2800  }
0x24a: {  	[sflag:s0] =	ssyncset.done $0x0  }
0x24b: {  	s21 =	rddreg [dreg:$0x5];
	[sflag:s0] =	ssyncadd.s32 $0xFFFFD800  }
0x24c: {  	[hbm4b:s21+s3] =	stream.linear.scatter [tilespmem:s31], [sflag:$0x9], $0x2800, $0x38;
	[tilespmem:$0x1DA80] =	vst v63  }
0x24d: {  	_ =	swait.ge [sflag:s0], $0x2800  }
0x24e: {  	[sflag:s0] =	ssyncset.done $0x0  }
0x24f: {  	s19 =	rddreg [dreg:$0xe];
	[sflag:s0] =	ssyncadd.s32 $0xFFFFD800  }
0x250: {  	[tilespmem:s31], [sflag:$0x9] =	stream.linear.gather [spmem:s19], $0x2800, $0x38;
	[tilespmem:$0x1DA80] =	vst v63  }
0x251: {  	_ =	swait.ge [sflag:s0], $0x2800  }
0x252: {  	[sflag:s0] =	ssyncset.done $0x0  }
0x253: {  	s20 =	rddreg [dreg:$0x6];
	[sflag:s0] =	ssyncadd.s32 $0xFFFFD800  }
0x254: {  	[hbm4b:s20+s3] =	stream.linear.scatter [tilespmem:s31], [sflag:$0x9], $0x2800, $0x38;
	[tilespmem:$0x1DA80] =	vst v63  }
0x255: {  	_ =	swait.ge [sflag:s0], $0x2800  }
0x256: {  	[sflag:s0] =	ssyncset.done $0x0  }
0x257: {  	s21 =	rddreg [dreg:$0xf];
	[sflag:s0] =	ssyncadd.s32 $0xFFFFD800  }
0x258: {  	[tilespmem:s31], [sflag:$0x9] =	stream.linear.gather [spmem:s21], $0x2800, $0x38;
	[tilespmem:$0x1DA80] =	vst v63  }
0x259: {  	_ =	swait.ge [sflag:s0], $0x2800  }
0x25a: {  	[sflag:s0] =	ssyncset.done $0x0  }
0x25b: {  	s19 =	rddreg [dreg:$0x7];
	[sflag:s0] =	ssyncadd.s32 $0xFFFFD800  }
0x25c: {  	[hbm4b:s19+s3] =	stream.linear.scatter [tilespmem:s31], [sflag:$0x9], $0x2800, $0x38;
	[tilespmem:$0x1DA80] =	vst v63  }
0x25d: {  	_ =	swait.ge [sflag:s0], $0x2800  }
0x25e: {  	[sflag:s0] =	ssyncset.done $0x0  }
0x25f: {  	s20 =	rddreg [dreg:$0x10];
	[sflag:s0] =	ssyncadd.s32 $0xFFFFD800  }
0x260: {  	[tilespmem:s31], [sflag:$0x9] =	stream.linear.gather [spmem:s20], $0x2800, $0x38;
	[tilespmem:$0x1DA80] =	vst v63  }
0x261: {  	_ =	swait.ge [sflag:s0], $0x2800  }
0x262: {  	[sflag:s0] =	ssyncset.done $0x0  }
0x263: {  	s21 =	rddreg [dreg:$0x8];
	[sflag:s0] =	ssyncadd.s32 $0xFFFFD800  }
0x264: {  	[hbm4b:s21+s3] =	stream.linear.scatter [tilespmem:s31], [sflag:$0x9], $0x2800, $0x38;
	[tilespmem:$0x1DA80] =	vst v63  }
0x265: {  	_ =	swait.ge [sflag:s0], $0x2800  }
0x266: {  	[sflag:s0] =	ssyncset.done $0x0  }
0x267: {  	s19 =	rddreg [dreg:$0x11];
	[sflag:s0] =	ssyncadd.s32 $0xFFFFD800  }
0x268: {  	[tilespmem:s31], [sflag:$0x9] =	stream.linear.gather [spmem:s19], $0x2800, $0x38;
	[tilespmem:$0x1DA80] =	vst v63  }
0x269: {  	_ =	swait.ge [sflag:s0], $0x2800  }
0x26a: {  	[sflag:s0] =	ssyncset.done $0x0  }
0x26b: {  	s20 =	rddreg [dreg:$0x9];
	[sflag:s0] =	ssyncadd.s32 $0xFFFFD800  }
0x26c: {  	[hbm4b:s20+s3] =	stream.linear.scatter [tilespmem:s31], [sflag:$0x9], $0x2800, $0x38;
	[tilespmem:$0x1DA80] =	vst v63  }
0x26d: {  	_ =	swait.ge [sflag:s0], $0x2800  }
0x26e: {  	[sflag:s0] =	ssyncset.done $0x0  }
0x26f: {  	s18 =	simm.s32 @!p0 $0x2900;
	s19 =	rddreg [dreg:$0x12];
	[sflag:s0] =	ssyncadd.s32 $0xFFFFD800  }
0x270: {  	[tilespmem:s18], [sflag:$0x9] =	stream.linear.gather @!p0 [spmem:s19], $0x2800, $0x38;
	[tilespmem:$0x1DA80] =	vst v63  }
0x271: {  	s19 =	simm.s32 @!p0 $0x9  }
0x272: {  	_ =	swait.ge @!p0 [sflag:s19], $0x2800  }
0x273: {  	[sflag:s19] =	ssyncset.done @!p0 $0x0  }
0x274: {  	s20 =	simm.s32 @!p0 $0x0;
	s21 =	rddreg [dreg:$0xa];
	[sflag:s19] =	ssyncadd.s32 @!p0 $0xFFFFD800  }
0x275: {  	[hbm4b:s21+s20] =	stream.linear.scatter @!p0 [tilespmem:s18], [sflag:$0x9], $0x2800, $0x38;
	[tilespmem:$0x1DA80] =	vst v63  }
0x276: {  	_ =	swait.ge @!p0 [sflag:s19], $0x2800  }
0x277: {  	s17 =	sadd.s32 $0x1, s17;
	s21 =	rddreg [dreg:$0x16]  }
0x278: {  	p1 =	sne.s32 s17, s21  }
.Ltmp5:
0x279: {  	_ = 	snop;
	(pc) =	sbr.rel @p1 .LBB2_1-.Ltmp5, $3  }
0x27a: {  	_ =	sdelay $0x1  }
0x27b: {  	[sflag:s19] =	ssyncset.done @!p0 $0x0  }
0x27c: {  	[sflag:s19] =	ssyncadd.s32 @!p0 $0xFFFFD800  }
0x27d: {  	_ =	sfence.sel $0x180000  }
0x27e: {  	[bflag:$0x0] =	sbarrier.arrive $0xFFFF  }
0x27f: {  	_ =	strace $0x9000004A  }
0x280: {  	s0 =	stileid.u32;
	[bflag:$0x2] =	sbarrier.arrive $0xFFFF  }
0x281: {  	p0 =	sne.s32 s0, $0x0;
	s0 =	rddreg [dreg:$0x2]  }
0x282: {  	s0 =	sadd.s32 @!p0 $0x100000, s0  }
0x283: {  	[sflag:s0] =	ssyncadd.tile.s32 @!p0 $0x1;
	_ =	shalt  }
.Lfunc_end2:
_tile_overlayer_lowered:
.L_overlay_start_2:
0x284: {  	(tag) =	ssettag $0x2  }
0x285: {  	s0 =	rddreg [dreg:$0x0];
	s2 =	stileid.u32  }
0x286: {  	s1 =	rddreg [dreg:$0x1];
	p0 =	sne.s32 s2, $0x0  }
0x287: {  	s3 =	rddreg [dreg:$0x2];
	[bflag:$0x3] =	sbarrier.arrive $0xFFFF;
	s2 =	simm.s32 @!p0 $0x1C09  }
0x288: {  	[timem:s3], [sflag:s2] =	dma.local @!p0 [hbm:s0], s1  }
0x289: {  	s0 =	simm.s32 @!p0 $0x9  }
0x28a: {  	_ =	swait.ge @!p0 [sflag:s0], s1  }
0x28b: {  	s1 =	ssub.s32 @!p0 $0x0, s1;
	[sflag:s0] =	ssyncset.done @!p0 $0x0  }
0x28c: {  	[sflag:s0] =	ssyncadd.s32 @!p0 s1  }
0x28d: {  	[bflag:$0x3] =	sbarrier.arrive $0xFFFF  }
0x28e: {  	_ =	shalt  }

// kernel: kernel.8.cloned.1.call-start
scs
__scs_entry_jumppad:
0x0: {  	(pc) =	sbr.rel $0x88, $3  }
0x1: {  	(tag) =	ssettag $0x0;
	lr =	simm.s32 $0x1  }
0x2: {  	[smem:$0x3F8B] =	sst lr;
	_ =	strace $0xD0000000  }
0x3: {  	_ = 	snop  }
0x4: {  	_ = 	snop  }
0x5: {  	_ = 	snop  }
0x6: {  	_ = 	snop  }
0x7: {  	_ = 	snop  }
__scs_overlays_trampoline_lowered:
0x8: {  	[smem:$0x3F9A] =	sst s0  }
0x9: {  	[smem:$0x3F9B] =	sst s1  }
0xa: {  	[smem:$0x3F9C] =	sst s2  }
0xb: {  	[smem:$0x3F9D] =	sst s3  }
0xc: {  	[smem:$0x3F9E] =	sst s4  }
0xd: {  	[smem:$0x3F9F] =	sst s5  }
0xe: {  	[smem:$0x3FA0] =	sst s6  }
0xf: {  	[smem:$0x3FA1] =	sst s7  }
0x10: {  	[smem:$0x3FA2] =	sst s8  }
0x11: {  	[smem:$0x3FA3] =	sst s9;
	s0 =	simm.s32 @!p0 $0x0  }
0x12: {  	s1 =	sld [smem:$0x3F89];
	s0 =	simm.s32 @p0 $0x1  }
0x13: {  	[smem:$0x3FA4] =	sst s0;
	s0 =	simm.s32 @!p1 $0x0  }
0x14: {  	s2 =	sld [smem:$0x3F88];
	s0 =	simm.s32 @p1 $0x1  }
0x15: {  	[smem:$0x3FA5] =	sst s0;
	s0 =	simm.s32 @!p2 $0x0  }
0x16: {  	s3 =	sld [smem:$0x3FDB];
	s0 =	simm.s32 @p2 $0x1  }
0x17: {  	s4 =	simm.s32 $0x1BF5;
	[smem:$0x3FA7] =	sst s0  }
0x18: {  	s0 =	sld [smem:$0x3F8A];
	_ =	swait.ge [sflag:s4], $0x0  }
0x19: {  	s7 =	sld [smem:$0x3F8B]  }
0x1a: {  	s8 =	sadd.s32 $0xFFFFE003, lr  }
0x1b: {  	s9 =	sadd.s32 $0xFFFFFEF7, lr;
	s5 =	simm.s32 $0xFFFFFFFF;
	p2 =	slt.u32 s8, $0xFFFFF086  }
0x1c: {  	p1 =	slt.u32 s9, $0xF7A;
	s5 =	simm.s32 @!p2 $0x0  }
0x1d: {  	s5 =	simm.s32 @p1 $0x1;
	p0 =	seq.s32 s7, s2  }
0x1e: {  	s7 =	smul.u32 @!p0 $0xF7A, s2;
	p2 =	seq.s32 @!p0 s5, $0x0  }
0x1f: {  	s9 =	smul.u32 $0xF7A, s1;
	s8 =	simm.s32 @!p0 $0x1BF5;
	p2 =	por !p2, p0  }
0x20: {  	[sflag:s8] =	ssyncset.s32 @!p0 $0xFFFFF086;
	s6 =	sadd.s32 @!p0 s3, s7;
	s7 =	simm.s32 @!p0 $0x108  }
0x21: {  	s3 =	sadd.s32 s3, s9;
	s6 =	sadd.s32 @!p0 $0x88, s6;
	s7 =	simm.s32 @p2 $0x1082  }
0x22: {  	[simem:s7], [sflag:s8] =	dma.local @!p0 [hbm:s6], $0xF7A  }
0x23: {  	s9 =	sor.u32 $0xD0000000, s2;
	s6 =	simm.s32 $0x108;
	_ =	swait.ge @!p0 [sflag:s8], $0x0  }
0x24: {  	s3 =	sadd.s32 $0x88, s3;
	s6 =	simm.s32 @!p1 $0x1082;
	[sflag:s4] =	ssyncset.s32 $0xFFFFF086  }
0x25: {  	[simem:s6], [sflag:s4] =	dma.local [hbm:s3], $0xF7A  }
0x26: {  	[smem:$0x3F8B] =	sst s1;
	(tag) =	ssettag s2;
	_ =	strace s9  }
0x27: {  	s1 =	sld [smem:$0x3F9B]  }
0x28: {  	s2 =	sld [smem:$0x3F9C]  }
0x29: {  	s4 =	sld [smem:$0x3F9E]  }
0x2a: {  	p0 =	seq.s32 s5, $0x0;
	s5 =	sld [smem:$0x3F9F]  }
0x2b: {  	s6 =	sld [smem:$0x3FA0]  }
0x2c: {  	s7 =	sld [smem:$0x3FA1]  }
0x2d: {  	s3 =	simm.s32 $0x108;
	s8 =	sld [smem:$0x3FA2]  }
0x2e: {  	s3 =	simm.s32 @!p0 $0x1082;
	s9 =	sld [smem:$0x3FA3]  }
0x2f: {  	lr =	sadd.s32 s0, s3;
	s0 =	sld [smem:$0x3F9A]  }
0x30: {  	s3 =	sld [smem:$0x3F9D]  }
0x31: {  	[smem:$0x3FA6] =	sst s10  }
0x32: {  	s10 =	sld [smem:$0x3FA4];
	_ =	sdelay $0x3  }
0x33: {  	p0 =	seq.s32 s10, $0x1;
	s10 =	sld [smem:$0x3FA6];
	_ =	sdelay $0x3  }
0x34: {  	[smem:$0x3FA6] =	sst s10  }
0x35: {  	s10 =	sld [smem:$0x3FA5];
	_ =	sdelay $0x3  }
0x36: {  	p1 =	seq.s32 s10, $0x1;
	s10 =	sld [smem:$0x3FA6];
	_ =	sdelay $0x3  }
0x37: {  	[smem:$0x3FA6] =	sst s10  }
0x38: {  	s10 =	sld [smem:$0x3FA7]  }
0x39: {  	_ = 	snop;
	(pc) =	sbr.ind lr, $3  }
0x3a: {  	_ = 	snop  }
0x3b: {  	_ = 	snop  }
0x3c: {  	p2 =	seq.s32 s10, $0x1;
	s10 =	sld [smem:$0x3FA6]  }
0x3d: {  	_ =	shalt  }
0x3e: {  	_ =	shalt  }
0x3f: {  	_ =	shalt  }
0x40: {  	_ =	shalt  }
0x41: {  	_ =	shalt  }
0x42: {  	_ =	shalt  }
0x43: {  	_ =	shalt  }
0x44: {  	_ =	shalt  }
0x45: {  	_ =	shalt  }
0x46: {  	_ =	shalt  }
0x47: {  	_ =	shalt  }
0x48: {  	_ =	shalt  }
0x49: {  	_ =	shalt  }
0x4a: {  	_ =	shalt  }
0x4b: {  	_ =	shalt  }
0x4c: {  	_ =	shalt  }
0x4d: {  	_ =	shalt  }
0x4e: {  	_ =	shalt  }
0x4f: {  	_ =	shalt  }
0x50: {  	_ =	shalt  }
0x51: {  	_ =	shalt  }
0x52: {  	_ =	shalt  }
0x53: {  	_ =	shalt  }
0x54: {  	_ =	shalt  }
0x55: {  	_ =	shalt  }
0x56: {  	_ =	shalt  }
0x57: {  	_ =	shalt  }
0x58: {  	_ =	shalt  }
0x59: {  	_ =	shalt  }
0x5a: {  	_ =	shalt  }
0x5b: {  	_ =	shalt  }
0x5c: {  	_ =	shalt  }
0x5d: {  	_ =	shalt  }
0x5e: {  	_ =	shalt  }
0x5f: {  	_ =	shalt  }
0x60: {  	_ =	shalt  }
0x61: {  	_ =	shalt  }
0x62: {  	_ =	shalt  }
0x63: {  	_ =	shalt  }
0x64: {  	_ =	shalt  }
0x65: {  	_ =	shalt  }
0x66: {  	_ =	shalt  }
0x67: {  	_ =	shalt  }
0x68: {  	_ =	shalt  }
0x69: {  	_ =	shalt  }
0x6a: {  	_ =	shalt  }
0x6b: {  	_ =	shalt  }
0x6c: {  	_ =	shalt  }
0x6d: {  	_ =	shalt  }
0x6e: {  	_ =	shalt  }
0x6f: {  	_ =	shalt  }
0x70: {  	_ =	shalt  }
0x71: {  	_ =	shalt  }
0x72: {  	_ =	shalt  }
0x73: {  	_ =	shalt  }
0x74: {  	_ =	shalt  }
0x75: {  	_ =	shalt  }
0x76: {  	_ =	shalt  }
0x77: {  	_ =	shalt  }
0x78: {  	_ =	shalt  }
0x79: {  	_ =	shalt  }
0x7a: {  	_ =	shalt  }
0x7b: {  	_ =	shalt  }
0x7c: {  	_ =	shalt  }
0x7d: {  	_ =	shalt  }
0x7e: {  	_ =	shalt  }
0x7f: {  	_ =	shalt  }
0x80: {  	_ =	shalt  }
0x81: {  	_ =	shalt  }
0x82: {  	_ =	shalt  }
0x83: {  	_ =	shalt  }
0x84: {  	_ =	shalt  }
0x85: {  	_ =	shalt  }
0x86: {  	_ =	shalt  }
0x87: {  	_ =	shalt  }
.Lfunc_end0:
.L_simem_size_0:
called_computation_lowered:
.L_overlay_start_0:
0x88: {  	s2 =	sld [smem:$0x3FD9]  }
0x89: {  	s3 =	sld [smem:$0x3FFE];
	_ =	sdelay $0x1  }
0x8a: {  	s1 =	srdreg.scid  }
0x8b: {  	s0 =	sand.u32 $0x1, s1  }
0x8c: {  	s17 =	sshll.u32 s0, $0xA;
	s2 =	sadd.s32 s3, s2  }
0x8d: {  	s2 =	sadd.s32 s2, s17  }
0x8e: {  	[smem:$0x3FB2] =	sst s2  }
0x8f: {  	_ = 	snop  }
0x90: {  	s2 =	sld [smem:$0x3FC9];
	(tm) =	ssettm $0x1  }
0x91: {  	s18 =	sld [smem:$0x3FFB];
	_ =	sdelay $0x3  }
0x92: {  	_ =	strace s18  }
0x93: {  	s3 =	sld [smem:$0x3FFC];
	_ =	sdelay $0x3  }
0x94: {  	_ =	strace s3  }
0x95: {  	s3 =	sld [smem:$0x3FFD];
	_ =	sdelay $0x3  }
0x96: {  	_ =	strace s3  }
0x97: {  	_ =	strace $0x8FFFFFFF  }
0x98: {  	s19 =	sld [smem:$0x3FDB];
	_ =	sdelay $0x1  }
0x99: {  	s4 =	simm.s32 $_scs_section_size  }
0x9a: {  	s5 =	simm.s32 $_size__tile_overlayer_lowered;
	s6 =	simm.s32 $_tile_overlayer_lowered  }
0x9b: {  	s22 =	simm.s32 $0x1BFF;
	s21 =	sshll.u32 s6, $0x1;
	s3 =	sadd.s32 s4, s19  }
0x9c: {  	s7 =	simm.s32 $0x0;
	s20 =	sshll.u32 s5, $0x1;
	s5 =	sadd.s32 s21, s3  }
0x9d: {  	[timem:s7], [sflag:s22] =	dma.local [hbm:s5], s20  }
0x9e: {  	_ =	swait.ge [sflag:s22], s20  }
0x9f: {  	s4 =	ssub.s32 $0x0, s20;
	[sflag:s22] =	ssyncset.done $0x0  }
0xa0: {  	[sflag:s22] =	ssyncadd.s32 s4;
	_ =	sdelay $0x1  }
0xa1: {  	s23 =	simm.s32 $0x1B8B  }
0xa2: {  	_ =	swait.ge [sflag:s23], $0x1  }
0xa3: {  	[sflag:s23] =	ssyncset.done $0x0  }
0xa4: {  	s25 =	simm.s32 $0x1B8E;
	s24 =	sld [smem:$0x3FFE];
	[sflag:s23] =	ssyncadd.s32 $0xFFFFFFFF  }
0xa5: {  	s26 =	simm.s32 $execute0_lowered;
	[smem:$0x3FD2] =	sst s25  }
0xa6: {  	s5 =	sshll.u32 s26, $0x1;
	_ =	strace $0x80000046;
	[dreg:$0x1] =	wrdreg $0xFFFFFFFF  }
0xa7: {  	s28 =	simm.s32 $_size_execute0_lowered;
	s3 =	sadd.s32 s3, s5;
	[dreg:$0x0] =	wrdreg $0x0  }
0xa8: {  	s5 =	sshll.u32 s28, $0x1;
	[dreg:$0x2] =	wrdreg s3  }
0xa9: {  	[dreg:$0x3] =	wrdreg s5  }
0xaa: {  	[dreg:$0x4] =	wrdreg $0xC0  }
0xab: {  	_ =	task [dreg:s7], $0x5FFFF  }
0xac: {  	[dreg:$0x1] =	wrdreg $0xFFFFFFFF  }
0xad: {  	[dreg:$0x0] =	wrdreg $0x60  }
0xae: {  	[dreg:$0x2] =	wrdreg s2  }
0xaf: {  	[dreg:$0x3] =	wrdreg s24  }
0xb0: {  	[dreg:$0x4] =	wrdreg $0xA2000  }
0xb1: {  	[dreg:$0x5] =	wrdreg $0x9  }
0xb2: {  	_ =	task.clear_ibuf [dreg:s7], $0x6FFFF;
	_ =	strace $0x90000046  }
0xb3: {  	s29 =	simm.s32 $0x9;
	_ =	strace $0x80000048  }
0xb4: {  	_ =	swait.ge [sflag:s29], $0x1  }
0xb5: {  	[sflag:s29] =	ssyncadd.s32 $0xFFFFFFFF  }
0xb6: {  	_ =	strace $0x90000048  }
0xb7: {  	_ =	sfence  }
0xb8: {  	s30 =	sld [smem:$0x0];
	_ =	sdelay $0x2  }
0xb9: {  	s31 =	sshll.u32 s1, $0xD;
	s1 =	sshrl.u32 s1, $0x2  }
0xba: {  	s3 =	sand.u32 $0x4000, s31;
	s1 =	sadd.s32 s1, s30  }
0xbb: {  	s0 =	sor.u32 s3, s0;
	s1 =	sshll.u32 s1, $0x11  }
0xbc: {  	s0 =	sor.u32 s1, s0  }
0xbd: {  	s0 =	sadd.s32 $0x8F2B, s0  }
0xbe: {  	[sflag:s0] =	ssyncadd.remote.s32 $0x1  }
0xbf: {  	_ =	sfence.sel $0xFFFF  }
0xc0: {  	[dreg:$0x0] =	wrdreg $0xFFFFFFFF;
	(pc) =	sbr.abs _section_cstart, $3  }
0xc1: {  	[dreg:$0x1] =	wrdreg $0xFFFFFFFF  }
0xc2: {  	_ =	task.clear_ibuf [dreg:s7], $0x2FFFF;
	_ =	strace $0x9FFFFFFF  }
0xc3: {  	(tm) =	ssettm $0x7FFFFFFF  }
tec
execute0_lowered:
.L_overlay_start_1:
0x0: {  	(tag) =	ssettag $0x1  }
0x1: {  	s1 =	rddreg [dreg:$0x0]  }
0x2: {  	s3 =	rddreg [dreg:$0x1]  }
0x3: {  	s2 =	rddreg [dreg:$0x2]  }
0x4: {  	s0 =	srdreg.scid;
	s4 =	simm.s32 $0x0;
	s24 =	stileid.u32  }
0x5: {  	s31 =	simm.s32 $0x2900;
	s6 =	sand.u32 $0x1, s0;
	s9 =	smul.u32 $0x50, s24  }
0x6: {  	s30 =	simm.s32 $0x6;
	s8 =	sor.u32 $0x10, s24;
	s7 =	smul.u32 $0x2710, s6  }
0x7: {  	[smem:$0x7FF] =	sst s4;
	s10 =	sor.u32 $0x20, s24;
	s11 =	smul.u32 $0x50, s8  }
0x8: {  	s5 =	sadd.s32 $0xCA00, s3;
	s12 =	sor.u32 $0x30, s24;
	s13 =	smul.u32 $0x50, s10  }
0x9: {  	s14 =	sadd.s32 $0x16800, s3;
	s16 =	sor.u32 $0x40, s24;
	s15 =	smul.u32 $0x50, s12  }
0xa: {  	s17 =	sor.u32 $0x50, s24;
	s20 =	sor.u32 $0x60, s24;
	s18 =	smul.u32 $0x50, s16  }
0xb: {  	p0 =	sgt.u32 s24, $0xC;
	s0 =	ssub.s32 $0x2, s6;
	s21 =	smul.u32 $0x50, s17  }
0xc: {  	_ =	strace $0x80000047;
	s22 =	smul.u32 $0x50, s20;
	s19 =	sshrl.u32 s0, $0x1  }
0xd: {  	s8 =	smul.u32 $0xA000, s8;
	s6 =	sshll.u32 s6, $0x4;
	s0 =	ssub.s32 s0, s19  }
0xe: {  	s19 =	sor.u32 $0x70, s24;
	s9 =	sadd.s32 s9, s7;
	s11 =	sadd.s32 s7, s11  }
0xf: {  	s13 =	sadd.s32 s7, s13;
	s15 =	sadd.s32 s7, s15;
	s18 =	sadd.s32 s7, s18  }
0x10: {  	s21 =	sadd.s32 s7, s21;
	s22 =	sadd.s32 s7, s22;
	s8 =	sshrl.u32 s8, $0x2  }
0x11: {  	s23 =	smul.u32 $0x50, s19;
	s9 =	sshll.u32 s9, $0x4;
	s11 =	sshll.u32 s11, $0x4  }
0x12: {  	s13 =	sshll.u32 s13, $0x4;
	s15 =	sshll.u32 s15, $0x4;
	s25 =	sshll.u32 s18, $0x4  }
0x13: {  	s0 =	smax.u32 s0, $0x1;
	s9 =	sadd.s32 s14, s9;
	s11 =	sadd.s32 s14, s11  }
0x14: {  	s26 =	sadd.s32 s14, s15;
	s15 =	sshll.u32 s22, $0x4;
	[dreg:$0x17] =	wrdreg s0  }
0x15: {  	s0 =	simm.s32 $0x9;
	s7 =	sadd.s32 s7, s23;
	[dreg:$0x4] =	wrdreg s9  }
0x16: {  	s23 =	smul.u32 $0xA000, s24;
	[dreg:$0x5] =	wrdreg s11;
	s9 =	sadd.s32 s14, s13  }
0x17: {  	[dreg:$0x7] =	wrdreg s26;
	s13 =	sshll.u32 s21, $0x4;
	s21 =	smul.u32 $0xA000, s10  }
0x18: {  	s11 =	sadd.s32 s14, s25;
	s18 =	sadd.s32 s14, s15;
	s26 =	smul.u32 $0xA000, s12  }
0x19: {  	s15 =	sadd.s32 $0x4F8800, s3;
	s25 =	sor.u32 s24, s6;
	s12 =	smul.u32 $0xA000, s17  }
0x1a: {  	s24 =	simm.s32 $0x5;
	[dreg:$0x8] =	wrdreg s11;
	s11 =	smul.u32 $0xA000, s16  }
0x1b: {  	[dreg:$0x6] =	wrdreg s9;
	s9 =	sadd.s32 s14, s13;
	s13 =	smul.u32 $0xA000, s20  }
0x1c: {  	s7 =	sshll.u32 s7, $0x4;
	[dreg:$0xa] =	wrdreg s18;
	s16 =	smul.u32 $0xA000, s19  }
0x1d: {  	s18 =	smul.u32 $0x2710, s25;
	[dreg:$0x9] =	wrdreg s9;
	s7 =	sadd.s32 s14, s7  }
0x1e: {  	s14 =	sadd.s32 $0x2C00, s3;
	s10 =	sshrl.u32 s23, $0x2;
	s23 =	sadd.s32 s8, s2  }
0x1f: {  	s6 =	sshrl.u32 s26, $0x2;
	s8 =	sshrl.u32 s12, $0x2;
	s3 =	smul.u32 $0x27100, s25  }
0x20: {  	s9 =	simm.s32 $0x3;
	s12 =	simm.s32 $0x5180;
	[dreg:$0xb] =	wrdreg s7  }
0x21: {  	s22 =	sadd.s32 s10, s2;
	s7 =	sshrl.u32 s21, $0x2;
	s6 =	sadd.s32 s6, s2  }
0x22: {  	s17 =	sshrl.u32 s11, $0x2;
	s19 =	sadd.s32 s8, s2;
	s20 =	sshrl.u32 s13, $0x2  }
0x23: {  	s21 =	sshrl.u32 s18, $0x3;
	s28 =	sadd.s32 $0x50, s18;
	[dreg:$0xd] =	wrdreg s23  }
0x24: {  	s29 =	sadd.s32 $0xA0, s18;
	s8 =	simm.s32 $0x50;
	[dreg:$0xf] =	wrdreg s6  }
0x25: {  	s10 =	simm.s32 $0x2;
	s11 =	simm.s32 $0x5100;
	[dreg:$0x11] =	wrdreg s19  }
0x26: {  	s13 =	simm.s32 $0x5200;
	s7 =	sadd.s32 s7, s2;
	[dreg:$0xc] =	wrdreg s22  }
0x27: {  	s6 =	sshrl.u32 s16, $0x2;
	s25 =	sadd.s32 s5, s21;
	[dreg:$0xe] =	wrdreg s7  }
0x28: {  	s26 =	sadd.s32 s14, s21;
	s3 =	sadd.s32 s15, s3;
	[dreg:$0x14] =	wrdreg s25  }
0x29: {  	s16 =	simm.s32 $0x4;
	s7 =	sadd.s32 s17, s2;
	[dreg:$0x15] =	wrdreg s26  }
0x2a: {  	s6 =	sadd.s32 s6, s2;
	[dreg:$0x16] =	wrdreg s3;
	s3 =	simm.s32 $0x80  }
0x2b: {  	s25 =	simm.s32 $0x7A00;
	s26 =	simm.s32 $0x7;
	[dreg:$0x10] =	wrdreg s7  }
0x2c: {  	s17 =	simm.s32 $0x0;
	s7 =	sadd.s32 s20, s2;
	[dreg:$0x13] =	wrdreg s6  }
0x2d: {  	v0 =	vimm.f32 $0.0e+00;
	s6 =	simm.s32 $0x100;
	[dreg:$0x12] =	wrdreg s7;
	s7 =	simm.s32 $0x1  }
.LBB2_1:
0x2e: {  	s18 =	simm.s32 $0x2940  }
0x2f: {  	[tilespmem:s18+$0xFFFFFFC0] =	vst v0  }
0x30: {  	[tilespmem:s18+$0x30] =	vst v0  }
0x31: {  	[tilespmem:s18+$0x20] =	vst v0  }
0x32: {  	[tilespmem:s18+$0x10] =	vst v0  }
0x33: {  	[tilespmem:s18+$0x0] =	vst v0  }
0x34: {  	[tilespmem:s18+$0xFFFFFFF0] =	vst v0  }
0x35: {  	s19 =	simm.s32 $0x0;
	[tilespmem:s18+$0xFFFFFFE0] =	vst v0  }
.LBB2_2:
0x36: {  	s19 =	sadd.s32 $0x8, s19;
	[tilespmem:s18+$0xFFFFFFD0] =	vst v0;
	s18 =	sadd.s32 $0x80, s18  }
0x37: {  	[tilespmem:s18+$0xFFFFFFC0] =	vst v0;
	p1 =	slt.u32 s19, $0x278  }
0x38: {  	[tilespmem:s18+$0x30] =	vst v0  }
.Ltmp0:
0x39: {  	[tilespmem:s18+$0x20] =	vst v0;
	(pc) =	sbr.rel @p1 .LBB2_2-.Ltmp0, $4  }
0x3a: {  	[tilespmem:s18+$0x10] =	vst v0  }
0x3b: {  	[tilespmem:s18+$0x0] =	vst v0  }
0x3c: {  	[tilespmem:s18+$0xFFFFFFF0] =	vst v0  }
0x3d: {  	[tilespmem:s18+$0xFFFFFFE0] =	vst v0  }
0x3e: {  	[tilespmem:s18+$0xFFFFFFD0] =	vst v0  }
0x3f: {  	[spmem:s22] =	stream.linear.scatter [tilespmem:s31], [sflag:$0x9], $0x2800, $0x38;
	[tilespmem:$0x1DA80] =	vst v63  }
0x40: {  	_ =	swait.ge [sflag:s0], $0x2800  }
0x41: {  	[sflag:s0] =	ssyncset.done $0x0  }
0x42: {  	[sflag:s0] =	ssyncadd.s32 $0xFFFFD800  }
0x43: {  	[spmem:s23] =	stream.linear.scatter [tilespmem:s31], [sflag:$0x9], $0x2800, $0x38;
	[tilespmem:$0x1DA80] =	vst v63  }
0x44: {  	_ =	swait.ge [sflag:s0], $0x2800  }
0x45: {  	[sflag:s0] =	ssyncset.done $0x0  }
0x46: {  	s21 =	rddreg [dreg:$0xe];
	[sflag:s0] =	ssyncadd.s32 $0xFFFFD800  }
0x47: {  	[spmem:s21] =	stream.linear.scatter [tilespmem:s31], [sflag:$0x9], $0x2800, $0x38;
	[tilespmem:$0x1DA80] =	vst v63  }
0x48: {  	_ =	swait.ge [sflag:s0], $0x2800  }
0x49: {  	[sflag:s0] =	ssyncset.done $0x0  }
0x4a: {  	s22 =	rddreg [dreg:$0xf];
	[sflag:s0] =	ssyncadd.s32 $0xFFFFD800  }
0x4b: {  	[spmem:s22] =	stream.linear.scatter [tilespmem:s31], [sflag:$0x9], $0x2800, $0x38;
	[tilespmem:$0x1DA80] =	vst v63  }
0x4c: {  	_ =	swait.ge [sflag:s0], $0x2800  }
0x4d: {  	[sflag:s0] =	ssyncset.done $0x0  }
0x4e: {  	s23 =	rddreg [dreg:$0x10];
	[sflag:s0] =	ssyncadd.s32 $0xFFFFD800  }
0x4f: {  	[spmem:s23] =	stream.linear.scatter [tilespmem:s31], [sflag:$0x9], $0x2800, $0x38;
	[tilespmem:$0x1DA80] =	vst v63  }
0x50: {  	_ =	swait.ge [sflag:s0], $0x2800  }
0x51: {  	[sflag:s0] =	ssyncset.done $0x0  }
0x52: {  	s19 =	rddreg [dreg:$0x11];
	[sflag:s0] =	ssyncadd.s32 $0xFFFFD800  }
0x53: {  	[spmem:s19] =	stream.linear.scatter [tilespmem:s31], [sflag:$0x9], $0x2800, $0x38;
	[tilespmem:$0x1DA80] =	vst v63  }
0x54: {  	_ =	swait.ge [sflag:s0], $0x2800  }
0x55: {  	[sflag:s0] =	ssyncset.done $0x0  }
0x56: {  	s20 =	rddreg [dreg:$0x12];
	[sflag:s0] =	ssyncadd.s32 $0xFFFFD800  }
0x57: {  	[spmem:s20] =	stream.linear.scatter [tilespmem:s31], [sflag:$0x9], $0x2800, $0x38;
	[tilespmem:$0x1DA80] =	vst v63  }
0x58: {  	_ =	swait.ge [sflag:s0], $0x2800  }
0x59: {  	[sflag:s0] =	ssyncset.done $0x0  }
0x5a: {  	s18 =	simm.s32 @!p0 $0x2900;
	s19 =	rddreg [dreg:$0x13];
	[sflag:s0] =	ssyncadd.s32 $0xFFFFD800  }
0x5b: {  	[spmem:s19] =	stream.linear.scatter @!p0 [tilespmem:s18], [sflag:$0x9], $0x2800, $0x38;
	[tilespmem:$0x1DA80] =	vst v63  }
0x5c: {  	s18 =	simm.s32 @!p0 $0x9  }
0x5d: {  	_ =	swait.ge @!p0 [sflag:s18], $0x2800  }
0x5e: {  	[sflag:s18] =	ssyncset.done @!p0 $0x0  }
0x5f: {  	[sflag:s18] =	ssyncadd.s32 @!p0 $0xFFFFD800  }
0x60: {  	[bflag:$0x0] =	sbarrier.arrive $0xFFFF  }
0x61: {  	s18 =	simm.s32 $0x0;
	s21 =	rddreg [dreg:$0x14]  }
0x62: {  	[tilespmem:s18], [sflag:$0x1] =	stream.linear.gather [hbm4b:s21+s18], $0x50, $0x38;
	[tilespmem:$0x1DA80] =	vst v63  }
0x63: {  	s22 =	rddreg [dreg:$0x15]  }
0x64: {  	[tilespmem:s3], [sflag:$0x1] =	stream.linear.gather [hbm4b:s22+s18], $0x50, $0x38;
	[tilespmem:$0x1DA80] =	vst v63  }
0x65: {  	s23 =	rddreg [dreg:$0x16]  }
0x66: {  	[tilespmem:s6], [sflag:$0x2] =	stream.linear.gather [hbm4b:s23+s18], $0x2800, $0x38;
	[tilespmem:$0x1DA80] =	vst v63  }
0x67: {  	_ =	swait.ge [sflag:s7], $0x50  }
0x68: {  	[sflag:s7] =	ssyncset.done $0x0  }
0x69: {  	[sflag:s7] =	ssyncadd.s32 $0xFFFFFFB0  }
0x6a: {  	_ =	swait.ge [sflag:s7], $0x50  }
0x6b: {  	[sflag:s7] =	ssyncset.done $0x0  }
0x6c: {  	[sflag:s7] =	ssyncadd.s32 $0xFFFFFFB0  }
0x6d: {  	[tilespmem:s31], [sflag:$0x3] =	stream.indirect.gather [hbm4b:s1+s8], $0x80, s18, s8, $0xb8;
	[tilespmem:$0x1DA80] =	vst v63  }
.LBB2_4:
0x6e: {  	_ =	swait.ge [sflag:s9], $0x2800  }
0x6f: {  	[sflag:s9] =	ssyncset.done $0x0  }
0x70: {  	[sflag:s9] =	ssyncadd.s32 $0xFFFFD800  }
0x71: {  	_ =	swait.ge [sflag:s10], $0x2800  }
0x72: {  	p1 =	seq.s32 s18, $0x0;
	s19 =	smul.u32 $0xA0, s18;
	[sflag:s10] =	ssyncset.done $0x0  }
0x73: {  	s20 =	simm.s32 @!p1 $0x8;
	[sflag:s10] =	ssyncadd.s32 $0xFFFFD800  }
0x74: {  	s21 =	sadd.s32 s19, s28;
	_ =	swait.ge @!p1 [sflag:s20], $0x2800  }
0x75: {  	s22 =	sshrl.u32 s21, $0x3;
	[sflag:s20] =	ssyncset.done @!p1 $0x0  }
0x76: {  	s23 =	sadd.s32 s5, s22;
	[sflag:s20] =	ssyncadd.s32 @!p1 $0xFFFFD800  }
0x77: {  	[tilespmem:s11], [sflag:$0x5] =	stream.linear.gather [hbm4b:s23+s4], $0x50, $0x38;
	[tilespmem:$0x1DA80] =	vst v63  }
0x78: {  	s22 =	sadd.s32 s14, s22;
	s23 =	sshll.u32 s21, $0x4  }
0x79: {  	[tilespmem:s12], [sflag:$0x5] =	stream.linear.gather [hbm4b:s22+s4], $0x50, $0x38;
	[tilespmem:$0x1DA80] =	vst v63  }
0x7a: {  	s20 =	sadd.s32 s15, s23  }
0x7b: {  	[tilespmem:s13], [sflag:$0x6] =	stream.linear.gather [hbm4b:s20+s4], $0x2800, $0x38;
	[tilespmem:$0x1DA80] =	vst v63  }
0x7c: {  	_ =	swait.ge [sflag:s24], $0x50  }
0x7d: {  	[sflag:s24] =	ssyncset.done $0x0  }
0x7e: {  	[sflag:s24] =	ssyncadd.s32 $0xFFFFFFB0  }
0x7f: {  	_ =	swait.ge [sflag:s24], $0x50  }
0x80: {  	[sflag:s24] =	ssyncset.done $0x0  }
0x81: {  	s20 =	simm.s32 $0x180;
	[sflag:s24] =	ssyncadd.s32 $0xFFFFFFB0  }
0x82: {  	[tilespmem:s25], [sflag:$0x7] =	stream.indirect.gather [hbm4b:s1+s8], $0x80, s11, s8, $0xb8;
	[tilespmem:$0x1DA80] =	vst v63  }
0x83: {  	s21 =	simm.s32 $0x2980;
	v1 =	vld [tilespmem:s20+$0xFFFFFF80]  }
0x84: {  	v2 =	vld [tilespmem:s21+$0xFFFFFF80];
	_ =	sdelay $0x4  }
0x85: {  	v1 =	vadd.f32 v1, v2;
	_ =	sdelay $0x1  }
0x86: {  	v1 =	vmax.f32 v1, $0.0e+00  }
0x87: {  	[tilespmem:s20+$0xFFFFFF80] =	vst v1;
	v1 =	vld [tilespmem:s20+$0xFFFFFF90]  }
0x88: {  	v2 =	vld [tilespmem:s21+$0xFFFFFF90];
	_ =	sdelay $0x4  }
0x89: {  	v1 =	vadd.f32 v1, v2;
	_ =	sdelay $0x1  }
0x8a: {  	v1 =	vmax.f32 v1, $0.0e+00  }
0x8b: {  	[tilespmem:s20+$0xFFFFFF90] =	vst v1;
	v1 =	vld [tilespmem:s20+$0xFFFFFFA0]  }
0x8c: {  	v2 =	vld [tilespmem:s21+$0xFFFFFFA0];
	_ =	sdelay $0x4  }
0x8d: {  	v1 =	vadd.f32 v1, v2;
	_ =	sdelay $0x1  }
0x8e: {  	v1 =	vmax.f32 v1, $0.0e+00  }
0x8f: {  	[tilespmem:s20+$0xFFFFFFA0] =	vst v1;
	v1 =	vld [tilespmem:s20+$0xFFFFFFB0]  }
0x90: {  	v2 =	vld [tilespmem:s21+$0xFFFFFFB0];
	_ =	sdelay $0x4  }
0x91: {  	v1 =	vadd.f32 v1, v2;
	_ =	sdelay $0x1  }
0x92: {  	v1 =	vmax.f32 v1, $0.0e+00  }
0x93: {  	[tilespmem:s20+$0xFFFFFFB0] =	vst v1;
	v1 =	vld [tilespmem:s20+$0xFFFFFFC0]  }
0x94: {  	v2 =	vld [tilespmem:s21+$0xFFFFFFC0];
	_ =	sdelay $0x4  }
0x95: {  	v1 =	vadd.f32 v1, v2;
	_ =	sdelay $0x1  }
0x96: {  	v1 =	vmax.f32 v1, $0.0e+00  }
0x97: {  	[tilespmem:s20+$0xFFFFFFC0] =	vst v1;
	v1 =	vld [tilespmem:s20+$0xFFFFFFD0]  }
0x98: {  	v2 =	vld [tilespmem:s21+$0xFFFFFFD0];
	_ =	sdelay $0x4  }
0x99: {  	v1 =	vadd.f32 v1, v2;
	_ =	sdelay $0x1  }
0x9a: {  	v1 =	vmax.f32 v1, $0.0e+00  }
0x9b: {  	[tilespmem:s20+$0xFFFFFFD0] =	vst v1;
	v1 =	vld [tilespmem:s20+$0xFFFFFFE0]  }
0x9c: {  	v2 =	vld [tilespmem:s21+$0xFFFFFFE0];
	_ =	sdelay $0x4  }
0x9d: {  	v1 =	vadd.f32 v1, v2;
	_ =	sdelay $0x1  }
0x9e: {  	v1 =	vmax.f32 v1, $0.0e+00  }
0x9f: {  	[tilespmem:s20+$0xFFFFFFE0] =	vst v1;
	v1 =	vld [tilespmem:s20+$0xFFFFFFF0]  }
0xa0: {  	v2 =	vld [tilespmem:s21+$0xFFFFFFF0];
	_ =	sdelay $0x4  }
0xa1: {  	v1 =	vadd.f32 v1, v2;
	_ =	sdelay $0x1  }
0xa2: {  	v1 =	vmax.f32 v1, $0.0e+00  }
0xa3: {  	[tilespmem:s20+$0xFFFFFFF0] =	vst v1;
	v1 =	vld [tilespmem:s20+$0x0]  }
0xa4: {  	v2 =	vld [tilespmem:s21+$0x0];
	_ =	sdelay $0x4  }
0xa5: {  	v1 =	vadd.f32 v1, v2;
	_ =	sdelay $0x1  }
0xa6: {  	v1 =	vmax.f32 v1, $0.0e+00  }
0xa7: {  	[tilespmem:s20+$0x0] =	vst v1;
	v1 =	vld [tilespmem:s20+$0x10]  }
0xa8: {  	v2 =	vld [tilespmem:s21+$0x10];
	_ =	sdelay $0x4  }
0xa9: {  	v1 =	vadd.f32 v1, v2;
	_ =	sdelay $0x1  }
0xaa: {  	v1 =	vmax.f32 v1, $0.0e+00  }
0xab: {  	[tilespmem:s20+$0x10] =	vst v1;
	v1 =	vld [tilespmem:s20+$0x20]  }
0xac: {  	v2 =	vld [tilespmem:s21+$0x20];
	_ =	sdelay $0x4  }
0xad: {  	v1 =	vadd.f32 v1, v2;
	_ =	sdelay $0x1  }
0xae: {  	v1 =	vmax.f32 v1, $0.0e+00  }
0xaf: {  	[tilespmem:s20+$0x20] =	vst v1;
	v1 =	vld [tilespmem:s20+$0x30]  }
0xb0: {  	v2 =	vld [tilespmem:s21+$0x30];
	_ =	sdelay $0x4  }
0xb1: {  	v1 =	vadd.f32 v1, v2;
	_ =	sdelay $0x1  }
0xb2: {  	v1 =	vmax.f32 v1, $0.0e+00  }
0xb3: {  	[tilespmem:s20+$0x30] =	vst v1;
	v1 =	vld [tilespmem:s20+$0x40]  }
0xb4: {  	v2 =	vld [tilespmem:s21+$0x40];
	_ =	sdelay $0x4  }
0xb5: {  	v1 =	vadd.f32 v1, v2;
	_ =	sdelay $0x1  }
0xb6: {  	v1 =	vmax.f32 v1, $0.0e+00  }
0xb7: {  	[tilespmem:s20+$0x40] =	vst v1;
	v1 =	vld [tilespmem:s20+$0x50]  }
0xb8: {  	v2 =	vld [tilespmem:s21+$0x50];
	_ =	sdelay $0x4  }
0xb9: {  	v1 =	vadd.f32 v1, v2;
	_ =	sdelay $0x1  }
0xba: {  	v1 =	vmax.f32 v1, $0.0e+00  }
0xbb: {  	[tilespmem:s20+$0x50] =	vst v1;
	v1 =	vld [tilespmem:s20+$0x60]  }
0xbc: {  	v2 =	vld [tilespmem:s21+$0x60];
	_ =	sdelay $0x4  }
0xbd: {  	v1 =	vadd.f32 v1, v2;
	_ =	sdelay $0x1  }
0xbe: {  	v1 =	vmax.f32 v1, $0.0e+00  }
0xbf: {  	[tilespmem:s20+$0x60] =	vst v1;
	v1 =	vld [tilespmem:s20+$0x70]  }
0xc0: {  	v2 =	vld [tilespmem:s21+$0x70];
	_ =	sdelay $0x4  }
0xc1: {  	v1 =	vadd.f32 v1, v2;
	_ =	sdelay $0x1  }
0xc2: {  	s23 =	simm.s32 $0x280;
	s22 =	simm.s32 $0x0;
	v1 =	vmax.f32 v1, $0.0e+00  }
.LBB2_5:
0xc3: {  	v2 =	vld [tilespmem:s23+$0xFFFFFF80];
	[tilespmem:s20+$0x70] =	vst v1;
	s21 =	sadd.s32 $0x100, s21;
	s20 =	smov.u32 s23  }
0xc4: {  	s22 =	sadd.s32 $0x2, s22;
	v1 =	vld [tilespmem:s21+$0xFFFFFF80]  }
0xc5: {  	p1 =	slt.u32 s22, $0x4E;
	_ =	sdelay $0x3  }
0xc6: {  	v1 =	vadd.f32 v2, v1;
	_ =	sdelay $0x1  }
0xc7: {  	v1 =	vmax.f32 v1, $0.0e+00  }
0xc8: {  	[tilespmem:s23+$0xFFFFFF80] =	vst v1;
	v1 =	vld [tilespmem:s23+$0xFFFFFF90]  }
0xc9: {  	v2 =	vld [tilespmem:s21+$0xFFFFFF90];
	_ =	sdelay $0x4  }
0xca: {  	v1 =	vadd.f32 v1, v2;
	_ =	sdelay $0x1  }
0xcb: {  	v1 =	vmax.f32 v1, $0.0e+00  }
0xcc: {  	[tilespmem:s23+$0xFFFFFF90] =	vst v1;
	v1 =	vld [tilespmem:s23+$0xFFFFFFA0]  }
0xcd: {  	v2 =	vld [tilespmem:s21+$0xFFFFFFA0];
	_ =	sdelay $0x4  }
0xce: {  	v1 =	vadd.f32 v1, v2;
	_ =	sdelay $0x1  }
0xcf: {  	v1 =	vmax.f32 v1, $0.0e+00  }
0xd0: {  	[tilespmem:s23+$0xFFFFFFA0] =	vst v1;
	v1 =	vld [tilespmem:s23+$0xFFFFFFB0]  }
0xd1: {  	v2 =	vld [tilespmem:s21+$0xFFFFFFB0];
	_ =	sdelay $0x4  }
0xd2: {  	v1 =	vadd.f32 v1, v2;
	_ =	sdelay $0x1  }
0xd3: {  	v1 =	vmax.f32 v1, $0.0e+00  }
0xd4: {  	[tilespmem:s23+$0xFFFFFFB0] =	vst v1;
	v1 =	vld [tilespmem:s23+$0xFFFFFFC0]  }
0xd5: {  	v2 =	vld [tilespmem:s21+$0xFFFFFFC0];
	_ =	sdelay $0x4  }
0xd6: {  	v1 =	vadd.f32 v1, v2;
	_ =	sdelay $0x1  }
0xd7: {  	v1 =	vmax.f32 v1, $0.0e+00  }
0xd8: {  	[tilespmem:s23+$0xFFFFFFC0] =	vst v1;
	v1 =	vld [tilespmem:s23+$0xFFFFFFD0]  }
0xd9: {  	v2 =	vld [tilespmem:s21+$0xFFFFFFD0];
	_ =	sdelay $0x4  }
0xda: {  	v1 =	vadd.f32 v1, v2;
	_ =	sdelay $0x1  }
0xdb: {  	v1 =	vmax.f32 v1, $0.0e+00  }
0xdc: {  	[tilespmem:s23+$0xFFFFFFD0] =	vst v1;
	v1 =	vld [tilespmem:s23+$0xFFFFFFE0]  }
0xdd: {  	v2 =	vld [tilespmem:s21+$0xFFFFFFE0];
	_ =	sdelay $0x4  }
0xde: {  	v1 =	vadd.f32 v1, v2;
	_ =	sdelay $0x1  }
0xdf: {  	v1 =	vmax.f32 v1, $0.0e+00  }
0xe0: {  	[tilespmem:s23+$0xFFFFFFE0] =	vst v1;
	v1 =	vld [tilespmem:s23+$0xFFFFFFF0]  }
0xe1: {  	v2 =	vld [tilespmem:s21+$0xFFFFFFF0];
	_ =	sdelay $0x4  }
0xe2: {  	v1 =	vadd.f32 v1, v2;
	_ =	sdelay $0x1  }
0xe3: {  	v1 =	vmax.f32 v1, $0.0e+00  }
0xe4: {  	[tilespmem:s23+$0xFFFFFFF0] =	vst v1;
	v1 =	vld [tilespmem:s23+$0x0]  }
0xe5: {  	v2 =	vld [tilespmem:s21+$0x0];
	_ =	sdelay $0x4  }
0xe6: {  	v1 =	vadd.f32 v1, v2;
	_ =	sdelay $0x1  }
0xe7: {  	v1 =	vmax.f32 v1, $0.0e+00  }
0xe8: {  	[tilespmem:s23+$0x0] =	vst v1;
	v1 =	vld [tilespmem:s23+$0x10]  }
0xe9: {  	v2 =	vld [tilespmem:s21+$0x10];
	_ =	sdelay $0x4  }
0xea: {  	v1 =	vadd.f32 v1, v2;
	_ =	sdelay $0x1  }
0xeb: {  	v1 =	vmax.f32 v1, $0.0e+00  }
0xec: {  	[tilespmem:s23+$0x10] =	vst v1;
	v1 =	vld [tilespmem:s23+$0x20]  }
0xed: {  	v2 =	vld [tilespmem:s21+$0x20];
	_ =	sdelay $0x4  }
0xee: {  	v1 =	vadd.f32 v1, v2;
	_ =	sdelay $0x1  }
0xef: {  	v1 =	vmax.f32 v1, $0.0e+00  }
0xf0: {  	[tilespmem:s23+$0x20] =	vst v1;
	v1 =	vld [tilespmem:s23+$0x30]  }
0xf1: {  	v2 =	vld [tilespmem:s21+$0x30];
	_ =	sdelay $0x4  }
0xf2: {  	v1 =	vadd.f32 v1, v2;
	_ =	sdelay $0x1  }
0xf3: {  	v1 =	vmax.f32 v1, $0.0e+00  }
0xf4: {  	[tilespmem:s23+$0x30] =	vst v1;
	v1 =	vld [tilespmem:s23+$0x40]  }
0xf5: {  	v2 =	vld [tilespmem:s21+$0x40];
	_ =	sdelay $0x4  }
0xf6: {  	v1 =	vadd.f32 v1, v2;
	_ =	sdelay $0x1  }
0xf7: {  	v1 =	vmax.f32 v1, $0.0e+00  }
0xf8: {  	[tilespmem:s23+$0x40] =	vst v1;
	v1 =	vld [tilespmem:s23+$0x50]  }
0xf9: {  	v2 =	vld [tilespmem:s21+$0x50];
	_ =	sdelay $0x4  }
0xfa: {  	v1 =	vadd.f32 v1, v2;
	_ =	sdelay $0x1  }
0xfb: {  	v1 =	vmax.f32 v1, $0.0e+00  }
0xfc: {  	[tilespmem:s23+$0x50] =	vst v1;
	v1 =	vld [tilespmem:s23+$0x60]  }
0xfd: {  	v2 =	vld [tilespmem:s21+$0x60];
	_ =	sdelay $0x4  }
0xfe: {  	v1 =	vadd.f32 v1, v2;
	_ =	sdelay $0x1  }
0xff: {  	v1 =	vmax.f32 v1, $0.0e+00  }
0x100: {  	[tilespmem:s23+$0x60] =	vst v1;
	v1 =	vld [tilespmem:s23+$0x70]  }
0x101: {  	v2 =	vld [tilespmem:s21+$0x70];
	_ =	sdelay $0x2  }
.Ltmp1:
0x102: {  	(pc) =	sbr.rel @p1 .LBB2_5-.Ltmp1, $3  }
0x103: {  	_ = 	snop  }
0x104: {  	v1 =	vadd.f32 v1, v2;
	_ =	sdelay $0x1  }
0x105: {  	s23 =	sadd.s32 $0x100, s23;
	v1 =	vmax.f32 v1, $0.0e+00  }
0x106: {  	[tilespmem:s20+$0x70] =	vst v1  }
0x107: {  	[spmem:s2] =	stream.indirect.scatter.add.f32 [tilespmem:s6], [sflag:$0x4], $0x80, s3, s8, $0xb8;
	[tilespmem:$0x1DA80] =	vst v63  }
0x108: {  	_ =	swait.ge [sflag:s26], $0x2800  }
0x109: {  	[sflag:s26] =	ssyncset.done $0x0  }
0x10a: {  	[sflag:s26] =	ssyncadd.s32 $0xFFFFD800  }
0x10b: {  	_ =	swait.ge [sflag:s30], $0x2800  }
0x10c: {  	[sflag:s30] =	ssyncset.done $0x0  }
0x10d: {  	[sflag:s30] =	ssyncadd.s32 $0xFFFFD800  }
0x10e: {  	s19 =	sadd.s32 s19, s29;
	_ =	swait.ge [sflag:s16], $0x2800  }
0x10f: {  	s23 =	sshrl.u32 s19, $0x3;
	[sflag:s16] =	ssyncset.done $0x0  }
0x110: {  	s21 =	sadd.s32 s5, s23;
	[sflag:s16] =	ssyncadd.s32 $0xFFFFD800  }
0x111: {  	[tilespmem:s4], [sflag:$0x1] =	stream.linear.gather [hbm4b:s21+s4], $0x50, $0x38;
	[tilespmem:$0x1DA80] =	vst v63  }
0x112: {  	s19 =	sshll.u32 s19, $0x4;
	s20 =	sadd.s32 s14, s23  }
0x113: {  	[tilespmem:s3], [sflag:$0x1] =	stream.linear.gather [hbm4b:s20+s4], $0x50, $0x38;
	[tilespmem:$0x1DA80] =	vst v63  }
0x114: {  	s19 =	sadd.s32 s15, s19  }
0x115: {  	[tilespmem:s6], [sflag:$0x2] =	stream.linear.gather [hbm4b:s19+s4], $0x2800, $0x38;
	[tilespmem:$0x1DA80] =	vst v63  }
0x116: {  	_ =	swait.ge [sflag:s7], $0x50  }
0x117: {  	[sflag:s7] =	ssyncset.done $0x0  }
0x118: {  	[sflag:s7] =	ssyncadd.s32 $0xFFFFFFB0  }
0x119: {  	_ =	swait.ge [sflag:s7], $0x50  }
0x11a: {  	[sflag:s7] =	ssyncset.done $0x0  }
0x11b: {  	s19 =	simm.s32 $0x5280;
	[sflag:s7] =	ssyncadd.s32 $0xFFFFFFB0  }
0x11c: {  	[tilespmem:s31], [sflag:$0x3] =	stream.indirect.gather [hbm4b:s1+s8], $0x80, s4, s8, $0xb8;
	[tilespmem:$0x1DA80] =	vst v63  }
0x11d: {  	s20 =	simm.s32 $0x7A80;
	v1 =	vld [tilespmem:s19+$0xFFFFFF80]  }
0x11e: {  	v2 =	vld [tilespmem:s20+$0xFFFFFF80];
	_ =	sdelay $0x4  }
0x11f: {  	v1 =	vadd.f32 v1, v2;
	_ =	sdelay $0x1  }
0x120: {  	v1 =	vmax.f32 v1, $0.0e+00  }
0x121: {  	[tilespmem:s19+$0xFFFFFF80] =	vst v1;
	v1 =	vld [tilespmem:s19+$0xFFFFFF90]  }
0x122: {  	v2 =	vld [tilespmem:s20+$0xFFFFFF90];
	_ =	sdelay $0x4  }
0x123: {  	v1 =	vadd.f32 v1, v2;
	_ =	sdelay $0x1  }
0x124: {  	v1 =	vmax.f32 v1, $0.0e+00  }
0x125: {  	[tilespmem:s19+$0xFFFFFF90] =	vst v1;
	v1 =	vld [tilespmem:s19+$0xFFFFFFA0]  }
0x126: {  	v2 =	vld [tilespmem:s20+$0xFFFFFFA0];
	_ =	sdelay $0x4  }
0x127: {  	v1 =	vadd.f32 v1, v2;
	_ =	sdelay $0x1  }
0x128: {  	v1 =	vmax.f32 v1, $0.0e+00  }
0x129: {  	[tilespmem:s19+$0xFFFFFFA0] =	vst v1;
	v1 =	vld [tilespmem:s19+$0xFFFFFFB0]  }
0x12a: {  	v2 =	vld [tilespmem:s20+$0xFFFFFFB0];
	_ =	sdelay $0x4  }
0x12b: {  	v1 =	vadd.f32 v1, v2;
	_ =	sdelay $0x1  }
0x12c: {  	v1 =	vmax.f32 v1, $0.0e+00  }
0x12d: {  	[tilespmem:s19+$0xFFFFFFB0] =	vst v1;
	v1 =	vld [tilespmem:s19+$0xFFFFFFC0]  }
0x12e: {  	v2 =	vld [tilespmem:s20+$0xFFFFFFC0];
	_ =	sdelay $0x4  }
0x12f: {  	v1 =	vadd.f32 v1, v2;
	_ =	sdelay $0x1  }
0x130: {  	v1 =	vmax.f32 v1, $0.0e+00  }
0x131: {  	[tilespmem:s19+$0xFFFFFFC0] =	vst v1;
	v1 =	vld [tilespmem:s19+$0xFFFFFFD0]  }
0x132: {  	v2 =	vld [tilespmem:s20+$0xFFFFFFD0];
	_ =	sdelay $0x4  }
0x133: {  	v1 =	vadd.f32 v1, v2;
	_ =	sdelay $0x1  }
0x134: {  	v1 =	vmax.f32 v1, $0.0e+00  }
0x135: {  	[tilespmem:s19+$0xFFFFFFD0] =	vst v1;
	v1 =	vld [tilespmem:s19+$0xFFFFFFE0]  }
0x136: {  	v2 =	vld [tilespmem:s20+$0xFFFFFFE0];
	_ =	sdelay $0x4  }
0x137: {  	v1 =	vadd.f32 v1, v2;
	_ =	sdelay $0x1  }
0x138: {  	v1 =	vmax.f32 v1, $0.0e+00  }
0x139: {  	[tilespmem:s19+$0xFFFFFFE0] =	vst v1;
	v1 =	vld [tilespmem:s19+$0xFFFFFFF0]  }
0x13a: {  	v2 =	vld [tilespmem:s20+$0xFFFFFFF0];
	_ =	sdelay $0x4  }
0x13b: {  	v1 =	vadd.f32 v1, v2;
	_ =	sdelay $0x1  }
0x13c: {  	v1 =	vmax.f32 v1, $0.0e+00  }
0x13d: {  	[tilespmem:s19+$0xFFFFFFF0] =	vst v1;
	v1 =	vld [tilespmem:s19+$0x0]  }
0x13e: {  	v2 =	vld [tilespmem:s20+$0x0];
	_ =	sdelay $0x4  }
0x13f: {  	v1 =	vadd.f32 v1, v2;
	_ =	sdelay $0x1  }
0x140: {  	v1 =	vmax.f32 v1, $0.0e+00  }
0x141: {  	[tilespmem:s19+$0x0] =	vst v1;
	v1 =	vld [tilespmem:s19+$0x10]  }
0x142: {  	v2 =	vld [tilespmem:s20+$0x10];
	_ =	sdelay $0x4  }
0x143: {  	v1 =	vadd.f32 v1, v2;
	_ =	sdelay $0x1  }
0x144: {  	v1 =	vmax.f32 v1, $0.0e+00  }
0x145: {  	[tilespmem:s19+$0x10] =	vst v1;
	v1 =	vld [tilespmem:s19+$0x20]  }
0x146: {  	v2 =	vld [tilespmem:s20+$0x20];
	_ =	sdelay $0x4  }
0x147: {  	v1 =	vadd.f32 v1, v2;
	_ =	sdelay $0x1  }
0x148: {  	v1 =	vmax.f32 v1, $0.0e+00  }
0x149: {  	[tilespmem:s19+$0x20] =	vst v1;
	v1 =	vld [tilespmem:s19+$0x30]  }
0x14a: {  	v2 =	vld [tilespmem:s20+$0x30];
	_ =	sdelay $0x4  }
0x14b: {  	v1 =	vadd.f32 v1, v2;
	_ =	sdelay $0x1  }
0x14c: {  	v1 =	vmax.f32 v1, $0.0e+00  }
0x14d: {  	[tilespmem:s19+$0x30] =	vst v1;
	v1 =	vld [tilespmem:s19+$0x40]  }
0x14e: {  	v2 =	vld [tilespmem:s20+$0x40];
	_ =	sdelay $0x4  }
0x14f: {  	v1 =	vadd.f32 v1, v2;
	_ =	sdelay $0x1  }
0x150: {  	v1 =	vmax.f32 v1, $0.0e+00  }
0x151: {  	[tilespmem:s19+$0x40] =	vst v1;
	v1 =	vld [tilespmem:s19+$0x50]  }
0x152: {  	v2 =	vld [tilespmem:s20+$0x50];
	_ =	sdelay $0x4  }
0x153: {  	v1 =	vadd.f32 v1, v2;
	_ =	sdelay $0x1  }
0x154: {  	v1 =	vmax.f32 v1, $0.0e+00  }
0x155: {  	[tilespmem:s19+$0x50] =	vst v1;
	v1 =	vld [tilespmem:s19+$0x60]  }
0x156: {  	v2 =	vld [tilespmem:s20+$0x60];
	_ =	sdelay $0x4  }
0x157: {  	v1 =	vadd.f32 v1, v2;
	_ =	sdelay $0x1  }
0x158: {  	v1 =	vmax.f32 v1, $0.0e+00  }
0x159: {  	[tilespmem:s19+$0x60] =	vst v1;
	v1 =	vld [tilespmem:s19+$0x70]  }
0x15a: {  	v2 =	vld [tilespmem:s20+$0x70];
	_ =	sdelay $0x4  }
0x15b: {  	v1 =	vadd.f32 v1, v2;
	_ =	sdelay $0x1  }
0x15c: {  	s22 =	simm.s32 $0x5380;
	s21 =	simm.s32 $0x0;
	v1 =	vmax.f32 v1, $0.0e+00  }
.LBB2_7:
0x15d: {  	v2 =	vld [tilespmem:s22+$0xFFFFFF80];
	[tilespmem:s19+$0x70] =	vst v1;
	s20 =	sadd.s32 $0x100, s20;
	s19 =	smov.u32 s22  }
0x15e: {  	s21 =	sadd.s32 $0x2, s21;
	v1 =	vld [tilespmem:s20+$0xFFFFFF80]  }
0x15f: {  	p1 =	slt.u32 s21, $0x4E;
	_ =	sdelay $0x3  }
0x160: {  	v1 =	vadd.f32 v2, v1;
	_ =	sdelay $0x1  }
0x161: {  	v1 =	vmax.f32 v1, $0.0e+00  }
0x162: {  	[tilespmem:s22+$0xFFFFFF80] =	vst v1;
	v1 =	vld [tilespmem:s22+$0xFFFFFF90]  }
0x163: {  	v2 =	vld [tilespmem:s20+$0xFFFFFF90];
	_ =	sdelay $0x4  }
0x164: {  	v1 =	vadd.f32 v1, v2;
	_ =	sdelay $0x1  }
0x165: {  	v1 =	vmax.f32 v1, $0.0e+00  }
0x166: {  	[tilespmem:s22+$0xFFFFFF90] =	vst v1;
	v1 =	vld [tilespmem:s22+$0xFFFFFFA0]  }
0x167: {  	v2 =	vld [tilespmem:s20+$0xFFFFFFA0];
	_ =	sdelay $0x4  }
0x168: {  	v1 =	vadd.f32 v1, v2;
	_ =	sdelay $0x1  }
0x169: {  	v1 =	vmax.f32 v1, $0.0e+00  }
0x16a: {  	[tilespmem:s22+$0xFFFFFFA0] =	vst v1;
	v1 =	vld [tilespmem:s22+$0xFFFFFFB0]  }
0x16b: {  	v2 =	vld [tilespmem:s20+$0xFFFFFFB0];
	_ =	sdelay $0x4  }
0x16c: {  	v1 =	vadd.f32 v1, v2;
	_ =	sdelay $0x1  }
0x16d: {  	v1 =	vmax.f32 v1, $0.0e+00  }
0x16e: {  	[tilespmem:s22+$0xFFFFFFB0] =	vst v1;
	v1 =	vld [tilespmem:s22+$0xFFFFFFC0]  }
0x16f: {  	v2 =	vld [tilespmem:s20+$0xFFFFFFC0];
	_ =	sdelay $0x4  }
0x170: {  	v1 =	vadd.f32 v1, v2;
	_ =	sdelay $0x1  }
0x171: {  	v1 =	vmax.f32 v1, $0.0e+00  }
0x172: {  	[tilespmem:s22+$0xFFFFFFC0] =	vst v1;
	v1 =	vld [tilespmem:s22+$0xFFFFFFD0]  }
0x173: {  	v2 =	vld [tilespmem:s20+$0xFFFFFFD0];
	_ =	sdelay $0x4  }
0x174: {  	v1 =	vadd.f32 v1, v2;
	_ =	sdelay $0x1  }
0x175: {  	v1 =	vmax.f32 v1, $0.0e+00  }
0x176: {  	[tilespmem:s22+$0xFFFFFFD0] =	vst v1;
	v1 =	vld [tilespmem:s22+$0xFFFFFFE0]  }
0x177: {  	v2 =	vld [tilespmem:s20+$0xFFFFFFE0];
	_ =	sdelay $0x4  }
0x178: {  	v1 =	vadd.f32 v1, v2;
	_ =	sdelay $0x1  }
0x179: {  	v1 =	vmax.f32 v1, $0.0e+00  }
0x17a: {  	[tilespmem:s22+$0xFFFFFFE0] =	vst v1;
	v1 =	vld [tilespmem:s22+$0xFFFFFFF0]  }
0x17b: {  	v2 =	vld [tilespmem:s20+$0xFFFFFFF0];
	_ =	sdelay $0x4  }
0x17c: {  	v1 =	vadd.f32 v1, v2;
	_ =	sdelay $0x1  }
0x17d: {  	v1 =	vmax.f32 v1, $0.0e+00  }
0x17e: {  	[tilespmem:s22+$0xFFFFFFF0] =	vst v1;
	v1 =	vld [tilespmem:s22+$0x0]  }
0x17f: {  	v2 =	vld [tilespmem:s20+$0x0];
	_ =	sdelay $0x4  }
0x180: {  	v1 =	vadd.f32 v1, v2;
	_ =	sdelay $0x1  }
0x181: {  	v1 =	vmax.f32 v1, $0.0e+00  }
0x182: {  	[tilespmem:s22+$0x0] =	vst v1;
	v1 =	vld [tilespmem:s22+$0x10]  }
0x183: {  	v2 =	vld [tilespmem:s20+$0x10];
	_ =	sdelay $0x4  }
0x184: {  	v1 =	vadd.f32 v1, v2;
	_ =	sdelay $0x1  }
0x185: {  	v1 =	vmax.f32 v1, $0.0e+00  }
0x186: {  	[tilespmem:s22+$0x10] =	vst v1;
	v1 =	vld [tilespmem:s22+$0x20]  }
0x187: {  	v2 =	vld [tilespmem:s20+$0x20];
	_ =	sdelay $0x4  }
0x188: {  	v1 =	vadd.f32 v1, v2;
	_ =	sdelay $0x1  }
0x189: {  	v1 =	vmax.f32 v1, $0.0e+00  }
0x18a: {  	[tilespmem:s22+$0x20] =	vst v1;
	v1 =	vld [tilespmem:s22+$0x30]  }
0x18b: {  	v2 =	vld [tilespmem:s20+$0x30];
	_ =	sdelay $0x4  }
0x18c: {  	v1 =	vadd.f32 v1, v2;
	_ =	sdelay $0x1  }
0x18d: {  	v1 =	vmax.f32 v1, $0.0e+00  }
0x18e: {  	[tilespmem:s22+$0x30] =	vst v1;
	v1 =	vld [tilespmem:s22+$0x40]  }
0x18f: {  	v2 =	vld [tilespmem:s20+$0x40];
	_ =	sdelay $0x4  }
0x190: {  	v1 =	vadd.f32 v1, v2;
	_ =	sdelay $0x1  }
0x191: {  	v1 =	vmax.f32 v1, $0.0e+00  }
0x192: {  	[tilespmem:s22+$0x40] =	vst v1;
	v1 =	vld [tilespmem:s22+$0x50]  }
0x193: {  	v2 =	vld [tilespmem:s20+$0x50];
	_ =	sdelay $0x4  }
0x194: {  	v1 =	vadd.f32 v1, v2;
	_ =	sdelay $0x1  }
0x195: {  	v1 =	vmax.f32 v1, $0.0e+00  }
0x196: {  	[tilespmem:s22+$0x50] =	vst v1;
	v1 =	vld [tilespmem:s22+$0x60]  }
0x197: {  	v2 =	vld [tilespmem:s20+$0x60];
	_ =	sdelay $0x4  }
0x198: {  	v1 =	vadd.f32 v1, v2;
	_ =	sdelay $0x1  }
0x199: {  	v1 =	vmax.f32 v1, $0.0e+00  }
0x19a: {  	[tilespmem:s22+$0x60] =	vst v1;
	v1 =	vld [tilespmem:s22+$0x70]  }
0x19b: {  	v2 =	vld [tilespmem:s20+$0x70];
	_ =	sdelay $0x2  }
.Ltmp2:
0x19c: {  	(pc) =	sbr.rel @p1 .LBB2_7-.Ltmp2, $3  }
0x19d: {  	_ = 	snop  }
0x19e: {  	v1 =	vadd.f32 v1, v2;
	_ =	sdelay $0x1  }
0x19f: {  	s22 =	sadd.s32 $0x100, s22;
	v1 =	vmax.f32 v1, $0.0e+00  }
0x1a0: {  	s18 =	sadd.s32 $0x1, s18  }
0x1a1: {  	p1 =	sne.s32 s18, $0x3E  }
.Ltmp3:
0x1a2: {  	_ = 	snop;
	(pc) =	sbr.rel @p1 .LBB2_4-.Ltmp3, $3  }
0x1a3: {  	_ =	sdelay $0x1  }
0x1a4: {  	[tilespmem:s19+$0x70] =	vst v1  }
0x1a5: {  	[spmem:s2] =	stream.indirect.scatter.add.f32 [tilespmem:s13], [sflag:$0x8], $0x80, s12, s8, $0xb8;
	[tilespmem:$0x1DA80] =	vst v63  }
0x1a6: {  	_ =	swait.ge [sflag:s9], $0x2800  }
0x1a7: {  	[sflag:s9] =	ssyncset.done $0x0  }
0x1a8: {  	[sflag:s9] =	ssyncadd.s32 $0xFFFFD800  }
0x1a9: {  	_ =	swait.ge [sflag:s10], $0x2800  }
0x1aa: {  	[sflag:s10] =	ssyncset.done $0x0  }
0x1ab: {  	s18 =	simm.s32 $0x8;
	[sflag:s10] =	ssyncadd.s32 $0xFFFFD800  }
0x1ac: {  	_ =	swait.ge [sflag:s18], $0x2800  }
0x1ad: {  	[sflag:s18] =	ssyncset.done $0x0  }
0x1ae: {  	[sflag:s18] =	ssyncadd.s32 $0xFFFFD800;
	s18 =	simm.s32 $0x180  }
0x1af: {  	s19 =	simm.s32 $0x2980;
	v1 =	vld [tilespmem:s18+$0xFFFFFF80]  }
0x1b0: {  	v2 =	vld [tilespmem:s19+$0xFFFFFF80];
	_ =	sdelay $0x4  }
0x1b1: {  	v1 =	vadd.f32 v1, v2;
	_ =	sdelay $0x1  }
0x1b2: {  	v1 =	vmax.f32 v1, $0.0e+00  }
0x1b3: {  	[tilespmem:s18+$0xFFFFFF80] =	vst v1;
	v1 =	vld [tilespmem:s18+$0xFFFFFF90]  }
0x1b4: {  	v2 =	vld [tilespmem:s19+$0xFFFFFF90];
	_ =	sdelay $0x4  }
0x1b5: {  	v1 =	vadd.f32 v1, v2;
	_ =	sdelay $0x1  }
0x1b6: {  	v1 =	vmax.f32 v1, $0.0e+00  }
0x1b7: {  	[tilespmem:s18+$0xFFFFFF90] =	vst v1;
	v1 =	vld [tilespmem:s18+$0xFFFFFFA0]  }
0x1b8: {  	v2 =	vld [tilespmem:s19+$0xFFFFFFA0];
	_ =	sdelay $0x4  }
0x1b9: {  	v1 =	vadd.f32 v1, v2;
	_ =	sdelay $0x1  }
0x1ba: {  	v1 =	vmax.f32 v1, $0.0e+00  }
0x1bb: {  	[tilespmem:s18+$0xFFFFFFA0] =	vst v1;
	v1 =	vld [tilespmem:s18+$0xFFFFFFB0]  }
0x1bc: {  	v2 =	vld [tilespmem:s19+$0xFFFFFFB0];
	_ =	sdelay $0x4  }
0x1bd: {  	v1 =	vadd.f32 v1, v2;
	_ =	sdelay $0x1  }
0x1be: {  	v1 =	vmax.f32 v1, $0.0e+00  }
0x1bf: {  	[tilespmem:s18+$0xFFFFFFB0] =	vst v1;
	v1 =	vld [tilespmem:s18+$0xFFFFFFC0]  }
0x1c0: {  	v2 =	vld [tilespmem:s19+$0xFFFFFFC0];
	_ =	sdelay $0x4  }
0x1c1: {  	v1 =	vadd.f32 v1, v2;
	_ =	sdelay $0x1  }
0x1c2: {  	v1 =	vmax.f32 v1, $0.0e+00  }
0x1c3: {  	[tilespmem:s18+$0xFFFFFFC0] =	vst v1;
	v1 =	vld [tilespmem:s18+$0xFFFFFFD0]  }
0x1c4: {  	v2 =	vld [tilespmem:s19+$0xFFFFFFD0];
	_ =	sdelay $0x4  }
0x1c5: {  	v1 =	vadd.f32 v1, v2;
	_ =	sdelay $0x1  }
0x1c6: {  	v1 =	vmax.f32 v1, $0.0e+00  }
0x1c7: {  	[tilespmem:s18+$0xFFFFFFD0] =	vst v1;
	v1 =	vld [tilespmem:s18+$0xFFFFFFE0]  }
0x1c8: {  	v2 =	vld [tilespmem:s19+$0xFFFFFFE0];
	_ =	sdelay $0x4  }
0x1c9: {  	v1 =	vadd.f32 v1, v2;
	_ =	sdelay $0x1  }
0x1ca: {  	v1 =	vmax.f32 v1, $0.0e+00  }
0x1cb: {  	[tilespmem:s18+$0xFFFFFFE0] =	vst v1;
	v1 =	vld [tilespmem:s18+$0xFFFFFFF0]  }
0x1cc: {  	v2 =	vld [tilespmem:s19+$0xFFFFFFF0];
	_ =	sdelay $0x4  }
0x1cd: {  	v1 =	vadd.f32 v1, v2;
	_ =	sdelay $0x1  }
0x1ce: {  	v1 =	vmax.f32 v1, $0.0e+00  }
0x1cf: {  	[tilespmem:s18+$0xFFFFFFF0] =	vst v1;
	v1 =	vld [tilespmem:s18+$0x0]  }
0x1d0: {  	v2 =	vld [tilespmem:s19+$0x0];
	_ =	sdelay $0x4  }
0x1d1: {  	v1 =	vadd.f32 v1, v2;
	_ =	sdelay $0x1  }
0x1d2: {  	v1 =	vmax.f32 v1, $0.0e+00  }
0x1d3: {  	[tilespmem:s18+$0x0] =	vst v1;
	v1 =	vld [tilespmem:s18+$0x10]  }
0x1d4: {  	v2 =	vld [tilespmem:s19+$0x10];
	_ =	sdelay $0x4  }
0x1d5: {  	v1 =	vadd.f32 v1, v2;
	_ =	sdelay $0x1  }
0x1d6: {  	v1 =	vmax.f32 v1, $0.0e+00  }
0x1d7: {  	[tilespmem:s18+$0x10] =	vst v1;
	v1 =	vld [tilespmem:s18+$0x20]  }
0x1d8: {  	v2 =	vld [tilespmem:s19+$0x20];
	_ =	sdelay $0x4  }
0x1d9: {  	v1 =	vadd.f32 v1, v2;
	_ =	sdelay $0x1  }
0x1da: {  	v1 =	vmax.f32 v1, $0.0e+00  }
0x1db: {  	[tilespmem:s18+$0x20] =	vst v1;
	v1 =	vld [tilespmem:s18+$0x30]  }
0x1dc: {  	v2 =	vld [tilespmem:s19+$0x30];
	_ =	sdelay $0x4  }
0x1dd: {  	v1 =	vadd.f32 v1, v2;
	_ =	sdelay $0x1  }
0x1de: {  	v1 =	vmax.f32 v1, $0.0e+00  }
0x1df: {  	[tilespmem:s18+$0x30] =	vst v1;
	v1 =	vld [tilespmem:s18+$0x40]  }
0x1e0: {  	v2 =	vld [tilespmem:s19+$0x40];
	_ =	sdelay $0x4  }
0x1e1: {  	v1 =	vadd.f32 v1, v2;
	_ =	sdelay $0x1  }
0x1e2: {  	v1 =	vmax.f32 v1, $0.0e+00  }
0x1e3: {  	[tilespmem:s18+$0x40] =	vst v1;
	v1 =	vld [tilespmem:s18+$0x50]  }
0x1e4: {  	v2 =	vld [tilespmem:s19+$0x50];
	_ =	sdelay $0x4  }
0x1e5: {  	v1 =	vadd.f32 v1, v2;
	_ =	sdelay $0x1  }
0x1e6: {  	v1 =	vmax.f32 v1, $0.0e+00  }
0x1e7: {  	[tilespmem:s18+$0x50] =	vst v1;
	v1 =	vld [tilespmem:s18+$0x60]  }
0x1e8: {  	v2 =	vld [tilespmem:s19+$0x60];
	_ =	sdelay $0x4  }
0x1e9: {  	v1 =	vadd.f32 v1, v2;
	_ =	sdelay $0x1  }
0x1ea: {  	v1 =	vmax.f32 v1, $0.0e+00  }
0x1eb: {  	[tilespmem:s18+$0x60] =	vst v1;
	v1 =	vld [tilespmem:s18+$0x70]  }
0x1ec: {  	v2 =	vld [tilespmem:s19+$0x70];
	_ =	sdelay $0x4  }
0x1ed: {  	v1 =	vadd.f32 v1, v2;
	_ =	sdelay $0x1  }
0x1ee: {  	s20 =	simm.s32 $0x0;
	s21 =	simm.s32 $0x280;
	v1 =	vmax.f32 v1, $0.0e+00  }
.LBB2_10:
0x1ef: {  	v2 =	vld [tilespmem:s21+$0xFFFFFF80];
	[tilespmem:s18+$0x70] =	vst v1;
	s19 =	sadd.s32 $0x100, s19;
	s18 =	smov.u32 s21  }
0x1f0: {  	s20 =	sadd.s32 $0x2, s20;
	v1 =	vld [tilespmem:s19+$0xFFFFFF80]  }
0x1f1: {  	p1 =	slt.u32 s20, $0x4E;
	_ =	sdelay $0x3  }
0x1f2: {  	v1 =	vadd.f32 v2, v1;
	_ =	sdelay $0x1  }
0x1f3: {  	v1 =	vmax.f32 v1, $0.0e+00  }
0x1f4: {  	[tilespmem:s21+$0xFFFFFF80] =	vst v1;
	v1 =	vld [tilespmem:s21+$0xFFFFFF90]  }
0x1f5: {  	v2 =	vld [tilespmem:s19+$0xFFFFFF90];
	_ =	sdelay $0x4  }
0x1f6: {  	v1 =	vadd.f32 v1, v2;
	_ =	sdelay $0x1  }
0x1f7: {  	v1 =	vmax.f32 v1, $0.0e+00  }
0x1f8: {  	[tilespmem:s21+$0xFFFFFF90] =	vst v1;
	v1 =	vld [tilespmem:s21+$0xFFFFFFA0]  }
0x1f9: {  	v2 =	vld [tilespmem:s19+$0xFFFFFFA0];
	_ =	sdelay $0x4  }
0x1fa: {  	v1 =	vadd.f32 v1, v2;
	_ =	sdelay $0x1  }
0x1fb: {  	v1 =	vmax.f32 v1, $0.0e+00  }
0x1fc: {  	[tilespmem:s21+$0xFFFFFFA0] =	vst v1;
	v1 =	vld [tilespmem:s21+$0xFFFFFFB0]  }
0x1fd: {  	v2 =	vld [tilespmem:s19+$0xFFFFFFB0];
	_ =	sdelay $0x4  }
0x1fe: {  	v1 =	vadd.f32 v1, v2;
	_ =	sdelay $0x1  }
0x1ff: {  	v1 =	vmax.f32 v1, $0.0e+00  }
0x200: {  	[tilespmem:s21+$0xFFFFFFB0] =	vst v1;
	v1 =	vld [tilespmem:s21+$0xFFFFFFC0]  }
0x201: {  	v2 =	vld [tilespmem:s19+$0xFFFFFFC0];
	_ =	sdelay $0x4  }
0x202: {  	v1 =	vadd.f32 v1, v2;
	_ =	sdelay $0x1  }
0x203: {  	v1 =	vmax.f32 v1, $0.0e+00  }
0x204: {  	[tilespmem:s21+$0xFFFFFFC0] =	vst v1;
	v1 =	vld [tilespmem:s21+$0xFFFFFFD0]  }
0x205: {  	v2 =	vld [tilespmem:s19+$0xFFFFFFD0];
	_ =	sdelay $0x4  }
0x206: {  	v1 =	vadd.f32 v1, v2;
	_ =	sdelay $0x1  }
0x207: {  	v1 =	vmax.f32 v1, $0.0e+00  }
0x208: {  	[tilespmem:s21+$0xFFFFFFD0] =	vst v1;
	v1 =	vld [tilespmem:s21+$0xFFFFFFE0]  }
0x209: {  	v2 =	vld [tilespmem:s19+$0xFFFFFFE0];
	_ =	sdelay $0x4  }
0x20a: {  	v1 =	vadd.f32 v1, v2;
	_ =	sdelay $0x1  }
0x20b: {  	v1 =	vmax.f32 v1, $0.0e+00  }
0x20c: {  	[tilespmem:s21+$0xFFFFFFE0] =	vst v1;
	v1 =	vld [tilespmem:s21+$0xFFFFFFF0]  }
0x20d: {  	v2 =	vld [tilespmem:s19+$0xFFFFFFF0];
	_ =	sdelay $0x4  }
0x20e: {  	v1 =	vadd.f32 v1, v2;
	_ =	sdelay $0x1  }
0x20f: {  	v1 =	vmax.f32 v1, $0.0e+00  }
0x210: {  	[tilespmem:s21+$0xFFFFFFF0] =	vst v1;
	v1 =	vld [tilespmem:s21+$0x0]  }
0x211: {  	v2 =	vld [tilespmem:s19+$0x0];
	_ =	sdelay $0x4  }
0x212: {  	v1 =	vadd.f32 v1, v2;
	_ =	sdelay $0x1  }
0x213: {  	v1 =	vmax.f32 v1, $0.0e+00  }
0x214: {  	[tilespmem:s21+$0x0] =	vst v1;
	v1 =	vld [tilespmem:s21+$0x10]  }
0x215: {  	v2 =	vld [tilespmem:s19+$0x10];
	_ =	sdelay $0x4  }
0x216: {  	v1 =	vadd.f32 v1, v2;
	_ =	sdelay $0x1  }
0x217: {  	v1 =	vmax.f32 v1, $0.0e+00  }
0x218: {  	[tilespmem:s21+$0x10] =	vst v1;
	v1 =	vld [tilespmem:s21+$0x20]  }
0x219: {  	v2 =	vld [tilespmem:s19+$0x20];
	_ =	sdelay $0x4  }
0x21a: {  	v1 =	vadd.f32 v1, v2;
	_ =	sdelay $0x1  }
0x21b: {  	v1 =	vmax.f32 v1, $0.0e+00  }
0x21c: {  	[tilespmem:s21+$0x20] =	vst v1;
	v1 =	vld [tilespmem:s21+$0x30]  }
0x21d: {  	v2 =	vld [tilespmem:s19+$0x30];
	_ =	sdelay $0x4  }
0x21e: {  	v1 =	vadd.f32 v1, v2;
	_ =	sdelay $0x1  }
0x21f: {  	v1 =	vmax.f32 v1, $0.0e+00  }
0x220: {  	[tilespmem:s21+$0x30] =	vst v1;
	v1 =	vld [tilespmem:s21+$0x40]  }
0x221: {  	v2 =	vld [tilespmem:s19+$0x40];
	_ =	sdelay $0x4  }
0x222: {  	v1 =	vadd.f32 v1, v2;
	_ =	sdelay $0x1  }
0x223: {  	v1 =	vmax.f32 v1, $0.0e+00  }
0x224: {  	[tilespmem:s21+$0x40] =	vst v1;
	v1 =	vld [tilespmem:s21+$0x50]  }
0x225: {  	v2 =	vld [tilespmem:s19+$0x50];
	_ =	sdelay $0x4  }
0x226: {  	v1 =	vadd.f32 v1, v2;
	_ =	sdelay $0x1  }
0x227: {  	v1 =	vmax.f32 v1, $0.0e+00  }
0x228: {  	[tilespmem:s21+$0x50] =	vst v1;
	v1 =	vld [tilespmem:s21+$0x60]  }
0x229: {  	v2 =	vld [tilespmem:s19+$0x60];
	_ =	sdelay $0x4  }
0x22a: {  	v1 =	vadd.f32 v1, v2;
	_ =	sdelay $0x1  }
0x22b: {  	v1 =	vmax.f32 v1, $0.0e+00  }
0x22c: {  	[tilespmem:s21+$0x60] =	vst v1;
	v1 =	vld [tilespmem:s21+$0x70]  }
0x22d: {  	v2 =	vld [tilespmem:s19+$0x70];
	_ =	sdelay $0x2  }
.Ltmp4:
0x22e: {  	(pc) =	sbr.rel @p1 .LBB2_10-.Ltmp4, $3  }
0x22f: {  	_ = 	snop  }
0x230: {  	v1 =	vadd.f32 v1, v2;
	_ =	sdelay $0x1  }
0x231: {  	s21 =	sadd.s32 $0x100, s21;
	v1 =	vmax.f32 v1, $0.0e+00  }
0x232: {  	[tilespmem:s18+$0x70] =	vst v1  }
0x233: {  	[spmem:s2] =	stream.indirect.scatter.add.f32 [tilespmem:s6], [sflag:$0x4], $0x80, s3, s8, $0xb8;
	[tilespmem:$0x1DA80] =	vst v63  }
0x234: {  	_ =	swait.ge [sflag:s16], $0x2800  }
0x235: {  	[sflag:s16] =	ssyncset.done $0x0  }
0x236: {  	[sflag:s16] =	ssyncadd.s32 $0xFFFFD800  }
0x237: {  	[bflag:$0x0] =	sbarrier.arrive $0xFFFF  }
0x238: {  	s22 =	rddreg [dreg:$0xc]  }
0x239: {  	[tilespmem:s31], [sflag:$0x9] =	stream.linear.gather [spmem:s22], $0x2800, $0x38;
	[tilespmem:$0x1DA80] =	vst v63  }
0x23a: {  	_ =	swait.ge [sflag:s0], $0x2800  }
0x23b: {  	[sflag:s0] =	ssyncset.done $0x0  }
0x23c: {  	s23 =	rddreg [dreg:$0x4];
	[sflag:s0] =	ssyncadd.s32 $0xFFFFD800  }
0x23d: {  	[hbm4b:s23+s4] =	stream.linear.scatter [tilespmem:s31], [sflag:$0x9], $0x2800, $0x38;
	[tilespmem:$0x1DA80] =	vst v63  }
0x23e: {  	_ =	swait.ge [sflag:s0], $0x2800  }
0x23f: {  	[sflag:s0] =	ssyncset.done $0x0  }
0x240: {  	s23 =	rddreg [dreg:$0xd];
	[sflag:s0] =	ssyncadd.s32 $0xFFFFD800  }
0x241: {  	[tilespmem:s31], [sflag:$0x9] =	stream.linear.gather [spmem:s23], $0x2800, $0x38;
	[tilespmem:$0x1DA80] =	vst v63  }
0x242: {  	_ =	swait.ge [sflag:s0], $0x2800  }
0x243: {  	[sflag:s0] =	ssyncset.done $0x0  }
0x244: {  	s19 =	rddreg [dreg:$0x5];
	[sflag:s0] =	ssyncadd.s32 $0xFFFFD800  }
0x245: {  	[hbm4b:s19+s4] =	stream.linear.scatter [tilespmem:s31], [sflag:$0x9], $0x2800, $0x38;
	[tilespmem:$0x1DA80] =	vst v63  }
0x246: {  	_ =	swait.ge [sflag:s0], $0x2800  }
0x247: {  	[sflag:s0] =	ssyncset.done $0x0  }
0x248: {  	s20 =	rddreg [dreg:$0xe];
	[sflag:s0] =	ssyncadd.s32 $0xFFFFD800  }
0x249: {  	[tilespmem:s31], [sflag:$0x9] =	stream.linear.gather [spmem:s20], $0x2800, $0x38;
	[tilespmem:$0x1DA80] =	vst v63  }
0x24a: {  	_ =	swait.ge [sflag:s0], $0x2800  }
0x24b: {  	[sflag:s0] =	ssyncset.done $0x0  }
0x24c: {  	s21 =	rddreg [dreg:$0x6];
	[sflag:s0] =	ssyncadd.s32 $0xFFFFD800  }
0x24d: {  	[hbm4b:s21+s4] =	stream.linear.scatter [tilespmem:s31], [sflag:$0x9], $0x2800, $0x38;
	[tilespmem:$0x1DA80] =	vst v63  }
0x24e: {  	_ =	swait.ge [sflag:s0], $0x2800  }
0x24f: {  	[sflag:s0] =	ssyncset.done $0x0  }
0x250: {  	s19 =	rddreg [dreg:$0xf];
	[sflag:s0] =	ssyncadd.s32 $0xFFFFD800  }
0x251: {  	[tilespmem:s31], [sflag:$0x9] =	stream.linear.gather [spmem:s19], $0x2800, $0x38;
	[tilespmem:$0x1DA80] =	vst v63  }
0x252: {  	_ =	swait.ge [sflag:s0], $0x2800  }
0x253: {  	[sflag:s0] =	ssyncset.done $0x0  }
0x254: {  	s20 =	rddreg [dreg:$0x7];
	[sflag:s0] =	ssyncadd.s32 $0xFFFFD800  }
0x255: {  	[hbm4b:s20+s4] =	stream.linear.scatter [tilespmem:s31], [sflag:$0x9], $0x2800, $0x38;
	[tilespmem:$0x1DA80] =	vst v63  }
0x256: {  	_ =	swait.ge [sflag:s0], $0x2800  }
0x257: {  	[sflag:s0] =	ssyncset.done $0x0  }
0x258: {  	s21 =	rddreg [dreg:$0x10];
	[sflag:s0] =	ssyncadd.s32 $0xFFFFD800  }
0x259: {  	[tilespmem:s31], [sflag:$0x9] =	stream.linear.gather [spmem:s21], $0x2800, $0x38;
	[tilespmem:$0x1DA80] =	vst v63  }
0x25a: {  	_ =	swait.ge [sflag:s0], $0x2800  }
0x25b: {  	[sflag:s0] =	ssyncset.done $0x0  }
0x25c: {  	s19 =	rddreg [dreg:$0x8];
	[sflag:s0] =	ssyncadd.s32 $0xFFFFD800  }
0x25d: {  	[hbm4b:s19+s4] =	stream.linear.scatter [tilespmem:s31], [sflag:$0x9], $0x2800, $0x38;
	[tilespmem:$0x1DA80] =	vst v63  }
0x25e: {  	_ =	swait.ge [sflag:s0], $0x2800  }
0x25f: {  	[sflag:s0] =	ssyncset.done $0x0  }
0x260: {  	s20 =	rddreg [dreg:$0x11];
	[sflag:s0] =	ssyncadd.s32 $0xFFFFD800  }
0x261: {  	[tilespmem:s31], [sflag:$0x9] =	stream.linear.gather [spmem:s20], $0x2800, $0x38;
	[tilespmem:$0x1DA80] =	vst v63  }
0x262: {  	_ =	swait.ge [sflag:s0], $0x2800  }
0x263: {  	[sflag:s0] =	ssyncset.done $0x0  }
0x264: {  	s21 =	rddreg [dreg:$0x9];
	[sflag:s0] =	ssyncadd.s32 $0xFFFFD800  }
0x265: {  	[hbm4b:s21+s4] =	stream.linear.scatter [tilespmem:s31], [sflag:$0x9], $0x2800, $0x38;
	[tilespmem:$0x1DA80] =	vst v63  }
0x266: {  	_ =	swait.ge [sflag:s0], $0x2800  }
0x267: {  	[sflag:s0] =	ssyncset.done $0x0  }
0x268: {  	s19 =	rddreg [dreg:$0x12];
	[sflag:s0] =	ssyncadd.s32 $0xFFFFD800  }
0x269: {  	[tilespmem:s31], [sflag:$0x9] =	stream.linear.gather [spmem:s19], $0x2800, $0x38;
	[tilespmem:$0x1DA80] =	vst v63  }
0x26a: {  	_ =	swait.ge [sflag:s0], $0x2800  }
0x26b: {  	[sflag:s0] =	ssyncset.done $0x0  }
0x26c: {  	s20 =	rddreg [dreg:$0xa];
	[sflag:s0] =	ssyncadd.s32 $0xFFFFD800  }
0x26d: {  	[hbm4b:s20+s4] =	stream.linear.scatter [tilespmem:s31], [sflag:$0x9], $0x2800, $0x38;
	[tilespmem:$0x1DA80] =	vst v63  }
0x26e: {  	_ =	swait.ge [sflag:s0], $0x2800  }
0x26f: {  	[sflag:s0] =	ssyncset.done $0x0  }
0x270: {  	s18 =	simm.s32 @!p0 $0x2900;
	s19 =	rddreg [dreg:$0x13];
	[sflag:s0] =	ssyncadd.s32 $0xFFFFD800  }
0x271: {  	[tilespmem:s18], [sflag:$0x9] =	stream.linear.gather @!p0 [spmem:s19], $0x2800, $0x38;
	[tilespmem:$0x1DA80] =	vst v63  }
0x272: {  	s19 =	simm.s32 @!p0 $0x9  }
0x273: {  	_ =	swait.ge @!p0 [sflag:s19], $0x2800  }
0x274: {  	[sflag:s19] =	ssyncset.done @!p0 $0x0  }
0x275: {  	s20 =	simm.s32 @!p0 $0x0;
	s21 =	rddreg [dreg:$0xb];
	[sflag:s19] =	ssyncadd.s32 @!p0 $0xFFFFD800  }
0x276: {  	[hbm4b:s21+s20] =	stream.linear.scatter @!p0 [tilespmem:s18], [sflag:$0x9], $0x2800, $0x38;
	[tilespmem:$0x1DA80] =	vst v63  }
0x277: {  	_ =	swait.ge @!p0 [sflag:s19], $0x2800  }
0x278: {  	s17 =	sadd.s32 $0x1, s17;
	s21 =	rddreg [dreg:$0x17]  }
0x279: {  	p1 =	sne.s32 s17, s21  }
.Ltmp5:
0x27a: {  	_ = 	snop;
	(pc) =	sbr.rel @p1 .LBB2_1-.Ltmp5, $3  }
0x27b: {  	_ =	sdelay $0x1  }
0x27c: {  	[sflag:s19] =	ssyncset.done @!p0 $0x0  }
0x27d: {  	[sflag:s19] =	ssyncadd.s32 @!p0 $0xFFFFD800  }
0x27e: {  	_ =	sfence.sel $0x180000  }
0x27f: {  	[bflag:$0x0] =	sbarrier.arrive $0xFFFF  }
0x280: {  	_ =	strace $0x90000047  }
0x281: {  	s0 =	stileid.u32;
	[bflag:$0x2] =	sbarrier.arrive $0xFFFF  }
0x282: {  	p0 =	sne.s32 s0, $0x0;
	s0 =	rddreg [dreg:$0x3]  }
0x283: {  	s0 =	sadd.s32 @!p0 $0x100000, s0  }
0x284: {  	[sflag:s0] =	ssyncadd.tile.s32 @!p0 $0x1;
	_ =	shalt  }
.Lfunc_end2:
_tile_overlayer_lowered:
.L_overlay_start_2:
0x285: {  	(tag) =	ssettag $0x2  }
0x286: {  	s0 =	rddreg [dreg:$0x0];
	s2 =	stileid.u32  }
0x287: {  	s1 =	rddreg [dreg:$0x1];
	p0 =	sne.s32 s2, $0x0  }
0x288: {  	s3 =	rddreg [dreg:$0x2];
	[bflag:$0x3] =	sbarrier.arrive $0xFFFF;
	s2 =	simm.s32 @!p0 $0x1C09  }
0x289: {  	[timem:s3], [sflag:s2] =	dma.local @!p0 [hbm:s0], s1  }
0x28a: {  	s0 =	simm.s32 @!p0 $0x9  }
0x28b: {  	_ =	swait.ge @!p0 [sflag:s0], s1  }
0x28c: {  	s1 =	ssub.s32 @!p0 $0x0, s1;
	[sflag:s0] =	ssyncset.done @!p0 $0x0  }
0x28d: {  	[sflag:s0] =	ssyncadd.s32 @!p0 s1  }
0x28e: {  	[bflag:$0x3] =	sbarrier.arrive $0xFFFF  }
0x28f: {  	_ =	shalt  }

</sc_bundles>
